<compile_context>
chip_gen: v7x
topology: tpu7x:2x2x1
jax: 0.10.2.dev20260603
libtpu: 0.0.44.dev20260713+nightly
codegen_flags: <defaults>
</compile_context>

<pallas_src>
import jax
import jax.numpy as jnp
from jax import lax
from jax.experimental import pallas as pl
from jax.experimental.pallas import tpu as pltpu
from jax.experimental.pallas import tpu_sc as plsc

N = 10000
E = 160000
D_IN = 512
D = 256
DH = 128
NG = 32
NA = 2000
NH = 4000
NUM_ACT = 20
NUM_SACT = 91
NUM_AACT = 17
NUM_ACTOR = 26
NUM_RELAT = 19

NTEC = 16
NCORE = 2
CE_ = 40
NCH_MSG = 250
BCH_MSG = 50
CN = 80
NCH_POOL = 125
CR = 50
NCH_REL = 100
PJ = 32

_mesh = plsc.VectorSubcoreMesh(core_axis_name="c", subcore_axis_name="s",
                               num_cores=NCORE, num_subcores=NTEC)



def _node_mlp_body(x_ref, w1_ref, b1_ref, w2_ref, b2_ref, out_ref):
    h = jnp.maximum(jnp.dot(x_ref[...].astype(jnp.bfloat16),
                            w1_ref[...].astype(jnp.bfloat16),
                            preferred_element_type=jnp.float32) + b1_ref[...], 0.0)
    res = jnp.dot(h.astype(jnp.bfloat16), w2_ref[...].astype(jnp.bfloat16),
                  preferred_element_type=jnp.float32) + b2_ref[...]
    out_ref[0] = res[:, :DH]
    out_ref[1] = res[:, DH:]


def _node_mlp(x, w1, b1, w2, b2):
    bn = 400
    grid = N // bn
    return pl.pallas_call(
        _node_mlp_body,
        grid=(grid,),
        in_specs=[
            pl.BlockSpec((bn, D_IN), lambda i: (i, 0)),
            pl.BlockSpec((D_IN, D), lambda i: (0, 0)),
            pl.BlockSpec((1, D), lambda i: (0, 0)),
            pl.BlockSpec((D, D), lambda i: (0, 0)),
            pl.BlockSpec((1, D), lambda i: (0, 0)),
        ],
        out_specs=pl.BlockSpec((NCORE, bn, DH), lambda i: (0, i, 0)),
        out_shape=jax.ShapeDtypeStruct((NCORE, N, DH), jnp.float32),
    )(x, w1, b1.reshape(1, D), w2, b2.reshape(1, D))


def _edge_mlp_body(e_ref, w1_ref, b1_ref, w2_ref, b2_ref, out_ref):
    h = jnp.maximum(jnp.dot(e_ref[...], w1_ref[...],
                            preferred_element_type=jnp.float32) + b1_ref[...], 0.0)
    res = jnp.dot(h.astype(jnp.bfloat16), w2_ref[...].astype(jnp.bfloat16),
                  preferred_element_type=jnp.float32) + b2_ref[...]
    out_ref[0] = res[:, :DH]
    out_ref[1] = res[:, DH:]


def _edge_mlp(ea, w1, b1, w2, b2):
    be = 2000
    grid = E // be
    return pl.pallas_call(
        _edge_mlp_body,
        grid=(grid,),
        in_specs=[
            pl.BlockSpec((be, 9), lambda i: (i, 0)),
            pl.BlockSpec((9, D), lambda i: (0, 0)),
            pl.BlockSpec((1, D), lambda i: (0, 0)),
            pl.BlockSpec((D, D), lambda i: (0, 0)),
            pl.BlockSpec((1, D), lambda i: (0, 0)),
        ],
        out_specs=pl.BlockSpec((NCORE, be, DH), lambda i: (0, i, 0)),
        out_shape=jax.ShapeDtypeStruct((NCORE, E, DH), jnp.float32),
    )(ea, w1, b1.reshape(1, D), w2, b2.reshape(1, D))


def _layer_body(n_ref, a_ref, w_ref, b_ref, out_ref):
    a0 = n_ref[0] + a_ref[0]
    a1 = n_ref[1] + a_ref[1]
    res = (jnp.dot(a0, w_ref[0:DH, :], preferred_element_type=jnp.float32)
           + jnp.dot(a1, w_ref[DH:, :], preferred_element_type=jnp.float32)
           + b_ref[...])
    res = jnp.maximum(res, 0.0)
    out_ref[0] = res[:, :DH]
    out_ref[1] = res[:, DH:]


def _layer(node_st, agg_st, w, b):
    bn = 400
    grid = N // bn
    return pl.pallas_call(
        _layer_body,
        grid=(grid,),
        in_specs=[
            pl.BlockSpec((NCORE, bn, DH), lambda i: (0, i, 0)),
            pl.BlockSpec((NCORE, bn, DH), lambda i: (0, i, 0)),
            pl.BlockSpec((D, D), lambda i: (0, 0)),
            pl.BlockSpec((1, D), lambda i: (0, 0)),
        ],
        out_specs=pl.BlockSpec((NCORE, bn, DH), lambda i: (0, i, 0)),
        out_shape=jax.ShapeDtypeStruct((NCORE, N, DH), jnp.float32),
    )(node_st, agg_st, w, b.reshape(1, D))


def _layer2_body(n_ref, a_ref, w_ref, b_ref, wtb_ref, c_ref,
                 out_ref, pc_ref):
    a0 = n_ref[0] + a_ref[0]
    a1 = n_ref[1] + a_ref[1]
    res = (jnp.dot(a0, w_ref[0:DH, :], preferred_element_type=jnp.float32)
           + jnp.dot(a1, w_ref[DH:, :], preferred_element_type=jnp.float32)
           + b_ref[...])
    res = jnp.maximum(res, 0.0)
    out_ref[0] = res[:, :DH]
    out_ref[1] = res[:, DH:]
    pc_ref[...] = jnp.dot(res, wtb_ref[...], preferred_element_type=jnp.float32) + c_ref[...]


def _layer2(node_st, agg_st, w, b, wtb, crow):
    bn = 400
    grid = N // bn
    return pl.pallas_call(
        _layer2_body,
        grid=(grid,),
        in_specs=[
            pl.BlockSpec((NCORE, bn, DH), lambda i: (0, i, 0)),
            pl.BlockSpec((NCORE, bn, DH), lambda i: (0, i, 0)),
            pl.BlockSpec((D, D), lambda i: (0, 0)),
            pl.BlockSpec((1, D), lambda i: (0, 0)),
            pl.BlockSpec((D, DH), lambda i: (0, 0)),
            pl.BlockSpec((1, DH), lambda i: (0, 0)),
        ],
        out_specs=[
            pl.BlockSpec((NCORE, bn, DH), lambda i: (0, i, 0)),
            pl.BlockSpec((bn, DH), lambda i: (i, 0)),
        ],
        out_shape=[
            jax.ShapeDtypeStruct((NCORE, N, DH), jnp.float32),
            jax.ShapeDtypeStruct((N, DH), jnp.float32),
        ],
    )(node_st, agg_st, w, b.reshape(1, D), wtb, crow)


def _counts_body(ba_ref, b_ref, ca_ref, cg_ref):
    i = pl.program_id(0)
    oh_a = (ba_ref[...] == lax.broadcasted_iota(jnp.int32, (200, NA), 1)
            ).astype(jnp.float32)
    oh_g = (b_ref[...] == lax.broadcasted_iota(jnp.int32, (200, NG), 1)
            ).astype(jnp.float32)
    pa = jnp.sum(oh_a, axis=0, keepdims=True)
    pg = jnp.sum(oh_g, axis=0, keepdims=True)

    @pl.when(i == 0)
    def _():
        ca_ref[...] = pa
        cg_ref[...] = pg

    @pl.when(i > 0)
    def _():
        ca_ref[...] = ca_ref[...] + pa
        cg_ref[...] = cg_ref[...] + pg


def _counts(batch_actor, batch):
    grid = N // 200
    return pl.pallas_call(
        _counts_body,
        grid=(grid,),
        in_specs=[
            pl.BlockSpec((200, 1), lambda i: (i, 0)),
            pl.BlockSpec((200, 1), lambda i: (i, 0)),
        ],
        out_specs=[
            pl.BlockSpec((1, NA), lambda i: (0, 0)),
            pl.BlockSpec((1, NG), lambda i: (0, 0)),
        ],
        out_shape=[
            jax.ShapeDtypeStruct((1, NA), jnp.float32),
            jax.ShapeDtypeStruct((1, NG), jnp.float32),
        ],
    )(batch_actor.reshape(N, 1), batch.reshape(N, 1))



def _striped(total):
    per = -(-total // NTEC)
    per = -(-per // 8) * 8
    last = total - 15 * per
    assert last > 0 and last % 8 == 0
    return per, last


SZ_N, SZ_N_LAST = _striped(N)
SZ_A, SZ_A_LAST = _striped(NA)
SZ_R, SZ_R_LAST = _striped(NH)


def _msg_body(node_flat, edge_flat, src_idx, dst_idx, z128, agg_out,
              src_v, dst_v, ebuf, gbuf, ebuf1, gbuf1, agg_s,
              se0, sg0, se1, sg1):
    c = lax.axis_index("c")
    s = lax.axis_index("s")

    @pl.when(s < 15)
    def _():
        pltpu.sync_copy(z128.at[pl.ds(0, SZ_N), :],
                        agg_s.at[pl.ds(s * SZ_N, SZ_N), :])

    @pl.when(s == 15)
    def _():
        pltpu.sync_copy(z128.at[pl.ds(0, SZ_N_LAST), :],
                        agg_s.at[pl.ds(15 * SZ_N, SZ_N_LAST), :])

    plsc.subcore_barrier()

    def estart(o, j, eb, sem):
        e0 = s * (NCH_MSG * CE_) + (o * BCH_MSG + j) * CE_
        pltpu.async_copy(edge_flat.at[pl.ds(c * E + e0, CE_), :], eb, sem)

    def gstart(j, gb, sem):
        pltpu.async_copy(node_flat.at[src_v.at[j]], gb, sem)

    def ewait(eb, sem):
        pltpu.make_async_copy(edge_flat.at[pl.ds(0, CE_), :], eb, sem).wait()

    def gwait(j, gb, sem):
        pltpu.make_async_copy(node_flat.at[src_v.at[j]], gb, sem).wait()

    def compute(eb, gb):
        @plsc.parallel_loop(0, CE_, step=1, unroll=4)
        def _row(r):
            for k in range(DH // 16):
                sl = pl.ds(k * 16, 16)
                gb[r, sl] = jnp.maximum(gb[r, sl] + eb[r, sl], 0.0)

    def block(o, carry0):
        pltpu.sync_copy(src_idx.at[c, s, o], src_v)
        pltpu.sync_copy(dst_idx.at[s, o], dst_v)

        estart(o, 0, ebuf, se0)
        gstart(0, gbuf, sg0)

        def pair(j2, carry):
            j0 = 2 * j2
            j1 = j0 + 1
            estart(o, j1, ebuf1, se1)
            gstart(j1, gbuf1, sg1)
            ewait(ebuf, se0)
            gwait(j0, gbuf, sg0)
            compute(ebuf, gbuf)
            pltpu.sync_copy(gbuf, agg_s.at[dst_v.at[j0]], add=True)

            @pl.when(j2 + 1 < BCH_MSG // 2)
            def _():
                estart(o, j0 + 2, ebuf, se0)
                gstart(j0 + 2, gbuf, sg0)

            ewait(ebuf1, se1)
            gwait(j1, gbuf1, sg1)
            compute(ebuf1, gbuf1)
            pltpu.sync_copy(gbuf1, agg_s.at[dst_v.at[j1]], add=True)
            return carry

        lax.fori_loop(0, BCH_MSG // 2, pair, 0, unroll=False)
        return carry0

    lax.fori_loop(0, NCH_MSG // BCH_MSG, block, 0, unroll=False)

    plsc.subcore_barrier()

    @pl.when(s < 15)
    def _():
        pltpu.sync_copy(agg_s.at[pl.ds(s * SZ_N, SZ_N), :],
                        agg_out.at[c, pl.ds(s * SZ_N, SZ_N), :])

    @pl.when(s == 15)
    def _():
        pltpu.sync_copy(agg_s.at[pl.ds(15 * SZ_N, SZ_N_LAST), :],
                        agg_out.at[c, pl.ds(15 * SZ_N, SZ_N_LAST), :])


def _sc_msg(node_flat, edge_flat, src_idx2, dst_idx, z128):
    f = pl.kernel(
        _msg_body,
        out_type=jax.ShapeDtypeStruct((NCORE, N, DH), jnp.float32),
        mesh=_mesh,
        scratch_types=[
            pltpu.VMEM((BCH_MSG, CE_), jnp.int32),
            pltpu.VMEM((BCH_MSG, CE_), jnp.int32),
            pltpu.VMEM((CE_, DH), jnp.float32),
            pltpu.VMEM((CE_, DH), jnp.float32),
            pltpu.VMEM((CE_, DH), jnp.float32),
            pltpu.VMEM((CE_, DH), jnp.float32),
            pltpu.VMEM_SHARED((N, DH), jnp.float32),
            pltpu.SemaphoreType.DMA,
            pltpu.SemaphoreType.DMA,
            pltpu.SemaphoreType.DMA,
            pltpu.SemaphoreType.DMA,
        ],
    )
    return f(node_flat, edge_flat, src_idx2, dst_idx, z128)


def _pool_body(node_flat, pc, ba_idx, b_idx, src_idx, dst_idx, hyp_idx,
               z128,
               a_sum, g_sum, r_part,
               ba_v, b_v, nbuf, srcv, dstv, hypv, pbuf, qbuf, pbuf1, qbuf1,
               actor_s, g_s, rel_s, sp0, sq0, sp1, sq1):
    c = lax.axis_index("c")
    s = lax.axis_index("s")
    w = c * NTEC + s

    @pl.when(s < 15)
    def _():
        pltpu.sync_copy(z128.at[pl.ds(0, SZ_A), :],
                        actor_s.at[pl.ds(s * SZ_A, SZ_A), :])
        pltpu.sync_copy(z128.at[pl.ds(0, SZ_R), :],
                        rel_s.at[pl.ds(s * SZ_R, SZ_R), :])

    @pl.when(s == 15)
    def _():
        pltpu.sync_copy(z128.at[pl.ds(0, SZ_A_LAST), :],
                        actor_s.at[pl.ds(15 * SZ_A, SZ_A_LAST), :])
        pltpu.sync_copy(z128.at[pl.ds(0, SZ_R_LAST), :],
                        rel_s.at[pl.ds(15 * SZ_R, SZ_R_LAST), :])

    @pl.when(s == 0)
    def _():
        pltpu.sync_copy(z128.at[pl.ds(0, NG), :], g_s)

    pltpu.sync_copy(ba_idx.at[pl.ds(s * 8, 8), :], ba_v)
    pltpu.sync_copy(b_idx.at[pl.ds(s * 8, 8), :], b_v)
    pltpu.sync_copy(src_idx.at[w], srcv)
    pltpu.sync_copy(dst_idx.at[w], dstv)
    pltpu.sync_copy(hyp_idx.at[w], hypv)

    plsc.subcore_barrier()

    def nchunk(j, carry):
        q = s * 8 + j

        @pl.when(q < NCH_POOL)
        def _():
            n0 = c * N + q * CN
            pltpu.sync_copy(node_flat.at[pl.ds(n0, CN), :], nbuf)
            pltpu.sync_copy(nbuf, actor_s.at[ba_v.at[j]], add=True)
            pltpu.sync_copy(nbuf, g_s.at[b_v.at[j]], add=True)

        return carry

    lax.fori_loop(0, 8, nchunk, 0, unroll=False)

    def rstart(j, pb_, qb_, semp, semq):
        pltpu.async_copy(pc.at[srcv.at[j]], pb_, semp)
        pltpu.async_copy(pc.at[dstv.at[j]], qb_, semq)

    def rwait(j, pb_, qb_, semp, semq):
        pltpu.make_async_copy(pc.at[srcv.at[j]], pb_, semp).wait()
        pltpu.make_async_copy(pc.at[dstv.at[j]], qb_, semq).wait()

    def radd(pb_, qb_):
        @plsc.parallel_loop(0, CR, step=1, unroll=2)
        def _row(r):
            for k in range(PJ // 16):
                pb_[r, pl.ds(k * 16, 16)] = (pb_[r, pl.ds(k * 16, 16)]
                                             + qb_[r, pl.ds(PJ + k * 16, 16)])

    rstart(0, pbuf, qbuf, sp0, sq0)

    def rpair(j2, carry):
        j0 = 2 * j2
        j1 = j0 + 1
        rstart(j1, pbuf1, qbuf1, sp1, sq1)
        rwait(j0, pbuf, qbuf, sp0, sq0)
        radd(pbuf, qbuf)
        pltpu.sync_copy(pbuf, rel_s.at[hypv.at[j0]], add=True)

        @pl.when(j2 + 1 < NCH_REL // 2)
        def _():
            rstart(j0 + 2, pbuf, qbuf, sp0, sq0)

        rwait(j1, pbuf1, qbuf1, sp1, sq1)
        radd(pbuf1, qbuf1)
        pltpu.sync_copy(pbuf1, rel_s.at[hypv.at[j1]], add=True)
        return carry

    lax.fori_loop(0, NCH_REL // 2, rpair, 0, unroll=False)

    plsc.subcore_barrier()

    @pl.when(s < 15)
    def _():
        pltpu.sync_copy(actor_s.at[pl.ds(s * SZ_A, SZ_A), :],
                        a_sum.at[c, pl.ds(s * SZ_A, SZ_A), :])
        pltpu.sync_copy(rel_s.at[pl.ds(s * SZ_R, SZ_R), :],
                        r_part.at[c, pl.ds(s * SZ_R, SZ_R), :])

    @pl.when(s == 15)
    def _():
        pltpu.sync_copy(actor_s.at[pl.ds(15 * SZ_A, SZ_A_LAST), :],
                        a_sum.at[c, pl.ds(15 * SZ_A, SZ_A_LAST), :])
        pltpu.sync_copy(rel_s.at[pl.ds(15 * SZ_R, SZ_R_LAST), :],
                        r_part.at[c, pl.ds(15 * SZ_R, SZ_R_LAST), :])

    @pl.when(s == 0)
    def _():
        pltpu.sync_copy(g_s, g_sum.at[c])


def _sc_pool(node_flat, pc, ba_idx, b_idx, src_idx, dst_idx, hyp_idx, z128):
    f = pl.kernel(
        _pool_body,
        out_type=[
            jax.ShapeDtypeStruct((NCORE, NA, DH), jnp.float32),
            jax.ShapeDtypeStruct((NCORE, NG, DH), jnp.float32),
            jax.ShapeDtypeStruct((NCORE, NH, DH), jnp.float32),
        ],
        mesh=_mesh,
        scratch_types=[
            pltpu.VMEM((8, CN), jnp.int32),
            pltpu.VMEM((8, CN), jnp.int32),
            pltpu.VMEM((CN, DH), jnp.float32),
            pltpu.VMEM((NCH_REL, CR), jnp.int32),
            pltpu.VMEM((NCH_REL, CR), jnp.int32),
            pltpu.VMEM((NCH_REL, CR), jnp.int32),
            pltpu.VMEM((CR, DH), jnp.float32),
            pltpu.VMEM((CR, DH), jnp.float32),
            pltpu.VMEM((CR, DH), jnp.float32),
            pltpu.VMEM((CR, DH), jnp.float32),
            pltpu.VMEM_SHARED((NA, DH), jnp.float32),
            pltpu.VMEM_SHARED((NG, DH), jnp.float32),
            pltpu.VMEM_SHARED((NH, DH), jnp.float32),
            pltpu.SemaphoreType.DMA,
            pltpu.SemaphoreType.DMA,
            pltpu.SemaphoreType.DMA,
            pltpu.SemaphoreType.DMA,
        ],
    )
    return f(node_flat, pc, ba_idx, b_idx, src_idx, dst_idx, hyp_idx, z128)



def _heads_kernel(a_sum, a_cnt, g_sum, g_cnt, r_part,
                  act_cids, sact_cids, ps_t, pa_t, actor_cids, h_label,
                  W_act, b_act, W_sact, b_sact, W_ps, b_ps, W_pa, b_pa,
                  W_actor, b_actor, b_relat, out):
    embed = a_sum[...] / jnp.clip(a_cnt[...], 1.0)
    g = g_sum[...] / jnp.clip(g_cnt[...], 1.0)

    def ce(logits, labels_col):
        m = jnp.max(logits, axis=-1, keepdims=True)
        z = logits - m
        logp = z - jnp.log(jnp.sum(jnp.exp(z), axis=-1, keepdims=True))
        iot = lax.broadcasted_iota(jnp.int32, logits.shape, 1)
        onehot = (iot == labels_col).astype(jnp.float32)
        return -jnp.sum(logp * onehot) / logits.shape[0]

    def bce(logits, t):
        v = jnp.clip(logits, 0.0) - logits * t + jnp.log(1.0 + jnp.exp(-jnp.abs(logits)))
        return jnp.sum(v) / (v.shape[0] * v.shape[1])

    logits_act = g @ W_act[...] + b_act[...]
    logits_sact = g @ W_sact[...] + b_sact[...]
    logits_ps = g @ W_ps[...] + b_ps[...]
    logits_pa = embed @ W_pa[...] + b_pa[...]
    logits_actor = embed @ W_actor[...] + b_actor[...]

    rp = r_part[...]
    rs = rp[0] + rp[1]
    rc = rs[:, NUM_RELAT:NUM_RELAT + 1]
    logits_relat = jnp.where(rc > 0.0,
                             rs[:, 0:NUM_RELAT] / jnp.clip(rc, 1.0) + b_relat[...],
                             0.0)

    loss = (ce(logits_act, act_cids[...])
            + ce(logits_sact, sact_cids[...])
            + bce(logits_ps, ps_t[...])
            + bce(logits_pa, pa_t[...])
            + ce(logits_actor, actor_cids[...])
            + ce(logits_relat, h_label[...]))
    out[...] = jnp.reshape(loss, (1, 1))


def _heads_loss(a_sum, a_cnt, g_sum, g_cnt, r_part,
                act_cids, sact_cids, ps_t, pa_t, actor_cids, h_label, p):
    args = (a_sum, a_cnt, g_sum, g_cnt, r_part,
            act_cids.reshape(NG, 1), sact_cids.reshape(NG, 1), ps_t, pa_t,
            actor_cids.reshape(NA, 1), h_label.reshape(NH, 1),
            p['W_act'], p['b_act'].reshape(1, -1),
            p['W_sact'], p['b_sact'].reshape(1, -1),
            p['W_ps'], p['b_ps'].reshape(1, -1),
            p['W_pa'], p['b_pa'].reshape(1, -1),
            p['W_actor'], p['b_actor'].reshape(1, -1),
            p['b_relat'].reshape(1, -1))
    out = pl.pallas_call(
        _heads_kernel,
        out_shape=jax.ShapeDtypeStruct((1, 1), jnp.float32),
    )(*args)
    return out.reshape(())



def kernel(x, edge_attr, edge_index, batch, batch_actor, hyperedge_ids,
           act_cids, sact_cids, ps_aact_cids, pa_aact_cids, actor_cids,
           hyperedge_label, params):
    p = params
    src = edge_index[0]
    dst = edge_index[1]

    src16 = src.reshape(NTEC, NCH_MSG // BCH_MSG, BCH_MSG, CE_)
    src16_2 = jnp.stack([src16, src16 + N])
    dst16 = dst.reshape(NTEC, NCH_MSG // BCH_MSG, BCH_MSG, CE_)
    src32 = src.reshape(NCORE * NTEC, NCH_REL, CR)
    dst32 = dst.reshape(NCORE * NTEC, NCH_REL, CR)
    hyp32 = hyperedge_ids.reshape(NCORE * NTEC, NCH_REL, CR)
    ba_idx = jnp.pad(batch_actor.reshape(NCH_POOL, CN), ((0, 3), (0, 0)))
    b_idx = jnp.pad(batch.reshape(NCH_POOL, CN), ((0, 3), (0, 0)))
    z128 = jnp.zeros((SZ_N, DH), jnp.float32)

    wtb = (jnp.zeros((D, DH), jnp.float32)
           .at[:, :NUM_RELAT].set(p['W_relat'][:D])
           .at[:, PJ:PJ + NUM_RELAT].set(p['W_relat'][D:]))
    crow = (jnp.zeros((1, DH), jnp.float32)
            .at[0, NUM_RELAT].set(0.5)
            .at[0, PJ + NUM_RELAT].set(0.5))

    node_st = _node_mlp(x, p['Wn1'], p['bn1'], p['Wn2'], p['bn2'])
    edge_st = _edge_mlp(edge_attr, p['We1'], p['be1'], p['We2'], p['be2'])
    node_flat = node_st.reshape(NCORE * N, DH)
    edge_flat = edge_st.reshape(NCORE * E, DH)

    agg1 = _sc_msg(node_flat, edge_flat, src16_2, dst16, z128)
    node_st = _layer(node_st, agg1, p['Wl1'], p['bl1'])
    node_flat = node_st.reshape(NCORE * N, DH)

    agg2 = _sc_msg(node_flat, edge_flat, src16_2, dst16, z128)
    node_st, pc = _layer2(node_st, agg2, p['Wl2'], p['bl2'], wtb, crow)
    node_flat = node_st.reshape(NCORE * N, DH)

    ca, cg = _counts(batch_actor, batch)
    a_sum, g_sum, r_part = _sc_pool(
        node_flat, pc, ba_idx, b_idx, src32, dst32, hyp32, z128)

    a_full = jnp.concatenate([a_sum[0], a_sum[1]], axis=1)
    g_full = jnp.concatenate([g_sum[0], g_sum[1]], axis=1)

    return _heads_loss(a_full, ca.reshape(NA, 1), g_full, cg.reshape(NG, 1),
                       r_part, act_cids, sact_cids, ps_aact_cids,
                       pa_aact_cids, actor_cids, hyperedge_label, p)

# --- scband reference (transcript-rebuilt; emitter-appended) ---
"""Pipeline reference for scband-multitask-model-82343112999434 (READ-ONLY COPY).

The authoritative reference and input builder live on the scoring server;
editing this copy changes nothing except your own understanding.
"""

import jax, jax.numpy as jnp
import numpy as np

N = 10000
E = 160000
D_IN = 512
D_EDGE = 9
D = 256
NG = 32
NA = 2000
NH = 4000
NUM_ACT = 20
NUM_SACT = 91
NUM_AACT = 17
NUM_ACTOR = 26
NUM_RELAT = 19


def _mlp(x, W1, b1, W2, b2):
    return jax.nn.relu(x @ W1 + b1) @ W2 + b2


def _seg_mean(data, ids, n):
    s = jax.ops.segment_sum(data, ids, num_segments=n)
    c = jax.ops.segment_sum(jnp.ones((data.shape[0], 1), data.dtype), ids, num_segments=n)
    return s / jnp.clip(c, 1.0)


def _ce(logits, labels):
    logp = jax.nn.log_softmax(logits, axis=-1)
    return -jnp.mean(jnp.take_along_axis(logp, labels[:, None], axis=1))


def _bce(logits, targets):
    return jnp.mean(jnp.clip(logits, 0.0) - logits * targets + jnp.log1p(jnp.exp(-jnp.abs(logits))))


def setup_inputs(seed: int = 0):
    key = jax.random.key(seed)
    ks = jax.random.split(key, 40)
    inp = {}
    inp['x'] = jax.random.normal(ks[0], (N, D_IN), jnp.float32)
    inp['edge_attr'] = jax.random.normal(ks[1], (E, D_EDGE), jnp.float32)
    inp['edge_index'] = jax.random.randint(ks[2], (2, E), 0, N, jnp.int32)
    inp['batch'] = jnp.sort(jax.random.randint(ks[3], (N,), 0, NG, jnp.int32))
    inp['batch_actor'] = jnp.sort(jax.random.randint(ks[4], (N,), 0, NA, jnp.int32))
    inp['hyperedge_ids'] = jnp.sort(jax.random.randint(ks[5], (E,), 0, NH, jnp.int32))
    inp['act_cids'] = jax.random.randint(ks[6], (NG,), 0, NUM_ACT, jnp.int32)
    inp['sact_cids'] = jax.random.randint(ks[7], (NG,), 0, NUM_SACT, jnp.int32)
    inp['ps_aact_cids'] = jax.random.uniform(ks[8], (NG, NUM_AACT), jnp.float32)
    inp['pa_aact_cids'] = jax.random.uniform(ks[9], (NA, NUM_AACT), jnp.float32)
    inp['actor_cids'] = jax.random.randint(ks[10], (NA,), 0, NUM_ACTOR, jnp.int32)
    inp['hyperedge_label'] = jax.random.randint(ks[11], (NH,), 0, NUM_RELAT, jnp.int32)

    def w(k, shape):
        return 0.02 * jax.random.normal(k, shape, jnp.float32)

    params = {
        'Wn1': w(ks[12], (D_IN, D)), 'bn1': jnp.zeros((D,), jnp.float32),
        'Wn2': w(ks[13], (D, D)), 'bn2': jnp.zeros((D,), jnp.float32),
        'We1': w(ks[14], (D_EDGE, D)), 'be1': jnp.zeros((D,), jnp.float32),
        'We2': w(ks[15], (D, D)), 'be2': jnp.zeros((D,), jnp.float32),
        'Wl1': w(ks[16], (D, D)), 'bl1': jnp.zeros((D,), jnp.float32),
        'Wl2': w(ks[17], (D, D)), 'bl2': jnp.zeros((D,), jnp.float32),
        'W_act': w(ks[18], (D, NUM_ACT)), 'b_act': jnp.zeros((NUM_ACT,), jnp.float32),
        'W_sact': w(ks[19], (D, NUM_SACT)), 'b_sact': jnp.zeros((NUM_SACT,), jnp.float32),
        'W_ps': w(ks[20], (D, NUM_AACT)), 'b_ps': jnp.zeros((NUM_AACT,), jnp.float32),
        'W_pa': w(ks[21], (D, NUM_AACT)), 'b_pa': jnp.zeros((NUM_AACT,), jnp.float32),
        'W_actor': w(ks[22], (D, NUM_ACTOR)), 'b_actor': jnp.zeros((NUM_ACTOR,), jnp.float32),
        'W_relat': w(ks[23], (2 * D, NUM_RELAT)), 'b_relat': jnp.zeros((NUM_RELAT,), jnp.float32),
    }
    inp['params'] = params
    return inp


def _forward(x, edge_attr, params, edge_index, batch, batch_actor, hyperedge_ids,
             act_cids, sact_cids, ps_aact_cids, pa_aact_cids, actor_cids, hyperedge_label):
    p = params
    node = _mlp(x, p['Wn1'], p['bn1'], p['Wn2'], p['bn2'])
    edge = _mlp(edge_attr, p['We1'], p['be1'], p['We2'], p['be2'])
    src = edge_index[0]
    dst = edge_index[1]
    # message-passing encoder layer 1 (GINE-style: gather src, add edge feat, scatter-add to dst)
    msg = jax.nn.relu(node[src] + edge)
    agg = jax.ops.segment_sum(msg, dst, num_segments=N)
    node = jax.nn.relu((node + agg) @ p['Wl1'] + p['bl1'])
    # layer 2
    msg = jax.nn.relu(node[src] + edge)
    agg = jax.ops.segment_sum(msg, dst, num_segments=N)
    node = jax.nn.relu((node + agg) @ p['Wl2'] + p['bl2'])
    # actor pooling: segment-mean of node embeds by actor id
    embed_actors = _seg_mean(node, batch_actor, NA)
    # graph-level pooling by video (batch)
    g = _seg_mean(node, batch, NG)
    logits_act = g @ p['W_act'] + p['b_act']
    logits_sact = g @ p['W_sact'] + p['b_sact']
    logits_ps = g @ p['W_ps'] + p['b_ps']
    logits_pa = embed_actors @ p['W_pa'] + p['b_pa']
    logits_actor = embed_actors @ p['W_actor'] + p['b_actor']
    # relation head: gather endpoint embeds per edge, project, pool per hyperedge
    pair = jnp.concatenate([node[src], node[dst]], axis=-1)
    logits_edge = pair @ p['W_relat'] + p['b_relat']
    logits_relat = _seg_mean(logits_edge, hyperedge_ids, NH)
    loss = (_ce(logits_act, act_cids)
            + _ce(logits_sact, sact_cids)
            + _bce(logits_ps, ps_aact_cids)
            + _bce(logits_pa, pa_aact_cids)
            + _ce(logits_actor, actor_cids)
            + _ce(logits_relat, hyperedge_label))
    return loss


def reference(x, edge_attr, edge_index, batch, batch_actor, hyperedge_ids,
              act_cids, sact_cids, ps_aact_cids, pa_aact_cids, actor_cids,
              hyperedge_label, params):
    return _forward(x, edge_attr, params, edge_index, batch, batch_actor, hyperedge_ids,
                    act_cids, sact_cids, ps_aact_cids, pa_aact_cids, actor_cids, hyperedge_label)

if __name__ == "__main__":
    import jax
    _d = setup_inputs()
    print(jax.jit(kernel)(*tuple(_d.values())))

</pallas_src>

<mosaic_0001>
#map = affine_map<(d0, d1) -> (0, 0)>
#map1 = affine_map<(d0, d1) -> (0, 0, 0, 0, 0)>
#map2 = affine_map<(d0, d1) -> (0, 0, 0, 0)>
#map3 = affine_map<(d0, d1) -> (0, 0, 0)>
module attributes {stable_mosaic.version = 14 : i64} {
  func.func @_msg_body(%arg0: i32, %arg1: i32, %arg2: memref<20000x128xf32, #tpu.memory_space<hbm>>, %arg3: memref<320000x128xf32, #tpu.memory_space<hbm>>, %arg4: memref<2x16x5x50x40xi32, #tpu.memory_space<hbm>>, %arg5: memref<16x5x50x40xi32, #tpu.memory_space<hbm>>, %arg6: memref<632x128xf32, #tpu.memory_space<hbm>>, %arg7: memref<2x10000x128xf32, #tpu.memory_space<hbm>>, %arg8: memref<50x40xi32, #tpu.memory_space<vmem>>, %arg9: memref<50x40xi32, #tpu.memory_space<vmem>>, %arg10: memref<40x128xf32, #tpu.memory_space<vmem>>, %arg11: memref<40x128xf32, #tpu.memory_space<vmem>>, %arg12: memref<40x128xf32, #tpu.memory_space<vmem>>, %arg13: memref<40x128xf32, #tpu.memory_space<vmem>>, %arg14: memref<10000x128xf32, #tpu.memory_space<vmem_shared>>, %arg15: memref<!tpu.dma_semaphore, #tpu.memory_space<semaphore_mem>>, %arg16: memref<!tpu.dma_semaphore, #tpu.memory_space<semaphore_mem>>, %arg17: memref<!tpu.dma_semaphore, #tpu.memory_space<semaphore_mem>>, %arg18: memref<!tpu.dma_semaphore, #tpu.memory_space<semaphore_mem>>) attributes {dimension_semantics = [#tpu.dimension_semantics<core_parallel>, #tpu.dimension_semantics<subcore_parallel>], iteration_bounds = array<i64: 2, 16>, scalar_prefetch = 0 : i64, scratch_operands = 11 : i64, tpu.core_type = #tpu.core_type<sc_vector_subcore>, window_params = [{transform_indices = #map}, {transform_indices = #map}, {transform_indices = #map1}, {transform_indices = #map2}, {transform_indices = #map}, {transform_indices = #map3}]} {
    %lt3A = arith.constant 15 : i32
    %lt3A_0 = arith.cmpi slt, %arg1, %lt3A : i32
    %convert_element_type3A = arith.extui %lt3A_0 : i1 to i32
    %cond3A = arith.constant 0 : i32
    %cond3A_1 = arith.cmpi ne, %convert_element_type3A, %cond3A : i32
    scf.if %cond3A_1 {
      %mul3A = arith.constant 632 : i32
      %mul3A_22 = arith.muli %arg1, %mul3A : i32
      "tpu.region"() ({
        %run_scoped3A = tpu.sem_alloc : memref<!tpu.dma_semaphore, #tpu.memory_space<semaphore_mem>>
        %dma_start3A = arith.constant 0 : i32
        %dma_start3A_23 = tpu.memref_slice %arg14[%mul3A_22, %dma_start3A] : memref<10000x128xf32, #tpu.memory_space<vmem_shared>> -> memref<632x128xf32, #tpu.memory_space<vmem_shared>>
        %dma_start3A_24 = arith.constant 0 : i32
        %dma_start3A_25 = arith.constant 0 : i32
        %dma_start3A_26 = tpu.memref_slice %arg6[%dma_start3A_24, %dma_start3A_25] : memref<632x128xf32, #tpu.memory_space<hbm>> -> memref<632x128xf32, #tpu.memory_space<hbm>>
        tpu.enqueue_dma source(%dma_start3A_26 : memref<632x128xf32, #tpu.memory_space<hbm>>) target(%dma_start3A_23 : memref<632x128xf32, #tpu.memory_space<vmem_shared>>) target_semaphore(%run_scoped3A : memref<!tpu.dma_semaphore, #tpu.memory_space<semaphore_mem>>)
        %dma_wait3A = arith.constant 0 : i32
        %dma_wait3A_27 = tpu.memref_slice %arg14[%mul3A_22, %dma_wait3A] : memref<10000x128xf32, #tpu.memory_space<vmem_shared>> -> memref<632x128xf32, #tpu.memory_space<vmem_shared>>
        %dma_wait3A_28 = arith.constant 0 : i32
        %dma_wait3A_29 = arith.constant 0 : i32
        %dma_wait3A_30 = tpu.memref_slice %arg6[%dma_wait3A_28, %dma_wait3A_29] : memref<632x128xf32, #tpu.memory_space<hbm>> -> memref<632x128xf32, #tpu.memory_space<hbm>>
        tpu.wait_dma2 semaphore(%run_scoped3A : memref<!tpu.dma_semaphore, #tpu.memory_space<semaphore_mem>>) src(%dma_wait3A_30 : memref<632x128xf32, #tpu.memory_space<hbm>>) dst(%dma_wait3A_27 : memref<632x128xf32, #tpu.memory_space<vmem_shared>>)
        tpu.yield
      }) : () -> ()
    } else {
    }
    %eq3A = arith.constant 15 : i32
    %eq3A_2 = arith.cmpi eq, %arg1, %eq3A : i32
    %convert_element_type3A_3 = arith.extui %eq3A_2 : i1 to i32
    %cond3A_4 = arith.constant 0 : i32
    %cond3A_5 = arith.cmpi ne, %convert_element_type3A_3, %cond3A_4 : i32
    scf.if %cond3A_5 {
      "tpu.region"() ({
        %run_scoped3A = tpu.sem_alloc : memref<!tpu.dma_semaphore, #tpu.memory_space<semaphore_mem>>
        %dma_start3A = arith.constant 9480 : i32
        %dma_start3A_22 = arith.constant 0 : i32
        %dma_start3A_23 = tpu.memref_slice %arg14[%dma_start3A, %dma_start3A_22] : memref<10000x128xf32, #tpu.memory_space<vmem_shared>> -> memref<520x128xf32, #tpu.memory_space<vmem_shared>>
        %dma_start3A_24 = arith.constant 0 : i32
        %dma_start3A_25 = arith.constant 0 : i32
        %dma_start3A_26 = tpu.memref_slice %arg6[%dma_start3A_24, %dma_start3A_25] : memref<632x128xf32, #tpu.memory_space<hbm>> -> memref<520x128xf32, #tpu.memory_space<hbm>>
        tpu.enqueue_dma source(%dma_start3A_26 : memref<520x128xf32, #tpu.memory_space<hbm>>) target(%dma_start3A_23 : memref<520x128xf32, #tpu.memory_space<vmem_shared>>) target_semaphore(%run_scoped3A : memref<!tpu.dma_semaphore, #tpu.memory_space<semaphore_mem>>)
        %dma_wait3A = arith.constant 9480 : i32
        %dma_wait3A_27 = arith.constant 0 : i32
        %dma_wait3A_28 = tpu.memref_slice %arg14[%dma_wait3A, %dma_wait3A_27] : memref<10000x128xf32, #tpu.memory_space<vmem_shared>> -> memref<520x128xf32, #tpu.memory_space<vmem_shared>>
        %dma_wait3A_29 = arith.constant 0 : i32
        %dma_wait3A_30 = arith.constant 0 : i32
        %dma_wait3A_31 = tpu.memref_slice %arg6[%dma_wait3A_29, %dma_wait3A_30] : memref<632x128xf32, #tpu.memory_space<hbm>> -> memref<520x128xf32, #tpu.memory_space<hbm>>
        tpu.wait_dma2 semaphore(%run_scoped3A : memref<!tpu.dma_semaphore, #tpu.memory_space<semaphore_mem>>) src(%dma_wait3A_31 : memref<520x128xf32, #tpu.memory_space<hbm>>) dst(%dma_wait3A_28 : memref<520x128xf32, #tpu.memory_space<vmem_shared>>)
        tpu.yield
      }) : () -> ()
    } else {
    }
    %barrier3A = arith.constant 0 : index
    tpu.barrier barrier_id(%barrier3A)
    %scan3A = arith.constant 0 : i32
    %scan3A_6 = arith.constant 0 : i32
    %scan3A_7 = arith.constant 5 : i32
    %scan3A_8 = arith.addi %scan3A_6, %scan3A_7 : i32
    %scan3A_9 = arith.constant 1 : i32
    scf.for %scan3A_22 = %scan3A_6 to %scan3A_8 step %scan3A_9  : i32 {
      "tpu.region"() ({
        %run_scoped3A = tpu.sem_alloc : memref<!tpu.dma_semaphore, #tpu.memory_space<semaphore_mem>>
        %dma_start3A_49 = arith.constant 0 : i32
        %dma_start3A_50 = arith.constant 0 : i32
        %dma_start3A_51 = tpu.memref_slice %arg4[%arg0, %arg1, %scan3A_22, %dma_start3A_49, %dma_start3A_50] : memref<2x16x5x50x40xi32, #tpu.memory_space<hbm>> -> memref<1x1x1x50x40xi32, #tpu.memory_space<hbm>>
        %dma_start3A_52 = tpu.memref_squeeze %dma_start3A_51 : memref<1x1x1x50x40xi32, #tpu.memory_space<hbm>> -> memref<50x40xi32, #tpu.memory_space<hbm>>
        %dma_start3A_53 = arith.constant 0 : i32
        %dma_start3A_54 = arith.constant 0 : i32
        %dma_start3A_55 = tpu.memref_slice %arg4[%arg0, %arg1, %scan3A_22, %dma_start3A_53, %dma_start3A_54] : memref<2x16x5x50x40xi32, #tpu.memory_space<hbm>> -> memref<1x1x1x50x40xi32, #tpu.memory_space<hbm>>
        %dma_start3A_56 = tpu.memref_squeeze %dma_start3A_55 : memref<1x1x1x50x40xi32, #tpu.memory_space<hbm>> -> memref<50x40xi32, #tpu.memory_space<hbm>>
        tpu.enqueue_dma source(%dma_start3A_56 : memref<50x40xi32, #tpu.memory_space<hbm>>) target(%arg8 : memref<50x40xi32, #tpu.memory_space<vmem>>) target_semaphore(%run_scoped3A : memref<!tpu.dma_semaphore, #tpu.memory_space<semaphore_mem>>)
        %dma_wait3A = arith.constant 0 : i32
        %dma_wait3A_57 = arith.constant 0 : i32
        %dma_wait3A_58 = tpu.memref_slice %arg4[%arg0, %arg1, %scan3A_22, %dma_wait3A, %dma_wait3A_57] : memref<2x16x5x50x40xi32, #tpu.memory_space<hbm>> -> memref<1x1x1x50x40xi32, #tpu.memory_space<hbm>>
        %dma_wait3A_59 = tpu.memref_squeeze %dma_wait3A_58 : memref<1x1x1x50x40xi32, #tpu.memory_space<hbm>> -> memref<50x40xi32, #tpu.memory_space<hbm>>
        %dma_wait3A_60 = arith.constant 0 : i32
        %dma_wait3A_61 = arith.constant 0 : i32
        %dma_wait3A_62 = tpu.memref_slice %arg4[%arg0, %arg1, %scan3A_22, %dma_wait3A_60, %dma_wait3A_61] : memref<2x16x5x50x40xi32, #tpu.memory_space<hbm>> -> memref<1x1x1x50x40xi32, #tpu.memory_space<hbm>>
        %dma_wait3A_63 = tpu.memref_squeeze %dma_wait3A_62 : memref<1x1x1x50x40xi32, #tpu.memory_space<hbm>> -> memref<50x40xi32, #tpu.memory_space<hbm>>
        tpu.wait_dma2 semaphore(%run_scoped3A : memref<!tpu.dma_semaphore, #tpu.memory_space<semaphore_mem>>) src(%dma_wait3A_63 : memref<50x40xi32, #tpu.memory_space<hbm>>) dst(%arg8 : memref<50x40xi32, #tpu.memory_space<vmem>>)
        tpu.yield
      }) : () -> ()
      "tpu.region"() ({
        %run_scoped3A = tpu.sem_alloc : memref<!tpu.dma_semaphore, #tpu.memory_space<semaphore_mem>>
        %dma_start3A_49 = arith.constant 0 : i32
        %dma_start3A_50 = arith.constant 0 : i32
        %dma_start3A_51 = tpu.memref_slice %arg5[%arg1, %scan3A_22, %dma_start3A_49, %dma_start3A_50] : memref<16x5x50x40xi32, #tpu.memory_space<hbm>> -> memref<1x1x50x40xi32, #tpu.memory_space<hbm>>
        %dma_start3A_52 = tpu.memref_squeeze %dma_start3A_51 : memref<1x1x50x40xi32, #tpu.memory_space<hbm>> -> memref<50x40xi32, #tpu.memory_space<hbm>>
        %dma_start3A_53 = arith.constant 0 : i32
        %dma_start3A_54 = arith.constant 0 : i32
        %dma_start3A_55 = tpu.memref_slice %arg5[%arg1, %scan3A_22, %dma_start3A_53, %dma_start3A_54] : memref<16x5x50x40xi32, #tpu.memory_space<hbm>> -> memref<1x1x50x40xi32, #tpu.memory_space<hbm>>
        %dma_start3A_56 = tpu.memref_squeeze %dma_start3A_55 : memref<1x1x50x40xi32, #tpu.memory_space<hbm>> -> memref<50x40xi32, #tpu.memory_space<hbm>>
        tpu.enqueue_dma source(%dma_start3A_56 : memref<50x40xi32, #tpu.memory_space<hbm>>) target(%arg9 : memref<50x40xi32, #tpu.memory_space<vmem>>) target_semaphore(%run_scoped3A : memref<!tpu.dma_semaphore, #tpu.memory_space<semaphore_mem>>)
        %dma_wait3A = arith.constant 0 : i32
        %dma_wait3A_57 = arith.constant 0 : i32
        %dma_wait3A_58 = tpu.memref_slice %arg5[%arg1, %scan3A_22, %dma_wait3A, %dma_wait3A_57] : memref<16x5x50x40xi32, #tpu.memory_space<hbm>> -> memref<1x1x50x40xi32, #tpu.memory_space<hbm>>
        %dma_wait3A_59 = tpu.memref_squeeze %dma_wait3A_58 : memref<1x1x50x40xi32, #tpu.memory_space<hbm>> -> memref<50x40xi32, #tpu.memory_space<hbm>>
        %dma_wait3A_60 = arith.constant 0 : i32
        %dma_wait3A_61 = arith.constant 0 : i32
        %dma_wait3A_62 = tpu.memref_slice %arg5[%arg1, %scan3A_22, %dma_wait3A_60, %dma_wait3A_61] : memref<16x5x50x40xi32, #tpu.memory_space<hbm>> -> memref<1x1x50x40xi32, #tpu.memory_space<hbm>>
        %dma_wait3A_63 = tpu.memref_squeeze %dma_wait3A_62 : memref<1x1x50x40xi32, #tpu.memory_space<hbm>> -> memref<50x40xi32, #tpu.memory_space<hbm>>
        tpu.wait_dma2 semaphore(%run_scoped3A : memref<!tpu.dma_semaphore, #tpu.memory_space<semaphore_mem>>) src(%dma_wait3A_63 : memref<50x40xi32, #tpu.memory_space<hbm>>) dst(%arg9 : memref<50x40xi32, #tpu.memory_space<vmem>>)
        tpu.yield
      }) : () -> ()
      %mul3A = arith.constant 10000 : i32
      %mul3A_23 = arith.muli %arg1, %mul3A : i32
      %mul3A_24 = arith.constant 50 : i32
      %mul3A_25 = arith.muli %scan3A_22, %mul3A_24 : i32
      %add3A = arith.constant 0 : i32
      %add3A_26 = arith.addi %mul3A_25, %add3A : i32
      %mul3A_27 = arith.constant 40 : i32
      %mul3A_28 = arith.muli %add3A_26, %mul3A_27 : i32
      %add3A_29 = arith.addi %mul3A_23, %mul3A_28 : i32
      %mul3A_30 = arith.constant 160000 : i32
      %mul3A_31 = arith.muli %arg0, %mul3A_30 : i32
      %add3A_32 = arith.addi %mul3A_31, %add3A_29 : i32
      %dma_start3A = arith.constant 0 : i32
      %dma_start3A_33 = tpu.memref_slice %arg3[%add3A_32, %dma_start3A] : memref<320000x128xf32, #tpu.memory_space<hbm>> -> memref<40x128xf32, #tpu.memory_space<hbm>>
      %dma_start3A_34 = arith.constant 0 : i32
      %dma_start3A_35 = tpu.memref_slice %arg3[%add3A_32, %dma_start3A_34] : memref<320000x128xf32, #tpu.memory_space<hbm>> -> memref<40x128xf32, #tpu.memory_space<hbm>>
      tpu.enqueue_dma source(%dma_start3A_35 : memref<40x128xf32, #tpu.memory_space<hbm>>) target(%arg10 : memref<40x128xf32, #tpu.memory_space<vmem>>) target_semaphore(%arg15 : memref<!tpu.dma_semaphore, #tpu.memory_space<semaphore_mem>>)
      %dma_start3A_36 = arith.constant 0 : i32
      %dma_start3A_37 = arith.constant 0 : i32
      %dma_start3A_38 = tpu.memref_slice %arg8[%dma_start3A_36, %dma_start3A_37] : memref<50x40xi32, #tpu.memory_space<vmem>> -> memref<1x40xi32, #tpu.memory_space<vmem>>
      %dma_start3A_39 = tpu.memref_squeeze %dma_start3A_38 : memref<1x40xi32, #tpu.memory_space<vmem>> -> memref<40xi32, #tpu.memory_space<vmem>>
      %dma_start3A_40 = arith.constant 0 : i32
      %dma_start3A_41 = arith.constant 0 : i32
      %dma_start3A_42 = tpu.memref_slice %arg2[%dma_start3A_40, %dma_start3A_41] : memref<20000x128xf32, #tpu.memory_space<hbm>> -> memref<20000x128xf32, #tpu.memory_space<hbm>>
      tpu.enqueue_indirect_dma source(%dma_start3A_42 : memref<20000x128xf32, #tpu.memory_space<hbm>>) target(%arg11 : memref<40x128xf32, #tpu.memory_space<vmem>>) offsets(%dma_start3A_39 : memref<40xi32, #tpu.memory_space<vmem>>) semaphore(%arg16 : memref<!tpu.dma_semaphore, #tpu.memory_space<semaphore_mem>>)
      %scan3A_43 = arith.constant 0 : i32
      %scan3A_44 = arith.constant 0 : i32
      %scan3A_45 = arith.constant 25 : i32
      %scan3A_46 = arith.addi %scan3A_44, %scan3A_45 : i32
      %scan3A_47 = arith.constant 1 : i32
      scf.for %scan3A_49 = %scan3A_44 to %scan3A_46 step %scan3A_47  : i32 {
        %mul3A_50 = arith.constant 2 : i32
        %mul3A_51 = arith.muli %mul3A_50, %scan3A_49 : i32
        %add3A_52 = arith.constant 1 : i32
        %add3A_53 = arith.addi %mul3A_51, %add3A_52 : i32
        %mul3A_54 = arith.constant 10000 : i32
        %mul3A_55 = arith.muli %arg1, %mul3A_54 : i32
        %mul3A_56 = arith.constant 50 : i32
        %mul3A_57 = arith.muli %scan3A_22, %mul3A_56 : i32
        %add3A_58 = arith.addi %mul3A_57, %add3A_53 : i32
        %mul3A_59 = arith.constant 40 : i32
        %mul3A_60 = arith.muli %add3A_58, %mul3A_59 : i32
        %add3A_61 = arith.addi %mul3A_55, %mul3A_60 : i32
        %mul3A_62 = arith.constant 160000 : i32
        %mul3A_63 = arith.muli %arg0, %mul3A_62 : i32
        %add3A_64 = arith.addi %mul3A_63, %add3A_61 : i32
        %dma_start3A_65 = arith.constant 0 : i32
        %dma_start3A_66 = tpu.memref_slice %arg3[%add3A_64, %dma_start3A_65] : memref<320000x128xf32, #tpu.memory_space<hbm>> -> memref<40x128xf32, #tpu.memory_space<hbm>>
        %dma_start3A_67 = arith.constant 0 : i32
        %dma_start3A_68 = tpu.memref_slice %arg3[%add3A_64, %dma_start3A_67] : memref<320000x128xf32, #tpu.memory_space<hbm>> -> memref<40x128xf32, #tpu.memory_space<hbm>>
        tpu.enqueue_dma source(%dma_start3A_68 : memref<40x128xf32, #tpu.memory_space<hbm>>) target(%arg12 : memref<40x128xf32, #tpu.memory_space<vmem>>) target_semaphore(%arg17 : memref<!tpu.dma_semaphore, #tpu.memory_space<semaphore_mem>>)
        %dma_start3A_69 = arith.constant 0 : i32
        %dma_start3A_70 = tpu.memref_slice %arg8[%add3A_53, %dma_start3A_69] : memref<50x40xi32, #tpu.memory_space<vmem>> -> memref<1x40xi32, #tpu.memory_space<vmem>>
        %dma_start3A_71 = tpu.memref_squeeze %dma_start3A_70 : memref<1x40xi32, #tpu.memory_space<vmem>> -> memref<40xi32, #tpu.memory_space<vmem>>
        %dma_start3A_72 = arith.constant 0 : i32
        %dma_start3A_73 = arith.constant 0 : i32
        %dma_start3A_74 = tpu.memref_slice %arg2[%dma_start3A_72, %dma_start3A_73] : memref<20000x128xf32, #tpu.memory_space<hbm>> -> memref<20000x128xf32, #tpu.memory_space<hbm>>
        tpu.enqueue_indirect_dma source(%dma_start3A_74 : memref<20000x128xf32, #tpu.memory_space<hbm>>) target(%arg13 : memref<40x128xf32, #tpu.memory_space<vmem>>) offsets(%dma_start3A_71 : memref<40xi32, #tpu.memory_space<vmem>>) semaphore(%arg18 : memref<!tpu.dma_semaphore, #tpu.memory_space<semaphore_mem>>)
        %dma_wait3A = arith.constant 0 : i32
        %dma_wait3A_75 = arith.constant 0 : i32
        %dma_wait3A_76 = tpu.memref_slice %arg3[%dma_wait3A, %dma_wait3A_75] : memref<320000x128xf32, #tpu.memory_space<hbm>> -> memref<40x128xf32, #tpu.memory_space<hbm>>
        %dma_wait3A_77 = arith.constant 0 : i32
        %dma_wait3A_78 = arith.constant 0 : i32
        %dma_wait3A_79 = tpu.memref_slice %arg3[%dma_wait3A_77, %dma_wait3A_78] : memref<320000x128xf32, #tpu.memory_space<hbm>> -> memref<40x128xf32, #tpu.memory_space<hbm>>
        tpu.wait_dma2 semaphore(%arg15 : memref<!tpu.dma_semaphore, #tpu.memory_space<semaphore_mem>>) src(%dma_wait3A_79 : memref<40x128xf32, #tpu.memory_space<hbm>>) dst(%arg10 : memref<40x128xf32, #tpu.memory_space<vmem>>)
        %dma_wait3A_80 = arith.constant 0 : i32
        %dma_wait3A_81 = tpu.memref_slice %arg8[%mul3A_51, %dma_wait3A_80] : memref<50x40xi32, #tpu.memory_space<vmem>> -> memref<1x40xi32, #tpu.memory_space<vmem>>
        %dma_wait3A_82 = tpu.memref_squeeze %dma_wait3A_81 : memref<1x40xi32, #tpu.memory_space<vmem>> -> memref<40xi32, #tpu.memory_space<vmem>>
        %dma_wait3A_83 = arith.constant 0 : i32
        %dma_wait3A_84 = arith.constant 0 : i32
        %dma_wait3A_85 = tpu.memref_slice %arg2[%dma_wait3A_83, %dma_wait3A_84] : memref<20000x128xf32, #tpu.memory_space<hbm>> -> memref<20000x128xf32, #tpu.memory_space<hbm>>
        tpu.wait_indirect_dma semaphore(%arg16 : memref<!tpu.dma_semaphore, #tpu.memory_space<semaphore_mem>>) src(%dma_wait3A_85 : memref<20000x128xf32, #tpu.memory_space<hbm>>) dst(%arg11 : memref<40x128xf32, #tpu.memory_space<vmem>>)
        %parallel_loop3A = arith.constant 0 : i32
        %parallel_loop3A_86 = arith.constant 40 : i32
        %parallel_loop3A_87 = arith.constant 1 : i32
        scf.for %parallel_loop3A_110 = %parallel_loop3A to %parallel_loop3A_86 step %parallel_loop3A_87  : i32 {
          %parallel_loop3A_111 = arith.index_cast %parallel_loop3A_110 : i32 to index
          %parallel_loop3A_112 = arith.constant 0 : index
          %parallel_loop3A_113 = tpu.vector_load %arg11[%parallel_loop3A_111, %parallel_loop3A_112] {strides = array<i32>} : memref<40x128xf32, #tpu.memory_space<vmem>>, vector<1x16xf32>,
          %parallel_loop3A_114 = vector.shape_cast %parallel_loop3A_113 : vector<1x16xf32> to vector<16xf32>
          %parallel_loop3A_115 = arith.index_cast %parallel_loop3A_110 : i32 to index
          %parallel_loop3A_116 = arith.constant 0 : index
          %parallel_loop3A_117 = tpu.vector_load %arg10[%parallel_loop3A_115, %parallel_loop3A_116] {strides = array<i32>} : memref<40x128xf32, #tpu.memory_space<vmem>>, vector<1x16xf32>,
          %parallel_loop3A_118 = vector.shape_cast %parallel_loop3A_117 : vector<1x16xf32> to vector<16xf32>
          %parallel_loop3A_119 = arith.addf %parallel_loop3A_114, %parallel_loop3A_118 : vector<16xf32>
          %parallel_loop3A_120 = arith.constant 0.000000e+00 : f32
          %parallel_loop3A_121 = vector.broadcast %parallel_loop3A_120 : f32 to vector<16xf32>
          %parallel_loop3A_122 = arith.maximumf %parallel_loop3A_119, %parallel_loop3A_121 : vector<16xf32>
          %parallel_loop3A_123 = arith.index_cast %parallel_loop3A_110 : i32 to index
          %parallel_loop3A_124 = arith.constant 0 : index
          %parallel_loop3A_125 = tpu.vector_load %arg11[%parallel_loop3A_123, %parallel_loop3A_124] {strides = array<i32>} : memref<40x128xf32, #tpu.memory_space<vmem>>, vector<1x16xf32>,
          %parallel_loop3A_126 = vector.shape_cast %parallel_loop3A_125 : vector<1x16xf32> to vector<16xf32>
          %parallel_loop3A_127 = vector.shape_cast %parallel_loop3A_122 : vector<16xf32> to vector<1x16xf32>
          tpu.vector_store %arg11[%parallel_loop3A_123, %parallel_loop3A_124], %parallel_loop3A_127 {strides = array<i32>} : memref<40x128xf32, #tpu.memory_space<vmem>>, vector<1x16xf32>,
          %parallel_loop3A_128 = arith.index_cast %parallel_loop3A_110 : i32 to index
          %parallel_loop3A_129 = arith.constant 16 : index
          %parallel_loop3A_130 = tpu.vector_load %arg11[%parallel_loop3A_128, %parallel_loop3A_129] {strides = array<i32>} : memref<40x128xf32, #tpu.memory_space<vmem>>, vector<1x16xf32>,
          %parallel_loop3A_131 = vector.shape_cast %parallel_loop3A_130 : vector<1x16xf32> to vector<16xf32>
          %parallel_loop3A_132 = arith.index_cast %parallel_loop3A_110 : i32 to index
          %parallel_loop3A_133 = arith.constant 16 : index
          %parallel_loop3A_134 = tpu.vector_load %arg10[%parallel_loop3A_132, %parallel_loop3A_133] {strides = array<i32>} : memref<40x128xf32, #tpu.memory_space<vmem>>, vector<1x16xf32>,
          %parallel_loop3A_135 = vector.shape_cast %parallel_loop3A_134 : vector<1x16xf32> to vector<16xf32>
          %parallel_loop3A_136 = arith.addf %parallel_loop3A_131, %parallel_loop3A_135 : vector<16xf32>
          %parallel_loop3A_137 = arith.constant 0.000000e+00 : f32
          %parallel_loop3A_138 = vector.broadcast %parallel_loop3A_137 : f32 to vector<16xf32>
          %parallel_loop3A_139 = arith.maximumf %parallel_loop3A_136, %parallel_loop3A_138 : vector<16xf32>
          %parallel_loop3A_140 = arith.index_cast %parallel_loop3A_110 : i32 to index
          %parallel_loop3A_141 = arith.constant 16 : index
          %parallel_loop3A_142 = tpu.vector_load %arg11[%parallel_loop3A_140, %parallel_loop3A_141] {strides = array<i32>} : memref<40x128xf32, #tpu.memory_space<vmem>>, vector<1x16xf32>,
          %parallel_loop3A_143 = vector.shape_cast %parallel_loop3A_142 : vector<1x16xf32> to vector<16xf32>
          %parallel_loop3A_144 = vector.shape_cast %parallel_loop3A_139 : vector<16xf32> to vector<1x16xf32>
          tpu.vector_store %arg11[%parallel_loop3A_140, %parallel_loop3A_141], %parallel_loop3A_144 {strides = array<i32>} : memref<40x128xf32, #tpu.memory_space<vmem>>, vector<1x16xf32>,
          %parallel_loop3A_145 = arith.index_cast %parallel_loop3A_110 : i32 to index
          %parallel_loop3A_146 = arith.constant 32 : index
          %parallel_loop3A_147 = tpu.vector_load %arg11[%parallel_loop3A_145, %parallel_loop3A_146] {strides = array<i32>} : memref<40x128xf32, #tpu.memory_space<vmem>>, vector<1x16xf32>,
          %parallel_loop3A_148 = vector.shape_cast %parallel_loop3A_147 : vector<1x16xf32> to vector<16xf32>
          %parallel_loop3A_149 = arith.index_cast %parallel_loop3A_110 : i32 to index
          %parallel_loop3A_150 = arith.constant 32 : index
          %parallel_loop3A_151 = tpu.vector_load %arg10[%parallel_loop3A_149, %parallel_loop3A_150] {strides = array<i32>} : memref<40x128xf32, #tpu.memory_space<vmem>>, vector<1x16xf32>,
          %parallel_loop3A_152 = vector.shape_cast %parallel_loop3A_151 : vector<1x16xf32> to vector<16xf32>
          %parallel_loop3A_153 = arith.addf %parallel_loop3A_148, %parallel_loop3A_152 : vector<16xf32>
          %parallel_loop3A_154 = arith.constant 0.000000e+00 : f32
          %parallel_loop3A_155 = vector.broadcast %parallel_loop3A_154 : f32 to vector<16xf32>
          %parallel_loop3A_156 = arith.maximumf %parallel_loop3A_153, %parallel_loop3A_155 : vector<16xf32>
          %parallel_loop3A_157 = arith.index_cast %parallel_loop3A_110 : i32 to index
          %parallel_loop3A_158 = arith.constant 32 : index
          %parallel_loop3A_159 = tpu.vector_load %arg11[%parallel_loop3A_157, %parallel_loop3A_158] {strides = array<i32>} : memref<40x128xf32, #tpu.memory_space<vmem>>, vector<1x16xf32>,
          %parallel_loop3A_160 = vector.shape_cast %parallel_loop3A_159 : vector<1x16xf32> to vector<16xf32>
          %parallel_loop3A_161 = vector.shape_cast %parallel_loop3A_156 : vector<16xf32> to vector<1x16xf32>
          tpu.vector_store %arg11[%parallel_loop3A_157, %parallel_loop3A_158], %parallel_loop3A_161 {strides = array<i32>} : memref<40x128xf32, #tpu.memory_space<vmem>>, vector<1x16xf32>,
          %parallel_loop3A_162 = arith.index_cast %parallel_loop3A_110 : i32 to index
          %parallel_loop3A_163 = arith.constant 48 : index
          %parallel_loop3A_164 = tpu.vector_load %arg11[%parallel_loop3A_162, %parallel_loop3A_163] {strides = array<i32>} : memref<40x128xf32, #tpu.memory_space<vmem>>, vector<1x16xf32>,
          %parallel_loop3A_165 = vector.shape_cast %parallel_loop3A_164 : vector<1x16xf32> to vector<16xf32>
          %parallel_loop3A_166 = arith.index_cast %parallel_loop3A_110 : i32 to index
          %parallel_loop3A_167 = arith.constant 48 : index
          %parallel_loop3A_168 = tpu.vector_load %arg10[%parallel_loop3A_166, %parallel_loop3A_167] {strides = array<i32>} : memref<40x128xf32, #tpu.memory_space<vmem>>, vector<1x16xf32>,
          %parallel_loop3A_169 = vector.shape_cast %parallel_loop3A_168 : vector<1x16xf32> to vector<16xf32>
          %parallel_loop3A_170 = arith.addf %parallel_loop3A_165, %parallel_loop3A_169 : vector<16xf32>
          %parallel_loop3A_171 = arith.constant 0.000000e+00 : f32
          %parallel_loop3A_172 = vector.broadcast %parallel_loop3A_171 : f32 to vector<16xf32>
          %parallel_loop3A_173 = arith.maximumf %parallel_loop3A_170, %parallel_loop3A_172 : vector<16xf32>
          %parallel_loop3A_174 = arith.index_cast %parallel_loop3A_110 : i32 to index
          %parallel_loop3A_175 = arith.constant 48 : index
          %parallel_loop3A_176 = tpu.vector_load %arg11[%parallel_loop3A_174, %parallel_loop3A_175] {strides = array<i32>} : memref<40x128xf32, #tpu.memory_space<vmem>>, vector<1x16xf32>,
          %parallel_loop3A_177 = vector.shape_cast %parallel_loop3A_176 : vector<1x16xf32> to vector<16xf32>
          %parallel_loop3A_178 = vector.shape_cast %parallel_loop3A_173 : vector<16xf32> to vector<1x16xf32>
          tpu.vector_store %arg11[%parallel_loop3A_174, %parallel_loop3A_175], %parallel_loop3A_178 {strides = array<i32>} : memref<40x128xf32, #tpu.memory_space<vmem>>, vector<1x16xf32>,
          %parallel_loop3A_179 = arith.index_cast %parallel_loop3A_110 : i32 to index
          %parallel_loop3A_180 = arith.constant 64 : index
          %parallel_loop3A_181 = tpu.vector_load %arg11[%parallel_loop3A_179, %parallel_loop3A_180] {strides = array<i32>} : memref<40x128xf32, #tpu.memory_space<vmem>>, vector<1x16xf32>,
          %parallel_loop3A_182 = vector.shape_cast %parallel_loop3A_181 : vector<1x16xf32> to vector<16xf32>
          %parallel_loop3A_183 = arith.index_cast %parallel_loop3A_110 : i32 to index
          %parallel_loop3A_184 = arith.constant 64 : index
          %parallel_loop3A_185 = tpu.vector_load %arg10[%parallel_loop3A_183, %parallel_loop3A_184] {strides = array<i32>} : memref<40x128xf32, #tpu.memory_space<vmem>>, vector<1x16xf32>,
          %parallel_loop3A_186 = vector.shape_cast %parallel_loop3A_185 : vector<1x16xf32> to vector<16xf32>
          %parallel_loop3A_187 = arith.addf %parallel_loop3A_182, %parallel_loop3A_186 : vector<16xf32>
          %parallel_loop3A_188 = arith.constant 0.000000e+00 : f32
          %parallel_loop3A_189 = vector.broadcast %parallel_loop3A_188 : f32 to vector<16xf32>
          %parallel_loop3A_190 = arith.maximumf %parallel_loop3A_187, %parallel_loop3A_189 : vector<16xf32>
          %parallel_loop3A_191 = arith.index_cast %parallel_loop3A_110 : i32 to index
          %parallel_loop3A_192 = arith.constant 64 : index
          %parallel_loop3A_193 = tpu.vector_load %arg11[%parallel_loop3A_191, %parallel_loop3A_192] {strides = array<i32>} : memref<40x128xf32, #tpu.memory_space<vmem>>, vector<1x16xf32>,
          %parallel_loop3A_194 = vector.shape_cast %parallel_loop3A_193 : vector<1x16xf32> to vector<16xf32>
          %parallel_loop3A_195 = vector.shape_cast %parallel_loop3A_190 : vector<16xf32> to vector<1x16xf32>
          tpu.vector_store %arg11[%parallel_loop3A_191, %parallel_loop3A_192], %parallel_loop3A_195 {strides = array<i32>} : memref<40x128xf32, #tpu.memory_space<vmem>>, vector<1x16xf32>,
          %parallel_loop3A_196 = arith.index_cast %parallel_loop3A_110 : i32 to index
          %parallel_loop3A_197 = arith.constant 80 : index
          %parallel_loop3A_198 = tpu.vector_load %arg11[%parallel_loop3A_196, %parallel_loop3A_197] {strides = array<i32>} : memref<40x128xf32, #tpu.memory_space<vmem>>, vector<1x16xf32>,
          %parallel_loop3A_199 = vector.shape_cast %parallel_loop3A_198 : vector<1x16xf32> to vector<16xf32>
          %parallel_loop3A_200 = arith.index_cast %parallel_loop3A_110 : i32 to index
          %parallel_loop3A_201 = arith.constant 80 : index
          %parallel_loop3A_202 = tpu.vector_load %arg10[%parallel_loop3A_200, %parallel_loop3A_201] {strides = array<i32>} : memref<40x128xf32, #tpu.memory_space<vmem>>, vector<1x16xf32>,
          %parallel_loop3A_203 = vector.shape_cast %parallel_loop3A_202 : vector<1x16xf32> to vector<16xf32>
          %parallel_loop3A_204 = arith.addf %parallel_loop3A_199, %parallel_loop3A_203 : vector<16xf32>
          %parallel_loop3A_205 = arith.constant 0.000000e+00 : f32
          %parallel_loop3A_206 = vector.broadcast %parallel_loop3A_205 : f32 to vector<16xf32>
          %parallel_loop3A_207 = arith.maximumf %parallel_loop3A_204, %parallel_loop3A_206 : vector<16xf32>
          %parallel_loop3A_208 = arith.index_cast %parallel_loop3A_110 : i32 to index
          %parallel_loop3A_209 = arith.constant 80 : index
          %parallel_loop3A_210 = tpu.vector_load %arg11[%parallel_loop3A_208, %parallel_loop3A_209] {strides = array<i32>} : memref<40x128xf32, #tpu.memory_space<vmem>>, vector<1x16xf32>,
          %parallel_loop3A_211 = vector.shape_cast %parallel_loop3A_210 : vector<1x16xf32> to vector<16xf32>
          %parallel_loop3A_212 = vector.shape_cast %parallel_loop3A_207 : vector<16xf32> to vector<1x16xf32>
          tpu.vector_store %arg11[%parallel_loop3A_208, %parallel_loop3A_209], %parallel_loop3A_212 {strides = array<i32>} : memref<40x128xf32, #tpu.memory_space<vmem>>, vector<1x16xf32>,
          %parallel_loop3A_213 = arith.index_cast %parallel_loop3A_110 : i32 to index
          %parallel_loop3A_214 = arith.constant 96 : index
          %parallel_loop3A_215 = tpu.vector_load %arg11[%parallel_loop3A_213, %parallel_loop3A_214] {strides = array<i32>} : memref<40x128xf32, #tpu.memory_space<vmem>>, vector<1x16xf32>,
          %parallel_loop3A_216 = vector.shape_cast %parallel_loop3A_215 : vector<1x16xf32> to vector<16xf32>
          %parallel_loop3A_217 = arith.index_cast %parallel_loop3A_110 : i32 to index
          %parallel_loop3A_218 = arith.constant 96 : index
          %parallel_loop3A_219 = tpu.vector_load %arg10[%parallel_loop3A_217, %parallel_loop3A_218] {strides = array<i32>} : memref<40x128xf32, #tpu.memory_space<vmem>>, vector<1x16xf32>,
          %parallel_loop3A_220 = vector.shape_cast %parallel_loop3A_219 : vector<1x16xf32> to vector<16xf32>
          %parallel_loop3A_221 = arith.addf %parallel_loop3A_216, %parallel_loop3A_220 : vector<16xf32>
          %parallel_loop3A_222 = arith.constant 0.000000e+00 : f32
          %parallel_loop3A_223 = vector.broadcast %parallel_loop3A_222 : f32 to vector<16xf32>
          %parallel_loop3A_224 = arith.maximumf %parallel_loop3A_221, %parallel_loop3A_223 : vector<16xf32>
          %parallel_loop3A_225 = arith.index_cast %parallel_loop3A_110 : i32 to index
          %parallel_loop3A_226 = arith.constant 96 : index
          %parallel_loop3A_227 = tpu.vector_load %arg11[%parallel_loop3A_225, %parallel_loop3A_226] {strides = array<i32>} : memref<40x128xf32, #tpu.memory_space<vmem>>, vector<1x16xf32>,
          %parallel_loop3A_228 = vector.shape_cast %parallel_loop3A_227 : vector<1x16xf32> to vector<16xf32>
          %parallel_loop3A_229 = vector.shape_cast %parallel_loop3A_224 : vector<16xf32> to vector<1x16xf32>
          tpu.vector_store %arg11[%parallel_loop3A_225, %parallel_loop3A_226], %parallel_loop3A_229 {strides = array<i32>} : memref<40x128xf32, #tpu.memory_space<vmem>>, vector<1x16xf32>,
          %parallel_loop3A_230 = arith.index_cast %parallel_loop3A_110 : i32 to index
          %parallel_loop3A_231 = arith.constant 112 : index
          %parallel_loop3A_232 = tpu.vector_load %arg11[%parallel_loop3A_230, %parallel_loop3A_231] {strides = array<i32>} : memref<40x128xf32, #tpu.memory_space<vmem>>, vector<1x16xf32>,
          %parallel_loop3A_233 = vector.shape_cast %parallel_loop3A_232 : vector<1x16xf32> to vector<16xf32>
          %parallel_loop3A_234 = arith.index_cast %parallel_loop3A_110 : i32 to index
          %parallel_loop3A_235 = arith.constant 112 : index
          %parallel_loop3A_236 = tpu.vector_load %arg10[%parallel_loop3A_234, %parallel_loop3A_235] {strides = array<i32>} : memref<40x128xf32, #tpu.memory_space<vmem>>, vector<1x16xf32>,
          %parallel_loop3A_237 = vector.shape_cast %parallel_loop3A_236 : vector<1x16xf32> to vector<16xf32>
          %parallel_loop3A_238 = arith.addf %parallel_loop3A_233, %parallel_loop3A_237 : vector<16xf32>
          %parallel_loop3A_239 = arith.constant 0.000000e+00 : f32
          %parallel_loop3A_240 = vector.broadcast %parallel_loop3A_239 : f32 to vector<16xf32>
          %parallel_loop3A_241 = arith.maximumf %parallel_loop3A_238, %parallel_loop3A_240 : vector<16xf32>
          %parallel_loop3A_242 = arith.index_cast %parallel_loop3A_110 : i32 to index
          %parallel_loop3A_243 = arith.constant 112 : index
          %parallel_loop3A_244 = tpu.vector_load %arg11[%parallel_loop3A_242, %parallel_loop3A_243] {strides = array<i32>} : memref<40x128xf32, #tpu.memory_space<vmem>>, vector<1x16xf32>,
          %parallel_loop3A_245 = vector.shape_cast %parallel_loop3A_244 : vector<1x16xf32> to vector<16xf32>
          %parallel_loop3A_246 = vector.shape_cast %parallel_loop3A_241 : vector<16xf32> to vector<1x16xf32>
          tpu.vector_store %arg11[%parallel_loop3A_242, %parallel_loop3A_243], %parallel_loop3A_246 {strides = array<i32>} : memref<40x128xf32, #tpu.memory_space<vmem>>, vector<1x16xf32>,
        } {sc.loop_unroll_factor = 4 : i64, sc.parallel_access}
        "tpu.region"() ({
          %run_scoped3A = tpu.sem_alloc : memref<!tpu.dma_semaphore, #tpu.memory_space<semaphore_mem>>
          %dma_start3A_110 = arith.constant 0 : i32
          %dma_start3A_111 = tpu.memref_slice %arg9[%mul3A_51, %dma_start3A_110] : memref<50x40xi32, #tpu.memory_space<vmem>> -> memref<1x40xi32, #tpu.memory_space<vmem>>
          %dma_start3A_112 = tpu.memref_squeeze %dma_start3A_111 : memref<1x40xi32, #tpu.memory_space<vmem>> -> memref<40xi32, #tpu.memory_space<vmem>>
          %dma_start3A_113 = arith.constant 0 : i32
          %dma_start3A_114 = arith.constant 0 : i32
          %dma_start3A_115 = tpu.memref_slice %arg14[%dma_start3A_113, %dma_start3A_114] : memref<10000x128xf32, #tpu.memory_space<vmem_shared>> -> memref<10000x128xf32, #tpu.memory_space<vmem_shared>>
          tpu.enqueue_indirect_dma source(%arg11 : memref<40x128xf32, #tpu.memory_space<vmem>>) target(%dma_start3A_115 : memref<10000x128xf32, #tpu.memory_space<vmem_shared>>) offsets(%dma_start3A_112 : memref<40xi32, #tpu.memory_space<vmem>>) semaphore(%run_scoped3A : memref<!tpu.dma_semaphore, #tpu.memory_space<semaphore_mem>>) {add = true}
          %dma_wait3A_116 = arith.constant 0 : i32
          %dma_wait3A_117 = tpu.memref_slice %arg9[%mul3A_51, %dma_wait3A_116] : memref<50x40xi32, #tpu.memory_space<vmem>> -> memref<1x40xi32, #tpu.memory_space<vmem>>
          %dma_wait3A_118 = tpu.memref_squeeze %dma_wait3A_117 : memref<1x40xi32, #tpu.memory_space<vmem>> -> memref<40xi32, #tpu.memory_space<vmem>>
          %dma_wait3A_119 = arith.constant 0 : i32
          %dma_wait3A_120 = arith.constant 0 : i32
          %dma_wait3A_121 = tpu.memref_slice %arg14[%dma_wait3A_119, %dma_wait3A_120] : memref<10000x128xf32, #tpu.memory_space<vmem_shared>> -> memref<10000x128xf32, #tpu.memory_space<vmem_shared>>
          tpu.wait_indirect_dma semaphore(%run_scoped3A : memref<!tpu.dma_semaphore, #tpu.memory_space<semaphore_mem>>) src(%arg11 : memref<40x128xf32, #tpu.memory_space<vmem>>) dst(%dma_wait3A_121 : memref<10000x128xf32, #tpu.memory_space<vmem_shared>>)
          tpu.yield
        }) : () -> ()
        %add3A_88 = arith.constant 1 : i32
        %add3A_89 = arith.addi %scan3A_49, %add3A_88 : i32
        %lt3A_90 = arith.constant 25 : i32
        %lt3A_91 = arith.cmpi slt, %add3A_89, %lt3A_90 : i32
        %convert_element_type3A_92 = arith.extui %lt3A_91 : i1 to i32
        %cond3A_93 = arith.constant 0 : i32
        %cond3A_94 = arith.cmpi ne, %convert_element_type3A_92, %cond3A_93 : i32
        scf.if %cond3A_94 {
          %add3A_110 = arith.constant 2 : i32
          %add3A_111 = arith.addi %mul3A_51, %add3A_110 : i32
          %mul3A_112 = arith.constant 10000 : i32
          %mul3A_113 = arith.muli %arg1, %mul3A_112 : i32
          %mul3A_114 = arith.constant 50 : i32
          %mul3A_115 = arith.muli %scan3A_22, %mul3A_114 : i32
          %add3A_116 = arith.addi %mul3A_115, %add3A_111 : i32
          %mul3A_117 = arith.constant 40 : i32
          %mul3A_118 = arith.muli %add3A_116, %mul3A_117 : i32
          %add3A_119 = arith.addi %mul3A_113, %mul3A_118 : i32
          %mul3A_120 = arith.constant 160000 : i32
          %mul3A_121 = arith.muli %arg0, %mul3A_120 : i32
          %add3A_122 = arith.addi %mul3A_121, %add3A_119 : i32
          %dma_start3A_123 = arith.constant 0 : i32
          %dma_start3A_124 = tpu.memref_slice %arg3[%add3A_122, %dma_start3A_123] : memref<320000x128xf32, #tpu.memory_space<hbm>> -> memref<40x128xf32, #tpu.memory_space<hbm>>
          %dma_start3A_125 = arith.constant 0 : i32
          %dma_start3A_126 = tpu.memref_slice %arg3[%add3A_122, %dma_start3A_125] : memref<320000x128xf32, #tpu.memory_space<hbm>> -> memref<40x128xf32, #tpu.memory_space<hbm>>
          tpu.enqueue_dma source(%dma_start3A_126 : memref<40x128xf32, #tpu.memory_space<hbm>>) target(%arg10 : memref<40x128xf32, #tpu.memory_space<vmem>>) target_semaphore(%arg15 : memref<!tpu.dma_semaphore, #tpu.memory_space<semaphore_mem>>)
          %add3A_127 = arith.constant 2 : i32
          %add3A_128 = arith.addi %mul3A_51, %add3A_127 : i32
          %dma_start3A_129 = arith.constant 0 : i32
          %dma_start3A_130 = tpu.memref_slice %arg8[%add3A_128, %dma_start3A_129] : memref<50x40xi32, #tpu.memory_space<vmem>> -> memref<1x40xi32, #tpu.memory_space<vmem>>
          %dma_start3A_131 = tpu.memref_squeeze %dma_start3A_130 : memref<1x40xi32, #tpu.memory_space<vmem>> -> memref<40xi32, #tpu.memory_space<vmem>>
          %dma_start3A_132 = arith.constant 0 : i32
          %dma_start3A_133 = arith.constant 0 : i32
          %dma_start3A_134 = tpu.memref_slice %arg2[%dma_start3A_132, %dma_start3A_133] : memref<20000x128xf32, #tpu.memory_space<hbm>> -> memref<20000x128xf32, #tpu.memory_space<hbm>>
          tpu.enqueue_indirect_dma source(%dma_start3A_134 : memref<20000x128xf32, #tpu.memory_space<hbm>>) target(%arg11 : memref<40x128xf32, #tpu.memory_space<vmem>>) offsets(%dma_start3A_131 : memref<40xi32, #tpu.memory_space<vmem>>) semaphore(%arg16 : memref<!tpu.dma_semaphore, #tpu.memory_space<semaphore_mem>>)
        } else {
        }
        %dma_wait3A_95 = arith.constant 0 : i32
        %dma_wait3A_96 = arith.constant 0 : i32
        %dma_wait3A_97 = tpu.memref_slice %arg3[%dma_wait3A_95, %dma_wait3A_96] : memref<320000x128xf32, #tpu.memory_space<hbm>> -> memref<40x128xf32, #tpu.memory_space<hbm>>
        %dma_wait3A_98 = arith.constant 0 : i32
        %dma_wait3A_99 = arith.constant 0 : i32
        %dma_wait3A_100 = tpu.memref_slice %arg3[%dma_wait3A_98, %dma_wait3A_99] : memref<320000x128xf32, #tpu.memory_space<hbm>> -> memref<40x128xf32, #tpu.memory_space<hbm>>
        tpu.wait_dma2 semaphore(%arg17 : memref<!tpu.dma_semaphore, #tpu.memory_space<semaphore_mem>>) src(%dma_wait3A_100 : memref<40x128xf32, #tpu.memory_space<hbm>>) dst(%arg12 : memref<40x128xf32, #tpu.memory_space<vmem>>)
        %dma_wait3A_101 = arith.constant 0 : i32
        %dma_wait3A_102 = tpu.memref_slice %arg8[%add3A_53, %dma_wait3A_101] : memref<50x40xi32, #tpu.memory_space<vmem>> -> memref<1x40xi32, #tpu.memory_space<vmem>>
        %dma_wait3A_103 = tpu.memref_squeeze %dma_wait3A_102 : memref<1x40xi32, #tpu.memory_space<vmem>> -> memref<40xi32, #tpu.memory_space<vmem>>
        %dma_wait3A_104 = arith.constant 0 : i32
        %dma_wait3A_105 = arith.constant 0 : i32
        %dma_wait3A_106 = tpu.memref_slice %arg2[%dma_wait3A_104, %dma_wait3A_105] : memref<20000x128xf32, #tpu.memory_space<hbm>> -> memref<20000x128xf32, #tpu.memory_space<hbm>>
        tpu.wait_indirect_dma semaphore(%arg18 : memref<!tpu.dma_semaphore, #tpu.memory_space<semaphore_mem>>) src(%dma_wait3A_106 : memref<20000x128xf32, #tpu.memory_space<hbm>>) dst(%arg13 : memref<40x128xf32, #tpu.memory_space<vmem>>)
        %parallel_loop3A_107 = arith.constant 0 : i32
        %parallel_loop3A_108 = arith.constant 40 : i32
        %parallel_loop3A_109 = arith.constant 1 : i32
        scf.for %parallel_loop3A_110 = %parallel_loop3A_107 to %parallel_loop3A_108 step %parallel_loop3A_109  : i32 {
          %parallel_loop3A_111 = arith.index_cast %parallel_loop3A_110 : i32 to index
          %parallel_loop3A_112 = arith.constant 0 : index
          %parallel_loop3A_113 = tpu.vector_load %arg13[%parallel_loop3A_111, %parallel_loop3A_112] {strides = array<i32>} : memref<40x128xf32, #tpu.memory_space<vmem>>, vector<1x16xf32>,
          %parallel_loop3A_114 = vector.shape_cast %parallel_loop3A_113 : vector<1x16xf32> to vector<16xf32>
          %parallel_loop3A_115 = arith.index_cast %parallel_loop3A_110 : i32 to index
          %parallel_loop3A_116 = arith.constant 0 : index
          %parallel_loop3A_117 = tpu.vector_load %arg12[%parallel_loop3A_115, %parallel_loop3A_116] {strides = array<i32>} : memref<40x128xf32, #tpu.memory_space<vmem>>, vector<1x16xf32>,
          %parallel_loop3A_118 = vector.shape_cast %parallel_loop3A_117 : vector<1x16xf32> to vector<16xf32>
          %parallel_loop3A_119 = arith.addf %parallel_loop3A_114, %parallel_loop3A_118 : vector<16xf32>
          %parallel_loop3A_120 = arith.constant 0.000000e+00 : f32
          %parallel_loop3A_121 = vector.broadcast %parallel_loop3A_120 : f32 to vector<16xf32>
          %parallel_loop3A_122 = arith.maximumf %parallel_loop3A_119, %parallel_loop3A_121 : vector<16xf32>
          %parallel_loop3A_123 = arith.index_cast %parallel_loop3A_110 : i32 to index
          %parallel_loop3A_124 = arith.constant 0 : index
          %parallel_loop3A_125 = tpu.vector_load %arg13[%parallel_loop3A_123, %parallel_loop3A_124] {strides = array<i32>} : memref<40x128xf32, #tpu.memory_space<vmem>>, vector<1x16xf32>,
          %parallel_loop3A_126 = vector.shape_cast %parallel_loop3A_125 : vector<1x16xf32> to vector<16xf32>
          %parallel_loop3A_127 = vector.shape_cast %parallel_loop3A_122 : vector<16xf32> to vector<1x16xf32>
          tpu.vector_store %arg13[%parallel_loop3A_123, %parallel_loop3A_124], %parallel_loop3A_127 {strides = array<i32>} : memref<40x128xf32, #tpu.memory_space<vmem>>, vector<1x16xf32>,
          %parallel_loop3A_128 = arith.index_cast %parallel_loop3A_110 : i32 to index
          %parallel_loop3A_129 = arith.constant 16 : index
          %parallel_loop3A_130 = tpu.vector_load %arg13[%parallel_loop3A_128, %parallel_loop3A_129] {strides = array<i32>} : memref<40x128xf32, #tpu.memory_space<vmem>>, vector<1x16xf32>,
          %parallel_loop3A_131 = vector.shape_cast %parallel_loop3A_130 : vector<1x16xf32> to vector<16xf32>
          %parallel_loop3A_132 = arith.index_cast %parallel_loop3A_110 : i32 to index
          %parallel_loop3A_133 = arith.constant 16 : index
          %parallel_loop3A_134 = tpu.vector_load %arg12[%parallel_loop3A_132, %parallel_loop3A_133] {strides = array<i32>} : memref<40x128xf32, #tpu.memory_space<vmem>>, vector<1x16xf32>,
          %parallel_loop3A_135 = vector.shape_cast %parallel_loop3A_134 : vector<1x16xf32> to vector<16xf32>
          %parallel_loop3A_136 = arith.addf %parallel_loop3A_131, %parallel_loop3A_135 : vector<16xf32>
          %parallel_loop3A_137 = arith.constant 0.000000e+00 : f32
          %parallel_loop3A_138 = vector.broadcast %parallel_loop3A_137 : f32 to vector<16xf32>
          %parallel_loop3A_139 = arith.maximumf %parallel_loop3A_136, %parallel_loop3A_138 : vector<16xf32>
          %parallel_loop3A_140 = arith.index_cast %parallel_loop3A_110 : i32 to index
          %parallel_loop3A_141 = arith.constant 16 : index
          %parallel_loop3A_142 = tpu.vector_load %arg13[%parallel_loop3A_140, %parallel_loop3A_141] {strides = array<i32>} : memref<40x128xf32, #tpu.memory_space<vmem>>, vector<1x16xf32>,
          %parallel_loop3A_143 = vector.shape_cast %parallel_loop3A_142 : vector<1x16xf32> to vector<16xf32>
          %parallel_loop3A_144 = vector.shape_cast %parallel_loop3A_139 : vector<16xf32> to vector<1x16xf32>
          tpu.vector_store %arg13[%parallel_loop3A_140, %parallel_loop3A_141], %parallel_loop3A_144 {strides = array<i32>} : memref<40x128xf32, #tpu.memory_space<vmem>>, vector<1x16xf32>,
          %parallel_loop3A_145 = arith.index_cast %parallel_loop3A_110 : i32 to index
          %parallel_loop3A_146 = arith.constant 32 : index
          %parallel_loop3A_147 = tpu.vector_load %arg13[%parallel_loop3A_145, %parallel_loop3A_146] {strides = array<i32>} : memref<40x128xf32, #tpu.memory_space<vmem>>, vector<1x16xf32>,
          %parallel_loop3A_148 = vector.shape_cast %parallel_loop3A_147 : vector<1x16xf32> to vector<16xf32>
          %parallel_loop3A_149 = arith.index_cast %parallel_loop3A_110 : i32 to index
          %parallel_loop3A_150 = arith.constant 32 : index
          %parallel_loop3A_151 = tpu.vector_load %arg12[%parallel_loop3A_149, %parallel_loop3A_150] {strides = array<i32>} : memref<40x128xf32, #tpu.memory_space<vmem>>, vector<1x16xf32>,
          %parallel_loop3A_152 = vector.shape_cast %parallel_loop3A_151 : vector<1x16xf32> to vector<16xf32>
          %parallel_loop3A_153 = arith.addf %parallel_loop3A_148, %parallel_loop3A_152 : vector<16xf32>
          %parallel_loop3A_154 = arith.constant 0.000000e+00 : f32
          %parallel_loop3A_155 = vector.broadcast %parallel_loop3A_154 : f32 to vector<16xf32>
          %parallel_loop3A_156 = arith.maximumf %parallel_loop3A_153, %parallel_loop3A_155 : vector<16xf32>
          %parallel_loop3A_157 = arith.index_cast %parallel_loop3A_110 : i32 to index
          %parallel_loop3A_158 = arith.constant 32 : index
          %parallel_loop3A_159 = tpu.vector_load %arg13[%parallel_loop3A_157, %parallel_loop3A_158] {strides = array<i32>} : memref<40x128xf32, #tpu.memory_space<vmem>>, vector<1x16xf32>,
          %parallel_loop3A_160 = vector.shape_cast %parallel_loop3A_159 : vector<1x16xf32> to vector<16xf32>
          %parallel_loop3A_161 = vector.shape_cast %parallel_loop3A_156 : vector<16xf32> to vector<1x16xf32>
          tpu.vector_store %arg13[%parallel_loop3A_157, %parallel_loop3A_158], %parallel_loop3A_161 {strides = array<i32>} : memref<40x128xf32, #tpu.memory_space<vmem>>, vector<1x16xf32>,
          %parallel_loop3A_162 = arith.index_cast %parallel_loop3A_110 : i32 to index
          %parallel_loop3A_163 = arith.constant 48 : index
          %parallel_loop3A_164 = tpu.vector_load %arg13[%parallel_loop3A_162, %parallel_loop3A_163] {strides = array<i32>} : memref<40x128xf32, #tpu.memory_space<vmem>>, vector<1x16xf32>,
          %parallel_loop3A_165 = vector.shape_cast %parallel_loop3A_164 : vector<1x16xf32> to vector<16xf32>
          %parallel_loop3A_166 = arith.index_cast %parallel_loop3A_110 : i32 to index
          %parallel_loop3A_167 = arith.constant 48 : index
          %parallel_loop3A_168 = tpu.vector_load %arg12[%parallel_loop3A_166, %parallel_loop3A_167] {strides = array<i32>} : memref<40x128xf32, #tpu.memory_space<vmem>>, vector<1x16xf32>,
          %parallel_loop3A_169 = vector.shape_cast %parallel_loop3A_168 : vector<1x16xf32> to vector<16xf32>
          %parallel_loop3A_170 = arith.addf %parallel_loop3A_165, %parallel_loop3A_169 : vector<16xf32>
          %parallel_loop3A_171 = arith.constant 0.000000e+00 : f32
          %parallel_loop3A_172 = vector.broadcast %parallel_loop3A_171 : f32 to vector<16xf32>
          %parallel_loop3A_173 = arith.maximumf %parallel_loop3A_170, %parallel_loop3A_172 : vector<16xf32>
          %parallel_loop3A_174 = arith.index_cast %parallel_loop3A_110 : i32 to index
          %parallel_loop3A_175 = arith.constant 48 : index
          %parallel_loop3A_176 = tpu.vector_load %arg13[%parallel_loop3A_174, %parallel_loop3A_175] {strides = array<i32>} : memref<40x128xf32, #tpu.memory_space<vmem>>, vector<1x16xf32>,
          %parallel_loop3A_177 = vector.shape_cast %parallel_loop3A_176 : vector<1x16xf32> to vector<16xf32>
          %parallel_loop3A_178 = vector.shape_cast %parallel_loop3A_173 : vector<16xf32> to vector<1x16xf32>
          tpu.vector_store %arg13[%parallel_loop3A_174, %parallel_loop3A_175], %parallel_loop3A_178 {strides = array<i32>} : memref<40x128xf32, #tpu.memory_space<vmem>>, vector<1x16xf32>,
          %parallel_loop3A_179 = arith.index_cast %parallel_loop3A_110 : i32 to index
          %parallel_loop3A_180 = arith.constant 64 : index
          %parallel_loop3A_181 = tpu.vector_load %arg13[%parallel_loop3A_179, %parallel_loop3A_180] {strides = array<i32>} : memref<40x128xf32, #tpu.memory_space<vmem>>, vector<1x16xf32>,
          %parallel_loop3A_182 = vector.shape_cast %parallel_loop3A_181 : vector<1x16xf32> to vector<16xf32>
          %parallel_loop3A_183 = arith.index_cast %parallel_loop3A_110 : i32 to index
          %parallel_loop3A_184 = arith.constant 64 : index
          %parallel_loop3A_185 = tpu.vector_load %arg12[%parallel_loop3A_183, %parallel_loop3A_184] {strides = array<i32>} : memref<40x128xf32, #tpu.memory_space<vmem>>, vector<1x16xf32>,
          %parallel_loop3A_186 = vector.shape_cast %parallel_loop3A_185 : vector<1x16xf32> to vector<16xf32>
          %parallel_loop3A_187 = arith.addf %parallel_loop3A_182, %parallel_loop3A_186 : vector<16xf32>
          %parallel_loop3A_188 = arith.constant 0.000000e+00 : f32
          %parallel_loop3A_189 = vector.broadcast %parallel_loop3A_188 : f32 to vector<16xf32>
          %parallel_loop3A_190 = arith.maximumf %parallel_loop3A_187, %parallel_loop3A_189 : vector<16xf32>
          %parallel_loop3A_191 = arith.index_cast %parallel_loop3A_110 : i32 to index
          %parallel_loop3A_192 = arith.constant 64 : index
          %parallel_loop3A_193 = tpu.vector_load %arg13[%parallel_loop3A_191, %parallel_loop3A_192] {strides = array<i32>} : memref<40x128xf32, #tpu.memory_space<vmem>>, vector<1x16xf32>,
          %parallel_loop3A_194 = vector.shape_cast %parallel_loop3A_193 : vector<1x16xf32> to vector<16xf32>
          %parallel_loop3A_195 = vector.shape_cast %parallel_loop3A_190 : vector<16xf32> to vector<1x16xf32>
          tpu.vector_store %arg13[%parallel_loop3A_191, %parallel_loop3A_192], %parallel_loop3A_195 {strides = array<i32>} : memref<40x128xf32, #tpu.memory_space<vmem>>, vector<1x16xf32>,
          %parallel_loop3A_196 = arith.index_cast %parallel_loop3A_110 : i32 to index
          %parallel_loop3A_197 = arith.constant 80 : index
          %parallel_loop3A_198 = tpu.vector_load %arg13[%parallel_loop3A_196, %parallel_loop3A_197] {strides = array<i32>} : memref<40x128xf32, #tpu.memory_space<vmem>>, vector<1x16xf32>,
          %parallel_loop3A_199 = vector.shape_cast %parallel_loop3A_198 : vector<1x16xf32> to vector<16xf32>
          %parallel_loop3A_200 = arith.index_cast %parallel_loop3A_110 : i32 to index
          %parallel_loop3A_201 = arith.constant 80 : index
          %parallel_loop3A_202 = tpu.vector_load %arg12[%parallel_loop3A_200, %parallel_loop3A_201] {strides = array<i32>} : memref<40x128xf32, #tpu.memory_space<vmem>>, vector<1x16xf32>,
          %parallel_loop3A_203 = vector.shape_cast %parallel_loop3A_202 : vector<1x16xf32> to vector<16xf32>
          %parallel_loop3A_204 = arith.addf %parallel_loop3A_199, %parallel_loop3A_203 : vector<16xf32>
          %parallel_loop3A_205 = arith.constant 0.000000e+00 : f32
          %parallel_loop3A_206 = vector.broadcast %parallel_loop3A_205 : f32 to vector<16xf32>
          %parallel_loop3A_207 = arith.maximumf %parallel_loop3A_204, %parallel_loop3A_206 : vector<16xf32>
          %parallel_loop3A_208 = arith.index_cast %parallel_loop3A_110 : i32 to index
          %parallel_loop3A_209 = arith.constant 80 : index
          %parallel_loop3A_210 = tpu.vector_load %arg13[%parallel_loop3A_208, %parallel_loop3A_209] {strides = array<i32>} : memref<40x128xf32, #tpu.memory_space<vmem>>, vector<1x16xf32>,
          %parallel_loop3A_211 = vector.shape_cast %parallel_loop3A_210 : vector<1x16xf32> to vector<16xf32>
          %parallel_loop3A_212 = vector.shape_cast %parallel_loop3A_207 : vector<16xf32> to vector<1x16xf32>
          tpu.vector_store %arg13[%parallel_loop3A_208, %parallel_loop3A_209], %parallel_loop3A_212 {strides = array<i32>} : memref<40x128xf32, #tpu.memory_space<vmem>>, vector<1x16xf32>,
          %parallel_loop3A_213 = arith.index_cast %parallel_loop3A_110 : i32 to index
          %parallel_loop3A_214 = arith.constant 96 : index
          %parallel_loop3A_215 = tpu.vector_load %arg13[%parallel_loop3A_213, %parallel_loop3A_214] {strides = array<i32>} : memref<40x128xf32, #tpu.memory_space<vmem>>, vector<1x16xf32>,
          %parallel_loop3A_216 = vector.shape_cast %parallel_loop3A_215 : vector<1x16xf32> to vector<16xf32>
          %parallel_loop3A_217 = arith.index_cast %parallel_loop3A_110 : i32 to index
          %parallel_loop3A_218 = arith.constant 96 : index
          %parallel_loop3A_219 = tpu.vector_load %arg12[%parallel_loop3A_217, %parallel_loop3A_218] {strides = array<i32>} : memref<40x128xf32, #tpu.memory_space<vmem>>, vector<1x16xf32>,
          %parallel_loop3A_220 = vector.shape_cast %parallel_loop3A_219 : vector<1x16xf32> to vector<16xf32>
          %parallel_loop3A_221 = arith.addf %parallel_loop3A_216, %parallel_loop3A_220 : vector<16xf32>
          %parallel_loop3A_222 = arith.constant 0.000000e+00 : f32
          %parallel_loop3A_223 = vector.broadcast %parallel_loop3A_222 : f32 to vector<16xf32>
          %parallel_loop3A_224 = arith.maximumf %parallel_loop3A_221, %parallel_loop3A_223 : vector<16xf32>
          %parallel_loop3A_225 = arith.index_cast %parallel_loop3A_110 : i32 to index
          %parallel_loop3A_226 = arith.constant 96 : index
          %parallel_loop3A_227 = tpu.vector_load %arg13[%parallel_loop3A_225, %parallel_loop3A_226] {strides = array<i32>} : memref<40x128xf32, #tpu.memory_space<vmem>>, vector<1x16xf32>,
          %parallel_loop3A_228 = vector.shape_cast %parallel_loop3A_227 : vector<1x16xf32> to vector<16xf32>
          %parallel_loop3A_229 = vector.shape_cast %parallel_loop3A_224 : vector<16xf32> to vector<1x16xf32>
          tpu.vector_store %arg13[%parallel_loop3A_225, %parallel_loop3A_226], %parallel_loop3A_229 {strides = array<i32>} : memref<40x128xf32, #tpu.memory_space<vmem>>, vector<1x16xf32>,
          %parallel_loop3A_230 = arith.index_cast %parallel_loop3A_110 : i32 to index
          %parallel_loop3A_231 = arith.constant 112 : index
          %parallel_loop3A_232 = tpu.vector_load %arg13[%parallel_loop3A_230, %parallel_loop3A_231] {strides = array<i32>} : memref<40x128xf32, #tpu.memory_space<vmem>>, vector<1x16xf32>,
          %parallel_loop3A_233 = vector.shape_cast %parallel_loop3A_232 : vector<1x16xf32> to vector<16xf32>
          %parallel_loop3A_234 = arith.index_cast %parallel_loop3A_110 : i32 to index
          %parallel_loop3A_235 = arith.constant 112 : index
          %parallel_loop3A_236 = tpu.vector_load %arg12[%parallel_loop3A_234, %parallel_loop3A_235] {strides = array<i32>} : memref<40x128xf32, #tpu.memory_space<vmem>>, vector<1x16xf32>,
          %parallel_loop3A_237 = vector.shape_cast %parallel_loop3A_236 : vector<1x16xf32> to vector<16xf32>
          %parallel_loop3A_238 = arith.addf %parallel_loop3A_233, %parallel_loop3A_237 : vector<16xf32>
          %parallel_loop3A_239 = arith.constant 0.000000e+00 : f32
          %parallel_loop3A_240 = vector.broadcast %parallel_loop3A_239 : f32 to vector<16xf32>
          %parallel_loop3A_241 = arith.maximumf %parallel_loop3A_238, %parallel_loop3A_240 : vector<16xf32>
          %parallel_loop3A_242 = arith.index_cast %parallel_loop3A_110 : i32 to index
          %parallel_loop3A_243 = arith.constant 112 : index
          %parallel_loop3A_244 = tpu.vector_load %arg13[%parallel_loop3A_242, %parallel_loop3A_243] {strides = array<i32>} : memref<40x128xf32, #tpu.memory_space<vmem>>, vector<1x16xf32>,
          %parallel_loop3A_245 = vector.shape_cast %parallel_loop3A_244 : vector<1x16xf32> to vector<16xf32>
          %parallel_loop3A_246 = vector.shape_cast %parallel_loop3A_241 : vector<16xf32> to vector<1x16xf32>
          tpu.vector_store %arg13[%parallel_loop3A_242, %parallel_loop3A_243], %parallel_loop3A_246 {strides = array<i32>} : memref<40x128xf32, #tpu.memory_space<vmem>>, vector<1x16xf32>,
        } {sc.loop_unroll_factor = 4 : i64, sc.parallel_access}
        "tpu.region"() ({
          %run_scoped3A = tpu.sem_alloc : memref<!tpu.dma_semaphore, #tpu.memory_space<semaphore_mem>>
          %dma_start3A_110 = arith.constant 0 : i32
          %dma_start3A_111 = tpu.memref_slice %arg9[%add3A_53, %dma_start3A_110] : memref<50x40xi32, #tpu.memory_space<vmem>> -> memref<1x40xi32, #tpu.memory_space<vmem>>
          %dma_start3A_112 = tpu.memref_squeeze %dma_start3A_111 : memref<1x40xi32, #tpu.memory_space<vmem>> -> memref<40xi32, #tpu.memory_space<vmem>>
          %dma_start3A_113 = arith.constant 0 : i32
          %dma_start3A_114 = arith.constant 0 : i32
          %dma_start3A_115 = tpu.memref_slice %arg14[%dma_start3A_113, %dma_start3A_114] : memref<10000x128xf32, #tpu.memory_space<vmem_shared>> -> memref<10000x128xf32, #tpu.memory_space<vmem_shared>>
          tpu.enqueue_indirect_dma source(%arg13 : memref<40x128xf32, #tpu.memory_space<vmem>>) target(%dma_start3A_115 : memref<10000x128xf32, #tpu.memory_space<vmem_shared>>) offsets(%dma_start3A_112 : memref<40xi32, #tpu.memory_space<vmem>>) semaphore(%run_scoped3A : memref<!tpu.dma_semaphore, #tpu.memory_space<semaphore_mem>>) {add = true}
          %dma_wait3A_116 = arith.constant 0 : i32
          %dma_wait3A_117 = tpu.memref_slice %arg9[%add3A_53, %dma_wait3A_116] : memref<50x40xi32, #tpu.memory_space<vmem>> -> memref<1x40xi32, #tpu.memory_space<vmem>>
          %dma_wait3A_118 = tpu.memref_squeeze %dma_wait3A_117 : memref<1x40xi32, #tpu.memory_space<vmem>> -> memref<40xi32, #tpu.memory_space<vmem>>
          %dma_wait3A_119 = arith.constant 0 : i32
          %dma_wait3A_120 = arith.constant 0 : i32
          %dma_wait3A_121 = tpu.memref_slice %arg14[%dma_wait3A_119, %dma_wait3A_120] : memref<10000x128xf32, #tpu.memory_space<vmem_shared>> -> memref<10000x128xf32, #tpu.memory_space<vmem_shared>>
          tpu.wait_indirect_dma semaphore(%run_scoped3A : memref<!tpu.dma_semaphore, #tpu.memory_space<semaphore_mem>>) src(%arg13 : memref<40x128xf32, #tpu.memory_space<vmem>>) dst(%dma_wait3A_121 : memref<10000x128xf32, #tpu.memory_space<vmem_shared>>)
          tpu.yield
        }) : () -> ()
      }
      %scan3A_48 = arith.constant 25 : i32
    }
    %scan3A_10 = arith.constant 5 : i32
    %barrier3A_11 = arith.constant 0 : index
    tpu.barrier barrier_id(%barrier3A_11)
    %lt3A_12 = arith.constant 15 : i32
    %lt3A_13 = arith.cmpi slt, %arg1, %lt3A_12 : i32
    %convert_element_type3A_14 = arith.extui %lt3A_13 : i1 to i32
    %cond3A_15 = arith.constant 0 : i32
    %cond3A_16 = arith.cmpi ne, %convert_element_type3A_14, %cond3A_15 : i32
    scf.if %cond3A_16 {
      %mul3A = arith.constant 632 : i32
      %mul3A_22 = arith.muli %arg1, %mul3A : i32
      %mul3A_23 = arith.constant 632 : i32
      %mul3A_24 = arith.muli %arg1, %mul3A_23 : i32
      "tpu.region"() ({
        %run_scoped3A = tpu.sem_alloc : memref<!tpu.dma_semaphore, #tpu.memory_space<semaphore_mem>>
        %dma_start3A = arith.constant 0 : i32
        %dma_start3A_25 = tpu.memref_slice %arg7[%arg0, %mul3A_24, %dma_start3A] : memref<2x10000x128xf32, #tpu.memory_space<hbm>> -> memref<1x632x128xf32, #tpu.memory_space<hbm>>
        %dma_start3A_26 = tpu.memref_squeeze %dma_start3A_25 : memref<1x632x128xf32, #tpu.memory_space<hbm>> -> memref<632x128xf32, #tpu.memory_space<hbm>>
        %dma_start3A_27 = arith.constant 0 : i32
        %dma_start3A_28 = tpu.memref_slice %arg14[%mul3A_22, %dma_start3A_27] : memref<10000x128xf32, #tpu.memory_space<vmem_shared>> -> memref<632x128xf32, #tpu.memory_space<vmem_shared>>
        tpu.enqueue_dma source(%dma_start3A_28 : memref<632x128xf32, #tpu.memory_space<vmem_shared>>) target(%dma_start3A_26 : memref<632x128xf32, #tpu.memory_space<hbm>>) target_semaphore(%run_scoped3A : memref<!tpu.dma_semaphore, #tpu.memory_space<semaphore_mem>>)
        %dma_wait3A = arith.constant 0 : i32
        %dma_wait3A_29 = tpu.memref_slice %arg7[%arg0, %mul3A_24, %dma_wait3A] : memref<2x10000x128xf32, #tpu.memory_space<hbm>> -> memref<1x632x128xf32, #tpu.memory_space<hbm>>
        %dma_wait3A_30 = tpu.memref_squeeze %dma_wait3A_29 : memref<1x632x128xf32, #tpu.memory_space<hbm>> -> memref<632x128xf32, #tpu.memory_space<hbm>>
        %dma_wait3A_31 = arith.constant 0 : i32
        %dma_wait3A_32 = tpu.memref_slice %arg14[%mul3A_22, %dma_wait3A_31] : memref<10000x128xf32, #tpu.memory_space<vmem_shared>> -> memref<632x128xf32, #tpu.memory_space<vmem_shared>>
        tpu.wait_dma2 semaphore(%run_scoped3A : memref<!tpu.dma_semaphore, #tpu.memory_space<semaphore_mem>>) src(%dma_wait3A_32 : memref<632x128xf32, #tpu.memory_space<vmem_shared>>) dst(%dma_wait3A_30 : memref<632x128xf32, #tpu.memory_space<hbm>>)
        tpu.yield
      }) : () -> ()
    } else {
    }
    %eq3A_17 = arith.constant 15 : i32
    %eq3A_18 = arith.cmpi eq, %arg1, %eq3A_17 : i32
    %convert_element_type3A_19 = arith.extui %eq3A_18 : i1 to i32
    %cond3A_20 = arith.constant 0 : i32
    %cond3A_21 = arith.cmpi ne, %convert_element_type3A_19, %cond3A_20 : i32
    scf.if %cond3A_21 {
      "tpu.region"() ({
        %run_scoped3A = tpu.sem_alloc : memref<!tpu.dma_semaphore, #tpu.memory_space<semaphore_mem>>
        %dma_start3A = arith.constant 9480 : i32
        %dma_start3A_22 = arith.constant 0 : i32
        %dma_start3A_23 = tpu.memref_slice %arg7[%arg0, %dma_start3A, %dma_start3A_22] : memref<2x10000x128xf32, #tpu.memory_space<hbm>> -> memref<1x520x128xf32, #tpu.memory_space<hbm>>
        %dma_start3A_24 = tpu.memref_squeeze %dma_start3A_23 : memref<1x520x128xf32, #tpu.memory_space<hbm>> -> memref<520x128xf32, #tpu.memory_space<hbm>>
        %dma_start3A_25 = arith.constant 9480 : i32
        %dma_start3A_26 = arith.constant 0 : i32
        %dma_start3A_27 = tpu.memref_slice %arg14[%dma_start3A_25, %dma_start3A_26] : memref<10000x128xf32, #tpu.memory_space<vmem_shared>> -> memref<520x128xf32, #tpu.memory_space<vmem_shared>>
        tpu.enqueue_dma source(%dma_start3A_27 : memref<520x128xf32, #tpu.memory_space<vmem_shared>>) target(%dma_start3A_24 : memref<520x128xf32, #tpu.memory_space<hbm>>) target_semaphore(%run_scoped3A : memref<!tpu.dma_semaphore, #tpu.memory_space<semaphore_mem>>)
        %dma_wait3A = arith.constant 9480 : i32
        %dma_wait3A_28 = arith.constant 0 : i32
        %dma_wait3A_29 = tpu.memref_slice %arg7[%arg0, %dma_wait3A, %dma_wait3A_28] : memref<2x10000x128xf32, #tpu.memory_space<hbm>> -> memref<1x520x128xf32, #tpu.memory_space<hbm>>
        %dma_wait3A_30 = tpu.memref_squeeze %dma_wait3A_29 : memref<1x520x128xf32, #tpu.memory_space<hbm>> -> memref<520x128xf32, #tpu.memory_space<hbm>>
        %dma_wait3A_31 = arith.constant 9480 : i32
        %dma_wait3A_32 = arith.constant 0 : i32
        %dma_wait3A_33 = tpu.memref_slice %arg14[%dma_wait3A_31, %dma_wait3A_32] : memref<10000x128xf32, #tpu.memory_space<vmem_shared>> -> memref<520x128xf32, #tpu.memory_space<vmem_shared>>
        tpu.wait_dma2 semaphore(%run_scoped3A : memref<!tpu.dma_semaphore, #tpu.memory_space<semaphore_mem>>) src(%dma_wait3A_33 : memref<520x128xf32, #tpu.memory_space<vmem_shared>>) dst(%dma_wait3A_30 : memref<520x128xf32, #tpu.memory_space<hbm>>)
        tpu.yield
      }) : () -> ()
    } else {
    }
    return
  }
}

#map = affine_map<(d0, d1) -> (0, 0)>
#map1 = affine_map<(d0, d1) -> (0, 0, 0)>
module attributes {stable_mosaic.version = 14 : i64} {
  func.func @_pool_body(%arg0: i32, %arg1: i32, %arg2: memref<20000x128xf32, #tpu.memory_space<hbm>>, %arg3: memref<10000x128xf32, #tpu.memory_space<hbm>>, %arg4: memref<128x80xi32, #tpu.memory_space<hbm>>, %arg5: memref<128x80xi32, #tpu.memory_space<hbm>>, %arg6: memref<32x100x50xi32, #tpu.memory_space<hbm>>, %arg7: memref<32x100x50xi32, #tpu.memory_space<hbm>>, %arg8: memref<32x100x50xi32, #tpu.memory_space<hbm>>, %arg9: memref<632x128xf32, #tpu.memory_space<hbm>>, %arg10: memref<2x2000x128xf32, #tpu.memory_space<hbm>>, %arg11: memref<2x32x128xf32, #tpu.memory_space<hbm>>, %arg12: memref<2x4000x128xf32, #tpu.memory_space<hbm>>, %arg13: memref<8x80xi32, #tpu.memory_space<vmem>>, %arg14: memref<8x80xi32, #tpu.memory_space<vmem>>, %arg15: memref<80x128xf32, #tpu.memory_space<vmem>>, %arg16: memref<100x50xi32, #tpu.memory_space<vmem>>, %arg17: memref<100x50xi32, #tpu.memory_space<vmem>>, %arg18: memref<100x50xi32, #tpu.memory_space<vmem>>, %arg19: memref<50x128xf32, #tpu.memory_space<vmem>>, %arg20: memref<50x128xf32, #tpu.memory_space<vmem>>, %arg21: memref<50x128xf32, #tpu.memory_space<vmem>>, %arg22: memref<50x128xf32, #tpu.memory_space<vmem>>, %arg23: memref<2000x128xf32, #tpu.memory_space<vmem_shared>>, %arg24: memref<32x128xf32, #tpu.memory_space<vmem_shared>>, %arg25: memref<4000x128xf32, #tpu.memory_space<vmem_shared>>, %arg26: memref<!tpu.dma_semaphore, #tpu.memory_space<semaphore_mem>>, %arg27: memref<!tpu.dma_semaphore, #tpu.memory_space<semaphore_mem>>, %arg28: memref<!tpu.dma_semaphore, #tpu.memory_space<semaphore_mem>>, %arg29: memref<!tpu.dma_semaphore, #tpu.memory_space<semaphore_mem>>) attributes {dimension_semantics = [#tpu.dimension_semantics<core_parallel>, #tpu.dimension_semantics<subcore_parallel>], iteration_bounds = array<i64: 2, 16>, scalar_prefetch = 0 : i64, scratch_operands = 17 : i64, tpu.core_type = #tpu.core_type<sc_vector_subcore>, window_params = [{transform_indices = #map}, {transform_indices = #map}, {transform_indices = #map}, {transform_indices = #map}, {transform_indices = #map1}, {transform_indices = #map1}, {transform_indices = #map1}, {transform_indices = #map}, {transform_indices = #map1}, {transform_indices = #map1}, {transform_indices = #map1}]} {
    %mul3A = arith.constant 16 : i32
    %mul3A_0 = arith.muli %arg0, %mul3A : i32
    %add3A = arith.addi %mul3A_0, %arg1 : i32
    %lt3A = arith.constant 15 : i32
    %lt3A_1 = arith.cmpi slt, %arg1, %lt3A : i32
    %convert_element_type3A = arith.extui %lt3A_1 : i1 to i32
    %cond3A = arith.constant 0 : i32
    %cond3A_2 = arith.cmpi ne, %convert_element_type3A, %cond3A : i32
    scf.if %cond3A_2 {
      %mul3A_56 = arith.constant 128 : i32
      %mul3A_57 = arith.muli %arg1, %mul3A_56 : i32
      "tpu.region"() ({
        %run_scoped3A = tpu.sem_alloc : memref<!tpu.dma_semaphore, #tpu.memory_space<semaphore_mem>>
        %dma_start3A_60 = arith.constant 0 : i32
        %dma_start3A_61 = tpu.memref_slice %arg23[%mul3A_57, %dma_start3A_60] : memref<2000x128xf32, #tpu.memory_space<vmem_shared>> -> memref<128x128xf32, #tpu.memory_space<vmem_shared>>
        %dma_start3A_62 = arith.constant 0 : i32
        %dma_start3A_63 = arith.constant 0 : i32
        %dma_start3A_64 = tpu.memref_slice %arg9[%dma_start3A_62, %dma_start3A_63] : memref<632x128xf32, #tpu.memory_space<hbm>> -> memref<128x128xf32, #tpu.memory_space<hbm>>
        tpu.enqueue_dma source(%dma_start3A_64 : memref<128x128xf32, #tpu.memory_space<hbm>>) target(%dma_start3A_61 : memref<128x128xf32, #tpu.memory_space<vmem_shared>>) target_semaphore(%run_scoped3A : memref<!tpu.dma_semaphore, #tpu.memory_space<semaphore_mem>>)
        %dma_wait3A = arith.constant 0 : i32
        %dma_wait3A_65 = tpu.memref_slice %arg23[%mul3A_57, %dma_wait3A] : memref<2000x128xf32, #tpu.memory_space<vmem_shared>> -> memref<128x128xf32, #tpu.memory_space<vmem_shared>>
        %dma_wait3A_66 = arith.constant 0 : i32
        %dma_wait3A_67 = arith.constant 0 : i32
        %dma_wait3A_68 = tpu.memref_slice %arg9[%dma_wait3A_66, %dma_wait3A_67] : memref<632x128xf32, #tpu.memory_space<hbm>> -> memref<128x128xf32, #tpu.memory_space<hbm>>
        tpu.wait_dma2 semaphore(%run_scoped3A : memref<!tpu.dma_semaphore, #tpu.memory_space<semaphore_mem>>) src(%dma_wait3A_68 : memref<128x128xf32, #tpu.memory_space<hbm>>) dst(%dma_wait3A_65 : memref<128x128xf32, #tpu.memory_space<vmem_shared>>)
        tpu.yield
      }) : () -> ()
      %mul3A_58 = arith.constant 256 : i32
      %mul3A_59 = arith.muli %arg1, %mul3A_58 : i32
      "tpu.region"() ({
        %run_scoped3A = tpu.sem_alloc : memref<!tpu.dma_semaphore, #tpu.memory_space<semaphore_mem>>
        %dma_start3A_60 = arith.constant 0 : i32
        %dma_start3A_61 = tpu.memref_slice %arg25[%mul3A_59, %dma_start3A_60] : memref<4000x128xf32, #tpu.memory_space<vmem_shared>> -> memref<256x128xf32, #tpu.memory_space<vmem_shared>>
        %dma_start3A_62 = arith.constant 0 : i32
        %dma_start3A_63 = arith.constant 0 : i32
        %dma_start3A_64 = tpu.memref_slice %arg9[%dma_start3A_62, %dma_start3A_63] : memref<632x128xf32, #tpu.memory_space<hbm>> -> memref<256x128xf32, #tpu.memory_space<hbm>>
        tpu.enqueue_dma source(%dma_start3A_64 : memref<256x128xf32, #tpu.memory_space<hbm>>) target(%dma_start3A_61 : memref<256x128xf32, #tpu.memory_space<vmem_shared>>) target_semaphore(%run_scoped3A : memref<!tpu.dma_semaphore, #tpu.memory_space<semaphore_mem>>)
        %dma_wait3A = arith.constant 0 : i32
        %dma_wait3A_65 = tpu.memref_slice %arg25[%mul3A_59, %dma_wait3A] : memref<4000x128xf32, #tpu.memory_space<vmem_shared>> -> memref<256x128xf32, #tpu.memory_space<vmem_shared>>
        %dma_wait3A_66 = arith.constant 0 : i32
        %dma_wait3A_67 = arith.constant 0 : i32
        %dma_wait3A_68 = tpu.memref_slice %arg9[%dma_wait3A_66, %dma_wait3A_67] : memref<632x128xf32, #tpu.memory_space<hbm>> -> memref<256x128xf32, #tpu.memory_space<hbm>>
        tpu.wait_dma2 semaphore(%run_scoped3A : memref<!tpu.dma_semaphore, #tpu.memory_space<semaphore_mem>>) src(%dma_wait3A_68 : memref<256x128xf32, #tpu.memory_space<hbm>>) dst(%dma_wait3A_65 : memref<256x128xf32, #tpu.memory_space<vmem_shared>>)
        tpu.yield
      }) : () -> ()
    } else {
    }
    %eq3A = arith.constant 15 : i32
    %eq3A_3 = arith.cmpi eq, %arg1, %eq3A : i32
    %convert_element_type3A_4 = arith.extui %eq3A_3 : i1 to i32
    %cond3A_5 = arith.constant 0 : i32
    %cond3A_6 = arith.cmpi ne, %convert_element_type3A_4, %cond3A_5 : i32
    scf.if %cond3A_6 {
      "tpu.region"() ({
        %run_scoped3A = tpu.sem_alloc : memref<!tpu.dma_semaphore, #tpu.memory_space<semaphore_mem>>
        %dma_start3A_56 = arith.constant 1920 : i32
        %dma_start3A_57 = arith.constant 0 : i32
        %dma_start3A_58 = tpu.memref_slice %arg23[%dma_start3A_56, %dma_start3A_57] : memref<2000x128xf32, #tpu.memory_space<vmem_shared>> -> memref<80x128xf32, #tpu.memory_space<vmem_shared>>
        %dma_start3A_59 = arith.constant 0 : i32
        %dma_start3A_60 = arith.constant 0 : i32
        %dma_start3A_61 = tpu.memref_slice %arg9[%dma_start3A_59, %dma_start3A_60] : memref<632x128xf32, #tpu.memory_space<hbm>> -> memref<80x128xf32, #tpu.memory_space<hbm>>
        tpu.enqueue_dma source(%dma_start3A_61 : memref<80x128xf32, #tpu.memory_space<hbm>>) target(%dma_start3A_58 : memref<80x128xf32, #tpu.memory_space<vmem_shared>>) target_semaphore(%run_scoped3A : memref<!tpu.dma_semaphore, #tpu.memory_space<semaphore_mem>>)
        %dma_wait3A = arith.constant 1920 : i32
        %dma_wait3A_62 = arith.constant 0 : i32
        %dma_wait3A_63 = tpu.memref_slice %arg23[%dma_wait3A, %dma_wait3A_62] : memref<2000x128xf32, #tpu.memory_space<vmem_shared>> -> memref<80x128xf32, #tpu.memory_space<vmem_shared>>
        %dma_wait3A_64 = arith.constant 0 : i32
        %dma_wait3A_65 = arith.constant 0 : i32
        %dma_wait3A_66 = tpu.memref_slice %arg9[%dma_wait3A_64, %dma_wait3A_65] : memref<632x128xf32, #tpu.memory_space<hbm>> -> memref<80x128xf32, #tpu.memory_space<hbm>>
        tpu.wait_dma2 semaphore(%run_scoped3A : memref<!tpu.dma_semaphore, #tpu.memory_space<semaphore_mem>>) src(%dma_wait3A_66 : memref<80x128xf32, #tpu.memory_space<hbm>>) dst(%dma_wait3A_63 : memref<80x128xf32, #tpu.memory_space<vmem_shared>>)
        tpu.yield
      }) : () -> ()
      "tpu.region"() ({
        %run_scoped3A = tpu.sem_alloc : memref<!tpu.dma_semaphore, #tpu.memory_space<semaphore_mem>>
        %dma_start3A_56 = arith.constant 3840 : i32
        %dma_start3A_57 = arith.constant 0 : i32
        %dma_start3A_58 = tpu.memref_slice %arg25[%dma_start3A_56, %dma_start3A_57] : memref<4000x128xf32, #tpu.memory_space<vmem_shared>> -> memref<160x128xf32, #tpu.memory_space<vmem_shared>>
        %dma_start3A_59 = arith.constant 0 : i32
        %dma_start3A_60 = arith.constant 0 : i32
        %dma_start3A_61 = tpu.memref_slice %arg9[%dma_start3A_59, %dma_start3A_60] : memref<632x128xf32, #tpu.memory_space<hbm>> -> memref<160x128xf32, #tpu.memory_space<hbm>>
        tpu.enqueue_dma source(%dma_start3A_61 : memref<160x128xf32, #tpu.memory_space<hbm>>) target(%dma_start3A_58 : memref<160x128xf32, #tpu.memory_space<vmem_shared>>) target_semaphore(%run_scoped3A : memref<!tpu.dma_semaphore, #tpu.memory_space<semaphore_mem>>)
        %dma_wait3A = arith.constant 3840 : i32
        %dma_wait3A_62 = arith.constant 0 : i32
        %dma_wait3A_63 = tpu.memref_slice %arg25[%dma_wait3A, %dma_wait3A_62] : memref<4000x128xf32, #tpu.memory_space<vmem_shared>> -> memref<160x128xf32, #tpu.memory_space<vmem_shared>>
        %dma_wait3A_64 = arith.constant 0 : i32
        %dma_wait3A_65 = arith.constant 0 : i32
        %dma_wait3A_66 = tpu.memref_slice %arg9[%dma_wait3A_64, %dma_wait3A_65] : memref<632x128xf32, #tpu.memory_space<hbm>> -> memref<160x128xf32, #tpu.memory_space<hbm>>
        tpu.wait_dma2 semaphore(%run_scoped3A : memref<!tpu.dma_semaphore, #tpu.memory_space<semaphore_mem>>) src(%dma_wait3A_66 : memref<160x128xf32, #tpu.memory_space<hbm>>) dst(%dma_wait3A_63 : memref<160x128xf32, #tpu.memory_space<vmem_shared>>)
        tpu.yield
      }) : () -> ()
    } else {
    }
    %eq3A_7 = arith.constant 0 : i32
    %eq3A_8 = arith.cmpi eq, %arg1, %eq3A_7 : i32
    %convert_element_type3A_9 = arith.extui %eq3A_8 : i1 to i32
    %cond3A_10 = arith.constant 0 : i32
    %cond3A_11 = arith.cmpi ne, %convert_element_type3A_9, %cond3A_10 : i32
    scf.if %cond3A_11 {
      "tpu.region"() ({
        %run_scoped3A = tpu.sem_alloc : memref<!tpu.dma_semaphore, #tpu.memory_space<semaphore_mem>>
        %dma_start3A_56 = arith.constant 0 : i32
        %dma_start3A_57 = arith.constant 0 : i32
        %dma_start3A_58 = tpu.memref_slice %arg9[%dma_start3A_56, %dma_start3A_57] : memref<632x128xf32, #tpu.memory_space<hbm>> -> memref<32x128xf32, #tpu.memory_space<hbm>>
        tpu.enqueue_dma source(%dma_start3A_58 : memref<32x128xf32, #tpu.memory_space<hbm>>) target(%arg24 : memref<32x128xf32, #tpu.memory_space<vmem_shared>>) target_semaphore(%run_scoped3A : memref<!tpu.dma_semaphore, #tpu.memory_space<semaphore_mem>>)
        %dma_wait3A = arith.constant 0 : i32
        %dma_wait3A_59 = arith.constant 0 : i32
        %dma_wait3A_60 = tpu.memref_slice %arg9[%dma_wait3A, %dma_wait3A_59] : memref<632x128xf32, #tpu.memory_space<hbm>> -> memref<32x128xf32, #tpu.memory_space<hbm>>
        tpu.wait_dma2 semaphore(%run_scoped3A : memref<!tpu.dma_semaphore, #tpu.memory_space<semaphore_mem>>) src(%dma_wait3A_60 : memref<32x128xf32, #tpu.memory_space<hbm>>) dst(%arg24 : memref<32x128xf32, #tpu.memory_space<vmem_shared>>)
        tpu.yield
      }) : () -> ()
    } else {
    }
    %mul3A_12 = arith.constant 8 : i32
    %mul3A_13 = arith.muli %arg1, %mul3A_12 : i32
    "tpu.region"() ({
      %run_scoped3A = tpu.sem_alloc : memref<!tpu.dma_semaphore, #tpu.memory_space<semaphore_mem>>
      %dma_start3A_56 = arith.constant 0 : i32
      %dma_start3A_57 = tpu.memref_slice %arg4[%mul3A_13, %dma_start3A_56] : memref<128x80xi32, #tpu.memory_space<hbm>> -> memref<8x80xi32, #tpu.memory_space<hbm>>
      %dma_start3A_58 = arith.constant 0 : i32
      %dma_start3A_59 = tpu.memref_slice %arg4[%mul3A_13, %dma_start3A_58] : memref<128x80xi32, #tpu.memory_space<hbm>> -> memref<8x80xi32, #tpu.memory_space<hbm>>
      tpu.enqueue_dma source(%dma_start3A_59 : memref<8x80xi32, #tpu.memory_space<hbm>>) target(%arg13 : memref<8x80xi32, #tpu.memory_space<vmem>>) target_semaphore(%run_scoped3A : memref<!tpu.dma_semaphore, #tpu.memory_space<semaphore_mem>>)
      %dma_wait3A = arith.constant 0 : i32
      %dma_wait3A_60 = tpu.memref_slice %arg4[%mul3A_13, %dma_wait3A] : memref<128x80xi32, #tpu.memory_space<hbm>> -> memref<8x80xi32, #tpu.memory_space<hbm>>
      %dma_wait3A_61 = arith.constant 0 : i32
      %dma_wait3A_62 = tpu.memref_slice %arg4[%mul3A_13, %dma_wait3A_61] : memref<128x80xi32, #tpu.memory_space<hbm>> -> memref<8x80xi32, #tpu.memory_space<hbm>>
      tpu.wait_dma2 semaphore(%run_scoped3A : memref<!tpu.dma_semaphore, #tpu.memory_space<semaphore_mem>>) src(%dma_wait3A_62 : memref<8x80xi32, #tpu.memory_space<hbm>>) dst(%arg13 : memref<8x80xi32, #tpu.memory_space<vmem>>)
      tpu.yield
    }) : () -> ()
    %mul3A_14 = arith.constant 8 : i32
    %mul3A_15 = arith.muli %arg1, %mul3A_14 : i32
    "tpu.region"() ({
      %run_scoped3A = tpu.sem_alloc : memref<!tpu.dma_semaphore, #tpu.memory_space<semaphore_mem>>
      %dma_start3A_56 = arith.constant 0 : i32
      %dma_start3A_57 = tpu.memref_slice %arg5[%mul3A_15, %dma_start3A_56] : memref<128x80xi32, #tpu.memory_space<hbm>> -> memref<8x80xi32, #tpu.memory_space<hbm>>
      %dma_start3A_58 = arith.constant 0 : i32
      %dma_start3A_59 = tpu.memref_slice %arg5[%mul3A_15, %dma_start3A_58] : memref<128x80xi32, #tpu.memory_space<hbm>> -> memref<8x80xi32, #tpu.memory_space<hbm>>
      tpu.enqueue_dma source(%dma_start3A_59 : memref<8x80xi32, #tpu.memory_space<hbm>>) target(%arg14 : memref<8x80xi32, #tpu.memory_space<vmem>>) target_semaphore(%run_scoped3A : memref<!tpu.dma_semaphore, #tpu.memory_space<semaphore_mem>>)
      %dma_wait3A = arith.constant 0 : i32
      %dma_wait3A_60 = tpu.memref_slice %arg5[%mul3A_15, %dma_wait3A] : memref<128x80xi32, #tpu.memory_space<hbm>> -> memref<8x80xi32, #tpu.memory_space<hbm>>
      %dma_wait3A_61 = arith.constant 0 : i32
      %dma_wait3A_62 = tpu.memref_slice %arg5[%mul3A_15, %dma_wait3A_61] : memref<128x80xi32, #tpu.memory_space<hbm>> -> memref<8x80xi32, #tpu.memory_space<hbm>>
      tpu.wait_dma2 semaphore(%run_scoped3A : memref<!tpu.dma_semaphore, #tpu.memory_space<semaphore_mem>>) src(%dma_wait3A_62 : memref<8x80xi32, #tpu.memory_space<hbm>>) dst(%arg14 : memref<8x80xi32, #tpu.memory_space<vmem>>)
      tpu.yield
    }) : () -> ()
    "tpu.region"() ({
      %run_scoped3A = tpu.sem_alloc : memref<!tpu.dma_semaphore, #tpu.memory_space<semaphore_mem>>
      %dma_start3A_56 = arith.constant 0 : i32
      %dma_start3A_57 = arith.constant 0 : i32
      %dma_start3A_58 = tpu.memref_slice %arg6[%add3A, %dma_start3A_56, %dma_start3A_57] : memref<32x100x50xi32, #tpu.memory_space<hbm>> -> memref<1x100x50xi32, #tpu.memory_space<hbm>>
      %dma_start3A_59 = tpu.memref_squeeze %dma_start3A_58 : memref<1x100x50xi32, #tpu.memory_space<hbm>> -> memref<100x50xi32, #tpu.memory_space<hbm>>
      %dma_start3A_60 = arith.constant 0 : i32
      %dma_start3A_61 = arith.constant 0 : i32
      %dma_start3A_62 = tpu.memref_slice %arg6[%add3A, %dma_start3A_60, %dma_start3A_61] : memref<32x100x50xi32, #tpu.memory_space<hbm>> -> memref<1x100x50xi32, #tpu.memory_space<hbm>>
      %dma_start3A_63 = tpu.memref_squeeze %dma_start3A_62 : memref<1x100x50xi32, #tpu.memory_space<hbm>> -> memref<100x50xi32, #tpu.memory_space<hbm>>
      tpu.enqueue_dma source(%dma_start3A_63 : memref<100x50xi32, #tpu.memory_space<hbm>>) target(%arg16 : memref<100x50xi32, #tpu.memory_space<vmem>>) target_semaphore(%run_scoped3A : memref<!tpu.dma_semaphore, #tpu.memory_space<semaphore_mem>>)
      %dma_wait3A = arith.constant 0 : i32
      %dma_wait3A_64 = arith.constant 0 : i32
      %dma_wait3A_65 = tpu.memref_slice %arg6[%add3A, %dma_wait3A, %dma_wait3A_64] : memref<32x100x50xi32, #tpu.memory_space<hbm>> -> memref<1x100x50xi32, #tpu.memory_space<hbm>>
      %dma_wait3A_66 = tpu.memref_squeeze %dma_wait3A_65 : memref<1x100x50xi32, #tpu.memory_space<hbm>> -> memref<100x50xi32, #tpu.memory_space<hbm>>
      %dma_wait3A_67 = arith.constant 0 : i32
      %dma_wait3A_68 = arith.constant 0 : i32
      %dma_wait3A_69 = tpu.memref_slice %arg6[%add3A, %dma_wait3A_67, %dma_wait3A_68] : memref<32x100x50xi32, #tpu.memory_space<hbm>> -> memref<1x100x50xi32, #tpu.memory_space<hbm>>
      %dma_wait3A_70 = tpu.memref_squeeze %dma_wait3A_69 : memref<1x100x50xi32, #tpu.memory_space<hbm>> -> memref<100x50xi32, #tpu.memory_space<hbm>>
      tpu.wait_dma2 semaphore(%run_scoped3A : memref<!tpu.dma_semaphore, #tpu.memory_space<semaphore_mem>>) src(%dma_wait3A_70 : memref<100x50xi32, #tpu.memory_space<hbm>>) dst(%arg16 : memref<100x50xi32, #tpu.memory_space<vmem>>)
      tpu.yield
    }) : () -> ()
    "tpu.region"() ({
      %run_scoped3A = tpu.sem_alloc : memref<!tpu.dma_semaphore, #tpu.memory_space<semaphore_mem>>
      %dma_start3A_56 = arith.constant 0 : i32
      %dma_start3A_57 = arith.constant 0 : i32
      %dma_start3A_58 = tpu.memref_slice %arg7[%add3A, %dma_start3A_56, %dma_start3A_57] : memref<32x100x50xi32, #tpu.memory_space<hbm>> -> memref<1x100x50xi32, #tpu.memory_space<hbm>>
      %dma_start3A_59 = tpu.memref_squeeze %dma_start3A_58 : memref<1x100x50xi32, #tpu.memory_space<hbm>> -> memref<100x50xi32, #tpu.memory_space<hbm>>
      %dma_start3A_60 = arith.constant 0 : i32
      %dma_start3A_61 = arith.constant 0 : i32
      %dma_start3A_62 = tpu.memref_slice %arg7[%add3A, %dma_start3A_60, %dma_start3A_61] : memref<32x100x50xi32, #tpu.memory_space<hbm>> -> memref<1x100x50xi32, #tpu.memory_space<hbm>>
      %dma_start3A_63 = tpu.memref_squeeze %dma_start3A_62 : memref<1x100x50xi32, #tpu.memory_space<hbm>> -> memref<100x50xi32, #tpu.memory_space<hbm>>
      tpu.enqueue_dma source(%dma_start3A_63 : memref<100x50xi32, #tpu.memory_space<hbm>>) target(%arg17 : memref<100x50xi32, #tpu.memory_space<vmem>>) target_semaphore(%run_scoped3A : memref<!tpu.dma_semaphore, #tpu.memory_space<semaphore_mem>>)
      %dma_wait3A = arith.constant 0 : i32
      %dma_wait3A_64 = arith.constant 0 : i32
      %dma_wait3A_65 = tpu.memref_slice %arg7[%add3A, %dma_wait3A, %dma_wait3A_64] : memref<32x100x50xi32, #tpu.memory_space<hbm>> -> memref<1x100x50xi32, #tpu.memory_space<hbm>>
      %dma_wait3A_66 = tpu.memref_squeeze %dma_wait3A_65 : memref<1x100x50xi32, #tpu.memory_space<hbm>> -> memref<100x50xi32, #tpu.memory_space<hbm>>
      %dma_wait3A_67 = arith.constant 0 : i32
      %dma_wait3A_68 = arith.constant 0 : i32
      %dma_wait3A_69 = tpu.memref_slice %arg7[%add3A, %dma_wait3A_67, %dma_wait3A_68] : memref<32x100x50xi32, #tpu.memory_space<hbm>> -> memref<1x100x50xi32, #tpu.memory_space<hbm>>
      %dma_wait3A_70 = tpu.memref_squeeze %dma_wait3A_69 : memref<1x100x50xi32, #tpu.memory_space<hbm>> -> memref<100x50xi32, #tpu.memory_space<hbm>>
      tpu.wait_dma2 semaphore(%run_scoped3A : memref<!tpu.dma_semaphore, #tpu.memory_space<semaphore_mem>>) src(%dma_wait3A_70 : memref<100x50xi32, #tpu.memory_space<hbm>>) dst(%arg17 : memref<100x50xi32, #tpu.memory_space<vmem>>)
      tpu.yield
    }) : () -> ()
    "tpu.region"() ({
      %run_scoped3A = tpu.sem_alloc : memref<!tpu.dma_semaphore, #tpu.memory_space<semaphore_mem>>
      %dma_start3A_56 = arith.constant 0 : i32
      %dma_start3A_57 = arith.constant 0 : i32
      %dma_start3A_58 = tpu.memref_slice %arg8[%add3A, %dma_start3A_56, %dma_start3A_57] : memref<32x100x50xi32, #tpu.memory_space<hbm>> -> memref<1x100x50xi32, #tpu.memory_space<hbm>>
      %dma_start3A_59 = tpu.memref_squeeze %dma_start3A_58 : memref<1x100x50xi32, #tpu.memory_space<hbm>> -> memref<100x50xi32, #tpu.memory_space<hbm>>
      %dma_start3A_60 = arith.constant 0 : i32
      %dma_start3A_61 = arith.constant 0 : i32
      %dma_start3A_62 = tpu.memref_slice %arg8[%add3A, %dma_start3A_60, %dma_start3A_61] : memref<32x100x50xi32, #tpu.memory_space<hbm>> -> memref<1x100x50xi32, #tpu.memory_space<hbm>>
      %dma_start3A_63 = tpu.memref_squeeze %dma_start3A_62 : memref<1x100x50xi32, #tpu.memory_space<hbm>> -> memref<100x50xi32, #tpu.memory_space<hbm>>
      tpu.enqueue_dma source(%dma_start3A_63 : memref<100x50xi32, #tpu.memory_space<hbm>>) target(%arg18 : memref<100x50xi32, #tpu.memory_space<vmem>>) target_semaphore(%run_scoped3A : memref<!tpu.dma_semaphore, #tpu.memory_space<semaphore_mem>>)
      %dma_wait3A = arith.constant 0 : i32
      %dma_wait3A_64 = arith.constant 0 : i32
      %dma_wait3A_65 = tpu.memref_slice %arg8[%add3A, %dma_wait3A, %dma_wait3A_64] : memref<32x100x50xi32, #tpu.memory_space<hbm>> -> memref<1x100x50xi32, #tpu.memory_space<hbm>>
      %dma_wait3A_66 = tpu.memref_squeeze %dma_wait3A_65 : memref<1x100x50xi32, #tpu.memory_space<hbm>> -> memref<100x50xi32, #tpu.memory_space<hbm>>
      %dma_wait3A_67 = arith.constant 0 : i32
      %dma_wait3A_68 = arith.constant 0 : i32
      %dma_wait3A_69 = tpu.memref_slice %arg8[%add3A, %dma_wait3A_67, %dma_wait3A_68] : memref<32x100x50xi32, #tpu.memory_space<hbm>> -> memref<1x100x50xi32, #tpu.memory_space<hbm>>
      %dma_wait3A_70 = tpu.memref_squeeze %dma_wait3A_69 : memref<1x100x50xi32, #tpu.memory_space<hbm>> -> memref<100x50xi32, #tpu.memory_space<hbm>>
      tpu.wait_dma2 semaphore(%run_scoped3A : memref<!tpu.dma_semaphore, #tpu.memory_space<semaphore_mem>>) src(%dma_wait3A_70 : memref<100x50xi32, #tpu.memory_space<hbm>>) dst(%arg18 : memref<100x50xi32, #tpu.memory_space<vmem>>)
      tpu.yield
    }) : () -> ()
    %barrier3A = arith.constant 0 : index
    tpu.barrier barrier_id(%barrier3A)
    %scan3A = arith.constant 0 : i32
    %scan3A_16 = arith.constant 0 : i32
    %scan3A_17 = arith.constant 8 : i32
    %scan3A_18 = arith.addi %scan3A_16, %scan3A_17 : i32
    %scan3A_19 = arith.constant 1 : i32
    scf.for %scan3A_56 = %scan3A_16 to %scan3A_18 step %scan3A_19  : i32 {
      %mul3A_57 = arith.constant 8 : i32
      %mul3A_58 = arith.muli %arg1, %mul3A_57 : i32
      %add3A_59 = arith.addi %mul3A_58, %scan3A_56 : i32
      %lt3A_60 = arith.constant 125 : i32
      %lt3A_61 = arith.cmpi slt, %add3A_59, %lt3A_60 : i32
      %convert_element_type3A_62 = arith.extui %lt3A_61 : i1 to i32
      %cond3A_63 = arith.constant 0 : i32
      %cond3A_64 = arith.cmpi ne, %convert_element_type3A_62, %cond3A_63 : i32
      scf.if %cond3A_64 {
        %mul3A_65 = arith.constant 10000 : i32
        %mul3A_66 = arith.muli %arg0, %mul3A_65 : i32
        %mul3A_67 = arith.constant 80 : i32
        %mul3A_68 = arith.muli %add3A_59, %mul3A_67 : i32
        %add3A_69 = arith.addi %mul3A_66, %mul3A_68 : i32
        "tpu.region"() ({
          %run_scoped3A = tpu.sem_alloc : memref<!tpu.dma_semaphore, #tpu.memory_space<semaphore_mem>>
          %dma_start3A_70 = arith.constant 0 : i32
          %dma_start3A_71 = tpu.memref_slice %arg2[%add3A_69, %dma_start3A_70] : memref<20000x128xf32, #tpu.memory_space<hbm>> -> memref<80x128xf32, #tpu.memory_space<hbm>>
          %dma_start3A_72 = arith.constant 0 : i32
          %dma_start3A_73 = tpu.memref_slice %arg2[%add3A_69, %dma_start3A_72] : memref<20000x128xf32, #tpu.memory_space<hbm>> -> memref<80x128xf32, #tpu.memory_space<hbm>>
          tpu.enqueue_dma source(%dma_start3A_73 : memref<80x128xf32, #tpu.memory_space<hbm>>) target(%arg15 : memref<80x128xf32, #tpu.memory_space<vmem>>) target_semaphore(%run_scoped3A : memref<!tpu.dma_semaphore, #tpu.memory_space<semaphore_mem>>)
          %dma_wait3A = arith.constant 0 : i32
          %dma_wait3A_74 = tpu.memref_slice %arg2[%add3A_69, %dma_wait3A] : memref<20000x128xf32, #tpu.memory_space<hbm>> -> memref<80x128xf32, #tpu.memory_space<hbm>>
          %dma_wait3A_75 = arith.constant 0 : i32
          %dma_wait3A_76 = tpu.memref_slice %arg2[%add3A_69, %dma_wait3A_75] : memref<20000x128xf32, #tpu.memory_space<hbm>> -> memref<80x128xf32, #tpu.memory_space<hbm>>
          tpu.wait_dma2 semaphore(%run_scoped3A : memref<!tpu.dma_semaphore, #tpu.memory_space<semaphore_mem>>) src(%dma_wait3A_76 : memref<80x128xf32, #tpu.memory_space<hbm>>) dst(%arg15 : memref<80x128xf32, #tpu.memory_space<vmem>>)
          tpu.yield
        }) : () -> ()
        "tpu.region"() ({
          %run_scoped3A = tpu.sem_alloc : memref<!tpu.dma_semaphore, #tpu.memory_space<semaphore_mem>>
          %dma_start3A_70 = arith.constant 0 : i32
          %dma_start3A_71 = tpu.memref_slice %arg13[%scan3A_56, %dma_start3A_70] : memref<8x80xi32, #tpu.memory_space<vmem>> -> memref<1x80xi32, #tpu.memory_space<vmem>>
          %dma_start3A_72 = tpu.memref_squeeze %dma_start3A_71 : memref<1x80xi32, #tpu.memory_space<vmem>> -> memref<80xi32, #tpu.memory_space<vmem>>
          %dma_start3A_73 = arith.constant 0 : i32
          %dma_start3A_74 = arith.constant 0 : i32
          %dma_start3A_75 = tpu.memref_slice %arg23[%dma_start3A_73, %dma_start3A_74] : memref<2000x128xf32, #tpu.memory_space<vmem_shared>> -> memref<2000x128xf32, #tpu.memory_space<vmem_shared>>
          tpu.enqueue_indirect_dma source(%arg15 : memref<80x128xf32, #tpu.memory_space<vmem>>) target(%dma_start3A_75 : memref<2000x128xf32, #tpu.memory_space<vmem_shared>>) offsets(%dma_start3A_72 : memref<80xi32, #tpu.memory_space<vmem>>) semaphore(%run_scoped3A : memref<!tpu.dma_semaphore, #tpu.memory_space<semaphore_mem>>) {add = true}
          %dma_wait3A = arith.constant 0 : i32
          %dma_wait3A_76 = tpu.memref_slice %arg13[%scan3A_56, %dma_wait3A] : memref<8x80xi32, #tpu.memory_space<vmem>> -> memref<1x80xi32, #tpu.memory_space<vmem>>
          %dma_wait3A_77 = tpu.memref_squeeze %dma_wait3A_76 : memref<1x80xi32, #tpu.memory_space<vmem>> -> memref<80xi32, #tpu.memory_space<vmem>>
          %dma_wait3A_78 = arith.constant 0 : i32
          %dma_wait3A_79 = arith.constant 0 : i32
          %dma_wait3A_80 = tpu.memref_slice %arg23[%dma_wait3A_78, %dma_wait3A_79] : memref<2000x128xf32, #tpu.memory_space<vmem_shared>> -> memref<2000x128xf32, #tpu.memory_space<vmem_shared>>
          tpu.wait_indirect_dma semaphore(%run_scoped3A : memref<!tpu.dma_semaphore, #tpu.memory_space<semaphore_mem>>) src(%arg15 : memref<80x128xf32, #tpu.memory_space<vmem>>) dst(%dma_wait3A_80 : memref<2000x128xf32, #tpu.memory_space<vmem_shared>>)
          tpu.yield
        }) : () -> ()
        "tpu.region"() ({
          %run_scoped3A = tpu.sem_alloc : memref<!tpu.dma_semaphore, #tpu.memory_space<semaphore_mem>>
          %dma_start3A_70 = arith.constant 0 : i32
          %dma_start3A_71 = tpu.memref_slice %arg14[%scan3A_56, %dma_start3A_70] : memref<8x80xi32, #tpu.memory_space<vmem>> -> memref<1x80xi32, #tpu.memory_space<vmem>>
          %dma_start3A_72 = tpu.memref_squeeze %dma_start3A_71 : memref<1x80xi32, #tpu.memory_space<vmem>> -> memref<80xi32, #tpu.memory_space<vmem>>
          %dma_start3A_73 = arith.constant 0 : i32
          %dma_start3A_74 = arith.constant 0 : i32
          %dma_start3A_75 = tpu.memref_slice %arg24[%dma_start3A_73, %dma_start3A_74] : memref<32x128xf32, #tpu.memory_space<vmem_shared>> -> memref<32x128xf32, #tpu.memory_space<vmem_shared>>
          tpu.enqueue_indirect_dma source(%arg15 : memref<80x128xf32, #tpu.memory_space<vmem>>) target(%dma_start3A_75 : memref<32x128xf32, #tpu.memory_space<vmem_shared>>) offsets(%dma_start3A_72 : memref<80xi32, #tpu.memory_space<vmem>>) semaphore(%run_scoped3A : memref<!tpu.dma_semaphore, #tpu.memory_space<semaphore_mem>>) {add = true}
          %dma_wait3A = arith.constant 0 : i32
          %dma_wait3A_76 = tpu.memref_slice %arg14[%scan3A_56, %dma_wait3A] : memref<8x80xi32, #tpu.memory_space<vmem>> -> memref<1x80xi32, #tpu.memory_space<vmem>>
          %dma_wait3A_77 = tpu.memref_squeeze %dma_wait3A_76 : memref<1x80xi32, #tpu.memory_space<vmem>> -> memref<80xi32, #tpu.memory_space<vmem>>
          %dma_wait3A_78 = arith.constant 0 : i32
          %dma_wait3A_79 = arith.constant 0 : i32
          %dma_wait3A_80 = tpu.memref_slice %arg24[%dma_wait3A_78, %dma_wait3A_79] : memref<32x128xf32, #tpu.memory_space<vmem_shared>> -> memref<32x128xf32, #tpu.memory_space<vmem_shared>>
          tpu.wait_indirect_dma semaphore(%run_scoped3A : memref<!tpu.dma_semaphore, #tpu.memory_space<semaphore_mem>>) src(%arg15 : memref<80x128xf32, #tpu.memory_space<vmem>>) dst(%dma_wait3A_80 : memref<32x128xf32, #tpu.memory_space<vmem_shared>>)
          tpu.yield
        }) : () -> ()
      } else {
      }
    }
    %scan3A_20 = arith.constant 8 : i32
    %dma_start3A = arith.constant 0 : i32
    %dma_start3A_21 = arith.constant 0 : i32
    %dma_start3A_22 = tpu.memref_slice %arg16[%dma_start3A, %dma_start3A_21] : memref<100x50xi32, #tpu.memory_space<vmem>> -> memref<1x50xi32, #tpu.memory_space<vmem>>
    %dma_start3A_23 = tpu.memref_squeeze %dma_start3A_22 : memref<1x50xi32, #tpu.memory_space<vmem>> -> memref<50xi32, #tpu.memory_space<vmem>>
    %dma_start3A_24 = arith.constant 0 : i32
    %dma_start3A_25 = arith.constant 0 : i32
    %dma_start3A_26 = tpu.memref_slice %arg3[%dma_start3A_24, %dma_start3A_25] : memref<10000x128xf32, #tpu.memory_space<hbm>> -> memref<10000x128xf32, #tpu.memory_space<hbm>>
    tpu.enqueue_indirect_dma source(%dma_start3A_26 : memref<10000x128xf32, #tpu.memory_space<hbm>>) target(%arg19 : memref<50x128xf32, #tpu.memory_space<vmem>>) offsets(%dma_start3A_23 : memref<50xi32, #tpu.memory_space<vmem>>) semaphore(%arg26 : memref<!tpu.dma_semaphore, #tpu.memory_space<semaphore_mem>>)
    %dma_start3A_27 = arith.constant 0 : i32
    %dma_start3A_28 = arith.constant 0 : i32
    %dma_start3A_29 = tpu.memref_slice %arg17[%dma_start3A_27, %dma_start3A_28] : memref<100x50xi32, #tpu.memory_space<vmem>> -> memref<1x50xi32, #tpu.memory_space<vmem>>
    %dma_start3A_30 = tpu.memref_squeeze %dma_start3A_29 : memref<1x50xi32, #tpu.memory_space<vmem>> -> memref<50xi32, #tpu.memory_space<vmem>>
    %dma_start3A_31 = arith.constant 0 : i32
    %dma_start3A_32 = arith.constant 0 : i32
    %dma_start3A_33 = tpu.memref_slice %arg3[%dma_start3A_31, %dma_start3A_32] : memref<10000x128xf32, #tpu.memory_space<hbm>> -> memref<10000x128xf32, #tpu.memory_space<hbm>>
    tpu.enqueue_indirect_dma source(%dma_start3A_33 : memref<10000x128xf32, #tpu.memory_space<hbm>>) target(%arg20 : memref<50x128xf32, #tpu.memory_space<vmem>>) offsets(%dma_start3A_30 : memref<50xi32, #tpu.memory_space<vmem>>) semaphore(%arg27 : memref<!tpu.dma_semaphore, #tpu.memory_space<semaphore_mem>>)
    %scan3A_34 = arith.constant 0 : i32
    %scan3A_35 = arith.constant 0 : i32
    %scan3A_36 = arith.constant 50 : i32
    %scan3A_37 = arith.addi %scan3A_35, %scan3A_36 : i32
    %scan3A_38 = arith.constant 1 : i32
    scf.for %scan3A_56 = %scan3A_35 to %scan3A_37 step %scan3A_38  : i32 {
      %mul3A_57 = arith.constant 2 : i32
      %mul3A_58 = arith.muli %mul3A_57, %scan3A_56 : i32
      %add3A_59 = arith.constant 1 : i32
      %add3A_60 = arith.addi %mul3A_58, %add3A_59 : i32
      %dma_start3A_61 = arith.constant 0 : i32
      %dma_start3A_62 = tpu.memref_slice %arg16[%add3A_60, %dma_start3A_61] : memref<100x50xi32, #tpu.memory_space<vmem>> -> memref<1x50xi32, #tpu.memory_space<vmem>>
      %dma_start3A_63 = tpu.memref_squeeze %dma_start3A_62 : memref<1x50xi32, #tpu.memory_space<vmem>> -> memref<50xi32, #tpu.memory_space<vmem>>
      %dma_start3A_64 = arith.constant 0 : i32
      %dma_start3A_65 = arith.constant 0 : i32
      %dma_start3A_66 = tpu.memref_slice %arg3[%dma_start3A_64, %dma_start3A_65] : memref<10000x128xf32, #tpu.memory_space<hbm>> -> memref<10000x128xf32, #tpu.memory_space<hbm>>
      tpu.enqueue_indirect_dma source(%dma_start3A_66 : memref<10000x128xf32, #tpu.memory_space<hbm>>) target(%arg21 : memref<50x128xf32, #tpu.memory_space<vmem>>) offsets(%dma_start3A_63 : memref<50xi32, #tpu.memory_space<vmem>>) semaphore(%arg28 : memref<!tpu.dma_semaphore, #tpu.memory_space<semaphore_mem>>)
      %dma_start3A_67 = arith.constant 0 : i32
      %dma_start3A_68 = tpu.memref_slice %arg17[%add3A_60, %dma_start3A_67] : memref<100x50xi32, #tpu.memory_space<vmem>> -> memref<1x50xi32, #tpu.memory_space<vmem>>
      %dma_start3A_69 = tpu.memref_squeeze %dma_start3A_68 : memref<1x50xi32, #tpu.memory_space<vmem>> -> memref<50xi32, #tpu.memory_space<vmem>>
      %dma_start3A_70 = arith.constant 0 : i32
      %dma_start3A_71 = arith.constant 0 : i32
      %dma_start3A_72 = tpu.memref_slice %arg3[%dma_start3A_70, %dma_start3A_71] : memref<10000x128xf32, #tpu.memory_space<hbm>> -> memref<10000x128xf32, #tpu.memory_space<hbm>>
      tpu.enqueue_indirect_dma source(%dma_start3A_72 : memref<10000x128xf32, #tpu.memory_space<hbm>>) target(%arg22 : memref<50x128xf32, #tpu.memory_space<vmem>>) offsets(%dma_start3A_69 : memref<50xi32, #tpu.memory_space<vmem>>) semaphore(%arg29 : memref<!tpu.dma_semaphore, #tpu.memory_space<semaphore_mem>>)
      %dma_wait3A = arith.constant 0 : i32
      %dma_wait3A_73 = tpu.memref_slice %arg16[%mul3A_58, %dma_wait3A] : memref<100x50xi32, #tpu.memory_space<vmem>> -> memref<1x50xi32, #tpu.memory_space<vmem>>
      %dma_wait3A_74 = tpu.memref_squeeze %dma_wait3A_73 : memref<1x50xi32, #tpu.memory_space<vmem>> -> memref<50xi32, #tpu.memory_space<vmem>>
      %dma_wait3A_75 = arith.constant 0 : i32
      %dma_wait3A_76 = arith.constant 0 : i32
      %dma_wait3A_77 = tpu.memref_slice %arg3[%dma_wait3A_75, %dma_wait3A_76] : memref<10000x128xf32, #tpu.memory_space<hbm>> -> memref<10000x128xf32, #tpu.memory_space<hbm>>
      tpu.wait_indirect_dma semaphore(%arg26 : memref<!tpu.dma_semaphore, #tpu.memory_space<semaphore_mem>>) src(%dma_wait3A_77 : memref<10000x128xf32, #tpu.memory_space<hbm>>) dst(%arg19 : memref<50x128xf32, #tpu.memory_space<vmem>>)
      %dma_wait3A_78 = arith.constant 0 : i32
      %dma_wait3A_79 = tpu.memref_slice %arg17[%mul3A_58, %dma_wait3A_78] : memref<100x50xi32, #tpu.memory_space<vmem>> -> memref<1x50xi32, #tpu.memory_space<vmem>>
      %dma_wait3A_80 = tpu.memref_squeeze %dma_wait3A_79 : memref<1x50xi32, #tpu.memory_space<vmem>> -> memref<50xi32, #tpu.memory_space<vmem>>
      %dma_wait3A_81 = arith.constant 0 : i32
      %dma_wait3A_82 = arith.constant 0 : i32
      %dma_wait3A_83 = tpu.memref_slice %arg3[%dma_wait3A_81, %dma_wait3A_82] : memref<10000x128xf32, #tpu.memory_space<hbm>> -> memref<10000x128xf32, #tpu.memory_space<hbm>>
      tpu.wait_indirect_dma semaphore(%arg27 : memref<!tpu.dma_semaphore, #tpu.memory_space<semaphore_mem>>) src(%dma_wait3A_83 : memref<10000x128xf32, #tpu.memory_space<hbm>>) dst(%arg20 : memref<50x128xf32, #tpu.memory_space<vmem>>)
      %parallel_loop3A = arith.constant 0 : i32
      %parallel_loop3A_84 = arith.constant 50 : i32
      %parallel_loop3A_85 = arith.constant 1 : i32
      scf.for %parallel_loop3A_108 = %parallel_loop3A to %parallel_loop3A_84 step %parallel_loop3A_85  : i32 {
        %parallel_loop3A_109 = arith.index_cast %parallel_loop3A_108 : i32 to index
        %parallel_loop3A_110 = arith.constant 0 : index
        %parallel_loop3A_111 = tpu.vector_load %arg19[%parallel_loop3A_109, %parallel_loop3A_110] {strides = array<i32>} : memref<50x128xf32, #tpu.memory_space<vmem>>, vector<1x16xf32>,
        %parallel_loop3A_112 = vector.shape_cast %parallel_loop3A_111 : vector<1x16xf32> to vector<16xf32>
        %parallel_loop3A_113 = arith.index_cast %parallel_loop3A_108 : i32 to index
        %parallel_loop3A_114 = arith.constant 32 : index
        %parallel_loop3A_115 = tpu.vector_load %arg20[%parallel_loop3A_113, %parallel_loop3A_114] {strides = array<i32>} : memref<50x128xf32, #tpu.memory_space<vmem>>, vector<1x16xf32>,
        %parallel_loop3A_116 = vector.shape_cast %parallel_loop3A_115 : vector<1x16xf32> to vector<16xf32>
        %parallel_loop3A_117 = arith.addf %parallel_loop3A_112, %parallel_loop3A_116 : vector<16xf32>
        %parallel_loop3A_118 = arith.index_cast %parallel_loop3A_108 : i32 to index
        %parallel_loop3A_119 = arith.constant 0 : index
        %parallel_loop3A_120 = tpu.vector_load %arg19[%parallel_loop3A_118, %parallel_loop3A_119] {strides = array<i32>} : memref<50x128xf32, #tpu.memory_space<vmem>>, vector<1x16xf32>,
        %parallel_loop3A_121 = vector.shape_cast %parallel_loop3A_120 : vector<1x16xf32> to vector<16xf32>
        %parallel_loop3A_122 = vector.shape_cast %parallel_loop3A_117 : vector<16xf32> to vector<1x16xf32>
        tpu.vector_store %arg19[%parallel_loop3A_118, %parallel_loop3A_119], %parallel_loop3A_122 {strides = array<i32>} : memref<50x128xf32, #tpu.memory_space<vmem>>, vector<1x16xf32>,
        %parallel_loop3A_123 = arith.index_cast %parallel_loop3A_108 : i32 to index
        %parallel_loop3A_124 = arith.constant 16 : index
        %parallel_loop3A_125 = tpu.vector_load %arg19[%parallel_loop3A_123, %parallel_loop3A_124] {strides = array<i32>} : memref<50x128xf32, #tpu.memory_space<vmem>>, vector<1x16xf32>,
        %parallel_loop3A_126 = vector.shape_cast %parallel_loop3A_125 : vector<1x16xf32> to vector<16xf32>
        %parallel_loop3A_127 = arith.index_cast %parallel_loop3A_108 : i32 to index
        %parallel_loop3A_128 = arith.constant 48 : index
        %parallel_loop3A_129 = tpu.vector_load %arg20[%parallel_loop3A_127, %parallel_loop3A_128] {strides = array<i32>} : memref<50x128xf32, #tpu.memory_space<vmem>>, vector<1x16xf32>,
        %parallel_loop3A_130 = vector.shape_cast %parallel_loop3A_129 : vector<1x16xf32> to vector<16xf32>
        %parallel_loop3A_131 = arith.addf %parallel_loop3A_126, %parallel_loop3A_130 : vector<16xf32>
        %parallel_loop3A_132 = arith.index_cast %parallel_loop3A_108 : i32 to index
        %parallel_loop3A_133 = arith.constant 16 : index
        %parallel_loop3A_134 = tpu.vector_load %arg19[%parallel_loop3A_132, %parallel_loop3A_133] {strides = array<i32>} : memref<50x128xf32, #tpu.memory_space<vmem>>, vector<1x16xf32>,
        %parallel_loop3A_135 = vector.shape_cast %parallel_loop3A_134 : vector<1x16xf32> to vector<16xf32>
        %parallel_loop3A_136 = vector.shape_cast %parallel_loop3A_131 : vector<16xf32> to vector<1x16xf32>
        tpu.vector_store %arg19[%parallel_loop3A_132, %parallel_loop3A_133], %parallel_loop3A_136 {strides = array<i32>} : memref<50x128xf32, #tpu.memory_space<vmem>>, vector<1x16xf32>,
      } {sc.loop_unroll_factor = 2 : i64, sc.parallel_access}
      "tpu.region"() ({
        %run_scoped3A = tpu.sem_alloc : memref<!tpu.dma_semaphore, #tpu.memory_space<semaphore_mem>>
        %dma_start3A_108 = arith.constant 0 : i32
        %dma_start3A_109 = tpu.memref_slice %arg18[%mul3A_58, %dma_start3A_108] : memref<100x50xi32, #tpu.memory_space<vmem>> -> memref<1x50xi32, #tpu.memory_space<vmem>>
        %dma_start3A_110 = tpu.memref_squeeze %dma_start3A_109 : memref<1x50xi32, #tpu.memory_space<vmem>> -> memref<50xi32, #tpu.memory_space<vmem>>
        %dma_start3A_111 = arith.constant 0 : i32
        %dma_start3A_112 = arith.constant 0 : i32
        %dma_start3A_113 = tpu.memref_slice %arg25[%dma_start3A_111, %dma_start3A_112] : memref<4000x128xf32, #tpu.memory_space<vmem_shared>> -> memref<4000x128xf32, #tpu.memory_space<vmem_shared>>
        tpu.enqueue_indirect_dma source(%arg19 : memref<50x128xf32, #tpu.memory_space<vmem>>) target(%dma_start3A_113 : memref<4000x128xf32, #tpu.memory_space<vmem_shared>>) offsets(%dma_start3A_110 : memref<50xi32, #tpu.memory_space<vmem>>) semaphore(%run_scoped3A : memref<!tpu.dma_semaphore, #tpu.memory_space<semaphore_mem>>) {add = true}
        %dma_wait3A_114 = arith.constant 0 : i32
        %dma_wait3A_115 = tpu.memref_slice %arg18[%mul3A_58, %dma_wait3A_114] : memref<100x50xi32, #tpu.memory_space<vmem>> -> memref<1x50xi32, #tpu.memory_space<vmem>>
        %dma_wait3A_116 = tpu.memref_squeeze %dma_wait3A_115 : memref<1x50xi32, #tpu.memory_space<vmem>> -> memref<50xi32, #tpu.memory_space<vmem>>
        %dma_wait3A_117 = arith.constant 0 : i32
        %dma_wait3A_118 = arith.constant 0 : i32
        %dma_wait3A_119 = tpu.memref_slice %arg25[%dma_wait3A_117, %dma_wait3A_118] : memref<4000x128xf32, #tpu.memory_space<vmem_shared>> -> memref<4000x128xf32, #tpu.memory_space<vmem_shared>>
        tpu.wait_indirect_dma semaphore(%run_scoped3A : memref<!tpu.dma_semaphore, #tpu.memory_space<semaphore_mem>>) src(%arg19 : memref<50x128xf32, #tpu.memory_space<vmem>>) dst(%dma_wait3A_119 : memref<4000x128xf32, #tpu.memory_space<vmem_shared>>)
        tpu.yield
      }) : () -> ()
      %add3A_86 = arith.constant 1 : i32
      %add3A_87 = arith.addi %scan3A_56, %add3A_86 : i32
      %lt3A_88 = arith.constant 50 : i32
      %lt3A_89 = arith.cmpi slt, %add3A_87, %lt3A_88 : i32
      %convert_element_type3A_90 = arith.extui %lt3A_89 : i1 to i32
      %cond3A_91 = arith.constant 0 : i32
      %cond3A_92 = arith.cmpi ne, %convert_element_type3A_90, %cond3A_91 : i32
      scf.if %cond3A_92 {
        %add3A_108 = arith.constant 2 : i32
        %add3A_109 = arith.addi %mul3A_58, %add3A_108 : i32
        %dma_start3A_110 = arith.constant 0 : i32
        %dma_start3A_111 = tpu.memref_slice %arg16[%add3A_109, %dma_start3A_110] : memref<100x50xi32, #tpu.memory_space<vmem>> -> memref<1x50xi32, #tpu.memory_space<vmem>>
        %dma_start3A_112 = tpu.memref_squeeze %dma_start3A_111 : memref<1x50xi32, #tpu.memory_space<vmem>> -> memref<50xi32, #tpu.memory_space<vmem>>
        %dma_start3A_113 = arith.constant 0 : i32
        %dma_start3A_114 = arith.constant 0 : i32
        %dma_start3A_115 = tpu.memref_slice %arg3[%dma_start3A_113, %dma_start3A_114] : memref<10000x128xf32, #tpu.memory_space<hbm>> -> memref<10000x128xf32, #tpu.memory_space<hbm>>
        tpu.enqueue_indirect_dma source(%dma_start3A_115 : memref<10000x128xf32, #tpu.memory_space<hbm>>) target(%arg19 : memref<50x128xf32, #tpu.memory_space<vmem>>) offsets(%dma_start3A_112 : memref<50xi32, #tpu.memory_space<vmem>>) semaphore(%arg26 : memref<!tpu.dma_semaphore, #tpu.memory_space<semaphore_mem>>)
        %dma_start3A_116 = arith.constant 0 : i32
        %dma_start3A_117 = tpu.memref_slice %arg17[%add3A_109, %dma_start3A_116] : memref<100x50xi32, #tpu.memory_space<vmem>> -> memref<1x50xi32, #tpu.memory_space<vmem>>
        %dma_start3A_118 = tpu.memref_squeeze %dma_start3A_117 : memref<1x50xi32, #tpu.memory_space<vmem>> -> memref<50xi32, #tpu.memory_space<vmem>>
        %dma_start3A_119 = arith.constant 0 : i32
        %dma_start3A_120 = arith.constant 0 : i32
        %dma_start3A_121 = tpu.memref_slice %arg3[%dma_start3A_119, %dma_start3A_120] : memref<10000x128xf32, #tpu.memory_space<hbm>> -> memref<10000x128xf32, #tpu.memory_space<hbm>>
        tpu.enqueue_indirect_dma source(%dma_start3A_121 : memref<10000x128xf32, #tpu.memory_space<hbm>>) target(%arg20 : memref<50x128xf32, #tpu.memory_space<vmem>>) offsets(%dma_start3A_118 : memref<50xi32, #tpu.memory_space<vmem>>) semaphore(%arg27 : memref<!tpu.dma_semaphore, #tpu.memory_space<semaphore_mem>>)
      } else {
      }
      %dma_wait3A_93 = arith.constant 0 : i32
      %dma_wait3A_94 = tpu.memref_slice %arg16[%add3A_60, %dma_wait3A_93] : memref<100x50xi32, #tpu.memory_space<vmem>> -> memref<1x50xi32, #tpu.memory_space<vmem>>
      %dma_wait3A_95 = tpu.memref_squeeze %dma_wait3A_94 : memref<1x50xi32, #tpu.memory_space<vmem>> -> memref<50xi32, #tpu.memory_space<vmem>>
      %dma_wait3A_96 = arith.constant 0 : i32
      %dma_wait3A_97 = arith.constant 0 : i32
      %dma_wait3A_98 = tpu.memref_slice %arg3[%dma_wait3A_96, %dma_wait3A_97] : memref<10000x128xf32, #tpu.memory_space<hbm>> -> memref<10000x128xf32, #tpu.memory_space<hbm>>
      tpu.wait_indirect_dma semaphore(%arg28 : memref<!tpu.dma_semaphore, #tpu.memory_space<semaphore_mem>>) src(%dma_wait3A_98 : memref<10000x128xf32, #tpu.memory_space<hbm>>) dst(%arg21 : memref<50x128xf32, #tpu.memory_space<vmem>>)
      %dma_wait3A_99 = arith.constant 0 : i32
      %dma_wait3A_100 = tpu.memref_slice %arg17[%add3A_60, %dma_wait3A_99] : memref<100x50xi32, #tpu.memory_space<vmem>> -> memref<1x50xi32, #tpu.memory_space<vmem>>
      %dma_wait3A_101 = tpu.memref_squeeze %dma_wait3A_100 : memref<1x50xi32, #tpu.memory_space<vmem>> -> memref<50xi32, #tpu.memory_space<vmem>>
      %dma_wait3A_102 = arith.constant 0 : i32
      %dma_wait3A_103 = arith.constant 0 : i32
      %dma_wait3A_104 = tpu.memref_slice %arg3[%dma_wait3A_102, %dma_wait3A_103] : memref<10000x128xf32, #tpu.memory_space<hbm>> -> memref<10000x128xf32, #tpu.memory_space<hbm>>
      tpu.wait_indirect_dma semaphore(%arg29 : memref<!tpu.dma_semaphore, #tpu.memory_space<semaphore_mem>>) src(%dma_wait3A_104 : memref<10000x128xf32, #tpu.memory_space<hbm>>) dst(%arg22 : memref<50x128xf32, #tpu.memory_space<vmem>>)
      %parallel_loop3A_105 = arith.constant 0 : i32
      %parallel_loop3A_106 = arith.constant 50 : i32
      %parallel_loop3A_107 = arith.constant 1 : i32
      scf.for %parallel_loop3A_108 = %parallel_loop3A_105 to %parallel_loop3A_106 step %parallel_loop3A_107  : i32 {
        %parallel_loop3A_109 = arith.index_cast %parallel_loop3A_108 : i32 to index
        %parallel_loop3A_110 = arith.constant 0 : index
        %parallel_loop3A_111 = tpu.vector_load %arg21[%parallel_loop3A_109, %parallel_loop3A_110] {strides = array<i32>} : memref<50x128xf32, #tpu.memory_space<vmem>>, vector<1x16xf32>,
        %parallel_loop3A_112 = vector.shape_cast %parallel_loop3A_111 : vector<1x16xf32> to vector<16xf32>
        %parallel_loop3A_113 = arith.index_cast %parallel_loop3A_108 : i32 to index
        %parallel_loop3A_114 = arith.constant 32 : index
        %parallel_loop3A_115 = tpu.vector_load %arg22[%parallel_loop3A_113, %parallel_loop3A_114] {strides = array<i32>} : memref<50x128xf32, #tpu.memory_space<vmem>>, vector<1x16xf32>,
        %parallel_loop3A_116 = vector.shape_cast %parallel_loop3A_115 : vector<1x16xf32> to vector<16xf32>
        %parallel_loop3A_117 = arith.addf %parallel_loop3A_112, %parallel_loop3A_116 : vector<16xf32>
        %parallel_loop3A_118 = arith.index_cast %parallel_loop3A_108 : i32 to index
        %parallel_loop3A_119 = arith.constant 0 : index
        %parallel_loop3A_120 = tpu.vector_load %arg21[%parallel_loop3A_118, %parallel_loop3A_119] {strides = array<i32>} : memref<50x128xf32, #tpu.memory_space<vmem>>, vector<1x16xf32>,
        %parallel_loop3A_121 = vector.shape_cast %parallel_loop3A_120 : vector<1x16xf32> to vector<16xf32>
        %parallel_loop3A_122 = vector.shape_cast %parallel_loop3A_117 : vector<16xf32> to vector<1x16xf32>
        tpu.vector_store %arg21[%parallel_loop3A_118, %parallel_loop3A_119], %parallel_loop3A_122 {strides = array<i32>} : memref<50x128xf32, #tpu.memory_space<vmem>>, vector<1x16xf32>,
        %parallel_loop3A_123 = arith.index_cast %parallel_loop3A_108 : i32 to index
        %parallel_loop3A_124 = arith.constant 16 : index
        %parallel_loop3A_125 = tpu.vector_load %arg21[%parallel_loop3A_123, %parallel_loop3A_124] {strides = array<i32>} : memref<50x128xf32, #tpu.memory_space<vmem>>, vector<1x16xf32>,
        %parallel_loop3A_126 = vector.shape_cast %parallel_loop3A_125 : vector<1x16xf32> to vector<16xf32>
        %parallel_loop3A_127 = arith.index_cast %parallel_loop3A_108 : i32 to index
        %parallel_loop3A_128 = arith.constant 48 : index
        %parallel_loop3A_129 = tpu.vector_load %arg22[%parallel_loop3A_127, %parallel_loop3A_128] {strides = array<i32>} : memref<50x128xf32, #tpu.memory_space<vmem>>, vector<1x16xf32>,
        %parallel_loop3A_130 = vector.shape_cast %parallel_loop3A_129 : vector<1x16xf32> to vector<16xf32>
        %parallel_loop3A_131 = arith.addf %parallel_loop3A_126, %parallel_loop3A_130 : vector<16xf32>
        %parallel_loop3A_132 = arith.index_cast %parallel_loop3A_108 : i32 to index
        %parallel_loop3A_133 = arith.constant 16 : index
        %parallel_loop3A_134 = tpu.vector_load %arg21[%parallel_loop3A_132, %parallel_loop3A_133] {strides = array<i32>} : memref<50x128xf32, #tpu.memory_space<vmem>>, vector<1x16xf32>,
        %parallel_loop3A_135 = vector.shape_cast %parallel_loop3A_134 : vector<1x16xf32> to vector<16xf32>
        %parallel_loop3A_136 = vector.shape_cast %parallel_loop3A_131 : vector<16xf32> to vector<1x16xf32>
        tpu.vector_store %arg21[%parallel_loop3A_132, %parallel_loop3A_133], %parallel_loop3A_136 {strides = array<i32>} : memref<50x128xf32, #tpu.memory_space<vmem>>, vector<1x16xf32>,
      } {sc.loop_unroll_factor = 2 : i64, sc.parallel_access}
      "tpu.region"() ({
        %run_scoped3A = tpu.sem_alloc : memref<!tpu.dma_semaphore, #tpu.memory_space<semaphore_mem>>
        %dma_start3A_108 = arith.constant 0 : i32
        %dma_start3A_109 = tpu.memref_slice %arg18[%add3A_60, %dma_start3A_108] : memref<100x50xi32, #tpu.memory_space<vmem>> -> memref<1x50xi32, #tpu.memory_space<vmem>>
        %dma_start3A_110 = tpu.memref_squeeze %dma_start3A_109 : memref<1x50xi32, #tpu.memory_space<vmem>> -> memref<50xi32, #tpu.memory_space<vmem>>
        %dma_start3A_111 = arith.constant 0 : i32
        %dma_start3A_112 = arith.constant 0 : i32
        %dma_start3A_113 = tpu.memref_slice %arg25[%dma_start3A_111, %dma_start3A_112] : memref<4000x128xf32, #tpu.memory_space<vmem_shared>> -> memref<4000x128xf32, #tpu.memory_space<vmem_shared>>
        tpu.enqueue_indirect_dma source(%arg21 : memref<50x128xf32, #tpu.memory_space<vmem>>) target(%dma_start3A_113 : memref<4000x128xf32, #tpu.memory_space<vmem_shared>>) offsets(%dma_start3A_110 : memref<50xi32, #tpu.memory_space<vmem>>) semaphore(%run_scoped3A : memref<!tpu.dma_semaphore, #tpu.memory_space<semaphore_mem>>) {add = true}
        %dma_wait3A_114 = arith.constant 0 : i32
        %dma_wait3A_115 = tpu.memref_slice %arg18[%add3A_60, %dma_wait3A_114] : memref<100x50xi32, #tpu.memory_space<vmem>> -> memref<1x50xi32, #tpu.memory_space<vmem>>
        %dma_wait3A_116 = tpu.memref_squeeze %dma_wait3A_115 : memref<1x50xi32, #tpu.memory_space<vmem>> -> memref<50xi32, #tpu.memory_space<vmem>>
        %dma_wait3A_117 = arith.constant 0 : i32
        %dma_wait3A_118 = arith.constant 0 : i32
        %dma_wait3A_119 = tpu.memref_slice %arg25[%dma_wait3A_117, %dma_wait3A_118] : memref<4000x128xf32, #tpu.memory_space<vmem_shared>> -> memref<4000x128xf32, #tpu.memory_space<vmem_shared>>
        tpu.wait_indirect_dma semaphore(%run_scoped3A : memref<!tpu.dma_semaphore, #tpu.memory_space<semaphore_mem>>) src(%arg21 : memref<50x128xf32, #tpu.memory_space<vmem>>) dst(%dma_wait3A_119 : memref<4000x128xf32, #tpu.memory_space<vmem_shared>>)
        tpu.yield
      }) : () -> ()
    }
    %scan3A_39 = arith.constant 50 : i32
    %barrier3A_40 = arith.constant 0 : index
    tpu.barrier barrier_id(%barrier3A_40)
    %lt3A_41 = arith.constant 15 : i32
    %lt3A_42 = arith.cmpi slt, %arg1, %lt3A_41 : i32
    %convert_element_type3A_43 = arith.extui %lt3A_42 : i1 to i32
    %cond3A_44 = arith.constant 0 : i32
    %cond3A_45 = arith.cmpi ne, %convert_element_type3A_43, %cond3A_44 : i32
    scf.if %cond3A_45 {
      %mul3A_56 = arith.constant 128 : i32
      %mul3A_57 = arith.muli %arg1, %mul3A_56 : i32
      %mul3A_58 = arith.constant 128 : i32
      %mul3A_59 = arith.muli %arg1, %mul3A_58 : i32
      "tpu.region"() ({
        %run_scoped3A = tpu.sem_alloc : memref<!tpu.dma_semaphore, #tpu.memory_space<semaphore_mem>>
        %dma_start3A_64 = arith.constant 0 : i32
        %dma_start3A_65 = tpu.memref_slice %arg10[%arg0, %mul3A_59, %dma_start3A_64] : memref<2x2000x128xf32, #tpu.memory_space<hbm>> -> memref<1x128x128xf32, #tpu.memory_space<hbm>>
        %dma_start3A_66 = tpu.memref_squeeze %dma_start3A_65 : memref<1x128x128xf32, #tpu.memory_space<hbm>> -> memref<128x128xf32, #tpu.memory_space<hbm>>
        %dma_start3A_67 = arith.constant 0 : i32
        %dma_start3A_68 = tpu.memref_slice %arg23[%mul3A_57, %dma_start3A_67] : memref<2000x128xf32, #tpu.memory_space<vmem_shared>> -> memref<128x128xf32, #tpu.memory_space<vmem_shared>>
        tpu.enqueue_dma source(%dma_start3A_68 : memref<128x128xf32, #tpu.memory_space<vmem_shared>>) target(%dma_start3A_66 : memref<128x128xf32, #tpu.memory_space<hbm>>) target_semaphore(%run_scoped3A : memref<!tpu.dma_semaphore, #tpu.memory_space<semaphore_mem>>)
        %dma_wait3A = arith.constant 0 : i32
        %dma_wait3A_69 = tpu.memref_slice %arg10[%arg0, %mul3A_59, %dma_wait3A] : memref<2x2000x128xf32, #tpu.memory_space<hbm>> -> memref<1x128x128xf32, #tpu.memory_space<hbm>>
        %dma_wait3A_70 = tpu.memref_squeeze %dma_wait3A_69 : memref<1x128x128xf32, #tpu.memory_space<hbm>> -> memref<128x128xf32, #tpu.memory_space<hbm>>
        %dma_wait3A_71 = arith.constant 0 : i32
        %dma_wait3A_72 = tpu.memref_slice %arg23[%mul3A_57, %dma_wait3A_71] : memref<2000x128xf32, #tpu.memory_space<vmem_shared>> -> memref<128x128xf32, #tpu.memory_space<vmem_shared>>
        tpu.wait_dma2 semaphore(%run_scoped3A : memref<!tpu.dma_semaphore, #tpu.memory_space<semaphore_mem>>) src(%dma_wait3A_72 : memref<128x128xf32, #tpu.memory_space<vmem_shared>>) dst(%dma_wait3A_70 : memref<128x128xf32, #tpu.memory_space<hbm>>)
        tpu.yield
      }) : () -> ()
      %mul3A_60 = arith.constant 256 : i32
      %mul3A_61 = arith.muli %arg1, %mul3A_60 : i32
      %mul3A_62 = arith.constant 256 : i32
      %mul3A_63 = arith.muli %arg1, %mul3A_62 : i32
      "tpu.region"() ({
        %run_scoped3A = tpu.sem_alloc : memref<!tpu.dma_semaphore, #tpu.memory_space<semaphore_mem>>
        %dma_start3A_64 = arith.constant 0 : i32
        %dma_start3A_65 = tpu.memref_slice %arg12[%arg0, %mul3A_63, %dma_start3A_64] : memref<2x4000x128xf32, #tpu.memory_space<hbm>> -> memref<1x256x128xf32, #tpu.memory_space<hbm>>
        %dma_start3A_66 = tpu.memref_squeeze %dma_start3A_65 : memref<1x256x128xf32, #tpu.memory_space<hbm>> -> memref<256x128xf32, #tpu.memory_space<hbm>>
        %dma_start3A_67 = arith.constant 0 : i32
        %dma_start3A_68 = tpu.memref_slice %arg25[%mul3A_61, %dma_start3A_67] : memref<4000x128xf32, #tpu.memory_space<vmem_shared>> -> memref<256x128xf32, #tpu.memory_space<vmem_shared>>
        tpu.enqueue_dma source(%dma_start3A_68 : memref<256x128xf32, #tpu.memory_space<vmem_shared>>) target(%dma_start3A_66 : memref<256x128xf32, #tpu.memory_space<hbm>>) target_semaphore(%run_scoped3A : memref<!tpu.dma_semaphore, #tpu.memory_space<semaphore_mem>>)
        %dma_wait3A = arith.constant 0 : i32
        %dma_wait3A_69 = tpu.memref_slice %arg12[%arg0, %mul3A_63, %dma_wait3A] : memref<2x4000x128xf32, #tpu.memory_space<hbm>> -> memref<1x256x128xf32, #tpu.memory_space<hbm>>
        %dma_wait3A_70 = tpu.memref_squeeze %dma_wait3A_69 : memref<1x256x128xf32, #tpu.memory_space<hbm>> -> memref<256x128xf32, #tpu.memory_space<hbm>>
        %dma_wait3A_71 = arith.constant 0 : i32
        %dma_wait3A_72 = tpu.memref_slice %arg25[%mul3A_61, %dma_wait3A_71] : memref<4000x128xf32, #tpu.memory_space<vmem_shared>> -> memref<256x128xf32, #tpu.memory_space<vmem_shared>>
        tpu.wait_dma2 semaphore(%run_scoped3A : memref<!tpu.dma_semaphore, #tpu.memory_space<semaphore_mem>>) src(%dma_wait3A_72 : memref<256x128xf32, #tpu.memory_space<vmem_shared>>) dst(%dma_wait3A_70 : memref<256x128xf32, #tpu.memory_space<hbm>>)
        tpu.yield
      }) : () -> ()
    } else {
    }
    %eq3A_46 = arith.constant 15 : i32
    %eq3A_47 = arith.cmpi eq, %arg1, %eq3A_46 : i32
    %convert_element_type3A_48 = arith.extui %eq3A_47 : i1 to i32
    %cond3A_49 = arith.constant 0 : i32
    %cond3A_50 = arith.cmpi ne, %convert_element_type3A_48, %cond3A_49 : i32
    scf.if %cond3A_50 {
      "tpu.region"() ({
        %run_scoped3A = tpu.sem_alloc : memref<!tpu.dma_semaphore, #tpu.memory_space<semaphore_mem>>
        %dma_start3A_56 = arith.constant 1920 : i32
        %dma_start3A_57 = arith.constant 0 : i32
        %dma_start3A_58 = tpu.memref_slice %arg10[%arg0, %dma_start3A_56, %dma_start3A_57] : memref<2x2000x128xf32, #tpu.memory_space<hbm>> -> memref<1x80x128xf32, #tpu.memory_space<hbm>>
        %dma_start3A_59 = tpu.memref_squeeze %dma_start3A_58 : memref<1x80x128xf32, #tpu.memory_space<hbm>> -> memref<80x128xf32, #tpu.memory_space<hbm>>
        %dma_start3A_60 = arith.constant 1920 : i32
        %dma_start3A_61 = arith.constant 0 : i32
        %dma_start3A_62 = tpu.memref_slice %arg23[%dma_start3A_60, %dma_start3A_61] : memref<2000x128xf32, #tpu.memory_space<vmem_shared>> -> memref<80x128xf32, #tpu.memory_space<vmem_shared>>
        tpu.enqueue_dma source(%dma_start3A_62 : memref<80x128xf32, #tpu.memory_space<vmem_shared>>) target(%dma_start3A_59 : memref<80x128xf32, #tpu.memory_space<hbm>>) target_semaphore(%run_scoped3A : memref<!tpu.dma_semaphore, #tpu.memory_space<semaphore_mem>>)
        %dma_wait3A = arith.constant 1920 : i32
        %dma_wait3A_63 = arith.constant 0 : i32
        %dma_wait3A_64 = tpu.memref_slice %arg10[%arg0, %dma_wait3A, %dma_wait3A_63] : memref<2x2000x128xf32, #tpu.memory_space<hbm>> -> memref<1x80x128xf32, #tpu.memory_space<hbm>>
        %dma_wait3A_65 = tpu.memref_squeeze %dma_wait3A_64 : memref<1x80x128xf32, #tpu.memory_space<hbm>> -> memref<80x128xf32, #tpu.memory_space<hbm>>
        %dma_wait3A_66 = arith.constant 1920 : i32
        %dma_wait3A_67 = arith.constant 0 : i32
        %dma_wait3A_68 = tpu.memref_slice %arg23[%dma_wait3A_66, %dma_wait3A_67] : memref<2000x128xf32, #tpu.memory_space<vmem_shared>> -> memref<80x128xf32, #tpu.memory_space<vmem_shared>>
        tpu.wait_dma2 semaphore(%run_scoped3A : memref<!tpu.dma_semaphore, #tpu.memory_space<semaphore_mem>>) src(%dma_wait3A_68 : memref<80x128xf32, #tpu.memory_space<vmem_shared>>) dst(%dma_wait3A_65 : memref<80x128xf32, #tpu.memory_space<hbm>>)
        tpu.yield
      }) : () -> ()
      "tpu.region"() ({
        %run_scoped3A = tpu.sem_alloc : memref<!tpu.dma_semaphore, #tpu.memory_space<semaphore_mem>>
        %dma_start3A_56 = arith.constant 3840 : i32
        %dma_start3A_57 = arith.constant 0 : i32
        %dma_start3A_58 = tpu.memref_slice %arg12[%arg0, %dma_start3A_56, %dma_start3A_57] : memref<2x4000x128xf32, #tpu.memory_space<hbm>> -> memref<1x160x128xf32, #tpu.memory_space<hbm>>
        %dma_start3A_59 = tpu.memref_squeeze %dma_start3A_58 : memref<1x160x128xf32, #tpu.memory_space<hbm>> -> memref<160x128xf32, #tpu.memory_space<hbm>>
        %dma_start3A_60 = arith.constant 3840 : i32
        %dma_start3A_61 = arith.constant 0 : i32
        %dma_start3A_62 = tpu.memref_slice %arg25[%dma_start3A_60, %dma_start3A_61] : memref<4000x128xf32, #tpu.memory_space<vmem_shared>> -> memref<160x128xf32, #tpu.memory_space<vmem_shared>>
        tpu.enqueue_dma source(%dma_start3A_62 : memref<160x128xf32, #tpu.memory_space<vmem_shared>>) target(%dma_start3A_59 : memref<160x128xf32, #tpu.memory_space<hbm>>) target_semaphore(%run_scoped3A : memref<!tpu.dma_semaphore, #tpu.memory_space<semaphore_mem>>)
        %dma_wait3A = arith.constant 3840 : i32
        %dma_wait3A_63 = arith.constant 0 : i32
        %dma_wait3A_64 = tpu.memref_slice %arg12[%arg0, %dma_wait3A, %dma_wait3A_63] : memref<2x4000x128xf32, #tpu.memory_space<hbm>> -> memref<1x160x128xf32, #tpu.memory_space<hbm>>
        %dma_wait3A_65 = tpu.memref_squeeze %dma_wait3A_64 : memref<1x160x128xf32, #tpu.memory_space<hbm>> -> memref<160x128xf32, #tpu.memory_space<hbm>>
        %dma_wait3A_66 = arith.constant 3840 : i32
        %dma_wait3A_67 = arith.constant 0 : i32
        %dma_wait3A_68 = tpu.memref_slice %arg25[%dma_wait3A_66, %dma_wait3A_67] : memref<4000x128xf32, #tpu.memory_space<vmem_shared>> -> memref<160x128xf32, #tpu.memory_space<vmem_shared>>
        tpu.wait_dma2 semaphore(%run_scoped3A : memref<!tpu.dma_semaphore, #tpu.memory_space<semaphore_mem>>) src(%dma_wait3A_68 : memref<160x128xf32, #tpu.memory_space<vmem_shared>>) dst(%dma_wait3A_65 : memref<160x128xf32, #tpu.memory_space<hbm>>)
        tpu.yield
      }) : () -> ()
    } else {
    }
    %eq3A_51 = arith.constant 0 : i32
    %eq3A_52 = arith.cmpi eq, %arg1, %eq3A_51 : i32
    %convert_element_type3A_53 = arith.extui %eq3A_52 : i1 to i32
    %cond3A_54 = arith.constant 0 : i32
    %cond3A_55 = arith.cmpi ne, %convert_element_type3A_53, %cond3A_54 : i32
    scf.if %cond3A_55 {
      "tpu.region"() ({
        %run_scoped3A = tpu.sem_alloc : memref<!tpu.dma_semaphore, #tpu.memory_space<semaphore_mem>>
        %dma_start3A_56 = arith.constant 0 : i32
        %dma_start3A_57 = arith.constant 0 : i32
        %dma_start3A_58 = tpu.memref_slice %arg11[%arg0, %dma_start3A_56, %dma_start3A_57] : memref<2x32x128xf32, #tpu.memory_space<hbm>> -> memref<1x32x128xf32, #tpu.memory_space<hbm>>
        %dma_start3A_59 = tpu.memref_squeeze %dma_start3A_58 : memref<1x32x128xf32, #tpu.memory_space<hbm>> -> memref<32x128xf32, #tpu.memory_space<hbm>>
        tpu.enqueue_dma source(%arg24 : memref<32x128xf32, #tpu.memory_space<vmem_shared>>) target(%dma_start3A_59 : memref<32x128xf32, #tpu.memory_space<hbm>>) target_semaphore(%run_scoped3A : memref<!tpu.dma_semaphore, #tpu.memory_space<semaphore_mem>>)
        %dma_wait3A = arith.constant 0 : i32
        %dma_wait3A_60 = arith.constant 0 : i32
        %dma_wait3A_61 = tpu.memref_slice %arg11[%arg0, %dma_wait3A, %dma_wait3A_60] : memref<2x32x128xf32, #tpu.memory_space<hbm>> -> memref<1x32x128xf32, #tpu.memory_space<hbm>>
        %dma_wait3A_62 = tpu.memref_squeeze %dma_wait3A_61 : memref<1x32x128xf32, #tpu.memory_space<hbm>> -> memref<32x128xf32, #tpu.memory_space<hbm>>
        tpu.wait_dma2 semaphore(%run_scoped3A : memref<!tpu.dma_semaphore, #tpu.memory_space<semaphore_mem>>) src(%arg24 : memref<32x128xf32, #tpu.memory_space<vmem_shared>>) dst(%dma_wait3A_62 : memref<32x128xf32, #tpu.memory_space<hbm>>)
        tpu.yield
      }) : () -> ()
    } else {
    }
    return
  }
}

#map = affine_map<(d0, d1) -> (0, 0)>
#map1 = affine_map<(d0, d1) -> (0, 0, 0, 0, 0)>
#map2 = affine_map<(d0, d1) -> (0, 0, 0, 0)>
#map3 = affine_map<(d0, d1) -> (0, 0, 0)>
module attributes {stable_mosaic.version = 14 : i64} {
  func.func @_msg_body(%arg0: i32, %arg1: i32, %arg2: memref<20000x128xf32, #tpu.memory_space<hbm>>, %arg3: memref<320000x128xf32, #tpu.memory_space<hbm>>, %arg4: memref<2x16x5x50x40xi32, #tpu.memory_space<hbm>>, %arg5: memref<16x5x50x40xi32, #tpu.memory_space<hbm>>, %arg6: memref<632x128xf32, #tpu.memory_space<hbm>>, %arg7: memref<2x10000x128xf32, #tpu.memory_space<hbm>>, %arg8: memref<50x40xi32, #tpu.memory_space<vmem>>, %arg9: memref<50x40xi32, #tpu.memory_space<vmem>>, %arg10: memref<40x128xf32, #tpu.memory_space<vmem>>, %arg11: memref<40x128xf32, #tpu.memory_space<vmem>>, %arg12: memref<40x128xf32, #tpu.memory_space<vmem>>, %arg13: memref<40x128xf32, #tpu.memory_space<vmem>>, %arg14: memref<10000x128xf32, #tpu.memory_space<vmem_shared>>, %arg15: memref<!tpu.dma_semaphore, #tpu.memory_space<semaphore_mem>>, %arg16: memref<!tpu.dma_semaphore, #tpu.memory_space<semaphore_mem>>, %arg17: memref<!tpu.dma_semaphore, #tpu.memory_space<semaphore_mem>>, %arg18: memref<!tpu.dma_semaphore, #tpu.memory_space<semaphore_mem>>) attributes {dimension_semantics = [#tpu.dimension_semantics<core_parallel>, #tpu.dimension_semantics<subcore_parallel>], iteration_bounds = array<i64: 2, 16>, scalar_prefetch = 0 : i64, scratch_operands = 11 : i64, tpu.core_type = #tpu.core_type<sc_vector_subcore>, window_params = [{transform_indices = #map}, {transform_indices = #map}, {transform_indices = #map1}, {transform_indices = #map2}, {transform_indices = #map}, {transform_indices = #map3}]} {
    %lt3A = arith.constant 15 : i32
    %lt3A_0 = arith.cmpi slt, %arg1, %lt3A : i32
    %convert_element_type3A = arith.extui %lt3A_0 : i1 to i32
    %cond3A = arith.constant 0 : i32
    %cond3A_1 = arith.cmpi ne, %convert_element_type3A, %cond3A : i32
    scf.if %cond3A_1 {
      %mul3A = arith.constant 632 : i32
      %mul3A_22 = arith.muli %arg1, %mul3A : i32
      "tpu.region"() ({
        %run_scoped3A = tpu.sem_alloc : memref<!tpu.dma_semaphore, #tpu.memory_space<semaphore_mem>>
        %dma_start3A = arith.constant 0 : i32
        %dma_start3A_23 = tpu.memref_slice %arg14[%mul3A_22, %dma_start3A] : memref<10000x128xf32, #tpu.memory_space<vmem_shared>> -> memref<632x128xf32, #tpu.memory_space<vmem_shared>>
        %dma_start3A_24 = arith.constant 0 : i32
        %dma_start3A_25 = arith.constant 0 : i32
        %dma_start3A_26 = tpu.memref_slice %arg6[%dma_start3A_24, %dma_start3A_25] : memref<632x128xf32, #tpu.memory_space<hbm>> -> memref<632x128xf32, #tpu.memory_space<hbm>>
        tpu.enqueue_dma source(%dma_start3A_26 : memref<632x128xf32, #tpu.memory_space<hbm>>) target(%dma_start3A_23 : memref<632x128xf32, #tpu.memory_space<vmem_shared>>) target_semaphore(%run_scoped3A : memref<!tpu.dma_semaphore, #tpu.memory_space<semaphore_mem>>)
        %dma_wait3A = arith.constant 0 : i32
        %dma_wait3A_27 = tpu.memref_slice %arg14[%mul3A_22, %dma_wait3A] : memref<10000x128xf32, #tpu.memory_space<vmem_shared>> -> memref<632x128xf32, #tpu.memory_space<vmem_shared>>
        %dma_wait3A_28 = arith.constant 0 : i32
        %dma_wait3A_29 = arith.constant 0 : i32
        %dma_wait3A_30 = tpu.memref_slice %arg6[%dma_wait3A_28, %dma_wait3A_29] : memref<632x128xf32, #tpu.memory_space<hbm>> -> memref<632x128xf32, #tpu.memory_space<hbm>>
        tpu.wait_dma2 semaphore(%run_scoped3A : memref<!tpu.dma_semaphore, #tpu.memory_space<semaphore_mem>>) src(%dma_wait3A_30 : memref<632x128xf32, #tpu.memory_space<hbm>>) dst(%dma_wait3A_27 : memref<632x128xf32, #tpu.memory_space<vmem_shared>>)
        tpu.yield
      }) : () -> ()
    } else {
    }
    %eq3A = arith.constant 15 : i32
    %eq3A_2 = arith.cmpi eq, %arg1, %eq3A : i32
    %convert_element_type3A_3 = arith.extui %eq3A_2 : i1 to i32
    %cond3A_4 = arith.constant 0 : i32
    %cond3A_5 = arith.cmpi ne, %convert_element_type3A_3, %cond3A_4 : i32
    scf.if %cond3A_5 {
      "tpu.region"() ({
        %run_scoped3A = tpu.sem_alloc : memref<!tpu.dma_semaphore, #tpu.memory_space<semaphore_mem>>
        %dma_start3A = arith.constant 9480 : i32
        %dma_start3A_22 = arith.constant 0 : i32
        %dma_start3A_23 = tpu.memref_slice %arg14[%dma_start3A, %dma_start3A_22] : memref<10000x128xf32, #tpu.memory_space<vmem_shared>> -> memref<520x128xf32, #tpu.memory_space<vmem_shared>>
        %dma_start3A_24 = arith.constant 0 : i32
        %dma_start3A_25 = arith.constant 0 : i32
        %dma_start3A_26 = tpu.memref_slice %arg6[%dma_start3A_24, %dma_start3A_25] : memref<632x128xf32, #tpu.memory_space<hbm>> -> memref<520x128xf32, #tpu.memory_space<hbm>>
        tpu.enqueue_dma source(%dma_start3A_26 : memref<520x128xf32, #tpu.memory_space<hbm>>) target(%dma_start3A_23 : memref<520x128xf32, #tpu.memory_space<vmem_shared>>) target_semaphore(%run_scoped3A : memref<!tpu.dma_semaphore, #tpu.memory_space<semaphore_mem>>)
        %dma_wait3A = arith.constant 9480 : i32
        %dma_wait3A_27 = arith.constant 0 : i32
        %dma_wait3A_28 = tpu.memref_slice %arg14[%dma_wait3A, %dma_wait3A_27] : memref<10000x128xf32, #tpu.memory_space<vmem_shared>> -> memref<520x128xf32, #tpu.memory_space<vmem_shared>>
        %dma_wait3A_29 = arith.constant 0 : i32
        %dma_wait3A_30 = arith.constant 0 : i32
        %dma_wait3A_31 = tpu.memref_slice %arg6[%dma_wait3A_29, %dma_wait3A_30] : memref<632x128xf32, #tpu.memory_space<hbm>> -> memref<520x128xf32, #tpu.memory_space<hbm>>
        tpu.wait_dma2 semaphore(%run_scoped3A : memref<!tpu.dma_semaphore, #tpu.memory_space<semaphore_mem>>) src(%dma_wait3A_31 : memref<520x128xf32, #tpu.memory_space<hbm>>) dst(%dma_wait3A_28 : memref<520x128xf32, #tpu.memory_space<vmem_shared>>)
        tpu.yield
      }) : () -> ()
    } else {
    }
    %barrier3A = arith.constant 0 : index
    tpu.barrier barrier_id(%barrier3A)
    %scan3A = arith.constant 0 : i32
    %scan3A_6 = arith.constant 0 : i32
    %scan3A_7 = arith.constant 5 : i32
    %scan3A_8 = arith.addi %scan3A_6, %scan3A_7 : i32
    %scan3A_9 = arith.constant 1 : i32
    scf.for %scan3A_22 = %scan3A_6 to %scan3A_8 step %scan3A_9  : i32 {
      "tpu.region"() ({
        %run_scoped3A = tpu.sem_alloc : memref<!tpu.dma_semaphore, #tpu.memory_space<semaphore_mem>>
        %dma_start3A_49 = arith.constant 0 : i32
        %dma_start3A_50 = arith.constant 0 : i32
        %dma_start3A_51 = tpu.memref_slice %arg4[%arg0, %arg1, %scan3A_22, %dma_start3A_49, %dma_start3A_50] : memref<2x16x5x50x40xi32, #tpu.memory_space<hbm>> -> memref<1x1x1x50x40xi32, #tpu.memory_space<hbm>>
        %dma_start3A_52 = tpu.memref_squeeze %dma_start3A_51 : memref<1x1x1x50x40xi32, #tpu.memory_space<hbm>> -> memref<50x40xi32, #tpu.memory_space<hbm>>
        %dma_start3A_53 = arith.constant 0 : i32
        %dma_start3A_54 = arith.constant 0 : i32
        %dma_start3A_55 = tpu.memref_slice %arg4[%arg0, %arg1, %scan3A_22, %dma_start3A_53, %dma_start3A_54] : memref<2x16x5x50x40xi32, #tpu.memory_space<hbm>> -> memref<1x1x1x50x40xi32, #tpu.memory_space<hbm>>
        %dma_start3A_56 = tpu.memref_squeeze %dma_start3A_55 : memref<1x1x1x50x40xi32, #tpu.memory_space<hbm>> -> memref<50x40xi32, #tpu.memory_space<hbm>>
        tpu.enqueue_dma source(%dma_start3A_56 : memref<50x40xi32, #tpu.memory_space<hbm>>) target(%arg8 : memref<50x40xi32, #tpu.memory_space<vmem>>) target_semaphore(%run_scoped3A : memref<!tpu.dma_semaphore, #tpu.memory_space<semaphore_mem>>)
        %dma_wait3A = arith.constant 0 : i32
        %dma_wait3A_57 = arith.constant 0 : i32
        %dma_wait3A_58 = tpu.memref_slice %arg4[%arg0, %arg1, %scan3A_22, %dma_wait3A, %dma_wait3A_57] : memref<2x16x5x50x40xi32, #tpu.memory_space<hbm>> -> memref<1x1x1x50x40xi32, #tpu.memory_space<hbm>>
        %dma_wait3A_59 = tpu.memref_squeeze %dma_wait3A_58 : memref<1x1x1x50x40xi32, #tpu.memory_space<hbm>> -> memref<50x40xi32, #tpu.memory_space<hbm>>
        %dma_wait3A_60 = arith.constant 0 : i32
        %dma_wait3A_61 = arith.constant 0 : i32
        %dma_wait3A_62 = tpu.memref_slice %arg4[%arg0, %arg1, %scan3A_22, %dma_wait3A_60, %dma_wait3A_61] : memref<2x16x5x50x40xi32, #tpu.memory_space<hbm>> -> memref<1x1x1x50x40xi32, #tpu.memory_space<hbm>>
        %dma_wait3A_63 = tpu.memref_squeeze %dma_wait3A_62 : memref<1x1x1x50x40xi32, #tpu.memory_space<hbm>> -> memref<50x40xi32, #tpu.memory_space<hbm>>
        tpu.wait_dma2 semaphore(%run_scoped3A : memref<!tpu.dma_semaphore, #tpu.memory_space<semaphore_mem>>) src(%dma_wait3A_63 : memref<50x40xi32, #tpu.memory_space<hbm>>) dst(%arg8 : memref<50x40xi32, #tpu.memory_space<vmem>>)
        tpu.yield
      }) : () -> ()
      "tpu.region"() ({
        %run_scoped3A = tpu.sem_alloc : memref<!tpu.dma_semaphore, #tpu.memory_space<semaphore_mem>>
        %dma_start3A_49 = arith.constant 0 : i32
        %dma_start3A_50 = arith.constant 0 : i32
        %dma_start3A_51 = tpu.memref_slice %arg5[%arg1, %scan3A_22, %dma_start3A_49, %dma_start3A_50] : memref<16x5x50x40xi32, #tpu.memory_space<hbm>> -> memref<1x1x50x40xi32, #tpu.memory_space<hbm>>
        %dma_start3A_52 = tpu.memref_squeeze %dma_start3A_51 : memref<1x1x50x40xi32, #tpu.memory_space<hbm>> -> memref<50x40xi32, #tpu.memory_space<hbm>>
        %dma_start3A_53 = arith.constant 0 : i32
        %dma_start3A_54 = arith.constant 0 : i32
        %dma_start3A_55 = tpu.memref_slice %arg5[%arg1, %scan3A_22, %dma_start3A_53, %dma_start3A_54] : memref<16x5x50x40xi32, #tpu.memory_space<hbm>> -> memref<1x1x50x40xi32, #tpu.memory_space<hbm>>
        %dma_start3A_56 = tpu.memref_squeeze %dma_start3A_55 : memref<1x1x50x40xi32, #tpu.memory_space<hbm>> -> memref<50x40xi32, #tpu.memory_space<hbm>>
        tpu.enqueue_dma source(%dma_start3A_56 : memref<50x40xi32, #tpu.memory_space<hbm>>) target(%arg9 : memref<50x40xi32, #tpu.memory_space<vmem>>) target_semaphore(%run_scoped3A : memref<!tpu.dma_semaphore, #tpu.memory_space<semaphore_mem>>)
        %dma_wait3A = arith.constant 0 : i32
        %dma_wait3A_57 = arith.constant 0 : i32
        %dma_wait3A_58 = tpu.memref_slice %arg5[%arg1, %scan3A_22, %dma_wait3A, %dma_wait3A_57] : memref<16x5x50x40xi32, #tpu.memory_space<hbm>> -> memref<1x1x50x40xi32, #tpu.memory_space<hbm>>
        %dma_wait3A_59 = tpu.memref_squeeze %dma_wait3A_58 : memref<1x1x50x40xi32, #tpu.memory_space<hbm>> -> memref<50x40xi32, #tpu.memory_space<hbm>>
        %dma_wait3A_60 = arith.constant 0 : i32
        %dma_wait3A_61 = arith.constant 0 : i32
        %dma_wait3A_62 = tpu.memref_slice %arg5[%arg1, %scan3A_22, %dma_wait3A_60, %dma_wait3A_61] : memref<16x5x50x40xi32, #tpu.memory_space<hbm>> -> memref<1x1x50x40xi32, #tpu.memory_space<hbm>>
        %dma_wait3A_63 = tpu.memref_squeeze %dma_wait3A_62 : memref<1x1x50x40xi32, #tpu.memory_space<hbm>> -> memref<50x40xi32, #tpu.memory_space<hbm>>
        tpu.wait_dma2 semaphore(%run_scoped3A : memref<!tpu.dma_semaphore, #tpu.memory_space<semaphore_mem>>) src(%dma_wait3A_63 : memref<50x40xi32, #tpu.memory_space<hbm>>) dst(%arg9 : memref<50x40xi32, #tpu.memory_space<vmem>>)
        tpu.yield
      }) : () -> ()
      %mul3A = arith.constant 10000 : i32
      %mul3A_23 = arith.muli %arg1, %mul3A : i32
      %mul3A_24 = arith.constant 50 : i32
      %mul3A_25 = arith.muli %scan3A_22, %mul3A_24 : i32
      %add3A = arith.constant 0 : i32
      %add3A_26 = arith.addi %mul3A_25, %add3A : i32
      %mul3A_27 = arith.constant 40 : i32
      %mul3A_28 = arith.muli %add3A_26, %mul3A_27 : i32
      %add3A_29 = arith.addi %mul3A_23, %mul3A_28 : i32
      %mul3A_30 = arith.constant 160000 : i32
      %mul3A_31 = arith.muli %arg0, %mul3A_30 : i32
      %add3A_32 = arith.addi %mul3A_31, %add3A_29 : i32
      %dma_start3A = arith.constant 0 : i32
      %dma_start3A_33 = tpu.memref_slice %arg3[%add3A_32, %dma_start3A] : memref<320000x128xf32, #tpu.memory_space<hbm>> -> memref<40x128xf32, #tpu.memory_space<hbm>>
      %dma_start3A_34 = arith.constant 0 : i32
      %dma_start3A_35 = tpu.memref_slice %arg3[%add3A_32, %dma_start3A_34] : memref<320000x128xf32, #tpu.memory_space<hbm>> -> memref<40x128xf32, #tpu.memory_space<hbm>>
      tpu.enqueue_dma source(%dma_start3A_35 : memref<40x128xf32, #tpu.memory_space<hbm>>) target(%arg10 : memref<40x128xf32, #tpu.memory_space<vmem>>) target_semaphore(%arg15 : memref<!tpu.dma_semaphore, #tpu.memory_space<semaphore_mem>>)
      %dma_start3A_36 = arith.constant 0 : i32
      %dma_start3A_37 = arith.constant 0 : i32
      %dma_start3A_38 = tpu.memref_slice %arg8[%dma_start3A_36, %dma_start3A_37] : memref<50x40xi32, #tpu.memory_space<vmem>> -> memref<1x40xi32, #tpu.memory_space<vmem>>
      %dma_start3A_39 = tpu.memref_squeeze %dma_start3A_38 : memref<1x40xi32, #tpu.memory_space<vmem>> -> memref<40xi32, #tpu.memory_space<vmem>>
      %dma_start3A_40 = arith.constant 0 : i32
      %dma_start3A_41 = arith.constant 0 : i32
      %dma_start3A_42 = tpu.memref_slice %arg2[%dma_start3A_40, %dma_start3A_41] : memref<20000x128xf32, #tpu.memory_space<hbm>> -> memref<20000x128xf32, #tpu.memory_space<hbm>>
      tpu.enqueue_indirect_dma source(%dma_start3A_42 : memref<20000x128xf32, #tpu.memory_space<hbm>>) target(%arg11 : memref<40x128xf32, #tpu.memory_space<vmem>>) offsets(%dma_start3A_39 : memref<40xi32, #tpu.memory_space<vmem>>) semaphore(%arg16 : memref<!tpu.dma_semaphore, #tpu.memory_space<semaphore_mem>>)
      %scan3A_43 = arith.constant 0 : i32
      %scan3A_44 = arith.constant 0 : i32
      %scan3A_45 = arith.constant 25 : i32
      %scan3A_46 = arith.addi %scan3A_44, %scan3A_45 : i32
      %scan3A_47 = arith.constant 1 : i32
      scf.for %scan3A_49 = %scan3A_44 to %scan3A_46 step %scan3A_47  : i32 {
        %mul3A_50 = arith.constant 2 : i32
        %mul3A_51 = arith.muli %mul3A_50, %scan3A_49 : i32
        %add3A_52 = arith.constant 1 : i32
        %add3A_53 = arith.addi %mul3A_51, %add3A_52 : i32
        %mul3A_54 = arith.constant 10000 : i32
        %mul3A_55 = arith.muli %arg1, %mul3A_54 : i32
        %mul3A_56 = arith.constant 50 : i32
        %mul3A_57 = arith.muli %scan3A_22, %mul3A_56 : i32
        %add3A_58 = arith.addi %mul3A_57, %add3A_53 : i32
        %mul3A_59 = arith.constant 40 : i32
        %mul3A_60 = arith.muli %add3A_58, %mul3A_59 : i32
        %add3A_61 = arith.addi %mul3A_55, %mul3A_60 : i32
        %mul3A_62 = arith.constant 160000 : i32
        %mul3A_63 = arith.muli %arg0, %mul3A_62 : i32
        %add3A_64 = arith.addi %mul3A_63, %add3A_61 : i32
        %dma_start3A_65 = arith.constant 0 : i32
        %dma_start3A_66 = tpu.memref_slice %arg3[%add3A_64, %dma_start3A_65] : memref<320000x128xf32, #tpu.memory_space<hbm>> -> memref<40x128xf32, #tpu.memory_space<hbm>>
        %dma_start3A_67 = arith.constant 0 : i32
        %dma_start3A_68 = tpu.memref_slice %arg3[%add3A_64, %dma_start3A_67] : memref<320000x128xf32, #tpu.memory_space<hbm>> -> memref<40x128xf32, #tpu.memory_space<hbm>>
        tpu.enqueue_dma source(%dma_start3A_68 : memref<40x128xf32, #tpu.memory_space<hbm>>) target(%arg12 : memref<40x128xf32, #tpu.memory_space<vmem>>) target_semaphore(%arg17 : memref<!tpu.dma_semaphore, #tpu.memory_space<semaphore_mem>>)
        %dma_start3A_69 = arith.constant 0 : i32
        %dma_start3A_70 = tpu.memref_slice %arg8[%add3A_53, %dma_start3A_69] : memref<50x40xi32, #tpu.memory_space<vmem>> -> memref<1x40xi32, #tpu.memory_space<vmem>>
        %dma_start3A_71 = tpu.memref_squeeze %dma_start3A_70 : memref<1x40xi32, #tpu.memory_space<vmem>> -> memref<40xi32, #tpu.memory_space<vmem>>
        %dma_start3A_72 = arith.constant 0 : i32
        %dma_start3A_73 = arith.constant 0 : i32
        %dma_start3A_74 = tpu.memref_slice %arg2[%dma_start3A_72, %dma_start3A_73] : memref<20000x128xf32, #tpu.memory_space<hbm>> -> memref<20000x128xf32, #tpu.memory_space<hbm>>
        tpu.enqueue_indirect_dma source(%dma_start3A_74 : memref<20000x128xf32, #tpu.memory_space<hbm>>) target(%arg13 : memref<40x128xf32, #tpu.memory_space<vmem>>) offsets(%dma_start3A_71 : memref<40xi32, #tpu.memory_space<vmem>>) semaphore(%arg18 : memref<!tpu.dma_semaphore, #tpu.memory_space<semaphore_mem>>)
        %dma_wait3A = arith.constant 0 : i32
        %dma_wait3A_75 = arith.constant 0 : i32
        %dma_wait3A_76 = tpu.memref_slice %arg3[%dma_wait3A, %dma_wait3A_75] : memref<320000x128xf32, #tpu.memory_space<hbm>> -> memref<40x128xf32, #tpu.memory_space<hbm>>
        %dma_wait3A_77 = arith.constant 0 : i32
        %dma_wait3A_78 = arith.constant 0 : i32
        %dma_wait3A_79 = tpu.memref_slice %arg3[%dma_wait3A_77, %dma_wait3A_78] : memref<320000x128xf32, #tpu.memory_space<hbm>> -> memref<40x128xf32, #tpu.memory_space<hbm>>
        tpu.wait_dma2 semaphore(%arg15 : memref<!tpu.dma_semaphore, #tpu.memory_space<semaphore_mem>>) src(%dma_wait3A_79 : memref<40x128xf32, #tpu.memory_space<hbm>>) dst(%arg10 : memref<40x128xf32, #tpu.memory_space<vmem>>)
        %dma_wait3A_80 = arith.constant 0 : i32
        %dma_wait3A_81 = tpu.memref_slice %arg8[%mul3A_51, %dma_wait3A_80] : memref<50x40xi32, #tpu.memory_space<vmem>> -> memref<1x40xi32, #tpu.memory_space<vmem>>
        %dma_wait3A_82 = tpu.memref_squeeze %dma_wait3A_81 : memref<1x40xi32, #tpu.memory_space<vmem>> -> memref<40xi32, #tpu.memory_space<vmem>>
        %dma_wait3A_83 = arith.constant 0 : i32
        %dma_wait3A_84 = arith.constant 0 : i32
        %dma_wait3A_85 = tpu.memref_slice %arg2[%dma_wait3A_83, %dma_wait3A_84] : memref<20000x128xf32, #tpu.memory_space<hbm>> -> memref<20000x128xf32, #tpu.memory_space<hbm>>
        tpu.wait_indirect_dma semaphore(%arg16 : memref<!tpu.dma_semaphore, #tpu.memory_space<semaphore_mem>>) src(%dma_wait3A_85 : memref<20000x128xf32, #tpu.memory_space<hbm>>) dst(%arg11 : memref<40x128xf32, #tpu.memory_space<vmem>>)
        %parallel_loop3A = arith.constant 0 : i32
        %parallel_loop3A_86 = arith.constant 40 : i32
        %parallel_loop3A_87 = arith.constant 1 : i32
        scf.for %parallel_loop3A_110 = %parallel_loop3A to %parallel_loop3A_86 step %parallel_loop3A_87  : i32 {
          %parallel_loop3A_111 = arith.index_cast %parallel_loop3A_110 : i32 to index
          %parallel_loop3A_112 = arith.constant 0 : index
          %parallel_loop3A_113 = tpu.vector_load %arg11[%parallel_loop3A_111, %parallel_loop3A_112] {strides = array<i32>} : memref<40x128xf32, #tpu.memory_space<vmem>>, vector<1x16xf32>,
          %parallel_loop3A_114 = vector.shape_cast %parallel_loop3A_113 : vector<1x16xf32> to vector<16xf32>
          %parallel_loop3A_115 = arith.index_cast %parallel_loop3A_110 : i32 to index
          %parallel_loop3A_116 = arith.constant 0 : index
          %parallel_loop3A_117 = tpu.vector_load %arg10[%parallel_loop3A_115, %parallel_loop3A_116] {strides = array<i32>} : memref<40x128xf32, #tpu.memory_space<vmem>>, vector<1x16xf32>,
          %parallel_loop3A_118 = vector.shape_cast %parallel_loop3A_117 : vector<1x16xf32> to vector<16xf32>
          %parallel_loop3A_119 = arith.addf %parallel_loop3A_114, %parallel_loop3A_118 : vector<16xf32>
          %parallel_loop3A_120 = arith.constant 0.000000e+00 : f32
          %parallel_loop3A_121 = vector.broadcast %parallel_loop3A_120 : f32 to vector<16xf32>
          %parallel_loop3A_122 = arith.maximumf %parallel_loop3A_119, %parallel_loop3A_121 : vector<16xf32>
          %parallel_loop3A_123 = arith.index_cast %parallel_loop3A_110 : i32 to index
          %parallel_loop3A_124 = arith.constant 0 : index
          %parallel_loop3A_125 = tpu.vector_load %arg11[%parallel_loop3A_123, %parallel_loop3A_124] {strides = array<i32>} : memref<40x128xf32, #tpu.memory_space<vmem>>, vector<1x16xf32>,
          %parallel_loop3A_126 = vector.shape_cast %parallel_loop3A_125 : vector<1x16xf32> to vector<16xf32>
          %parallel_loop3A_127 = vector.shape_cast %parallel_loop3A_122 : vector<16xf32> to vector<1x16xf32>
          tpu.vector_store %arg11[%parallel_loop3A_123, %parallel_loop3A_124], %parallel_loop3A_127 {strides = array<i32>} : memref<40x128xf32, #tpu.memory_space<vmem>>, vector<1x16xf32>,
          %parallel_loop3A_128 = arith.index_cast %parallel_loop3A_110 : i32 to index
          %parallel_loop3A_129 = arith.constant 16 : index
          %parallel_loop3A_130 = tpu.vector_load %arg11[%parallel_loop3A_128, %parallel_loop3A_129] {strides = array<i32>} : memref<40x128xf32, #tpu.memory_space<vmem>>, vector<1x16xf32>,
          %parallel_loop3A_131 = vector.shape_cast %parallel_loop3A_130 : vector<1x16xf32> to vector<16xf32>
          %parallel_loop3A_132 = arith.index_cast %parallel_loop3A_110 : i32 to index
          %parallel_loop3A_133 = arith.constant 16 : index
          %parallel_loop3A_134 = tpu.vector_load %arg10[%parallel_loop3A_132, %parallel_loop3A_133] {strides = array<i32>} : memref<40x128xf32, #tpu.memory_space<vmem>>, vector<1x16xf32>,
          %parallel_loop3A_135 = vector.shape_cast %parallel_loop3A_134 : vector<1x16xf32> to vector<16xf32>
          %parallel_loop3A_136 = arith.addf %parallel_loop3A_131, %parallel_loop3A_135 : vector<16xf32>
          %parallel_loop3A_137 = arith.constant 0.000000e+00 : f32
          %parallel_loop3A_138 = vector.broadcast %parallel_loop3A_137 : f32 to vector<16xf32>
          %parallel_loop3A_139 = arith.maximumf %parallel_loop3A_136, %parallel_loop3A_138 : vector<16xf32>
          %parallel_loop3A_140 = arith.index_cast %parallel_loop3A_110 : i32 to index
          %parallel_loop3A_141 = arith.constant 16 : index
          %parallel_loop3A_142 = tpu.vector_load %arg11[%parallel_loop3A_140, %parallel_loop3A_141] {strides = array<i32>} : memref<40x128xf32, #tpu.memory_space<vmem>>, vector<1x16xf32>,
          %parallel_loop3A_143 = vector.shape_cast %parallel_loop3A_142 : vector<1x16xf32> to vector<16xf32>
          %parallel_loop3A_144 = vector.shape_cast %parallel_loop3A_139 : vector<16xf32> to vector<1x16xf32>
          tpu.vector_store %arg11[%parallel_loop3A_140, %parallel_loop3A_141], %parallel_loop3A_144 {strides = array<i32>} : memref<40x128xf32, #tpu.memory_space<vmem>>, vector<1x16xf32>,
          %parallel_loop3A_145 = arith.index_cast %parallel_loop3A_110 : i32 to index
          %parallel_loop3A_146 = arith.constant 32 : index
          %parallel_loop3A_147 = tpu.vector_load %arg11[%parallel_loop3A_145, %parallel_loop3A_146] {strides = array<i32>} : memref<40x128xf32, #tpu.memory_space<vmem>>, vector<1x16xf32>,
          %parallel_loop3A_148 = vector.shape_cast %parallel_loop3A_147 : vector<1x16xf32> to vector<16xf32>
          %parallel_loop3A_149 = arith.index_cast %parallel_loop3A_110 : i32 to index
          %parallel_loop3A_150 = arith.constant 32 : index
          %parallel_loop3A_151 = tpu.vector_load %arg10[%parallel_loop3A_149, %parallel_loop3A_150] {strides = array<i32>} : memref<40x128xf32, #tpu.memory_space<vmem>>, vector<1x16xf32>,
          %parallel_loop3A_152 = vector.shape_cast %parallel_loop3A_151 : vector<1x16xf32> to vector<16xf32>
          %parallel_loop3A_153 = arith.addf %parallel_loop3A_148, %parallel_loop3A_152 : vector<16xf32>
          %parallel_loop3A_154 = arith.constant 0.000000e+00 : f32
          %parallel_loop3A_155 = vector.broadcast %parallel_loop3A_154 : f32 to vector<16xf32>
          %parallel_loop3A_156 = arith.maximumf %parallel_loop3A_153, %parallel_loop3A_155 : vector<16xf32>
          %parallel_loop3A_157 = arith.index_cast %parallel_loop3A_110 : i32 to index
          %parallel_loop3A_158 = arith.constant 32 : index
          %parallel_loop3A_159 = tpu.vector_load %arg11[%parallel_loop3A_157, %parallel_loop3A_158] {strides = array<i32>} : memref<40x128xf32, #tpu.memory_space<vmem>>, vector<1x16xf32>,
          %parallel_loop3A_160 = vector.shape_cast %parallel_loop3A_159 : vector<1x16xf32> to vector<16xf32>
          %parallel_loop3A_161 = vector.shape_cast %parallel_loop3A_156 : vector<16xf32> to vector<1x16xf32>
          tpu.vector_store %arg11[%parallel_loop3A_157, %parallel_loop3A_158], %parallel_loop3A_161 {strides = array<i32>} : memref<40x128xf32, #tpu.memory_space<vmem>>, vector<1x16xf32>,
          %parallel_loop3A_162 = arith.index_cast %parallel_loop3A_110 : i32 to index
          %parallel_loop3A_163 = arith.constant 48 : index
          %parallel_loop3A_164 = tpu.vector_load %arg11[%parallel_loop3A_162, %parallel_loop3A_163] {strides = array<i32>} : memref<40x128xf32, #tpu.memory_space<vmem>>, vector<1x16xf32>,
          %parallel_loop3A_165 = vector.shape_cast %parallel_loop3A_164 : vector<1x16xf32> to vector<16xf32>
          %parallel_loop3A_166 = arith.index_cast %parallel_loop3A_110 : i32 to index
          %parallel_loop3A_167 = arith.constant 48 : index
          %parallel_loop3A_168 = tpu.vector_load %arg10[%parallel_loop3A_166, %parallel_loop3A_167] {strides = array<i32>} : memref<40x128xf32, #tpu.memory_space<vmem>>, vector<1x16xf32>,
          %parallel_loop3A_169 = vector.shape_cast %parallel_loop3A_168 : vector<1x16xf32> to vector<16xf32>
          %parallel_loop3A_170 = arith.addf %parallel_loop3A_165, %parallel_loop3A_169 : vector<16xf32>
          %parallel_loop3A_171 = arith.constant 0.000000e+00 : f32
          %parallel_loop3A_172 = vector.broadcast %parallel_loop3A_171 : f32 to vector<16xf32>
          %parallel_loop3A_173 = arith.maximumf %parallel_loop3A_170, %parallel_loop3A_172 : vector<16xf32>
          %parallel_loop3A_174 = arith.index_cast %parallel_loop3A_110 : i32 to index
          %parallel_loop3A_175 = arith.constant 48 : index
          %parallel_loop3A_176 = tpu.vector_load %arg11[%parallel_loop3A_174, %parallel_loop3A_175] {strides = array<i32>} : memref<40x128xf32, #tpu.memory_space<vmem>>, vector<1x16xf32>,
          %parallel_loop3A_177 = vector.shape_cast %parallel_loop3A_176 : vector<1x16xf32> to vector<16xf32>
          %parallel_loop3A_178 = vector.shape_cast %parallel_loop3A_173 : vector<16xf32> to vector<1x16xf32>
          tpu.vector_store %arg11[%parallel_loop3A_174, %parallel_loop3A_175], %parallel_loop3A_178 {strides = array<i32>} : memref<40x128xf32, #tpu.memory_space<vmem>>, vector<1x16xf32>,
          %parallel_loop3A_179 = arith.index_cast %parallel_loop3A_110 : i32 to index
          %parallel_loop3A_180 = arith.constant 64 : index
          %parallel_loop3A_181 = tpu.vector_load %arg11[%parallel_loop3A_179, %parallel_loop3A_180] {strides = array<i32>} : memref<40x128xf32, #tpu.memory_space<vmem>>, vector<1x16xf32>,
          %parallel_loop3A_182 = vector.shape_cast %parallel_loop3A_181 : vector<1x16xf32> to vector<16xf32>
          %parallel_loop3A_183 = arith.index_cast %parallel_loop3A_110 : i32 to index
          %parallel_loop3A_184 = arith.constant 64 : index
          %parallel_loop3A_185 = tpu.vector_load %arg10[%parallel_loop3A_183, %parallel_loop3A_184] {strides = array<i32>} : memref<40x128xf32, #tpu.memory_space<vmem>>, vector<1x16xf32>,
          %parallel_loop3A_186 = vector.shape_cast %parallel_loop3A_185 : vector<1x16xf32> to vector<16xf32>
          %parallel_loop3A_187 = arith.addf %parallel_loop3A_182, %parallel_loop3A_186 : vector<16xf32>
          %parallel_loop3A_188 = arith.constant 0.000000e+00 : f32
          %parallel_loop3A_189 = vector.broadcast %parallel_loop3A_188 : f32 to vector<16xf32>
          %parallel_loop3A_190 = arith.maximumf %parallel_loop3A_187, %parallel_loop3A_189 : vector<16xf32>
          %parallel_loop3A_191 = arith.index_cast %parallel_loop3A_110 : i32 to index
          %parallel_loop3A_192 = arith.constant 64 : index
          %parallel_loop3A_193 = tpu.vector_load %arg11[%parallel_loop3A_191, %parallel_loop3A_192] {strides = array<i32>} : memref<40x128xf32, #tpu.memory_space<vmem>>, vector<1x16xf32>,
          %parallel_loop3A_194 = vector.shape_cast %parallel_loop3A_193 : vector<1x16xf32> to vector<16xf32>
          %parallel_loop3A_195 = vector.shape_cast %parallel_loop3A_190 : vector<16xf32> to vector<1x16xf32>
          tpu.vector_store %arg11[%parallel_loop3A_191, %parallel_loop3A_192], %parallel_loop3A_195 {strides = array<i32>} : memref<40x128xf32, #tpu.memory_space<vmem>>, vector<1x16xf32>,
          %parallel_loop3A_196 = arith.index_cast %parallel_loop3A_110 : i32 to index
          %parallel_loop3A_197 = arith.constant 80 : index
          %parallel_loop3A_198 = tpu.vector_load %arg11[%parallel_loop3A_196, %parallel_loop3A_197] {strides = array<i32>} : memref<40x128xf32, #tpu.memory_space<vmem>>, vector<1x16xf32>,
          %parallel_loop3A_199 = vector.shape_cast %parallel_loop3A_198 : vector<1x16xf32> to vector<16xf32>
          %parallel_loop3A_200 = arith.index_cast %parallel_loop3A_110 : i32 to index
          %parallel_loop3A_201 = arith.constant 80 : index
          %parallel_loop3A_202 = tpu.vector_load %arg10[%parallel_loop3A_200, %parallel_loop3A_201] {strides = array<i32>} : memref<40x128xf32, #tpu.memory_space<vmem>>, vector<1x16xf32>,
          %parallel_loop3A_203 = vector.shape_cast %parallel_loop3A_202 : vector<1x16xf32> to vector<16xf32>
          %parallel_loop3A_204 = arith.addf %parallel_loop3A_199, %parallel_loop3A_203 : vector<16xf32>
          %parallel_loop3A_205 = arith.constant 0.000000e+00 : f32
          %parallel_loop3A_206 = vector.broadcast %parallel_loop3A_205 : f32 to vector<16xf32>
          %parallel_loop3A_207 = arith.maximumf %parallel_loop3A_204, %parallel_loop3A_206 : vector<16xf32>
          %parallel_loop3A_208 = arith.index_cast %parallel_loop3A_110 : i32 to index
          %parallel_loop3A_209 = arith.constant 80 : index
          %parallel_loop3A_210 = tpu.vector_load %arg11[%parallel_loop3A_208, %parallel_loop3A_209] {strides = array<i32>} : memref<40x128xf32, #tpu.memory_space<vmem>>, vector<1x16xf32>,
          %parallel_loop3A_211 = vector.shape_cast %parallel_loop3A_210 : vector<1x16xf32> to vector<16xf32>
          %parallel_loop3A_212 = vector.shape_cast %parallel_loop3A_207 : vector<16xf32> to vector<1x16xf32>
          tpu.vector_store %arg11[%parallel_loop3A_208, %parallel_loop3A_209], %parallel_loop3A_212 {strides = array<i32>} : memref<40x128xf32, #tpu.memory_space<vmem>>, vector<1x16xf32>,
          %parallel_loop3A_213 = arith.index_cast %parallel_loop3A_110 : i32 to index
          %parallel_loop3A_214 = arith.constant 96 : index
          %parallel_loop3A_215 = tpu.vector_load %arg11[%parallel_loop3A_213, %parallel_loop3A_214] {strides = array<i32>} : memref<40x128xf32, #tpu.memory_space<vmem>>, vector<1x16xf32>,
          %parallel_loop3A_216 = vector.shape_cast %parallel_loop3A_215 : vector<1x16xf32> to vector<16xf32>
          %parallel_loop3A_217 = arith.index_cast %parallel_loop3A_110 : i32 to index
          %parallel_loop3A_218 = arith.constant 96 : index
          %parallel_loop3A_219 = tpu.vector_load %arg10[%parallel_loop3A_217, %parallel_loop3A_218] {strides = array<i32>} : memref<40x128xf32, #tpu.memory_space<vmem>>, vector<1x16xf32>,
          %parallel_loop3A_220 = vector.shape_cast %parallel_loop3A_219 : vector<1x16xf32> to vector<16xf32>
          %parallel_loop3A_221 = arith.addf %parallel_loop3A_216, %parallel_loop3A_220 : vector<16xf32>
          %parallel_loop3A_222 = arith.constant 0.000000e+00 : f32
          %parallel_loop3A_223 = vector.broadcast %parallel_loop3A_222 : f32 to vector<16xf32>
          %parallel_loop3A_224 = arith.maximumf %parallel_loop3A_221, %parallel_loop3A_223 : vector<16xf32>
          %parallel_loop3A_225 = arith.index_cast %parallel_loop3A_110 : i32 to index
          %parallel_loop3A_226 = arith.constant 96 : index
          %parallel_loop3A_227 = tpu.vector_load %arg11[%parallel_loop3A_225, %parallel_loop3A_226] {strides = array<i32>} : memref<40x128xf32, #tpu.memory_space<vmem>>, vector<1x16xf32>,
          %parallel_loop3A_228 = vector.shape_cast %parallel_loop3A_227 : vector<1x16xf32> to vector<16xf32>
          %parallel_loop3A_229 = vector.shape_cast %parallel_loop3A_224 : vector<16xf32> to vector<1x16xf32>
          tpu.vector_store %arg11[%parallel_loop3A_225, %parallel_loop3A_226], %parallel_loop3A_229 {strides = array<i32>} : memref<40x128xf32, #tpu.memory_space<vmem>>, vector<1x16xf32>,
          %parallel_loop3A_230 = arith.index_cast %parallel_loop3A_110 : i32 to index
          %parallel_loop3A_231 = arith.constant 112 : index
          %parallel_loop3A_232 = tpu.vector_load %arg11[%parallel_loop3A_230, %parallel_loop3A_231] {strides = array<i32>} : memref<40x128xf32, #tpu.memory_space<vmem>>, vector<1x16xf32>,
          %parallel_loop3A_233 = vector.shape_cast %parallel_loop3A_232 : vector<1x16xf32> to vector<16xf32>
          %parallel_loop3A_234 = arith.index_cast %parallel_loop3A_110 : i32 to index
          %parallel_loop3A_235 = arith.constant 112 : index
          %parallel_loop3A_236 = tpu.vector_load %arg10[%parallel_loop3A_234, %parallel_loop3A_235] {strides = array<i32>} : memref<40x128xf32, #tpu.memory_space<vmem>>, vector<1x16xf32>,
          %parallel_loop3A_237 = vector.shape_cast %parallel_loop3A_236 : vector<1x16xf32> to vector<16xf32>
          %parallel_loop3A_238 = arith.addf %parallel_loop3A_233, %parallel_loop3A_237 : vector<16xf32>
          %parallel_loop3A_239 = arith.constant 0.000000e+00 : f32
          %parallel_loop3A_240 = vector.broadcast %parallel_loop3A_239 : f32 to vector<16xf32>
          %parallel_loop3A_241 = arith.maximumf %parallel_loop3A_238, %parallel_loop3A_240 : vector<16xf32>
          %parallel_loop3A_242 = arith.index_cast %parallel_loop3A_110 : i32 to index
          %parallel_loop3A_243 = arith.constant 112 : index
          %parallel_loop3A_244 = tpu.vector_load %arg11[%parallel_loop3A_242, %parallel_loop3A_243] {strides = array<i32>} : memref<40x128xf32, #tpu.memory_space<vmem>>, vector<1x16xf32>,
          %parallel_loop3A_245 = vector.shape_cast %parallel_loop3A_244 : vector<1x16xf32> to vector<16xf32>
          %parallel_loop3A_246 = vector.shape_cast %parallel_loop3A_241 : vector<16xf32> to vector<1x16xf32>
          tpu.vector_store %arg11[%parallel_loop3A_242, %parallel_loop3A_243], %parallel_loop3A_246 {strides = array<i32>} : memref<40x128xf32, #tpu.memory_space<vmem>>, vector<1x16xf32>,
        } {sc.loop_unroll_factor = 4 : i64, sc.parallel_access}
        "tpu.region"() ({
          %run_scoped3A = tpu.sem_alloc : memref<!tpu.dma_semaphore, #tpu.memory_space<semaphore_mem>>
          %dma_start3A_110 = arith.constant 0 : i32
          %dma_start3A_111 = tpu.memref_slice %arg9[%mul3A_51, %dma_start3A_110] : memref<50x40xi32, #tpu.memory_space<vmem>> -> memref<1x40xi32, #tpu.memory_space<vmem>>
          %dma_start3A_112 = tpu.memref_squeeze %dma_start3A_111 : memref<1x40xi32, #tpu.memory_space<vmem>> -> memref<40xi32, #tpu.memory_space<vmem>>
          %dma_start3A_113 = arith.constant 0 : i32
          %dma_start3A_114 = arith.constant 0 : i32
          %dma_start3A_115 = tpu.memref_slice %arg14[%dma_start3A_113, %dma_start3A_114] : memref<10000x128xf32, #tpu.memory_space<vmem_shared>> -> memref<10000x128xf32, #tpu.memory_space<vmem_shared>>
          tpu.enqueue_indirect_dma source(%arg11 : memref<40x128xf32, #tpu.memory_space<vmem>>) target(%dma_start3A_115 : memref<10000x128xf32, #tpu.memory_space<vmem_shared>>) offsets(%dma_start3A_112 : memref<40xi32, #tpu.memory_space<vmem>>) semaphore(%run_scoped3A : memref<!tpu.dma_semaphore, #tpu.memory_space<semaphore_mem>>) {add = true}
          %dma_wait3A_116 = arith.constant 0 : i32
          %dma_wait3A_117 = tpu.memref_slice %arg9[%mul3A_51, %dma_wait3A_116] : memref<50x40xi32, #tpu.memory_space<vmem>> -> memref<1x40xi32, #tpu.memory_space<vmem>>
          %dma_wait3A_118 = tpu.memref_squeeze %dma_wait3A_117 : memref<1x40xi32, #tpu.memory_space<vmem>> -> memref<40xi32, #tpu.memory_space<vmem>>
          %dma_wait3A_119 = arith.constant 0 : i32
          %dma_wait3A_120 = arith.constant 0 : i32
          %dma_wait3A_121 = tpu.memref_slice %arg14[%dma_wait3A_119, %dma_wait3A_120] : memref<10000x128xf32, #tpu.memory_space<vmem_shared>> -> memref<10000x128xf32, #tpu.memory_space<vmem_shared>>
          tpu.wait_indirect_dma semaphore(%run_scoped3A : memref<!tpu.dma_semaphore, #tpu.memory_space<semaphore_mem>>) src(%arg11 : memref<40x128xf32, #tpu.memory_space<vmem>>) dst(%dma_wait3A_121 : memref<10000x128xf32, #tpu.memory_space<vmem_shared>>)
          tpu.yield
        }) : () -> ()
        %add3A_88 = arith.constant 1 : i32
        %add3A_89 = arith.addi %scan3A_49, %add3A_88 : i32
        %lt3A_90 = arith.constant 25 : i32
        %lt3A_91 = arith.cmpi slt, %add3A_89, %lt3A_90 : i32
        %convert_element_type3A_92 = arith.extui %lt3A_91 : i1 to i32
        %cond3A_93 = arith.constant 0 : i32
        %cond3A_94 = arith.cmpi ne, %convert_element_type3A_92, %cond3A_93 : i32
        scf.if %cond3A_94 {
          %add3A_110 = arith.constant 2 : i32
          %add3A_111 = arith.addi %mul3A_51, %add3A_110 : i32
          %mul3A_112 = arith.constant 10000 : i32
          %mul3A_113 = arith.muli %arg1, %mul3A_112 : i32
          %mul3A_114 = arith.constant 50 : i32
          %mul3A_115 = arith.muli %scan3A_22, %mul3A_114 : i32
          %add3A_116 = arith.addi %mul3A_115, %add3A_111 : i32
          %mul3A_117 = arith.constant 40 : i32
          %mul3A_118 = arith.muli %add3A_116, %mul3A_117 : i32
          %add3A_119 = arith.addi %mul3A_113, %mul3A_118 : i32
          %mul3A_120 = arith.constant 160000 : i32
          %mul3A_121 = arith.muli %arg0, %mul3A_120 : i32
          %add3A_122 = arith.addi %mul3A_121, %add3A_119 : i32
          %dma_start3A_123 = arith.constant 0 : i32
          %dma_start3A_124 = tpu.memref_slice %arg3[%add3A_122, %dma_start3A_123] : memref<320000x128xf32, #tpu.memory_space<hbm>> -> memref<40x128xf32, #tpu.memory_space<hbm>>
          %dma_start3A_125 = arith.constant 0 : i32
          %dma_start3A_126 = tpu.memref_slice %arg3[%add3A_122, %dma_start3A_125] : memref<320000x128xf32, #tpu.memory_space<hbm>> -> memref<40x128xf32, #tpu.memory_space<hbm>>
          tpu.enqueue_dma source(%dma_start3A_126 : memref<40x128xf32, #tpu.memory_space<hbm>>) target(%arg10 : memref<40x128xf32, #tpu.memory_space<vmem>>) target_semaphore(%arg15 : memref<!tpu.dma_semaphore, #tpu.memory_space<semaphore_mem>>)
          %add3A_127 = arith.constant 2 : i32
          %add3A_128 = arith.addi %mul3A_51, %add3A_127 : i32
          %dma_start3A_129 = arith.constant 0 : i32
          %dma_start3A_130 = tpu.memref_slice %arg8[%add3A_128, %dma_start3A_129] : memref<50x40xi32, #tpu.memory_space<vmem>> -> memref<1x40xi32, #tpu.memory_space<vmem>>
          %dma_start3A_131 = tpu.memref_squeeze %dma_start3A_130 : memref<1x40xi32, #tpu.memory_space<vmem>> -> memref<40xi32, #tpu.memory_space<vmem>>
          %dma_start3A_132 = arith.constant 0 : i32
          %dma_start3A_133 = arith.constant 0 : i32
          %dma_start3A_134 = tpu.memref_slice %arg2[%dma_start3A_132, %dma_start3A_133] : memref<20000x128xf32, #tpu.memory_space<hbm>> -> memref<20000x128xf32, #tpu.memory_space<hbm>>
          tpu.enqueue_indirect_dma source(%dma_start3A_134 : memref<20000x128xf32, #tpu.memory_space<hbm>>) target(%arg11 : memref<40x128xf32, #tpu.memory_space<vmem>>) offsets(%dma_start3A_131 : memref<40xi32, #tpu.memory_space<vmem>>) semaphore(%arg16 : memref<!tpu.dma_semaphore, #tpu.memory_space<semaphore_mem>>)
        } else {
        }
        %dma_wait3A_95 = arith.constant 0 : i32
        %dma_wait3A_96 = arith.constant 0 : i32
        %dma_wait3A_97 = tpu.memref_slice %arg3[%dma_wait3A_95, %dma_wait3A_96] : memref<320000x128xf32, #tpu.memory_space<hbm>> -> memref<40x128xf32, #tpu.memory_space<hbm>>
        %dma_wait3A_98 = arith.constant 0 : i32
        %dma_wait3A_99 = arith.constant 0 : i32
        %dma_wait3A_100 = tpu.memref_slice %arg3[%dma_wait3A_98, %dma_wait3A_99] : memref<320000x128xf32, #tpu.memory_space<hbm>> -> memref<40x128xf32, #tpu.memory_space<hbm>>
        tpu.wait_dma2 semaphore(%arg17 : memref<!tpu.dma_semaphore, #tpu.memory_space<semaphore_mem>>) src(%dma_wait3A_100 : memref<40x128xf32, #tpu.memory_space<hbm>>) dst(%arg12 : memref<40x128xf32, #tpu.memory_space<vmem>>)
        %dma_wait3A_101 = arith.constant 0 : i32
        %dma_wait3A_102 = tpu.memref_slice %arg8[%add3A_53, %dma_wait3A_101] : memref<50x40xi32, #tpu.memory_space<vmem>> -> memref<1x40xi32, #tpu.memory_space<vmem>>
        %dma_wait3A_103 = tpu.memref_squeeze %dma_wait3A_102 : memref<1x40xi32, #tpu.memory_space<vmem>> -> memref<40xi32, #tpu.memory_space<vmem>>
        %dma_wait3A_104 = arith.constant 0 : i32
        %dma_wait3A_105 = arith.constant 0 : i32
        %dma_wait3A_106 = tpu.memref_slice %arg2[%dma_wait3A_104, %dma_wait3A_105] : memref<20000x128xf32, #tpu.memory_space<hbm>> -> memref<20000x128xf32, #tpu.memory_space<hbm>>
        tpu.wait_indirect_dma semaphore(%arg18 : memref<!tpu.dma_semaphore, #tpu.memory_space<semaphore_mem>>) src(%dma_wait3A_106 : memref<20000x128xf32, #tpu.memory_space<hbm>>) dst(%arg13 : memref<40x128xf32, #tpu.memory_space<vmem>>)
        %parallel_loop3A_107 = arith.constant 0 : i32
        %parallel_loop3A_108 = arith.constant 40 : i32
        %parallel_loop3A_109 = arith.constant 1 : i32
        scf.for %parallel_loop3A_110 = %parallel_loop3A_107 to %parallel_loop3A_108 step %parallel_loop3A_109  : i32 {
          %parallel_loop3A_111 = arith.index_cast %parallel_loop3A_110 : i32 to index
          %parallel_loop3A_112 = arith.constant 0 : index
          %parallel_loop3A_113 = tpu.vector_load %arg13[%parallel_loop3A_111, %parallel_loop3A_112] {strides = array<i32>} : memref<40x128xf32, #tpu.memory_space<vmem>>, vector<1x16xf32>,
          %parallel_loop3A_114 = vector.shape_cast %parallel_loop3A_113 : vector<1x16xf32> to vector<16xf32>
          %parallel_loop3A_115 = arith.index_cast %parallel_loop3A_110 : i32 to index
          %parallel_loop3A_116 = arith.constant 0 : index
          %parallel_loop3A_117 = tpu.vector_load %arg12[%parallel_loop3A_115, %parallel_loop3A_116] {strides = array<i32>} : memref<40x128xf32, #tpu.memory_space<vmem>>, vector<1x16xf32>,
          %parallel_loop3A_118 = vector.shape_cast %parallel_loop3A_117 : vector<1x16xf32> to vector<16xf32>
          %parallel_loop3A_119 = arith.addf %parallel_loop3A_114, %parallel_loop3A_118 : vector<16xf32>
          %parallel_loop3A_120 = arith.constant 0.000000e+00 : f32
          %parallel_loop3A_121 = vector.broadcast %parallel_loop3A_120 : f32 to vector<16xf32>
          %parallel_loop3A_122 = arith.maximumf %parallel_loop3A_119, %parallel_loop3A_121 : vector<16xf32>
          %parallel_loop3A_123 = arith.index_cast %parallel_loop3A_110 : i32 to index
          %parallel_loop3A_124 = arith.constant 0 : index
          %parallel_loop3A_125 = tpu.vector_load %arg13[%parallel_loop3A_123, %parallel_loop3A_124] {strides = array<i32>} : memref<40x128xf32, #tpu.memory_space<vmem>>, vector<1x16xf32>,
          %parallel_loop3A_126 = vector.shape_cast %parallel_loop3A_125 : vector<1x16xf32> to vector<16xf32>
          %parallel_loop3A_127 = vector.shape_cast %parallel_loop3A_122 : vector<16xf32> to vector<1x16xf32>
          tpu.vector_store %arg13[%parallel_loop3A_123, %parallel_loop3A_124], %parallel_loop3A_127 {strides = array<i32>} : memref<40x128xf32, #tpu.memory_space<vmem>>, vector<1x16xf32>,
          %parallel_loop3A_128 = arith.index_cast %parallel_loop3A_110 : i32 to index
          %parallel_loop3A_129 = arith.constant 16 : index
          %parallel_loop3A_130 = tpu.vector_load %arg13[%parallel_loop3A_128, %parallel_loop3A_129] {strides = array<i32>} : memref<40x128xf32, #tpu.memory_space<vmem>>, vector<1x16xf32>,
          %parallel_loop3A_131 = vector.shape_cast %parallel_loop3A_130 : vector<1x16xf32> to vector<16xf32>
          %parallel_loop3A_132 = arith.index_cast %parallel_loop3A_110 : i32 to index
          %parallel_loop3A_133 = arith.constant 16 : index
          %parallel_loop3A_134 = tpu.vector_load %arg12[%parallel_loop3A_132, %parallel_loop3A_133] {strides = array<i32>} : memref<40x128xf32, #tpu.memory_space<vmem>>, vector<1x16xf32>,
          %parallel_loop3A_135 = vector.shape_cast %parallel_loop3A_134 : vector<1x16xf32> to vector<16xf32>
          %parallel_loop3A_136 = arith.addf %parallel_loop3A_131, %parallel_loop3A_135 : vector<16xf32>
          %parallel_loop3A_137 = arith.constant 0.000000e+00 : f32
          %parallel_loop3A_138 = vector.broadcast %parallel_loop3A_137 : f32 to vector<16xf32>
          %parallel_loop3A_139 = arith.maximumf %parallel_loop3A_136, %parallel_loop3A_138 : vector<16xf32>
          %parallel_loop3A_140 = arith.index_cast %parallel_loop3A_110 : i32 to index
          %parallel_loop3A_141 = arith.constant 16 : index
          %parallel_loop3A_142 = tpu.vector_load %arg13[%parallel_loop3A_140, %parallel_loop3A_141] {strides = array<i32>} : memref<40x128xf32, #tpu.memory_space<vmem>>, vector<1x16xf32>,
          %parallel_loop3A_143 = vector.shape_cast %parallel_loop3A_142 : vector<1x16xf32> to vector<16xf32>
          %parallel_loop3A_144 = vector.shape_cast %parallel_loop3A_139 : vector<16xf32> to vector<1x16xf32>
          tpu.vector_store %arg13[%parallel_loop3A_140, %parallel_loop3A_141], %parallel_loop3A_144 {strides = array<i32>} : memref<40x128xf32, #tpu.memory_space<vmem>>, vector<1x16xf32>,
          %parallel_loop3A_145 = arith.index_cast %parallel_loop3A_110 : i32 to index
          %parallel_loop3A_146 = arith.constant 32 : index
          %parallel_loop3A_147 = tpu.vector_load %arg13[%parallel_loop3A_145, %parallel_loop3A_146] {strides = array<i32>} : memref<40x128xf32, #tpu.memory_space<vmem>>, vector<1x16xf32>,
          %parallel_loop3A_148 = vector.shape_cast %parallel_loop3A_147 : vector<1x16xf32> to vector<16xf32>
          %parallel_loop3A_149 = arith.index_cast %parallel_loop3A_110 : i32 to index
          %parallel_loop3A_150 = arith.constant 32 : index
          %parallel_loop3A_151 = tpu.vector_load %arg12[%parallel_loop3A_149, %parallel_loop3A_150] {strides = array<i32>} : memref<40x128xf32, #tpu.memory_space<vmem>>, vector<1x16xf32>,
          %parallel_loop3A_152 = vector.shape_cast %parallel_loop3A_151 : vector<1x16xf32> to vector<16xf32>
          %parallel_loop3A_153 = arith.addf %parallel_loop3A_148, %parallel_loop3A_152 : vector<16xf32>
          %parallel_loop3A_154 = arith.constant 0.000000e+00 : f32
          %parallel_loop3A_155 = vector.broadcast %parallel_loop3A_154 : f32 to vector<16xf32>
          %parallel_loop3A_156 = arith.maximumf %parallel_loop3A_153, %parallel_loop3A_155 : vector<16xf32>
          %parallel_loop3A_157 = arith.index_cast %parallel_loop3A_110 : i32 to index
          %parallel_loop3A_158 = arith.constant 32 : index
          %parallel_loop3A_159 = tpu.vector_load %arg13[%parallel_loop3A_157, %parallel_loop3A_158] {strides = array<i32>} : memref<40x128xf32, #tpu.memory_space<vmem>>, vector<1x16xf32>,
          %parallel_loop3A_160 = vector.shape_cast %parallel_loop3A_159 : vector<1x16xf32> to vector<16xf32>
          %parallel_loop3A_161 = vector.shape_cast %parallel_loop3A_156 : vector<16xf32> to vector<1x16xf32>
          tpu.vector_store %arg13[%parallel_loop3A_157, %parallel_loop3A_158], %parallel_loop3A_161 {strides = array<i32>} : memref<40x128xf32, #tpu.memory_space<vmem>>, vector<1x16xf32>,
          %parallel_loop3A_162 = arith.index_cast %parallel_loop3A_110 : i32 to index
          %parallel_loop3A_163 = arith.constant 48 : index
          %parallel_loop3A_164 = tpu.vector_load %arg13[%parallel_loop3A_162, %parallel_loop3A_163] {strides = array<i32>} : memref<40x128xf32, #tpu.memory_space<vmem>>, vector<1x16xf32>,
          %parallel_loop3A_165 = vector.shape_cast %parallel_loop3A_164 : vector<1x16xf32> to vector<16xf32>
          %parallel_loop3A_166 = arith.index_cast %parallel_loop3A_110 : i32 to index
          %parallel_loop3A_167 = arith.constant 48 : index
          %parallel_loop3A_168 = tpu.vector_load %arg12[%parallel_loop3A_166, %parallel_loop3A_167] {strides = array<i32>} : memref<40x128xf32, #tpu.memory_space<vmem>>, vector<1x16xf32>,
          %parallel_loop3A_169 = vector.shape_cast %parallel_loop3A_168 : vector<1x16xf32> to vector<16xf32>
          %parallel_loop3A_170 = arith.addf %parallel_loop3A_165, %parallel_loop3A_169 : vector<16xf32>
          %parallel_loop3A_171 = arith.constant 0.000000e+00 : f32
          %parallel_loop3A_172 = vector.broadcast %parallel_loop3A_171 : f32 to vector<16xf32>
          %parallel_loop3A_173 = arith.maximumf %parallel_loop3A_170, %parallel_loop3A_172 : vector<16xf32>
          %parallel_loop3A_174 = arith.index_cast %parallel_loop3A_110 : i32 to index
          %parallel_loop3A_175 = arith.constant 48 : index
          %parallel_loop3A_176 = tpu.vector_load %arg13[%parallel_loop3A_174, %parallel_loop3A_175] {strides = array<i32>} : memref<40x128xf32, #tpu.memory_space<vmem>>, vector<1x16xf32>,
          %parallel_loop3A_177 = vector.shape_cast %parallel_loop3A_176 : vector<1x16xf32> to vector<16xf32>
          %parallel_loop3A_178 = vector.shape_cast %parallel_loop3A_173 : vector<16xf32> to vector<1x16xf32>
          tpu.vector_store %arg13[%parallel_loop3A_174, %parallel_loop3A_175], %parallel_loop3A_178 {strides = array<i32>} : memref<40x128xf32, #tpu.memory_space<vmem>>, vector<1x16xf32>,
          %parallel_loop3A_179 = arith.index_cast %parallel_loop3A_110 : i32 to index
          %parallel_loop3A_180 = arith.constant 64 : index
          %parallel_loop3A_181 = tpu.vector_load %arg13[%parallel_loop3A_179, %parallel_loop3A_180] {strides = array<i32>} : memref<40x128xf32, #tpu.memory_space<vmem>>, vector<1x16xf32>,
          %parallel_loop3A_182 = vector.shape_cast %parallel_loop3A_181 : vector<1x16xf32> to vector<16xf32>
          %parallel_loop3A_183 = arith.index_cast %parallel_loop3A_110 : i32 to index
          %parallel_loop3A_184 = arith.constant 64 : index
          %parallel_loop3A_185 = tpu.vector_load %arg12[%parallel_loop3A_183, %parallel_loop3A_184] {strides = array<i32>} : memref<40x128xf32, #tpu.memory_space<vmem>>, vector<1x16xf32>,
          %parallel_loop3A_186 = vector.shape_cast %parallel_loop3A_185 : vector<1x16xf32> to vector<16xf32>
          %parallel_loop3A_187 = arith.addf %parallel_loop3A_182, %parallel_loop3A_186 : vector<16xf32>
          %parallel_loop3A_188 = arith.constant 0.000000e+00 : f32
          %parallel_loop3A_189 = vector.broadcast %parallel_loop3A_188 : f32 to vector<16xf32>
          %parallel_loop3A_190 = arith.maximumf %parallel_loop3A_187, %parallel_loop3A_189 : vector<16xf32>
          %parallel_loop3A_191 = arith.index_cast %parallel_loop3A_110 : i32 to index
          %parallel_loop3A_192 = arith.constant 64 : index
          %parallel_loop3A_193 = tpu.vector_load %arg13[%parallel_loop3A_191, %parallel_loop3A_192] {strides = array<i32>} : memref<40x128xf32, #tpu.memory_space<vmem>>, vector<1x16xf32>,
          %parallel_loop3A_194 = vector.shape_cast %parallel_loop3A_193 : vector<1x16xf32> to vector<16xf32>
          %parallel_loop3A_195 = vector.shape_cast %parallel_loop3A_190 : vector<16xf32> to vector<1x16xf32>
          tpu.vector_store %arg13[%parallel_loop3A_191, %parallel_loop3A_192], %parallel_loop3A_195 {strides = array<i32>} : memref<40x128xf32, #tpu.memory_space<vmem>>, vector<1x16xf32>,
          %parallel_loop3A_196 = arith.index_cast %parallel_loop3A_110 : i32 to index
          %parallel_loop3A_197 = arith.constant 80 : index
          %parallel_loop3A_198 = tpu.vector_load %arg13[%parallel_loop3A_196, %parallel_loop3A_197] {strides = array<i32>} : memref<40x128xf32, #tpu.memory_space<vmem>>, vector<1x16xf32>,
          %parallel_loop3A_199 = vector.shape_cast %parallel_loop3A_198 : vector<1x16xf32> to vector<16xf32>
          %parallel_loop3A_200 = arith.index_cast %parallel_loop3A_110 : i32 to index
          %parallel_loop3A_201 = arith.constant 80 : index
          %parallel_loop3A_202 = tpu.vector_load %arg12[%parallel_loop3A_200, %parallel_loop3A_201] {strides = array<i32>} : memref<40x128xf32, #tpu.memory_space<vmem>>, vector<1x16xf32>,
          %parallel_loop3A_203 = vector.shape_cast %parallel_loop3A_202 : vector<1x16xf32> to vector<16xf32>
          %parallel_loop3A_204 = arith.addf %parallel_loop3A_199, %parallel_loop3A_203 : vector<16xf32>
          %parallel_loop3A_205 = arith.constant 0.000000e+00 : f32
          %parallel_loop3A_206 = vector.broadcast %parallel_loop3A_205 : f32 to vector<16xf32>
          %parallel_loop3A_207 = arith.maximumf %parallel_loop3A_204, %parallel_loop3A_206 : vector<16xf32>
          %parallel_loop3A_208 = arith.index_cast %parallel_loop3A_110 : i32 to index
          %parallel_loop3A_209 = arith.constant 80 : index
          %parallel_loop3A_210 = tpu.vector_load %arg13[%parallel_loop3A_208, %parallel_loop3A_209] {strides = array<i32>} : memref<40x128xf32, #tpu.memory_space<vmem>>, vector<1x16xf32>,
          %parallel_loop3A_211 = vector.shape_cast %parallel_loop3A_210 : vector<1x16xf32> to vector<16xf32>
          %parallel_loop3A_212 = vector.shape_cast %parallel_loop3A_207 : vector<16xf32> to vector<1x16xf32>
          tpu.vector_store %arg13[%parallel_loop3A_208, %parallel_loop3A_209], %parallel_loop3A_212 {strides = array<i32>} : memref<40x128xf32, #tpu.memory_space<vmem>>, vector<1x16xf32>,
          %parallel_loop3A_213 = arith.index_cast %parallel_loop3A_110 : i32 to index
          %parallel_loop3A_214 = arith.constant 96 : index
          %parallel_loop3A_215 = tpu.vector_load %arg13[%parallel_loop3A_213, %parallel_loop3A_214] {strides = array<i32>} : memref<40x128xf32, #tpu.memory_space<vmem>>, vector<1x16xf32>,
          %parallel_loop3A_216 = vector.shape_cast %parallel_loop3A_215 : vector<1x16xf32> to vector<16xf32>
          %parallel_loop3A_217 = arith.index_cast %parallel_loop3A_110 : i32 to index
          %parallel_loop3A_218 = arith.constant 96 : index
          %parallel_loop3A_219 = tpu.vector_load %arg12[%parallel_loop3A_217, %parallel_loop3A_218] {strides = array<i32>} : memref<40x128xf32, #tpu.memory_space<vmem>>, vector<1x16xf32>,
          %parallel_loop3A_220 = vector.shape_cast %parallel_loop3A_219 : vector<1x16xf32> to vector<16xf32>
          %parallel_loop3A_221 = arith.addf %parallel_loop3A_216, %parallel_loop3A_220 : vector<16xf32>
          %parallel_loop3A_222 = arith.constant 0.000000e+00 : f32
          %parallel_loop3A_223 = vector.broadcast %parallel_loop3A_222 : f32 to vector<16xf32>
          %parallel_loop3A_224 = arith.maximumf %parallel_loop3A_221, %parallel_loop3A_223 : vector<16xf32>
          %parallel_loop3A_225 = arith.index_cast %parallel_loop3A_110 : i32 to index
          %parallel_loop3A_226 = arith.constant 96 : index
          %parallel_loop3A_227 = tpu.vector_load %arg13[%parallel_loop3A_225, %parallel_loop3A_226] {strides = array<i32>} : memref<40x128xf32, #tpu.memory_space<vmem>>, vector<1x16xf32>,
          %parallel_loop3A_228 = vector.shape_cast %parallel_loop3A_227 : vector<1x16xf32> to vector<16xf32>
          %parallel_loop3A_229 = vector.shape_cast %parallel_loop3A_224 : vector<16xf32> to vector<1x16xf32>
          tpu.vector_store %arg13[%parallel_loop3A_225, %parallel_loop3A_226], %parallel_loop3A_229 {strides = array<i32>} : memref<40x128xf32, #tpu.memory_space<vmem>>, vector<1x16xf32>,
          %parallel_loop3A_230 = arith.index_cast %parallel_loop3A_110 : i32 to index
          %parallel_loop3A_231 = arith.constant 112 : index
          %parallel_loop3A_232 = tpu.vector_load %arg13[%parallel_loop3A_230, %parallel_loop3A_231] {strides = array<i32>} : memref<40x128xf32, #tpu.memory_space<vmem>>, vector<1x16xf32>,
          %parallel_loop3A_233 = vector.shape_cast %parallel_loop3A_232 : vector<1x16xf32> to vector<16xf32>
          %parallel_loop3A_234 = arith.index_cast %parallel_loop3A_110 : i32 to index
          %parallel_loop3A_235 = arith.constant 112 : index
          %parallel_loop3A_236 = tpu.vector_load %arg12[%parallel_loop3A_234, %parallel_loop3A_235] {strides = array<i32>} : memref<40x128xf32, #tpu.memory_space<vmem>>, vector<1x16xf32>,
          %parallel_loop3A_237 = vector.shape_cast %parallel_loop3A_236 : vector<1x16xf32> to vector<16xf32>
          %parallel_loop3A_238 = arith.addf %parallel_loop3A_233, %parallel_loop3A_237 : vector<16xf32>
          %parallel_loop3A_239 = arith.constant 0.000000e+00 : f32
          %parallel_loop3A_240 = vector.broadcast %parallel_loop3A_239 : f32 to vector<16xf32>
          %parallel_loop3A_241 = arith.maximumf %parallel_loop3A_238, %parallel_loop3A_240 : vector<16xf32>
          %parallel_loop3A_242 = arith.index_cast %parallel_loop3A_110 : i32 to index
          %parallel_loop3A_243 = arith.constant 112 : index
          %parallel_loop3A_244 = tpu.vector_load %arg13[%parallel_loop3A_242, %parallel_loop3A_243] {strides = array<i32>} : memref<40x128xf32, #tpu.memory_space<vmem>>, vector<1x16xf32>,
          %parallel_loop3A_245 = vector.shape_cast %parallel_loop3A_244 : vector<1x16xf32> to vector<16xf32>
          %parallel_loop3A_246 = vector.shape_cast %parallel_loop3A_241 : vector<16xf32> to vector<1x16xf32>
          tpu.vector_store %arg13[%parallel_loop3A_242, %parallel_loop3A_243], %parallel_loop3A_246 {strides = array<i32>} : memref<40x128xf32, #tpu.memory_space<vmem>>, vector<1x16xf32>,
        } {sc.loop_unroll_factor = 4 : i64, sc.parallel_access}
        "tpu.region"() ({
          %run_scoped3A = tpu.sem_alloc : memref<!tpu.dma_semaphore, #tpu.memory_space<semaphore_mem>>
          %dma_start3A_110 = arith.constant 0 : i32
          %dma_start3A_111 = tpu.memref_slice %arg9[%add3A_53, %dma_start3A_110] : memref<50x40xi32, #tpu.memory_space<vmem>> -> memref<1x40xi32, #tpu.memory_space<vmem>>
          %dma_start3A_112 = tpu.memref_squeeze %dma_start3A_111 : memref<1x40xi32, #tpu.memory_space<vmem>> -> memref<40xi32, #tpu.memory_space<vmem>>
          %dma_start3A_113 = arith.constant 0 : i32
          %dma_start3A_114 = arith.constant 0 : i32
          %dma_start3A_115 = tpu.memref_slice %arg14[%dma_start3A_113, %dma_start3A_114] : memref<10000x128xf32, #tpu.memory_space<vmem_shared>> -> memref<10000x128xf32, #tpu.memory_space<vmem_shared>>
          tpu.enqueue_indirect_dma source(%arg13 : memref<40x128xf32, #tpu.memory_space<vmem>>) target(%dma_start3A_115 : memref<10000x128xf32, #tpu.memory_space<vmem_shared>>) offsets(%dma_start3A_112 : memref<40xi32, #tpu.memory_space<vmem>>) semaphore(%run_scoped3A : memref<!tpu.dma_semaphore, #tpu.memory_space<semaphore_mem>>) {add = true}
          %dma_wait3A_116 = arith.constant 0 : i32
          %dma_wait3A_117 = tpu.memref_slice %arg9[%add3A_53, %dma_wait3A_116] : memref<50x40xi32, #tpu.memory_space<vmem>> -> memref<1x40xi32, #tpu.memory_space<vmem>>
          %dma_wait3A_118 = tpu.memref_squeeze %dma_wait3A_117 : memref<1x40xi32, #tpu.memory_space<vmem>> -> memref<40xi32, #tpu.memory_space<vmem>>
          %dma_wait3A_119 = arith.constant 0 : i32
          %dma_wait3A_120 = arith.constant 0 : i32
          %dma_wait3A_121 = tpu.memref_slice %arg14[%dma_wait3A_119, %dma_wait3A_120] : memref<10000x128xf32, #tpu.memory_space<vmem_shared>> -> memref<10000x128xf32, #tpu.memory_space<vmem_shared>>
          tpu.wait_indirect_dma semaphore(%run_scoped3A : memref<!tpu.dma_semaphore, #tpu.memory_space<semaphore_mem>>) src(%arg13 : memref<40x128xf32, #tpu.memory_space<vmem>>) dst(%dma_wait3A_121 : memref<10000x128xf32, #tpu.memory_space<vmem_shared>>)
          tpu.yield
        }) : () -> ()
      }
      %scan3A_48 = arith.constant 25 : i32
    }
    %scan3A_10 = arith.constant 5 : i32
    %barrier3A_11 = arith.constant 0 : index
    tpu.barrier barrier_id(%barrier3A_11)
    %lt3A_12 = arith.constant 15 : i32
    %lt3A_13 = arith.cmpi slt, %arg1, %lt3A_12 : i32
    %convert_element_type3A_14 = arith.extui %lt3A_13 : i1 to i32
    %cond3A_15 = arith.constant 0 : i32
    %cond3A_16 = arith.cmpi ne, %convert_element_type3A_14, %cond3A_15 : i32
    scf.if %cond3A_16 {
      %mul3A = arith.constant 632 : i32
      %mul3A_22 = arith.muli %arg1, %mul3A : i32
      %mul3A_23 = arith.constant 632 : i32
      %mul3A_24 = arith.muli %arg1, %mul3A_23 : i32
      "tpu.region"() ({
        %run_scoped3A = tpu.sem_alloc : memref<!tpu.dma_semaphore, #tpu.memory_space<semaphore_mem>>
        %dma_start3A = arith.constant 0 : i32
        %dma_start3A_25 = tpu.memref_slice %arg7[%arg0, %mul3A_24, %dma_start3A] : memref<2x10000x128xf32, #tpu.memory_space<hbm>> -> memref<1x632x128xf32, #tpu.memory_space<hbm>>
        %dma_start3A_26 = tpu.memref_squeeze %dma_start3A_25 : memref<1x632x128xf32, #tpu.memory_space<hbm>> -> memref<632x128xf32, #tpu.memory_space<hbm>>
        %dma_start3A_27 = arith.constant 0 : i32
        %dma_start3A_28 = tpu.memref_slice %arg14[%mul3A_22, %dma_start3A_27] : memref<10000x128xf32, #tpu.memory_space<vmem_shared>> -> memref<632x128xf32, #tpu.memory_space<vmem_shared>>
        tpu.enqueue_dma source(%dma_start3A_28 : memref<632x128xf32, #tpu.memory_space<vmem_shared>>) target(%dma_start3A_26 : memref<632x128xf32, #tpu.memory_space<hbm>>) target_semaphore(%run_scoped3A : memref<!tpu.dma_semaphore, #tpu.memory_space<semaphore_mem>>)
        %dma_wait3A = arith.constant 0 : i32
        %dma_wait3A_29 = tpu.memref_slice %arg7[%arg0, %mul3A_24, %dma_wait3A] : memref<2x10000x128xf32, #tpu.memory_space<hbm>> -> memref<1x632x128xf32, #tpu.memory_space<hbm>>
        %dma_wait3A_30 = tpu.memref_squeeze %dma_wait3A_29 : memref<1x632x128xf32, #tpu.memory_space<hbm>> -> memref<632x128xf32, #tpu.memory_space<hbm>>
        %dma_wait3A_31 = arith.constant 0 : i32
        %dma_wait3A_32 = tpu.memref_slice %arg14[%mul3A_22, %dma_wait3A_31] : memref<10000x128xf32, #tpu.memory_space<vmem_shared>> -> memref<632x128xf32, #tpu.memory_space<vmem_shared>>
        tpu.wait_dma2 semaphore(%run_scoped3A : memref<!tpu.dma_semaphore, #tpu.memory_space<semaphore_mem>>) src(%dma_wait3A_32 : memref<632x128xf32, #tpu.memory_space<vmem_shared>>) dst(%dma_wait3A_30 : memref<632x128xf32, #tpu.memory_space<hbm>>)
        tpu.yield
      }) : () -> ()
    } else {
    }
    %eq3A_17 = arith.constant 15 : i32
    %eq3A_18 = arith.cmpi eq, %arg1, %eq3A_17 : i32
    %convert_element_type3A_19 = arith.extui %eq3A_18 : i1 to i32
    %cond3A_20 = arith.constant 0 : i32
    %cond3A_21 = arith.cmpi ne, %convert_element_type3A_19, %cond3A_20 : i32
    scf.if %cond3A_21 {
      "tpu.region"() ({
        %run_scoped3A = tpu.sem_alloc : memref<!tpu.dma_semaphore, #tpu.memory_space<semaphore_mem>>
        %dma_start3A = arith.constant 9480 : i32
        %dma_start3A_22 = arith.constant 0 : i32
        %dma_start3A_23 = tpu.memref_slice %arg7[%arg0, %dma_start3A, %dma_start3A_22] : memref<2x10000x128xf32, #tpu.memory_space<hbm>> -> memref<1x520x128xf32, #tpu.memory_space<hbm>>
        %dma_start3A_24 = tpu.memref_squeeze %dma_start3A_23 : memref<1x520x128xf32, #tpu.memory_space<hbm>> -> memref<520x128xf32, #tpu.memory_space<hbm>>
        %dma_start3A_25 = arith.constant 9480 : i32
        %dma_start3A_26 = arith.constant 0 : i32
        %dma_start3A_27 = tpu.memref_slice %arg14[%dma_start3A_25, %dma_start3A_26] : memref<10000x128xf32, #tpu.memory_space<vmem_shared>> -> memref<520x128xf32, #tpu.memory_space<vmem_shared>>
        tpu.enqueue_dma source(%dma_start3A_27 : memref<520x128xf32, #tpu.memory_space<vmem_shared>>) target(%dma_start3A_24 : memref<520x128xf32, #tpu.memory_space<hbm>>) target_semaphore(%run_scoped3A : memref<!tpu.dma_semaphore, #tpu.memory_space<semaphore_mem>>)
        %dma_wait3A = arith.constant 9480 : i32
        %dma_wait3A_28 = arith.constant 0 : i32
        %dma_wait3A_29 = tpu.memref_slice %arg7[%arg0, %dma_wait3A, %dma_wait3A_28] : memref<2x10000x128xf32, #tpu.memory_space<hbm>> -> memref<1x520x128xf32, #tpu.memory_space<hbm>>
        %dma_wait3A_30 = tpu.memref_squeeze %dma_wait3A_29 : memref<1x520x128xf32, #tpu.memory_space<hbm>> -> memref<520x128xf32, #tpu.memory_space<hbm>>
        %dma_wait3A_31 = arith.constant 9480 : i32
        %dma_wait3A_32 = arith.constant 0 : i32
        %dma_wait3A_33 = tpu.memref_slice %arg14[%dma_wait3A_31, %dma_wait3A_32] : memref<10000x128xf32, #tpu.memory_space<vmem_shared>> -> memref<520x128xf32, #tpu.memory_space<vmem_shared>>
        tpu.wait_dma2 semaphore(%run_scoped3A : memref<!tpu.dma_semaphore, #tpu.memory_space<semaphore_mem>>) src(%dma_wait3A_33 : memref<520x128xf32, #tpu.memory_space<vmem_shared>>) dst(%dma_wait3A_30 : memref<520x128xf32, #tpu.memory_space<hbm>>)
        tpu.yield
      }) : () -> ()
    } else {
    }
    return
  }
}

module attributes {stable_mosaic.version = 14 : i64} {
  func.func @_edge_mlp_body(%arg0: i32, %arg1: memref<2000x9xf32, #tpu.memory_space<vmem>>, %arg2: memref<9x256xf32, #tpu.memory_space<vmem>>, %arg3: memref<1x256xf32, #tpu.memory_space<vmem>>, %arg4: memref<256x256xf32, #tpu.memory_space<vmem>>, %arg5: memref<1x256xf32, #tpu.memory_space<vmem>>, %arg6: memref<2x2000x128xf32, #tpu.memory_space<vmem>>) attributes {dimension_semantics = [#tpu.dimension_semantics<arbitrary>], iteration_bounds = array<i64: 80>, scalar_prefetch = 0 : i64, scratch_operands = 0 : i64, tpu.core_type = #tpu.core_type<tc>, window_params = [{transform_indices = @transform_0, window_bounds = array<i64: 2000, 9>}, {pipeline_mode = #tpu.pipeline_mode<synchronous>, transform_indices = @transform_1, window_bounds = array<i64: 9, 256>}, {pipeline_mode = #tpu.pipeline_mode<synchronous>, transform_indices = @transform_2, window_bounds = array<i64: 1, 256>}, {pipeline_mode = #tpu.pipeline_mode<synchronous>, transform_indices = @transform_3, window_bounds = array<i64: 256, 256>}, {pipeline_mode = #tpu.pipeline_mode<synchronous>, transform_indices = @transform_4, window_bounds = array<i64: 1, 256>}, {transform_indices = @transform_5, window_bounds = array<i64: 2, 2000, 128>}]} {
    %get3A = arith.constant 0 : index
    %get3A_0 = arith.constant 0 : index
    %get3A_1 = vector.load %arg1[%get3A, %get3A_0] : memref<2000x9xf32, #tpu.memory_space<vmem>>, vector<2000x9xf32>
    %get3A_2 = arith.constant 0 : index
    %get3A_3 = arith.constant 0 : index
    %get3A_4 = vector.load %arg2[%get3A_2, %get3A_3] : memref<9x256xf32, #tpu.memory_space<vmem>>, vector<9x256xf32>
    %dot_general3A = arith.constant dense<0.000000e+00> : vector<2000x256xf32>
    %dot_general3A_5 = tpu.matmul %get3A_1, %get3A_4, %dot_general3A {dimension_numbers = #tpu.dot_dimension_numbers<[1], [0], [0], [1], [0, 0, 1, 1], [], []>, transpose_lhs_hint = false} : vector<2000x9xf32>, vector<9x256xf32>, vector<2000x256xf32> -> vector<2000x256xf32>
    %get3A_6 = arith.constant 0 : index
    %get3A_7 = arith.constant 0 : index
    %get3A_8 = vector.load %arg3[%get3A_6, %get3A_7] : memref<1x256xf32, #tpu.memory_space<vmem>>, vector<1x256xf32>
    %add3A = vector.broadcast %get3A_8 : vector<1x256xf32> to vector<2000x256xf32>
    %add3A_9 = arith.addf %dot_general3A_5, %add3A : vector<2000x256xf32>
    %max3A = arith.constant 0.000000e+00 : f32
    %max3A_10 = vector.broadcast %max3A : f32 to vector<2000x256xf32>
    %max3A_11 = arith.maximumf %add3A_9, %max3A_10 : vector<2000x256xf32>
    %convert_element_type3A = arith.truncf %max3A_11 : vector<2000x256xf32> to vector<2000x256xbf16>
    %get3A_12 = arith.constant 0 : index
    %get3A_13 = arith.constant 0 : index
    %get3A_14 = vector.load %arg4[%get3A_12, %get3A_13] : memref<256x256xf32, #tpu.memory_space<vmem>>, vector<256x256xf32>
    %convert_element_type3A_15 = arith.truncf %get3A_14 : vector<256x256xf32> to vector<256x256xbf16>
    %dot_general3A_16 = arith.constant dense<0.000000e+00> : vector<2000x256xf32>
    %dot_general3A_17 = tpu.matmul %convert_element_type3A, %convert_element_type3A_15, %dot_general3A_16 {dimension_numbers = #tpu.dot_dimension_numbers<[1], [0], [0], [1], [0, 0, 1, 1], [], []>, transpose_lhs_hint = false} : vector<2000x256xbf16>, vector<256x256xbf16>, vector<2000x256xf32> -> vector<2000x256xf32>
    %get3A_18 = arith.constant 0 : index
    %get3A_19 = arith.constant 0 : index
    %get3A_20 = vector.load %arg5[%get3A_18, %get3A_19] : memref<1x256xf32, #tpu.memory_space<vmem>>, vector<1x256xf32>
    %add3A_21 = vector.broadcast %get3A_20 : vector<1x256xf32> to vector<2000x256xf32>
    %add3A_22 = arith.addf %dot_general3A_17, %add3A_21 : vector<2000x256xf32>
    %slice3A = vector.extract_strided_slice %add3A_22 {offsets = [0, 0], sizes = [2000, 128], strides = [1, 1]} : vector<2000x256xf32> to vector<2000x128xf32>
    %swap3A = arith.constant 0 : index
    %swap3A_23 = arith.constant 0 : index
    %swap3A_24 = arith.constant 0 : index
    %swap3A_25 = vector.load %arg6[%swap3A, %swap3A_23, %swap3A_24] : memref<2x2000x128xf32, #tpu.memory_space<vmem>>, vector<1x2000x128xf32>
    %swap3A_26 = vector.shape_cast %swap3A_25 : vector<1x2000x128xf32> to vector<2000x128xf32>
    %swap3A_27 = vector.shape_cast %slice3A : vector<2000x128xf32> to vector<1x2000x128xf32>
    tpu.vector_store %arg6[%swap3A, %swap3A_23, %swap3A_24], %swap3A_27 {strides = array<i32>} : memref<2x2000x128xf32, #tpu.memory_space<vmem>>, vector<1x2000x128xf32>,
    %slice3A_28 = vector.extract_strided_slice %add3A_22 {offsets = [0, 128], sizes = [2000, 128], strides = [1, 1]} : vector<2000x256xf32> to vector<2000x128xf32>
    %swap3A_29 = arith.constant 1 : index
    %swap3A_30 = arith.constant 0 : index
    %swap3A_31 = arith.constant 0 : index
    %swap3A_32 = vector.load %arg6[%swap3A_29, %swap3A_30, %swap3A_31] : memref<2x2000x128xf32, #tpu.memory_space<vmem>>, vector<1x2000x128xf32>
    %swap3A_33 = vector.shape_cast %swap3A_32 : vector<1x2000x128xf32> to vector<2000x128xf32>
    %swap3A_34 = vector.shape_cast %slice3A_28 : vector<2000x128xf32> to vector<1x2000x128xf32>
    tpu.vector_store %arg6[%swap3A_29, %swap3A_30, %swap3A_31], %swap3A_34 {strides = array<i32>} : memref<2x2000x128xf32, #tpu.memory_space<vmem>>, vector<1x2000x128xf32>,
    return
  }
  func.func @transform_0(%arg0: i32) -> (i32, i32) {
    %c0_i32 = arith.constant 0 : i32
    %c0_i32_0 = arith.constant 0 : i32
    return %arg0, %c0_i32 : i32, i32
  }
  func.func @transform_1(%arg0: i32) -> (i32, i32) {
    %c0_i32 = arith.constant 0 : i32
    %c0_i32_0 = arith.constant 0 : i32
    %c0_i32_1 = arith.constant 0 : i32
    return %c0_i32, %c0_i32_0 : i32, i32
  }
  func.func @transform_2(%arg0: i32) -> (i32, i32) {
    %c0_i32 = arith.constant 0 : i32
    %c0_i32_0 = arith.constant 0 : i32
    %c0_i32_1 = arith.constant 0 : i32
    return %c0_i32, %c0_i32_0 : i32, i32
  }
  func.func @transform_3(%arg0: i32) -> (i32, i32) {
    %c0_i32 = arith.constant 0 : i32
    %c0_i32_0 = arith.constant 0 : i32
    %c0_i32_1 = arith.constant 0 : i32
    return %c0_i32, %c0_i32_0 : i32, i32
  }
  func.func @transform_4(%arg0: i32) -> (i32, i32) {
    %c0_i32 = arith.constant 0 : i32
    %c0_i32_0 = arith.constant 0 : i32
    %c0_i32_1 = arith.constant 0 : i32
    return %c0_i32, %c0_i32_0 : i32, i32
  }
  func.func @transform_5(%arg0: i32) -> (i32, i32, i32) {
    %c0_i32 = arith.constant 0 : i32
    %c0_i32_0 = arith.constant 0 : i32
    %c0_i32_1 = arith.constant 0 : i32
    return %c0_i32, %arg0, %c0_i32_0 : i32, i32, i32
  }
}

module attributes {stable_mosaic.version = 14 : i64} {
  func.func @_node_mlp_body(%arg0: i32, %arg1: memref<400x512xf32, #tpu.memory_space<vmem>>, %arg2: memref<512x256xf32, #tpu.memory_space<vmem>>, %arg3: memref<1x256xf32, #tpu.memory_space<vmem>>, %arg4: memref<256x256xf32, #tpu.memory_space<vmem>>, %arg5: memref<1x256xf32, #tpu.memory_space<vmem>>, %arg6: memref<2x400x128xf32, #tpu.memory_space<vmem>>) attributes {dimension_semantics = [#tpu.dimension_semantics<arbitrary>], iteration_bounds = array<i64: 25>, scalar_prefetch = 0 : i64, scratch_operands = 0 : i64, tpu.core_type = #tpu.core_type<tc>, window_params = [{transform_indices = @transform_0, window_bounds = array<i64: 400, 512>}, {pipeline_mode = #tpu.pipeline_mode<synchronous>, transform_indices = @transform_1, window_bounds = array<i64: 512, 256>}, {pipeline_mode = #tpu.pipeline_mode<synchronous>, transform_indices = @transform_2, window_bounds = array<i64: 1, 256>}, {pipeline_mode = #tpu.pipeline_mode<synchronous>, transform_indices = @transform_3, window_bounds = array<i64: 256, 256>}, {pipeline_mode = #tpu.pipeline_mode<synchronous>, transform_indices = @transform_4, window_bounds = array<i64: 1, 256>}, {transform_indices = @transform_5, window_bounds = array<i64: 2, 400, 128>}]} {
    %get3A = arith.constant 0 : index
    %get3A_0 = arith.constant 0 : index
    %get3A_1 = vector.load %arg1[%get3A, %get3A_0] : memref<400x512xf32, #tpu.memory_space<vmem>>, vector<400x512xf32>
    %convert_element_type3A = arith.truncf %get3A_1 : vector<400x512xf32> to vector<400x512xbf16>
    %get3A_2 = arith.constant 0 : index
    %get3A_3 = arith.constant 0 : index
    %get3A_4 = vector.load %arg2[%get3A_2, %get3A_3] : memref<512x256xf32, #tpu.memory_space<vmem>>, vector<512x256xf32>
    %convert_element_type3A_5 = arith.truncf %get3A_4 : vector<512x256xf32> to vector<512x256xbf16>
    %dot_general3A = arith.constant dense<0.000000e+00> : vector<400x256xf32>
    %dot_general3A_6 = tpu.matmul %convert_element_type3A, %convert_element_type3A_5, %dot_general3A {dimension_numbers = #tpu.dot_dimension_numbers<[1], [0], [0], [1], [0, 0, 1, 1], [], []>, transpose_lhs_hint = false} : vector<400x512xbf16>, vector<512x256xbf16>, vector<400x256xf32> -> vector<400x256xf32>
    %get3A_7 = arith.constant 0 : index
    %get3A_8 = arith.constant 0 : index
    %get3A_9 = vector.load %arg3[%get3A_7, %get3A_8] : memref<1x256xf32, #tpu.memory_space<vmem>>, vector<1x256xf32>
    %add3A = vector.broadcast %get3A_9 : vector<1x256xf32> to vector<400x256xf32>
    %add3A_10 = arith.addf %dot_general3A_6, %add3A : vector<400x256xf32>
    %max3A = arith.constant 0.000000e+00 : f32
    %max3A_11 = vector.broadcast %max3A : f32 to vector<400x256xf32>
    %max3A_12 = arith.maximumf %add3A_10, %max3A_11 : vector<400x256xf32>
    %convert_element_type3A_13 = arith.truncf %max3A_12 : vector<400x256xf32> to vector<400x256xbf16>
    %get3A_14 = arith.constant 0 : index
    %get3A_15 = arith.constant 0 : index
    %get3A_16 = vector.load %arg4[%get3A_14, %get3A_15] : memref<256x256xf32, #tpu.memory_space<vmem>>, vector<256x256xf32>
    %convert_element_type3A_17 = arith.truncf %get3A_16 : vector<256x256xf32> to vector<256x256xbf16>
    %dot_general3A_18 = arith.constant dense<0.000000e+00> : vector<400x256xf32>
    %dot_general3A_19 = tpu.matmul %convert_element_type3A_13, %convert_element_type3A_17, %dot_general3A_18 {dimension_numbers = #tpu.dot_dimension_numbers<[1], [0], [0], [1], [0, 0, 1, 1], [], []>, transpose_lhs_hint = false} : vector<400x256xbf16>, vector<256x256xbf16>, vector<400x256xf32> -> vector<400x256xf32>
    %get3A_20 = arith.constant 0 : index
    %get3A_21 = arith.constant 0 : index
    %get3A_22 = vector.load %arg5[%get3A_20, %get3A_21] : memref<1x256xf32, #tpu.memory_space<vmem>>, vector<1x256xf32>
    %add3A_23 = vector.broadcast %get3A_22 : vector<1x256xf32> to vector<400x256xf32>
    %add3A_24 = arith.addf %dot_general3A_19, %add3A_23 : vector<400x256xf32>
    %slice3A = vector.extract_strided_slice %add3A_24 {offsets = [0, 0], sizes = [400, 128], strides = [1, 1]} : vector<400x256xf32> to vector<400x128xf32>
    %swap3A = arith.constant 0 : index
    %swap3A_25 = arith.constant 0 : index
    %swap3A_26 = arith.constant 0 : index
    %swap3A_27 = vector.load %arg6[%swap3A, %swap3A_25, %swap3A_26] : memref<2x400x128xf32, #tpu.memory_space<vmem>>, vector<1x400x128xf32>
    %swap3A_28 = vector.shape_cast %swap3A_27 : vector<1x400x128xf32> to vector<400x128xf32>
    %swap3A_29 = vector.shape_cast %slice3A : vector<400x128xf32> to vector<1x400x128xf32>
    tpu.vector_store %arg6[%swap3A, %swap3A_25, %swap3A_26], %swap3A_29 {strides = array<i32>} : memref<2x400x128xf32, #tpu.memory_space<vmem>>, vector<1x400x128xf32>,
    %slice3A_30 = vector.extract_strided_slice %add3A_24 {offsets = [0, 128], sizes = [400, 128], strides = [1, 1]} : vector<400x256xf32> to vector<400x128xf32>
    %swap3A_31 = arith.constant 1 : index
    %swap3A_32 = arith.constant 0 : index
    %swap3A_33 = arith.constant 0 : index
    %swap3A_34 = vector.load %arg6[%swap3A_31, %swap3A_32, %swap3A_33] : memref<2x400x128xf32, #tpu.memory_space<vmem>>, vector<1x400x128xf32>
    %swap3A_35 = vector.shape_cast %swap3A_34 : vector<1x400x128xf32> to vector<400x128xf32>
    %swap3A_36 = vector.shape_cast %slice3A_30 : vector<400x128xf32> to vector<1x400x128xf32>
    tpu.vector_store %arg6[%swap3A_31, %swap3A_32, %swap3A_33], %swap3A_36 {strides = array<i32>} : memref<2x400x128xf32, #tpu.memory_space<vmem>>, vector<1x400x128xf32>,
    return
  }
  func.func @transform_0(%arg0: i32) -> (i32, i32) {
    %c0_i32 = arith.constant 0 : i32
    %c0_i32_0 = arith.constant 0 : i32
    return %arg0, %c0_i32 : i32, i32
  }
  func.func @transform_1(%arg0: i32) -> (i32, i32) {
    %c0_i32 = arith.constant 0 : i32
    %c0_i32_0 = arith.constant 0 : i32
    %c0_i32_1 = arith.constant 0 : i32
    return %c0_i32, %c0_i32_0 : i32, i32
  }
  func.func @transform_2(%arg0: i32) -> (i32, i32) {
    %c0_i32 = arith.constant 0 : i32
    %c0_i32_0 = arith.constant 0 : i32
    %c0_i32_1 = arith.constant 0 : i32
    return %c0_i32, %c0_i32_0 : i32, i32
  }
  func.func @transform_3(%arg0: i32) -> (i32, i32) {
    %c0_i32 = arith.constant 0 : i32
    %c0_i32_0 = arith.constant 0 : i32
    %c0_i32_1 = arith.constant 0 : i32
    return %c0_i32, %c0_i32_0 : i32, i32
  }
  func.func @transform_4(%arg0: i32) -> (i32, i32) {
    %c0_i32 = arith.constant 0 : i32
    %c0_i32_0 = arith.constant 0 : i32
    %c0_i32_1 = arith.constant 0 : i32
    return %c0_i32, %c0_i32_0 : i32, i32
  }
  func.func @transform_5(%arg0: i32) -> (i32, i32, i32) {
    %c0_i32 = arith.constant 0 : i32
    %c0_i32_0 = arith.constant 0 : i32
    %c0_i32_1 = arith.constant 0 : i32
    return %c0_i32, %arg0, %c0_i32_0 : i32, i32, i32
  }
}

module attributes {stable_mosaic.version = 14 : i64} {
  func.func @_layer_body(%arg0: i32, %arg1: memref<2x400x128xf32, #tpu.memory_space<vmem>>, %arg2: memref<2x400x128xf32, #tpu.memory_space<vmem>>, %arg3: memref<256x256xf32, #tpu.memory_space<vmem>>, %arg4: memref<1x256xf32, #tpu.memory_space<vmem>>, %arg5: memref<2x400x128xf32, #tpu.memory_space<vmem>>) attributes {dimension_semantics = [#tpu.dimension_semantics<arbitrary>], iteration_bounds = array<i64: 25>, scalar_prefetch = 0 : i64, scratch_operands = 0 : i64, tpu.core_type = #tpu.core_type<tc>, window_params = [{transform_indices = @transform_0, window_bounds = array<i64: 2, 400, 128>}, {transform_indices = @transform_1, window_bounds = array<i64: 2, 400, 128>}, {pipeline_mode = #tpu.pipeline_mode<synchronous>, transform_indices = @transform_2, window_bounds = array<i64: 256, 256>}, {pipeline_mode = #tpu.pipeline_mode<synchronous>, transform_indices = @transform_3, window_bounds = array<i64: 1, 256>}, {transform_indices = @transform_4, window_bounds = array<i64: 2, 400, 128>}]} {
    %get3A = arith.constant 0 : index
    %get3A_0 = arith.constant 0 : index
    %get3A_1 = arith.constant 0 : index
    %get3A_2 = vector.load %arg1[%get3A, %get3A_0, %get3A_1] : memref<2x400x128xf32, #tpu.memory_space<vmem>>, vector<1x400x128xf32>
    %get3A_3 = vector.shape_cast %get3A_2 : vector<1x400x128xf32> to vector<400x128xf32>
    %get3A_4 = arith.constant 0 : index
    %get3A_5 = arith.constant 0 : index
    %get3A_6 = arith.constant 0 : index
    %get3A_7 = vector.load %arg2[%get3A_4, %get3A_5, %get3A_6] : memref<2x400x128xf32, #tpu.memory_space<vmem>>, vector<1x400x128xf32>
    %get3A_8 = vector.shape_cast %get3A_7 : vector<1x400x128xf32> to vector<400x128xf32>
    %add3A = arith.addf %get3A_3, %get3A_8 : vector<400x128xf32>
    %get3A_9 = arith.constant 1 : index
    %get3A_10 = arith.constant 0 : index
    %get3A_11 = arith.constant 0 : index
    %get3A_12 = vector.load %arg1[%get3A_9, %get3A_10, %get3A_11] : memref<2x400x128xf32, #tpu.memory_space<vmem>>, vector<1x400x128xf32>
    %get3A_13 = vector.shape_cast %get3A_12 : vector<1x400x128xf32> to vector<400x128xf32>
    %get3A_14 = arith.constant 1 : index
    %get3A_15 = arith.constant 0 : index
    %get3A_16 = arith.constant 0 : index
    %get3A_17 = vector.load %arg2[%get3A_14, %get3A_15, %get3A_16] : memref<2x400x128xf32, #tpu.memory_space<vmem>>, vector<1x400x128xf32>
    %get3A_18 = vector.shape_cast %get3A_17 : vector<1x400x128xf32> to vector<400x128xf32>
    %add3A_19 = arith.addf %get3A_13, %get3A_18 : vector<400x128xf32>
    %get3A_20 = arith.constant 0 : index
    %get3A_21 = arith.constant 0 : index
    %get3A_22 = vector.load %arg3[%get3A_20, %get3A_21] : memref<256x256xf32, #tpu.memory_space<vmem>>, vector<128x256xf32>
    %dot_general3A = arith.constant dense<0.000000e+00> : vector<400x256xf32>
    %dot_general3A_23 = tpu.matmul %add3A, %get3A_22, %dot_general3A {dimension_numbers = #tpu.dot_dimension_numbers<[1], [0], [0], [1], [0, 0, 1, 1], [], []>, transpose_lhs_hint = false} : vector<400x128xf32>, vector<128x256xf32>, vector<400x256xf32> -> vector<400x256xf32>
    %get3A_24 = arith.constant 128 : index
    %get3A_25 = arith.constant 0 : index
    %get3A_26 = vector.load %arg3[%get3A_24, %get3A_25] : memref<256x256xf32, #tpu.memory_space<vmem>>, vector<128x256xf32>
    %dot_general3A_27 = arith.constant dense<0.000000e+00> : vector<400x256xf32>
    %dot_general3A_28 = tpu.matmul %add3A_19, %get3A_26, %dot_general3A_27 {dimension_numbers = #tpu.dot_dimension_numbers<[1], [0], [0], [1], [0, 0, 1, 1], [], []>, transpose_lhs_hint = false} : vector<400x128xf32>, vector<128x256xf32>, vector<400x256xf32> -> vector<400x256xf32>
    %add3A_29 = arith.addf %dot_general3A_23, %dot_general3A_28 : vector<400x256xf32>
    %get3A_30 = arith.constant 0 : index
    %get3A_31 = arith.constant 0 : index
    %get3A_32 = vector.load %arg4[%get3A_30, %get3A_31] : memref<1x256xf32, #tpu.memory_space<vmem>>, vector<1x256xf32>
    %add3A_33 = vector.broadcast %get3A_32 : vector<1x256xf32> to vector<400x256xf32>
    %add3A_34 = arith.addf %add3A_29, %add3A_33 : vector<400x256xf32>
    %max3A = arith.constant 0.000000e+00 : f32
    %max3A_35 = vector.broadcast %max3A : f32 to vector<400x256xf32>
    %max3A_36 = arith.maximumf %add3A_34, %max3A_35 : vector<400x256xf32>
    %slice3A = vector.extract_strided_slice %max3A_36 {offsets = [0, 0], sizes = [400, 128], strides = [1, 1]} : vector<400x256xf32> to vector<400x128xf32>
    %swap3A = arith.constant 0 : index
    %swap3A_37 = arith.constant 0 : index
    %swap3A_38 = arith.constant 0 : index
    %swap3A_39 = vector.load %arg5[%swap3A, %swap3A_37, %swap3A_38] : memref<2x400x128xf32, #tpu.memory_space<vmem>>, vector<1x400x128xf32>
    %swap3A_40 = vector.shape_cast %swap3A_39 : vector<1x400x128xf32> to vector<400x128xf32>
    %swap3A_41 = vector.shape_cast %slice3A : vector<400x128xf32> to vector<1x400x128xf32>
    tpu.vector_store %arg5[%swap3A, %swap3A_37, %swap3A_38], %swap3A_41 {strides = array<i32>} : memref<2x400x128xf32, #tpu.memory_space<vmem>>, vector<1x400x128xf32>,
    %slice3A_42 = vector.extract_strided_slice %max3A_36 {offsets = [0, 128], sizes = [400, 128], strides = [1, 1]} : vector<400x256xf32> to vector<400x128xf32>
    %swap3A_43 = arith.constant 1 : index
    %swap3A_44 = arith.constant 0 : index
    %swap3A_45 = arith.constant 0 : index
    %swap3A_46 = vector.load %arg5[%swap3A_43, %swap3A_44, %swap3A_45] : memref<2x400x128xf32, #tpu.memory_space<vmem>>, vector<1x400x128xf32>
    %swap3A_47 = vector.shape_cast %swap3A_46 : vector<1x400x128xf32> to vector<400x128xf32>
    %swap3A_48 = vector.shape_cast %slice3A_42 : vector<400x128xf32> to vector<1x400x128xf32>
    tpu.vector_store %arg5[%swap3A_43, %swap3A_44, %swap3A_45], %swap3A_48 {strides = array<i32>} : memref<2x400x128xf32, #tpu.memory_space<vmem>>, vector<1x400x128xf32>,
    return
  }
  func.func @transform_0(%arg0: i32) -> (i32, i32, i32) {
    %c0_i32 = arith.constant 0 : i32
    %c0_i32_0 = arith.constant 0 : i32
    %c0_i32_1 = arith.constant 0 : i32
    return %c0_i32, %arg0, %c0_i32_0 : i32, i32, i32
  }
  func.func @transform_1(%arg0: i32) -> (i32, i32, i32) {
    %c0_i32 = arith.constant 0 : i32
    %c0_i32_0 = arith.constant 0 : i32
    %c0_i32_1 = arith.constant 0 : i32
    return %c0_i32, %arg0, %c0_i32_0 : i32, i32, i32
  }
  func.func @transform_2(%arg0: i32) -> (i32, i32) {
    %c0_i32 = arith.constant 0 : i32
    %c0_i32_0 = arith.constant 0 : i32
    %c0_i32_1 = arith.constant 0 : i32
    return %c0_i32, %c0_i32_0 : i32, i32
  }
  func.func @transform_3(%arg0: i32) -> (i32, i32) {
    %c0_i32 = arith.constant 0 : i32
    %c0_i32_0 = arith.constant 0 : i32
    %c0_i32_1 = arith.constant 0 : i32
    return %c0_i32, %c0_i32_0 : i32, i32
  }
  func.func @transform_4(%arg0: i32) -> (i32, i32, i32) {
    %c0_i32 = arith.constant 0 : i32
    %c0_i32_0 = arith.constant 0 : i32
    %c0_i32_1 = arith.constant 0 : i32
    return %c0_i32, %arg0, %c0_i32_0 : i32, i32, i32
  }
}

module attributes {stable_mosaic.version = 14 : i64} {
  func.func @_layer2_body(%arg0: i32, %arg1: memref<2x400x128xf32, #tpu.memory_space<vmem>>, %arg2: memref<2x400x128xf32, #tpu.memory_space<vmem>>, %arg3: memref<256x256xf32, #tpu.memory_space<vmem>>, %arg4: memref<1x256xf32, #tpu.memory_space<vmem>>, %arg5: memref<256x128xf32, #tpu.memory_space<vmem>>, %arg6: memref<1x128xf32, #tpu.memory_space<vmem>>, %arg7: memref<2x400x128xf32, #tpu.memory_space<vmem>>, %arg8: memref<400x128xf32, #tpu.memory_space<vmem>>) attributes {dimension_semantics = [#tpu.dimension_semantics<arbitrary>], iteration_bounds = array<i64: 25>, scalar_prefetch = 0 : i64, scratch_operands = 0 : i64, tpu.core_type = #tpu.core_type<tc>, window_params = [{transform_indices = @transform_0, window_bounds = array<i64: 2, 400, 128>}, {transform_indices = @transform_1, window_bounds = array<i64: 2, 400, 128>}, {pipeline_mode = #tpu.pipeline_mode<synchronous>, transform_indices = @transform_2, window_bounds = array<i64: 256, 256>}, {pipeline_mode = #tpu.pipeline_mode<synchronous>, transform_indices = @transform_3, window_bounds = array<i64: 1, 256>}, {pipeline_mode = #tpu.pipeline_mode<synchronous>, transform_indices = @transform_4, window_bounds = array<i64: 256, 128>}, {pipeline_mode = #tpu.pipeline_mode<synchronous>, transform_indices = @transform_5, window_bounds = array<i64: 1, 128>}, {transform_indices = @transform_6, window_bounds = array<i64: 2, 400, 128>}, {transform_indices = @transform_7, window_bounds = array<i64: 400, 128>}]} {
    %get3A = arith.constant 0 : index
    %get3A_0 = arith.constant 0 : index
    %get3A_1 = arith.constant 0 : index
    %get3A_2 = vector.load %arg1[%get3A, %get3A_0, %get3A_1] : memref<2x400x128xf32, #tpu.memory_space<vmem>>, vector<1x400x128xf32>
    %get3A_3 = vector.shape_cast %get3A_2 : vector<1x400x128xf32> to vector<400x128xf32>
    %get3A_4 = arith.constant 0 : index
    %get3A_5 = arith.constant 0 : index
    %get3A_6 = arith.constant 0 : index
    %get3A_7 = vector.load %arg2[%get3A_4, %get3A_5, %get3A_6] : memref<2x400x128xf32, #tpu.memory_space<vmem>>, vector<1x400x128xf32>
    %get3A_8 = vector.shape_cast %get3A_7 : vector<1x400x128xf32> to vector<400x128xf32>
    %add3A = arith.addf %get3A_3, %get3A_8 : vector<400x128xf32>
    %get3A_9 = arith.constant 1 : index
    %get3A_10 = arith.constant 0 : index
    %get3A_11 = arith.constant 0 : index
    %get3A_12 = vector.load %arg1[%get3A_9, %get3A_10, %get3A_11] : memref<2x400x128xf32, #tpu.memory_space<vmem>>, vector<1x400x128xf32>
    %get3A_13 = vector.shape_cast %get3A_12 : vector<1x400x128xf32> to vector<400x128xf32>
    %get3A_14 = arith.constant 1 : index
    %get3A_15 = arith.constant 0 : index
    %get3A_16 = arith.constant 0 : index
    %get3A_17 = vector.load %arg2[%get3A_14, %get3A_15, %get3A_16] : memref<2x400x128xf32, #tpu.memory_space<vmem>>, vector<1x400x128xf32>
    %get3A_18 = vector.shape_cast %get3A_17 : vector<1x400x128xf32> to vector<400x128xf32>
    %add3A_19 = arith.addf %get3A_13, %get3A_18 : vector<400x128xf32>
    %get3A_20 = arith.constant 0 : index
    %get3A_21 = arith.constant 0 : index
    %get3A_22 = vector.load %arg3[%get3A_20, %get3A_21] : memref<256x256xf32, #tpu.memory_space<vmem>>, vector<128x256xf32>
    %dot_general3A = arith.constant dense<0.000000e+00> : vector<400x256xf32>
    %dot_general3A_23 = tpu.matmul %add3A, %get3A_22, %dot_general3A {dimension_numbers = #tpu.dot_dimension_numbers<[1], [0], [0], [1], [0, 0, 1, 1], [], []>, transpose_lhs_hint = false} : vector<400x128xf32>, vector<128x256xf32>, vector<400x256xf32> -> vector<400x256xf32>
    %get3A_24 = arith.constant 128 : index
    %get3A_25 = arith.constant 0 : index
    %get3A_26 = vector.load %arg3[%get3A_24, %get3A_25] : memref<256x256xf32, #tpu.memory_space<vmem>>, vector<128x256xf32>
    %dot_general3A_27 = arith.constant dense<0.000000e+00> : vector<400x256xf32>
    %dot_general3A_28 = tpu.matmul %add3A_19, %get3A_26, %dot_general3A_27 {dimension_numbers = #tpu.dot_dimension_numbers<[1], [0], [0], [1], [0, 0, 1, 1], [], []>, transpose_lhs_hint = false} : vector<400x128xf32>, vector<128x256xf32>, vector<400x256xf32> -> vector<400x256xf32>
    %add3A_29 = arith.addf %dot_general3A_23, %dot_general3A_28 : vector<400x256xf32>
    %get3A_30 = arith.constant 0 : index
    %get3A_31 = arith.constant 0 : index
    %get3A_32 = vector.load %arg4[%get3A_30, %get3A_31] : memref<1x256xf32, #tpu.memory_space<vmem>>, vector<1x256xf32>
    %add3A_33 = vector.broadcast %get3A_32 : vector<1x256xf32> to vector<400x256xf32>
    %add3A_34 = arith.addf %add3A_29, %add3A_33 : vector<400x256xf32>
    %max3A = arith.constant 0.000000e+00 : f32
    %max3A_35 = vector.broadcast %max3A : f32 to vector<400x256xf32>
    %max3A_36 = arith.maximumf %add3A_34, %max3A_35 : vector<400x256xf32>
    %slice3A = vector.extract_strided_slice %max3A_36 {offsets = [0, 0], sizes = [400, 128], strides = [1, 1]} : vector<400x256xf32> to vector<400x128xf32>
    %swap3A = arith.constant 0 : index
    %swap3A_37 = arith.constant 0 : index
    %swap3A_38 = arith.constant 0 : index
    %swap3A_39 = vector.load %arg7[%swap3A, %swap3A_37, %swap3A_38] : memref<2x400x128xf32, #tpu.memory_space<vmem>>, vector<1x400x128xf32>
    %swap3A_40 = vector.shape_cast %swap3A_39 : vector<1x400x128xf32> to vector<400x128xf32>
    %swap3A_41 = vector.shape_cast %slice3A : vector<400x128xf32> to vector<1x400x128xf32>
    tpu.vector_store %arg7[%swap3A, %swap3A_37, %swap3A_38], %swap3A_41 {strides = array<i32>} : memref<2x400x128xf32, #tpu.memory_space<vmem>>, vector<1x400x128xf32>,
    %slice3A_42 = vector.extract_strided_slice %max3A_36 {offsets = [0, 128], sizes = [400, 128], strides = [1, 1]} : vector<400x256xf32> to vector<400x128xf32>
    %swap3A_43 = arith.constant 1 : index
    %swap3A_44 = arith.constant 0 : index
    %swap3A_45 = arith.constant 0 : index
    %swap3A_46 = vector.load %arg7[%swap3A_43, %swap3A_44, %swap3A_45] : memref<2x400x128xf32, #tpu.memory_space<vmem>>, vector<1x400x128xf32>
    %swap3A_47 = vector.shape_cast %swap3A_46 : vector<1x400x128xf32> to vector<400x128xf32>
    %swap3A_48 = vector.shape_cast %slice3A_42 : vector<400x128xf32> to vector<1x400x128xf32>
    tpu.vector_store %arg7[%swap3A_43, %swap3A_44, %swap3A_45], %swap3A_48 {strides = array<i32>} : memref<2x400x128xf32, #tpu.memory_space<vmem>>, vector<1x400x128xf32>,
    %get3A_49 = arith.constant 0 : index
    %get3A_50 = arith.constant 0 : index
    %get3A_51 = vector.load %arg5[%get3A_49, %get3A_50] : memref<256x128xf32, #tpu.memory_space<vmem>>, vector<256x128xf32>
    %dot_general3A_52 = arith.constant dense<0.000000e+00> : vector<400x128xf32>
    %dot_general3A_53 = tpu.matmul %max3A_36, %get3A_51, %dot_general3A_52 {dimension_numbers = #tpu.dot_dimension_numbers<[1], [0], [0], [1], [0, 0, 1, 1], [], []>, transpose_lhs_hint = false} : vector<400x256xf32>, vector<256x128xf32>, vector<400x128xf32> -> vector<400x128xf32>
    %get3A_54 = arith.constant 0 : index
    %get3A_55 = arith.constant 0 : index
    %get3A_56 = vector.load %arg6[%get3A_54, %get3A_55] : memref<1x128xf32, #tpu.memory_space<vmem>>, vector<1x128xf32>
    %add3A_57 = vector.broadcast %get3A_56 : vector<1x128xf32> to vector<400x128xf32>
    %add3A_58 = arith.addf %dot_general3A_53, %add3A_57 : vector<400x128xf32>
    %swap3A_59 = arith.constant 0 : index
    %swap3A_60 = arith.constant 0 : index
    %swap3A_61 = vector.load %arg8[%swap3A_59, %swap3A_60] : memref<400x128xf32, #tpu.memory_space<vmem>>, vector<400x128xf32>
    tpu.vector_store %arg8[%swap3A_59, %swap3A_60], %add3A_58 {strides = array<i32>} : memref<400x128xf32, #tpu.memory_space<vmem>>, vector<400x128xf32>,
    return
  }
  func.func @transform_0(%arg0: i32) -> (i32, i32, i32) {
    %c0_i32 = arith.constant 0 : i32
    %c0_i32_0 = arith.constant 0 : i32
    %c0_i32_1 = arith.constant 0 : i32
    return %c0_i32, %arg0, %c0_i32_0 : i32, i32, i32
  }
  func.func @transform_1(%arg0: i32) -> (i32, i32, i32) {
    %c0_i32 = arith.constant 0 : i32
    %c0_i32_0 = arith.constant 0 : i32
    %c0_i32_1 = arith.constant 0 : i32
    return %c0_i32, %arg0, %c0_i32_0 : i32, i32, i32
  }
  func.func @transform_2(%arg0: i32) -> (i32, i32) {
    %c0_i32 = arith.constant 0 : i32
    %c0_i32_0 = arith.constant 0 : i32
    %c0_i32_1 = arith.constant 0 : i32
    return %c0_i32, %c0_i32_0 : i32, i32
  }
  func.func @transform_3(%arg0: i32) -> (i32, i32) {
    %c0_i32 = arith.constant 0 : i32
    %c0_i32_0 = arith.constant 0 : i32
    %c0_i32_1 = arith.constant 0 : i32
    return %c0_i32, %c0_i32_0 : i32, i32
  }
  func.func @transform_4(%arg0: i32) -> (i32, i32) {
    %c0_i32 = arith.constant 0 : i32
    %c0_i32_0 = arith.constant 0 : i32
    %c0_i32_1 = arith.constant 0 : i32
    return %c0_i32, %c0_i32_0 : i32, i32
  }
  func.func @transform_5(%arg0: i32) -> (i32, i32) {
    %c0_i32 = arith.constant 0 : i32
    %c0_i32_0 = arith.constant 0 : i32
    %c0_i32_1 = arith.constant 0 : i32
    return %c0_i32, %c0_i32_0 : i32, i32
  }
  func.func @transform_6(%arg0: i32) -> (i32, i32, i32) {
    %c0_i32 = arith.constant 0 : i32
    %c0_i32_0 = arith.constant 0 : i32
    %c0_i32_1 = arith.constant 0 : i32
    return %c0_i32, %arg0, %c0_i32_0 : i32, i32, i32
  }
  func.func @transform_7(%arg0: i32) -> (i32, i32) {
    %c0_i32 = arith.constant 0 : i32
    %c0_i32_0 = arith.constant 0 : i32
    return %arg0, %c0_i32 : i32, i32
  }
}

module attributes {stable_mosaic.version = 14 : i64} {
  func.func @_counts_body(%arg0: i32, %arg1: memref<200x1xi32, #tpu.memory_space<vmem>>, %arg2: memref<200x1xi32, #tpu.memory_space<vmem>>, %arg3: memref<1x2000xf32, #tpu.memory_space<vmem>>, %arg4: memref<1x32xf32, #tpu.memory_space<vmem>>) attributes {dimension_semantics = [#tpu.dimension_semantics<arbitrary>], iteration_bounds = array<i64: 50>, scalar_prefetch = 0 : i64, scratch_operands = 0 : i64, tpu.core_type = #tpu.core_type<tc>, window_params = [{transform_indices = @transform_0, window_bounds = array<i64: 200, 1>}, {transform_indices = @transform_1, window_bounds = array<i64: 200, 1>}, {pipeline_mode = #tpu.pipeline_mode<synchronous>, transform_indices = @transform_2, window_bounds = array<i64: 1, 2000>}, {pipeline_mode = #tpu.pipeline_mode<synchronous>, transform_indices = @transform_3, window_bounds = array<i64: 1, 32>}]} {
    %get3A = arith.constant 0 : index
    %get3A_0 = arith.constant 0 : index
    %get3A_1 = vector.load %arg1[%get3A, %get3A_0] : memref<200x1xi32, #tpu.memory_space<vmem>>, vector<200x1xi32>
    %iota3A = tpu.iota {dimensions = array<i32: 1>} : vector<200x2000xi32>
    %eq3A = vector.broadcast %get3A_1 : vector<200x1xi32> to vector<200x2000xi32>
    %eq3A_2 = arith.cmpi eq, %eq3A, %iota3A : vector<200x2000xi32>
    %convert_element_type3A = arith.extui %eq3A_2 : vector<200x2000xi1> to vector<200x2000xi32>
    %convert_element_type3A_3 = arith.sitofp %convert_element_type3A : vector<200x2000xi32> to vector<200x2000xf32>
    %get3A_4 = arith.constant 0 : index
    %get3A_5 = arith.constant 0 : index
    %get3A_6 = vector.load %arg2[%get3A_4, %get3A_5] : memref<200x1xi32, #tpu.memory_space<vmem>>, vector<200x1xi32>
    %iota3A_7 = tpu.iota {dimensions = array<i32: 1>} : vector<200x32xi32>
    %eq3A_8 = vector.broadcast %get3A_6 : vector<200x1xi32> to vector<200x32xi32>
    %eq3A_9 = arith.cmpi eq, %eq3A_8, %iota3A_7 : vector<200x32xi32>
    %convert_element_type3A_10 = arith.extui %eq3A_9 : vector<200x32xi1> to vector<200x32xi32>
    %convert_element_type3A_11 = arith.sitofp %convert_element_type3A_10 : vector<200x32xi32> to vector<200x32xf32>
    %reduce_sum3A = arith.constant dense<0.000000e+00> : vector<2000xf32>
    %reduce_sum3A_12 = vector.multi_reduction <add>, %convert_element_type3A_3, %reduce_sum3A [0] : vector<200x2000xf32> to vector<2000xf32>
    %broadcast_in_dim3A = vector.shape_cast %reduce_sum3A_12 : vector<2000xf32> to vector<1x2000xf32>
    %reduce_sum3A_13 = arith.constant dense<0.000000e+00> : vector<32xf32>
    %reduce_sum3A_14 = vector.multi_reduction <add>, %convert_element_type3A_11, %reduce_sum3A_13 [0] : vector<200x32xf32> to vector<32xf32>
    %broadcast_in_dim3A_15 = vector.shape_cast %reduce_sum3A_14 : vector<32xf32> to vector<1x32xf32>
    %eq3A_16 = arith.constant 0 : i32
    %eq3A_17 = arith.cmpi eq, %arg0, %eq3A_16 : i32
    %convert_element_type3A_18 = arith.extui %eq3A_17 : i1 to i32
    %cond3A = arith.constant 0 : i32
    %cond3A_19 = arith.cmpi ne, %convert_element_type3A_18, %cond3A : i32
    scf.if %cond3A_19 {
      %swap3A = arith.constant 0 : index
      %swap3A_24 = arith.constant 0 : index
      %swap3A_25 = vector.load %arg3[%swap3A, %swap3A_24] : memref<1x2000xf32, #tpu.memory_space<vmem>>, vector<1x2000xf32>
      tpu.vector_store %arg3[%swap3A, %swap3A_24], %broadcast_in_dim3A {strides = array<i32>} : memref<1x2000xf32, #tpu.memory_space<vmem>>, vector<1x2000xf32>,
      %swap3A_26 = arith.constant 0 : index
      %swap3A_27 = arith.constant 0 : index
      %swap3A_28 = vector.load %arg4[%swap3A_26, %swap3A_27] : memref<1x32xf32, #tpu.memory_space<vmem>>, vector<1x32xf32>
      tpu.vector_store %arg4[%swap3A_26, %swap3A_27], %broadcast_in_dim3A_15 {strides = array<i32>} : memref<1x32xf32, #tpu.memory_space<vmem>>, vector<1x32xf32>,
    } else {
    }
    %gt3A = arith.constant 0 : i32
    %gt3A_20 = arith.cmpi sgt, %arg0, %gt3A : i32
    %convert_element_type3A_21 = arith.extui %gt3A_20 : i1 to i32
    %cond3A_22 = arith.constant 0 : i32
    %cond3A_23 = arith.cmpi ne, %convert_element_type3A_21, %cond3A_22 : i32
    scf.if %cond3A_23 {
      %get3A_24 = arith.constant 0 : index
      %get3A_25 = arith.constant 0 : index
      %get3A_26 = vector.load %arg3[%get3A_24, %get3A_25] : memref<1x2000xf32, #tpu.memory_space<vmem>>, vector<1x2000xf32>
      %add3A = arith.addf %get3A_26, %broadcast_in_dim3A : vector<1x2000xf32>
      %swap3A = arith.constant 0 : index
      %swap3A_27 = arith.constant 0 : index
      %swap3A_28 = vector.load %arg3[%swap3A, %swap3A_27] : memref<1x2000xf32, #tpu.memory_space<vmem>>, vector<1x2000xf32>
      tpu.vector_store %arg3[%swap3A, %swap3A_27], %add3A {strides = array<i32>} : memref<1x2000xf32, #tpu.memory_space<vmem>>, vector<1x2000xf32>,
      %get3A_29 = arith.constant 0 : index
      %get3A_30 = arith.constant 0 : index
      %get3A_31 = vector.load %arg4[%get3A_29, %get3A_30] : memref<1x32xf32, #tpu.memory_space<vmem>>, vector<1x32xf32>
      %add3A_32 = arith.addf %get3A_31, %broadcast_in_dim3A_15 : vector<1x32xf32>
      %swap3A_33 = arith.constant 0 : index
      %swap3A_34 = arith.constant 0 : index
      %swap3A_35 = vector.load %arg4[%swap3A_33, %swap3A_34] : memref<1x32xf32, #tpu.memory_space<vmem>>, vector<1x32xf32>
      tpu.vector_store %arg4[%swap3A_33, %swap3A_34], %add3A_32 {strides = array<i32>} : memref<1x32xf32, #tpu.memory_space<vmem>>, vector<1x32xf32>,
    } else {
    }
    return
  }
  func.func @transform_0(%arg0: i32) -> (i32, i32) {
    %c0_i32 = arith.constant 0 : i32
    %c0_i32_0 = arith.constant 0 : i32
    return %arg0, %c0_i32 : i32, i32
  }
  func.func @transform_1(%arg0: i32) -> (i32, i32) {
    %c0_i32 = arith.constant 0 : i32
    %c0_i32_0 = arith.constant 0 : i32
    return %arg0, %c0_i32 : i32, i32
  }
  func.func @transform_2(%arg0: i32) -> (i32, i32) {
    %c0_i32 = arith.constant 0 : i32
    %c0_i32_0 = arith.constant 0 : i32
    %c0_i32_1 = arith.constant 0 : i32
    return %c0_i32, %c0_i32_0 : i32, i32
  }
  func.func @transform_3(%arg0: i32) -> (i32, i32) {
    %c0_i32 = arith.constant 0 : i32
    %c0_i32_0 = arith.constant 0 : i32
    %c0_i32_1 = arith.constant 0 : i32
    return %c0_i32, %c0_i32_0 : i32, i32
  }
}

module attributes {stable_mosaic.version = 14 : i64} {
  func.func @_heads_kernel(%arg0: memref<2000x256xf32, #tpu.memory_space<vmem>>, %arg1: memref<2000x1xf32, #tpu.memory_space<vmem>>, %arg2: memref<32x256xf32, #tpu.memory_space<vmem>>, %arg3: memref<32x1xf32, #tpu.memory_space<vmem>>, %arg4: memref<2x4000x128xf32, #tpu.memory_space<vmem>>, %arg5: memref<32x1xi32, #tpu.memory_space<vmem>>, %arg6: memref<32x1xi32, #tpu.memory_space<vmem>>, %arg7: memref<32x17xf32, #tpu.memory_space<vmem>>, %arg8: memref<2000x17xf32, #tpu.memory_space<vmem>>, %arg9: memref<2000x1xi32, #tpu.memory_space<vmem>>, %arg10: memref<4000x1xi32, #tpu.memory_space<vmem>>, %arg11: memref<256x20xf32, #tpu.memory_space<vmem>>, %arg12: memref<1x20xf32, #tpu.memory_space<vmem>>, %arg13: memref<256x91xf32, #tpu.memory_space<vmem>>, %arg14: memref<1x91xf32, #tpu.memory_space<vmem>>, %arg15: memref<256x17xf32, #tpu.memory_space<vmem>>, %arg16: memref<1x17xf32, #tpu.memory_space<vmem>>, %arg17: memref<256x17xf32, #tpu.memory_space<vmem>>, %arg18: memref<1x17xf32, #tpu.memory_space<vmem>>, %arg19: memref<256x26xf32, #tpu.memory_space<vmem>>, %arg20: memref<1x26xf32, #tpu.memory_space<vmem>>, %arg21: memref<1x19xf32, #tpu.memory_space<vmem>>, %arg22: memref<1x1xf32, #tpu.memory_space<vmem>>) attributes {dimension_semantics = [], scalar_prefetch = 0 : i64, scratch_operands = 0 : i64, tpu.core_type = #tpu.core_type<tc>} {
    %get3A = arith.constant 0 : index
    %get3A_0 = arith.constant 0 : index
    %get3A_1 = vector.load %arg0[%get3A, %get3A_0] : memref<2000x256xf32, #tpu.memory_space<vmem>>, vector<2000x256xf32>
    %get3A_2 = arith.constant 0 : index
    %get3A_3 = arith.constant 0 : index
    %get3A_4 = vector.load %arg1[%get3A_2, %get3A_3] : memref<2000x1xf32, #tpu.memory_space<vmem>>, vector<2000x1xf32>
    %jit3A = arith.constant 1.000000e+00 : f32
    %max3A = vector.broadcast %jit3A : f32 to vector<2000x1xf32>
    %max3A_5 = arith.maximumf %max3A, %get3A_4 : vector<2000x1xf32>
    %div3A = vector.broadcast %max3A_5 : vector<2000x1xf32> to vector<2000x256xf32>
    %div3A_6 = arith.divf %get3A_1, %div3A : vector<2000x256xf32>
    %get3A_7 = arith.constant 0 : index
    %get3A_8 = arith.constant 0 : index
    %get3A_9 = vector.load %arg2[%get3A_7, %get3A_8] : memref<32x256xf32, #tpu.memory_space<vmem>>, vector<32x256xf32>
    %get3A_10 = arith.constant 0 : index
    %get3A_11 = arith.constant 0 : index
    %get3A_12 = vector.load %arg3[%get3A_10, %get3A_11] : memref<32x1xf32, #tpu.memory_space<vmem>>, vector<32x1xf32>
    %jit3A_13 = arith.constant 1.000000e+00 : f32
    %max3A_14 = vector.broadcast %jit3A_13 : f32 to vector<32x1xf32>
    %max3A_15 = arith.maximumf %max3A_14, %get3A_12 : vector<32x1xf32>
    %div3A_16 = vector.broadcast %max3A_15 : vector<32x1xf32> to vector<32x256xf32>
    %div3A_17 = arith.divf %get3A_9, %div3A_16 : vector<32x256xf32>
    %get3A_18 = arith.constant 0 : index
    %get3A_19 = arith.constant 0 : index
    %get3A_20 = vector.load %arg11[%get3A_18, %get3A_19] : memref<256x20xf32, #tpu.memory_space<vmem>>, vector<256x20xf32>
    %dot_general3A = arith.constant dense<0.000000e+00> : vector<32x20xf32>
    %dot_general3A_21 = tpu.matmul %div3A_17, %get3A_20, %dot_general3A {dimension_numbers = #tpu.dot_dimension_numbers<[1], [0], [0], [1], [0, 0, 1, 1], [], []>, transpose_lhs_hint = false} : vector<32x256xf32>, vector<256x20xf32>, vector<32x20xf32> -> vector<32x20xf32>
    %get3A_22 = arith.constant 0 : index
    %get3A_23 = arith.constant 0 : index
    %get3A_24 = vector.load %arg12[%get3A_22, %get3A_23] : memref<1x20xf32, #tpu.memory_space<vmem>>, vector<1x20xf32>
    %add3A = vector.broadcast %get3A_24 : vector<1x20xf32> to vector<32x20xf32>
    %add3A_25 = arith.addf %dot_general3A_21, %add3A : vector<32x20xf32>
    %get3A_26 = arith.constant 0 : index
    %get3A_27 = arith.constant 0 : index
    %get3A_28 = vector.load %arg13[%get3A_26, %get3A_27] : memref<256x91xf32, #tpu.memory_space<vmem>>, vector<256x91xf32>
    %dot_general3A_29 = arith.constant dense<0.000000e+00> : vector<32x91xf32>
    %dot_general3A_30 = tpu.matmul %div3A_17, %get3A_28, %dot_general3A_29 {dimension_numbers = #tpu.dot_dimension_numbers<[1], [0], [0], [1], [0, 0, 1, 1], [], []>, transpose_lhs_hint = false} : vector<32x256xf32>, vector<256x91xf32>, vector<32x91xf32> -> vector<32x91xf32>
    %get3A_31 = arith.constant 0 : index
    %get3A_32 = arith.constant 0 : index
    %get3A_33 = vector.load %arg14[%get3A_31, %get3A_32] : memref<1x91xf32, #tpu.memory_space<vmem>>, vector<1x91xf32>
    %add3A_34 = vector.broadcast %get3A_33 : vector<1x91xf32> to vector<32x91xf32>
    %add3A_35 = arith.addf %dot_general3A_30, %add3A_34 : vector<32x91xf32>
    %get3A_36 = arith.constant 0 : index
    %get3A_37 = arith.constant 0 : index
    %get3A_38 = vector.load %arg15[%get3A_36, %get3A_37] : memref<256x17xf32, #tpu.memory_space<vmem>>, vector<256x17xf32>
    %dot_general3A_39 = arith.constant dense<0.000000e+00> : vector<32x17xf32>
    %dot_general3A_40 = tpu.matmul %div3A_17, %get3A_38, %dot_general3A_39 {dimension_numbers = #tpu.dot_dimension_numbers<[1], [0], [0], [1], [0, 0, 1, 1], [], []>, transpose_lhs_hint = false} : vector<32x256xf32>, vector<256x17xf32>, vector<32x17xf32> -> vector<32x17xf32>
    %get3A_41 = arith.constant 0 : index
    %get3A_42 = arith.constant 0 : index
    %get3A_43 = vector.load %arg16[%get3A_41, %get3A_42] : memref<1x17xf32, #tpu.memory_space<vmem>>, vector<1x17xf32>
    %add3A_44 = vector.broadcast %get3A_43 : vector<1x17xf32> to vector<32x17xf32>
    %add3A_45 = arith.addf %dot_general3A_40, %add3A_44 : vector<32x17xf32>
    %get3A_46 = arith.constant 0 : index
    %get3A_47 = arith.constant 0 : index
    %get3A_48 = vector.load %arg17[%get3A_46, %get3A_47] : memref<256x17xf32, #tpu.memory_space<vmem>>, vector<256x17xf32>
    %dot_general3A_49 = arith.constant dense<0.000000e+00> : vector<2000x17xf32>
    %dot_general3A_50 = tpu.matmul %div3A_6, %get3A_48, %dot_general3A_49 {dimension_numbers = #tpu.dot_dimension_numbers<[1], [0], [0], [1], [0, 0, 1, 1], [], []>, transpose_lhs_hint = false} : vector<2000x256xf32>, vector<256x17xf32>, vector<2000x17xf32> -> vector<2000x17xf32>
    %get3A_51 = arith.constant 0 : index
    %get3A_52 = arith.constant 0 : index
    %get3A_53 = vector.load %arg18[%get3A_51, %get3A_52] : memref<1x17xf32, #tpu.memory_space<vmem>>, vector<1x17xf32>
    %add3A_54 = vector.broadcast %get3A_53 : vector<1x17xf32> to vector<2000x17xf32>
    %add3A_55 = arith.addf %dot_general3A_50, %add3A_54 : vector<2000x17xf32>
    %get3A_56 = arith.constant 0 : index
    %get3A_57 = arith.constant 0 : index
    %get3A_58 = vector.load %arg19[%get3A_56, %get3A_57] : memref<256x26xf32, #tpu.memory_space<vmem>>, vector<256x26xf32>
    %dot_general3A_59 = arith.constant dense<0.000000e+00> : vector<2000x26xf32>
    %dot_general3A_60 = tpu.matmul %div3A_6, %get3A_58, %dot_general3A_59 {dimension_numbers = #tpu.dot_dimension_numbers<[1], [0], [0], [1], [0, 0, 1, 1], [], []>, transpose_lhs_hint = false} : vector<2000x256xf32>, vector<256x26xf32>, vector<2000x26xf32> -> vector<2000x26xf32>
    %get3A_61 = arith.constant 0 : index
    %get3A_62 = arith.constant 0 : index
    %get3A_63 = vector.load %arg20[%get3A_61, %get3A_62] : memref<1x26xf32, #tpu.memory_space<vmem>>, vector<1x26xf32>
    %add3A_64 = vector.broadcast %get3A_63 : vector<1x26xf32> to vector<2000x26xf32>
    %add3A_65 = arith.addf %dot_general3A_60, %add3A_64 : vector<2000x26xf32>
    %get3A_66 = arith.constant 0 : index
    %get3A_67 = arith.constant 0 : index
    %get3A_68 = arith.constant 0 : index
    %get3A_69 = vector.load %arg4[%get3A_66, %get3A_67, %get3A_68] : memref<2x4000x128xf32, #tpu.memory_space<vmem>>, vector<2x4000x128xf32>
    %slice3A = vector.extract_strided_slice %get3A_69 {offsets = [0, 0, 0], sizes = [1, 4000, 128], strides = [1, 1, 1]} : vector<2x4000x128xf32> to vector<1x4000x128xf32>
    %squeeze3A = vector.shape_cast %slice3A : vector<1x4000x128xf32> to vector<4000x128xf32>
    %slice3A_70 = vector.extract_strided_slice %get3A_69 {offsets = [1, 0, 0], sizes = [1, 4000, 128], strides = [1, 1, 1]} : vector<2x4000x128xf32> to vector<1x4000x128xf32>
    %squeeze3A_71 = vector.shape_cast %slice3A_70 : vector<1x4000x128xf32> to vector<4000x128xf32>
    %add3A_72 = arith.addf %squeeze3A, %squeeze3A_71 : vector<4000x128xf32>
    %slice3A_73 = vector.extract_strided_slice %add3A_72 {offsets = [0, 19], sizes = [4000, 1], strides = [1, 1]} : vector<4000x128xf32> to vector<4000x1xf32>
    %gt3A = arith.constant 0.000000e+00 : f32
    %gt3A_74 = vector.broadcast %gt3A : f32 to vector<4000x1xf32>
    %gt3A_75 = arith.cmpf ogt, %slice3A_73, %gt3A_74 : vector<4000x1xf32>
    %slice3A_76 = vector.extract_strided_slice %add3A_72 {offsets = [0, 0], sizes = [4000, 19], strides = [1, 1]} : vector<4000x128xf32> to vector<4000x19xf32>
    %jit3A_77 = arith.constant 1.000000e+00 : f32
    %max3A_78 = vector.broadcast %jit3A_77 : f32 to vector<4000x1xf32>
    %max3A_79 = arith.maximumf %max3A_78, %slice3A_73 : vector<4000x1xf32>
    %div3A_80 = vector.broadcast %max3A_79 : vector<4000x1xf32> to vector<4000x19xf32>
    %div3A_81 = arith.divf %slice3A_76, %div3A_80 : vector<4000x19xf32>
    %get3A_82 = arith.constant 0 : index
    %get3A_83 = arith.constant 0 : index
    %get3A_84 = vector.load %arg21[%get3A_82, %get3A_83] : memref<1x19xf32, #tpu.memory_space<vmem>>, vector<1x19xf32>
    %add3A_85 = vector.broadcast %get3A_84 : vector<1x19xf32> to vector<4000x19xf32>
    %add3A_86 = arith.addf %div3A_81, %add3A_85 : vector<4000x19xf32>
    %jit3A_87 = arith.constant 0.000000e+00 : f32
    %broadcast_in_dim3A = vector.shape_cast %gt3A_75 : vector<4000x1xi1> to vector<4000x1xi1>
    %broadcast_in_dim3A_88 = vector.broadcast %broadcast_in_dim3A : vector<4000x1xi1> to vector<4000x19xi1>
    %broadcast_in_dim3A_89 = vector.broadcast %jit3A_87 : f32 to vector<4000x19xf32>
    %select_n3A = arith.select %broadcast_in_dim3A_88, %add3A_86, %broadcast_in_dim3A_89 : vector<4000x19xi1>, vector<4000x19xf32>
    %get3A_90 = arith.constant 0 : index
    %get3A_91 = arith.constant 0 : index
    %get3A_92 = vector.load %arg5[%get3A_90, %get3A_91] : memref<32x1xi32, #tpu.memory_space<vmem>>, vector<32x1xi32>
    %reduce_max3A = arith.constant dense<0xFF800000> : vector<32xf32>
    %reduce_max3A_93 = vector.multi_reduction <maximumf>, %add3A_25, %reduce_max3A [1] : vector<32x20xf32> to vector<32xf32>
    %broadcast_in_dim3A_94 = vector.shape_cast %reduce_max3A_93 : vector<32xf32> to vector<32x1xf32>
    %sub3A = vector.broadcast %broadcast_in_dim3A_94 : vector<32x1xf32> to vector<32x20xf32>
    %sub3A_95 = arith.subf %add3A_25, %sub3A : vector<32x20xf32>
    %exp3A = math.exp %sub3A_95 : vector<32x20xf32>
    %reduce_sum3A = arith.constant dense<0.000000e+00> : vector<32xf32>
    %reduce_sum3A_96 = vector.multi_reduction <add>, %exp3A, %reduce_sum3A [1] : vector<32x20xf32> to vector<32xf32>
    %broadcast_in_dim3A_97 = vector.shape_cast %reduce_sum3A_96 : vector<32xf32> to vector<32x1xf32>
    %log3A = math.log %broadcast_in_dim3A_97 : vector<32x1xf32>
    %sub3A_98 = vector.broadcast %log3A : vector<32x1xf32> to vector<32x20xf32>
    %sub3A_99 = arith.subf %sub3A_95, %sub3A_98 : vector<32x20xf32>
    %iota3A = tpu.iota {dimensions = array<i32: 1>} : vector<32x20xi32>
    %eq3A = vector.broadcast %get3A_92 : vector<32x1xi32> to vector<32x20xi32>
    %eq3A_100 = arith.cmpi eq, %iota3A, %eq3A : vector<32x20xi32>
    %convert_element_type3A = arith.extui %eq3A_100 : vector<32x20xi1> to vector<32x20xi32>
    %convert_element_type3A_101 = arith.sitofp %convert_element_type3A : vector<32x20xi32> to vector<32x20xf32>
    %mul3A = arith.mulf %sub3A_99, %convert_element_type3A_101 : vector<32x20xf32>
    %reduce_sum3A_102 = vector.shape_cast %mul3A : vector<32x20xf32> to vector<1x32x20xf32>
    %reduce_sum3A_103 = arith.constant dense<0.000000e+00> : vector<1xf32>
    %reduce_sum3A_104 = vector.multi_reduction <add>, %reduce_sum3A_102, %reduce_sum3A_103 [1, 2] : vector<1x32x20xf32> to vector<1xf32>
    %reduce_sum3A_105 = vector.shape_cast %reduce_sum3A_104 : vector<1xf32> to vector<1x1x1xf32>
    %reduce_sum3A_106 = vector.extract %reduce_sum3A_105[0, 0, 0] : f32 from vector<1x1x1xf32>
    %neg3A = arith.constant 0.000000e+00 : f32
    %neg3A_107 = arith.subf %neg3A, %reduce_sum3A_106 : f32
    %div3A_108 = arith.constant 3.200000e+01 : f32
    %div3A_109 = arith.divf %neg3A_107, %div3A_108 : f32
    %get3A_110 = arith.constant 0 : index
    %get3A_111 = arith.constant 0 : index
    %get3A_112 = vector.load %arg6[%get3A_110, %get3A_111] : memref<32x1xi32, #tpu.memory_space<vmem>>, vector<32x1xi32>
    %reduce_max3A_113 = arith.constant dense<0xFF800000> : vector<32xf32>
    %reduce_max3A_114 = vector.multi_reduction <maximumf>, %add3A_35, %reduce_max3A_113 [1] : vector<32x91xf32> to vector<32xf32>
    %broadcast_in_dim3A_115 = vector.shape_cast %reduce_max3A_114 : vector<32xf32> to vector<32x1xf32>
    %sub3A_116 = vector.broadcast %broadcast_in_dim3A_115 : vector<32x1xf32> to vector<32x91xf32>
    %sub3A_117 = arith.subf %add3A_35, %sub3A_116 : vector<32x91xf32>
    %exp3A_118 = math.exp %sub3A_117 : vector<32x91xf32>
    %reduce_sum3A_119 = arith.constant dense<0.000000e+00> : vector<32xf32>
    %reduce_sum3A_120 = vector.multi_reduction <add>, %exp3A_118, %reduce_sum3A_119 [1] : vector<32x91xf32> to vector<32xf32>
    %broadcast_in_dim3A_121 = vector.shape_cast %reduce_sum3A_120 : vector<32xf32> to vector<32x1xf32>
    %log3A_122 = math.log %broadcast_in_dim3A_121 : vector<32x1xf32>
    %sub3A_123 = vector.broadcast %log3A_122 : vector<32x1xf32> to vector<32x91xf32>
    %sub3A_124 = arith.subf %sub3A_117, %sub3A_123 : vector<32x91xf32>
    %iota3A_125 = tpu.iota {dimensions = array<i32: 1>} : vector<32x91xi32>
    %eq3A_126 = vector.broadcast %get3A_112 : vector<32x1xi32> to vector<32x91xi32>
    %eq3A_127 = arith.cmpi eq, %iota3A_125, %eq3A_126 : vector<32x91xi32>
    %convert_element_type3A_128 = arith.extui %eq3A_127 : vector<32x91xi1> to vector<32x91xi32>
    %convert_element_type3A_129 = arith.sitofp %convert_element_type3A_128 : vector<32x91xi32> to vector<32x91xf32>
    %mul3A_130 = arith.mulf %sub3A_124, %convert_element_type3A_129 : vector<32x91xf32>
    %reduce_sum3A_131 = vector.shape_cast %mul3A_130 : vector<32x91xf32> to vector<1x32x91xf32>
    %reduce_sum3A_132 = arith.constant dense<0.000000e+00> : vector<1xf32>
    %reduce_sum3A_133 = vector.multi_reduction <add>, %reduce_sum3A_131, %reduce_sum3A_132 [1, 2] : vector<1x32x91xf32> to vector<1xf32>
    %reduce_sum3A_134 = vector.shape_cast %reduce_sum3A_133 : vector<1xf32> to vector<1x1x1xf32>
    %reduce_sum3A_135 = vector.extract %reduce_sum3A_134[0, 0, 0] : f32 from vector<1x1x1xf32>
    %neg3A_136 = arith.constant 0.000000e+00 : f32
    %neg3A_137 = arith.subf %neg3A_136, %reduce_sum3A_135 : f32
    %div3A_138 = arith.constant 3.200000e+01 : f32
    %div3A_139 = arith.divf %neg3A_137, %div3A_138 : f32
    %add3A_140 = arith.addf %div3A_109, %div3A_139 : f32
    %get3A_141 = arith.constant 0 : index
    %get3A_142 = arith.constant 0 : index
    %get3A_143 = vector.load %arg7[%get3A_141, %get3A_142] : memref<32x17xf32, #tpu.memory_space<vmem>>, vector<32x17xf32>
    %jit3A_144 = arith.constant 0.000000e+00 : f32
    %max3A_145 = vector.broadcast %jit3A_144 : f32 to vector<32x17xf32>
    %max3A_146 = arith.maximumf %max3A_145, %add3A_45 : vector<32x17xf32>
    %mul3A_147 = arith.mulf %add3A_45, %get3A_143 : vector<32x17xf32>
    %sub3A_148 = arith.subf %max3A_146, %mul3A_147 : vector<32x17xf32>
    %abs3A = math.absf %add3A_45 : vector<32x17xf32>
    %neg3A_149 = arith.constant 0.000000e+00 : f32
    %neg3A_150 = vector.broadcast %neg3A_149 : f32 to vector<32x17xf32>
    %neg3A_151 = arith.subf %neg3A_150, %abs3A : vector<32x17xf32>
    %exp3A_152 = math.exp %neg3A_151 : vector<32x17xf32>
    %add3A_153 = arith.constant 1.000000e+00 : f32
    %add3A_154 = vector.broadcast %add3A_153 : f32 to vector<32x17xf32>
    %add3A_155 = arith.addf %add3A_154, %exp3A_152 : vector<32x17xf32>
    %log3A_156 = math.log %add3A_155 : vector<32x17xf32>
    %add3A_157 = arith.addf %sub3A_148, %log3A_156 : vector<32x17xf32>
    %reduce_sum3A_158 = vector.shape_cast %add3A_157 : vector<32x17xf32> to vector<1x32x17xf32>
    %reduce_sum3A_159 = arith.constant dense<0.000000e+00> : vector<1xf32>
    %reduce_sum3A_160 = vector.multi_reduction <add>, %reduce_sum3A_158, %reduce_sum3A_159 [1, 2] : vector<1x32x17xf32> to vector<1xf32>
    %reduce_sum3A_161 = vector.shape_cast %reduce_sum3A_160 : vector<1xf32> to vector<1x1x1xf32>
    %reduce_sum3A_162 = vector.extract %reduce_sum3A_161[0, 0, 0] : f32 from vector<1x1x1xf32>
    %div3A_163 = arith.constant 5.440000e+02 : f32
    %div3A_164 = arith.divf %reduce_sum3A_162, %div3A_163 : f32
    %add3A_165 = arith.addf %add3A_140, %div3A_164 : f32
    %get3A_166 = arith.constant 0 : index
    %get3A_167 = arith.constant 0 : index
    %get3A_168 = vector.load %arg8[%get3A_166, %get3A_167] : memref<2000x17xf32, #tpu.memory_space<vmem>>, vector<2000x17xf32>
    %jit3A_169 = arith.constant 0.000000e+00 : f32
    %max3A_170 = vector.broadcast %jit3A_169 : f32 to vector<2000x17xf32>
    %max3A_171 = arith.maximumf %max3A_170, %add3A_55 : vector<2000x17xf32>
    %mul3A_172 = arith.mulf %add3A_55, %get3A_168 : vector<2000x17xf32>
    %sub3A_173 = arith.subf %max3A_171, %mul3A_172 : vector<2000x17xf32>
    %abs3A_174 = math.absf %add3A_55 : vector<2000x17xf32>
    %neg3A_175 = arith.constant 0.000000e+00 : f32
    %neg3A_176 = vector.broadcast %neg3A_175 : f32 to vector<2000x17xf32>
    %neg3A_177 = arith.subf %neg3A_176, %abs3A_174 : vector<2000x17xf32>
    %exp3A_178 = math.exp %neg3A_177 : vector<2000x17xf32>
    %add3A_179 = arith.constant 1.000000e+00 : f32
    %add3A_180 = vector.broadcast %add3A_179 : f32 to vector<2000x17xf32>
    %add3A_181 = arith.addf %add3A_180, %exp3A_178 : vector<2000x17xf32>
    %log3A_182 = math.log %add3A_181 : vector<2000x17xf32>
    %add3A_183 = arith.addf %sub3A_173, %log3A_182 : vector<2000x17xf32>
    %reduce_sum3A_184 = vector.shape_cast %add3A_183 : vector<2000x17xf32> to vector<1x2000x17xf32>
    %reduce_sum3A_185 = arith.constant dense<0.000000e+00> : vector<1xf32>
    %reduce_sum3A_186 = vector.multi_reduction <add>, %reduce_sum3A_184, %reduce_sum3A_185 [1, 2] : vector<1x2000x17xf32> to vector<1xf32>
    %reduce_sum3A_187 = vector.shape_cast %reduce_sum3A_186 : vector<1xf32> to vector<1x1x1xf32>
    %reduce_sum3A_188 = vector.extract %reduce_sum3A_187[0, 0, 0] : f32 from vector<1x1x1xf32>
    %div3A_189 = arith.constant 3.400000e+04 : f32
    %div3A_190 = arith.divf %reduce_sum3A_188, %div3A_189 : f32
    %add3A_191 = arith.addf %add3A_165, %div3A_190 : f32
    %get3A_192 = arith.constant 0 : index
    %get3A_193 = arith.constant 0 : index
    %get3A_194 = vector.load %arg9[%get3A_192, %get3A_193] : memref<2000x1xi32, #tpu.memory_space<vmem>>, vector<2000x1xi32>
    %reduce_max3A_195 = arith.constant dense<0xFF800000> : vector<2000xf32>
    %reduce_max3A_196 = vector.multi_reduction <maximumf>, %add3A_65, %reduce_max3A_195 [1] : vector<2000x26xf32> to vector<2000xf32>
    %broadcast_in_dim3A_197 = vector.shape_cast %reduce_max3A_196 : vector<2000xf32> to vector<2000x1xf32>
    %sub3A_198 = vector.broadcast %broadcast_in_dim3A_197 : vector<2000x1xf32> to vector<2000x26xf32>
    %sub3A_199 = arith.subf %add3A_65, %sub3A_198 : vector<2000x26xf32>
    %exp3A_200 = math.exp %sub3A_199 : vector<2000x26xf32>
    %reduce_sum3A_201 = arith.constant dense<0.000000e+00> : vector<2000xf32>
    %reduce_sum3A_202 = vector.multi_reduction <add>, %exp3A_200, %reduce_sum3A_201 [1] : vector<2000x26xf32> to vector<2000xf32>
    %broadcast_in_dim3A_203 = vector.shape_cast %reduce_sum3A_202 : vector<2000xf32> to vector<2000x1xf32>
    %log3A_204 = math.log %broadcast_in_dim3A_203 : vector<2000x1xf32>
    %sub3A_205 = vector.broadcast %log3A_204 : vector<2000x1xf32> to vector<2000x26xf32>
    %sub3A_206 = arith.subf %sub3A_199, %sub3A_205 : vector<2000x26xf32>
    %iota3A_207 = tpu.iota {dimensions = array<i32: 1>} : vector<2000x26xi32>
    %eq3A_208 = vector.broadcast %get3A_194 : vector<2000x1xi32> to vector<2000x26xi32>
    %eq3A_209 = arith.cmpi eq, %iota3A_207, %eq3A_208 : vector<2000x26xi32>
    %convert_element_type3A_210 = arith.extui %eq3A_209 : vector<2000x26xi1> to vector<2000x26xi32>
    %convert_element_type3A_211 = arith.sitofp %convert_element_type3A_210 : vector<2000x26xi32> to vector<2000x26xf32>
    %mul3A_212 = arith.mulf %sub3A_206, %convert_element_type3A_211 : vector<2000x26xf32>
    %reduce_sum3A_213 = vector.shape_cast %mul3A_212 : vector<2000x26xf32> to vector<1x2000x26xf32>
    %reduce_sum3A_214 = arith.constant dense<0.000000e+00> : vector<1xf32>
    %reduce_sum3A_215 = vector.multi_reduction <add>, %reduce_sum3A_213, %reduce_sum3A_214 [1, 2] : vector<1x2000x26xf32> to vector<1xf32>
    %reduce_sum3A_216 = vector.shape_cast %reduce_sum3A_215 : vector<1xf32> to vector<1x1x1xf32>
    %reduce_sum3A_217 = vector.extract %reduce_sum3A_216[0, 0, 0] : f32 from vector<1x1x1xf32>
    %neg3A_218 = arith.constant 0.000000e+00 : f32
    %neg3A_219 = arith.subf %neg3A_218, %reduce_sum3A_217 : f32
    %div3A_220 = arith.constant 2.000000e+03 : f32
    %div3A_221 = arith.divf %neg3A_219, %div3A_220 : f32
    %add3A_222 = arith.addf %add3A_191, %div3A_221 : f32
    %get3A_223 = arith.constant 0 : index
    %get3A_224 = arith.constant 0 : index
    %get3A_225 = vector.load %arg10[%get3A_223, %get3A_224] : memref<4000x1xi32, #tpu.memory_space<vmem>>, vector<4000x1xi32>
    %reduce_max3A_226 = arith.constant dense<0xFF800000> : vector<4000xf32>
    %reduce_max3A_227 = vector.multi_reduction <maximumf>, %select_n3A, %reduce_max3A_226 [1] : vector<4000x19xf32> to vector<4000xf32>
    %broadcast_in_dim3A_228 = vector.shape_cast %reduce_max3A_227 : vector<4000xf32> to vector<4000x1xf32>
    %sub3A_229 = vector.broadcast %broadcast_in_dim3A_228 : vector<4000x1xf32> to vector<4000x19xf32>
    %sub3A_230 = arith.subf %select_n3A, %sub3A_229 : vector<4000x19xf32>
    %exp3A_231 = math.exp %sub3A_230 : vector<4000x19xf32>
    %reduce_sum3A_232 = arith.constant dense<0.000000e+00> : vector<4000xf32>
    %reduce_sum3A_233 = vector.multi_reduction <add>, %exp3A_231, %reduce_sum3A_232 [1] : vector<4000x19xf32> to vector<4000xf32>
    %broadcast_in_dim3A_234 = vector.shape_cast %reduce_sum3A_233 : vector<4000xf32> to vector<4000x1xf32>
    %log3A_235 = math.log %broadcast_in_dim3A_234 : vector<4000x1xf32>
    %sub3A_236 = vector.broadcast %log3A_235 : vector<4000x1xf32> to vector<4000x19xf32>
    %sub3A_237 = arith.subf %sub3A_230, %sub3A_236 : vector<4000x19xf32>
    %iota3A_238 = tpu.iota {dimensions = array<i32: 1>} : vector<4000x19xi32>
    %eq3A_239 = vector.broadcast %get3A_225 : vector<4000x1xi32> to vector<4000x19xi32>
    %eq3A_240 = arith.cmpi eq, %iota3A_238, %eq3A_239 : vector<4000x19xi32>
    %convert_element_type3A_241 = arith.extui %eq3A_240 : vector<4000x19xi1> to vector<4000x19xi32>
    %convert_element_type3A_242 = arith.sitofp %convert_element_type3A_241 : vector<4000x19xi32> to vector<4000x19xf32>
    %mul3A_243 = arith.mulf %sub3A_237, %convert_element_type3A_242 : vector<4000x19xf32>
    %reduce_sum3A_244 = vector.shape_cast %mul3A_243 : vector<4000x19xf32> to vector<1x4000x19xf32>
    %reduce_sum3A_245 = arith.constant dense<0.000000e+00> : vector<1xf32>
    %reduce_sum3A_246 = vector.multi_reduction <add>, %reduce_sum3A_244, %reduce_sum3A_245 [1, 2] : vector<1x4000x19xf32> to vector<1xf32>
    %reduce_sum3A_247 = vector.shape_cast %reduce_sum3A_246 : vector<1xf32> to vector<1x1x1xf32>
    %reduce_sum3A_248 = vector.extract %reduce_sum3A_247[0, 0, 0] : f32 from vector<1x1x1xf32>
    %neg3A_249 = arith.constant 0.000000e+00 : f32
    %neg3A_250 = arith.subf %neg3A_249, %reduce_sum3A_248 : f32
    %div3A_251 = arith.constant 4.000000e+03 : f32
    %div3A_252 = arith.divf %neg3A_250, %div3A_251 : f32
    %add3A_253 = arith.addf %add3A_222, %div3A_252 : f32
    %reshape3A = vector.broadcast %add3A_253 : f32 to vector<1x1xf32>
    %swap3A = arith.constant 0 : index
    %swap3A_254 = arith.constant 0 : index
    %swap3A_255 = vector.load %arg22[%swap3A, %swap3A_254] : memref<1x1xf32, #tpu.memory_space<vmem>>, vector<1x1xf32>
    tpu.vector_store %arg22[%swap3A, %swap3A_254], %reshape3A {strides = array<i32>} : memref<1x1xf32, #tpu.memory_space<vmem>>, vector<1x1xf32>,
    return
  }
}

</mosaic_0001>

<sc_bundles>
// kernel: kernel.11.cloned.1.call-start
scs
__scs_entry_jumppad:
0x0: {  	(pc) =	sbr.rel $0x88, $3  }
0x1: {  	(tag) =	ssettag $0x0;
	lr =	simm.s32 $0x1  }
0x2: {  	[smem:$0x3F7D] =	sst lr;
	_ =	strace $0xD0000000  }
0x3: {  	_ = 	snop  }
0x4: {  	_ = 	snop  }
0x5: {  	_ = 	snop  }
0x6: {  	_ = 	snop  }
0x7: {  	_ = 	snop  }
__scs_overlays_trampoline_lowered:
0x8: {  	[smem:$0x3F8C] =	sst s0  }
0x9: {  	[smem:$0x3F8D] =	sst s1  }
0xa: {  	[smem:$0x3F8E] =	sst s2  }
0xb: {  	[smem:$0x3F8F] =	sst s3  }
0xc: {  	[smem:$0x3F90] =	sst s4  }
0xd: {  	[smem:$0x3F91] =	sst s5  }
0xe: {  	[smem:$0x3F92] =	sst s6  }
0xf: {  	[smem:$0x3F93] =	sst s7  }
0x10: {  	[smem:$0x3F94] =	sst s8  }
0x11: {  	[smem:$0x3F95] =	sst s9;
	s0 =	simm.s32 @!p0 $0x0  }
0x12: {  	s1 =	sld [smem:$0x3F7B];
	s0 =	simm.s32 @p0 $0x1  }
0x13: {  	[smem:$0x3F96] =	sst s0;
	s0 =	simm.s32 @!p1 $0x0  }
0x14: {  	s2 =	sld [smem:$0x3F7A];
	s0 =	simm.s32 @p1 $0x1  }
0x15: {  	[smem:$0x3F97] =	sst s0;
	s0 =	simm.s32 @!p2 $0x0  }
0x16: {  	s3 =	sld [smem:$0x3FDB];
	s0 =	simm.s32 @p2 $0x1  }
0x17: {  	s4 =	simm.s32 $0x1BF5;
	[smem:$0x3F99] =	sst s0  }
0x18: {  	s0 =	sld [smem:$0x3F7C];
	_ =	swait.ge [sflag:s4], $0x0  }
0x19: {  	s7 =	sld [smem:$0x3F7D]  }
0x1a: {  	s8 =	sadd.s32 $0xFFFFE003, lr  }
0x1b: {  	s9 =	sadd.s32 $0xFFFFFEF7, lr;
	s5 =	simm.s32 $0xFFFFFFFF;
	p2 =	slt.u32 s8, $0xFFFFF086  }
0x1c: {  	p1 =	slt.u32 s9, $0xF7A;
	s5 =	simm.s32 @!p2 $0x0  }
0x1d: {  	s5 =	simm.s32 @p1 $0x1;
	p0 =	seq.s32 s7, s2  }
0x1e: {  	s7 =	smul.u32 @!p0 $0xF7A, s2;
	p2 =	seq.s32 @!p0 s5, $0x0  }
0x1f: {  	s9 =	smul.u32 $0xF7A, s1;
	s8 =	simm.s32 @!p0 $0x1BF5;
	p2 =	por !p2, p0  }
0x20: {  	[sflag:s8] =	ssyncset.s32 @!p0 $0xFFFFF086;
	s6 =	sadd.s32 @!p0 s3, s7;
	s7 =	simm.s32 @!p0 $0x108  }
0x21: {  	s3 =	sadd.s32 s3, s9;
	s6 =	sadd.s32 @!p0 $0x88, s6;
	s7 =	simm.s32 @p2 $0x1082  }
0x22: {  	[simem:s7], [sflag:s8] =	dma.local @!p0 [hbm:s6], $0xF7A  }
0x23: {  	s9 =	sor.u32 $0xD0000000, s2;
	s6 =	simm.s32 $0x108;
	_ =	swait.ge @!p0 [sflag:s8], $0x0  }
0x24: {  	s3 =	sadd.s32 $0x88, s3;
	s6 =	simm.s32 @!p1 $0x1082;
	[sflag:s4] =	ssyncset.s32 $0xFFFFF086  }
0x25: {  	[simem:s6], [sflag:s4] =	dma.local [hbm:s3], $0xF7A  }
0x26: {  	[smem:$0x3F7D] =	sst s1;
	(tag) =	ssettag s2;
	_ =	strace s9  }
0x27: {  	s1 =	sld [smem:$0x3F8D]  }
0x28: {  	s2 =	sld [smem:$0x3F8E]  }
0x29: {  	s4 =	sld [smem:$0x3F90]  }
0x2a: {  	p0 =	seq.s32 s5, $0x0;
	s5 =	sld [smem:$0x3F91]  }
0x2b: {  	s6 =	sld [smem:$0x3F92]  }
0x2c: {  	s7 =	sld [smem:$0x3F93]  }
0x2d: {  	s3 =	simm.s32 $0x108;
	s8 =	sld [smem:$0x3F94]  }
0x2e: {  	s3 =	simm.s32 @!p0 $0x1082;
	s9 =	sld [smem:$0x3F95]  }
0x2f: {  	lr =	sadd.s32 s0, s3;
	s0 =	sld [smem:$0x3F8C]  }
0x30: {  	s3 =	sld [smem:$0x3F8F]  }
0x31: {  	[smem:$0x3F98] =	sst s10  }
0x32: {  	s10 =	sld [smem:$0x3F96];
	_ =	sdelay $0x3  }
0x33: {  	p0 =	seq.s32 s10, $0x1;
	s10 =	sld [smem:$0x3F98];
	_ =	sdelay $0x3  }
0x34: {  	[smem:$0x3F98] =	sst s10  }
0x35: {  	s10 =	sld [smem:$0x3F97];
	_ =	sdelay $0x3  }
0x36: {  	p1 =	seq.s32 s10, $0x1;
	s10 =	sld [smem:$0x3F98];
	_ =	sdelay $0x3  }
0x37: {  	[smem:$0x3F98] =	sst s10  }
0x38: {  	s10 =	sld [smem:$0x3F99]  }
0x39: {  	_ = 	snop;
	(pc) =	sbr.ind lr, $3  }
0x3a: {  	_ = 	snop  }
0x3b: {  	_ = 	snop  }
0x3c: {  	p2 =	seq.s32 s10, $0x1;
	s10 =	sld [smem:$0x3F98]  }
0x3d: {  	_ =	shalt  }
0x3e: {  	_ =	shalt  }
0x3f: {  	_ =	shalt  }
0x40: {  	_ =	shalt  }
0x41: {  	_ =	shalt  }
0x42: {  	_ =	shalt  }
0x43: {  	_ =	shalt  }
0x44: {  	_ =	shalt  }
0x45: {  	_ =	shalt  }
0x46: {  	_ =	shalt  }
0x47: {  	_ =	shalt  }
0x48: {  	_ =	shalt  }
0x49: {  	_ =	shalt  }
0x4a: {  	_ =	shalt  }
0x4b: {  	_ =	shalt  }
0x4c: {  	_ =	shalt  }
0x4d: {  	_ =	shalt  }
0x4e: {  	_ =	shalt  }
0x4f: {  	_ =	shalt  }
0x50: {  	_ =	shalt  }
0x51: {  	_ =	shalt  }
0x52: {  	_ =	shalt  }
0x53: {  	_ =	shalt  }
0x54: {  	_ =	shalt  }
0x55: {  	_ =	shalt  }
0x56: {  	_ =	shalt  }
0x57: {  	_ =	shalt  }
0x58: {  	_ =	shalt  }
0x59: {  	_ =	shalt  }
0x5a: {  	_ =	shalt  }
0x5b: {  	_ =	shalt  }
0x5c: {  	_ =	shalt  }
0x5d: {  	_ =	shalt  }
0x5e: {  	_ =	shalt  }
0x5f: {  	_ =	shalt  }
0x60: {  	_ =	shalt  }
0x61: {  	_ =	shalt  }
0x62: {  	_ =	shalt  }
0x63: {  	_ =	shalt  }
0x64: {  	_ =	shalt  }
0x65: {  	_ =	shalt  }
0x66: {  	_ =	shalt  }
0x67: {  	_ =	shalt  }
0x68: {  	_ =	shalt  }
0x69: {  	_ =	shalt  }
0x6a: {  	_ =	shalt  }
0x6b: {  	_ =	shalt  }
0x6c: {  	_ =	shalt  }
0x6d: {  	_ =	shalt  }
0x6e: {  	_ =	shalt  }
0x6f: {  	_ =	shalt  }
0x70: {  	_ =	shalt  }
0x71: {  	_ =	shalt  }
0x72: {  	_ =	shalt  }
0x73: {  	_ =	shalt  }
0x74: {  	_ =	shalt  }
0x75: {  	_ =	shalt  }
0x76: {  	_ =	shalt  }
0x77: {  	_ =	shalt  }
0x78: {  	_ =	shalt  }
0x79: {  	_ =	shalt  }
0x7a: {  	_ =	shalt  }
0x7b: {  	_ =	shalt  }
0x7c: {  	_ =	shalt  }
0x7d: {  	_ =	shalt  }
0x7e: {  	_ =	shalt  }
0x7f: {  	_ =	shalt  }
0x80: {  	_ =	shalt  }
0x81: {  	_ =	shalt  }
0x82: {  	_ =	shalt  }
0x83: {  	_ =	shalt  }
0x84: {  	_ =	shalt  }
0x85: {  	_ =	shalt  }
0x86: {  	_ =	shalt  }
0x87: {  	_ =	shalt  }
.Lfunc_end0:
.L_simem_size_0:
called_computation_lowered:
.L_overlay_start_0:
0x88: {  	s2 =	sld [smem:$0x3FD9]  }
0x89: {  	s3 =	sld [smem:$0x3FFE];
	_ =	sdelay $0x1  }
0x8a: {  	s1 =	srdreg.scid  }
0x8b: {  	s0 =	sand.u32 $0x1, s1  }
0x8c: {  	s16 =	sshll.u32 s0, $0xA;
	s2 =	sadd.s32 s3, s2  }
0x8d: {  	s2 =	sadd.s32 s2, s16  }
0x8e: {  	[smem:$0x3FA4] =	sst s2  }
0x8f: {  	_ = 	snop  }
0x90: {  	(tm) =	ssettm $0x1  }
0x91: {  	s17 =	sld [smem:$0x3FFB];
	_ =	sdelay $0x3  }
0x92: {  	_ =	strace s17  }
0x93: {  	s2 =	sld [smem:$0x3FFC];
	_ =	sdelay $0x3  }
0x94: {  	_ =	strace s2  }
0x95: {  	s2 =	sld [smem:$0x3FFD];
	_ =	sdelay $0x3  }
0x96: {  	_ =	strace s2  }
0x97: {  	_ =	strace $0x8FFFFFFF  }
0x98: {  	s18 =	sld [smem:$0x3FDB];
	_ =	sdelay $0x1  }
0x99: {  	s19 =	simm.s32 $_scs_section_size  }
0x9a: {  	s4 =	simm.s32 $_size__tile_overlayer_lowered;
	s5 =	simm.s32 $_tile_overlayer_lowered  }
0x9b: {  	s22 =	simm.s32 $0x1BFF;
	s21 =	sshll.u32 s5, $0x1;
	s2 =	sadd.s32 s19, s18  }
0x9c: {  	s6 =	simm.s32 $0x0;
	s20 =	sshll.u32 s4, $0x1;
	s4 =	sadd.s32 s21, s2  }
0x9d: {  	[timem:s6], [sflag:s22] =	dma.local [hbm:s4], s20  }
0x9e: {  	_ =	swait.ge [sflag:s22], s20  }
0x9f: {  	s3 =	ssub.s32 $0x0, s20;
	[sflag:s22] =	ssyncset.done $0x0  }
0xa0: {  	[sflag:s22] =	ssyncadd.s32 s3;
	_ =	sdelay $0x1  }
0xa1: {  	s23 =	simm.s32 $0x1B8B  }
0xa2: {  	_ =	swait.ge [sflag:s23], $0x1  }
0xa3: {  	[sflag:s23] =	ssyncset.done $0x0  }
0xa4: {  	s25 =	simm.s32 $0x1B8E;
	s24 =	sld [smem:$0x3FFE];
	[sflag:s23] =	ssyncadd.s32 $0xFFFFFFFF  }
0xa5: {  	s26 =	simm.s32 $execute0_lowered;
	[smem:$0x3FD2] =	sst s25  }
0xa6: {  	s4 =	sshll.u32 s26, $0x1;
	_ =	strace $0x80000046;
	[dreg:$0x1] =	wrdreg $0xFFFFFFFF  }
0xa7: {  	s28 =	simm.s32 $_size_execute0_lowered;
	s2 =	sadd.s32 s2, s4;
	[dreg:$0x0] =	wrdreg $0x0  }
0xa8: {  	s4 =	sshll.u32 s28, $0x1;
	[dreg:$0x2] =	wrdreg s2  }
0xa9: {  	[dreg:$0x3] =	wrdreg s4  }
0xaa: {  	[dreg:$0x4] =	wrdreg $0xC0  }
0xab: {  	_ =	task [dreg:s6], $0x5FFFF  }
0xac: {  	[dreg:$0x1] =	wrdreg $0xFFFFFFFF  }
0xad: {  	[dreg:$0x0] =	wrdreg $0x60  }
0xae: {  	[dreg:$0x2] =	wrdreg s24  }
0xaf: {  	[dreg:$0x3] =	wrdreg $0x88000  }
0xb0: {  	[dreg:$0x4] =	wrdreg $0x9  }
0xb1: {  	_ =	task.clear_ibuf [dreg:s6], $0x5FFFF;
	_ =	strace $0x90000046  }
0xb2: {  	s29 =	simm.s32 $0x9;
	_ =	strace $0x80000048  }
0xb3: {  	_ =	swait.ge [sflag:s29], $0x1  }
0xb4: {  	[sflag:s29] =	ssyncadd.s32 $0xFFFFFFFF  }
0xb5: {  	_ =	strace $0x90000048  }
0xb6: {  	_ =	sfence  }
0xb7: {  	s30 =	sld [smem:$0x0];
	_ =	sdelay $0x2  }
0xb8: {  	s31 =	sshll.u32 s1, $0xD;
	s1 =	sshrl.u32 s1, $0x2  }
0xb9: {  	s3 =	sand.u32 $0x4000, s31;
	s1 =	sadd.s32 s1, s30  }
0xba: {  	s0 =	sor.u32 s3, s0;
	s1 =	sshll.u32 s1, $0x11  }
0xbb: {  	s0 =	sor.u32 s1, s0  }
0xbc: {  	s0 =	sadd.s32 $0x8F2B, s0  }
0xbd: {  	[sflag:s0] =	ssyncadd.remote.s32 $0x1  }
0xbe: {  	_ =	sfence.sel $0xFFFF  }
0xbf: {  	[dreg:$0x0] =	wrdreg $0xFFFFFFFF;
	(pc) =	sbr.abs _section_cstart, $3  }
0xc0: {  	[dreg:$0x1] =	wrdreg $0xFFFFFFFF  }
0xc1: {  	_ =	task.clear_ibuf [dreg:s6], $0x2FFFF;
	_ =	strace $0x9FFFFFFF  }
0xc2: {  	(tm) =	ssettm $0x7FFFFFFF  }
0xc3: {  	_ =	shalt  }
tec
execute0_lowered:
.L_overlay_start_1:
0x0: {  	(tag) =	ssettag $0x1  }
0x1: {  	s0 =	rddreg [dreg:$0x0]  }
0x2: {  	s2 =	rddreg [dreg:$0x1];
	s3 =	simm.s32 $0x0  }
0x3: {  	s1 =	srdreg.scid;
	s16 =	stileid.u32;
	s18 =	simm.s32 $0x5  }
0x4: {  	s19 =	simm.s32 $0x1C00;
	s20 =	simm.s32 $0x3800;
	s21 =	simm.s32 $0x28  }
0x5: {  	s22 =	simm.s32 $0x4C00;
	s23 =	simm.s32 $0x6000;
	s24 =	simm.s32 $0x7400  }
0x6: {  	s28 =	simm.s32 $0x3;
	s29 =	simm.s32 $0x4;
	[smem:$0x7FF] =	sst s3  }
0x7: {  	s1 =	sand.u32 $0x1, s1;
	s9 =	smul.u32 $0x4F000, s16;
	s4 =	sadd.s32 $0x44400, s0  }
0x8: {  	s5 =	sadd.s32 $0x2B5400, s0;
	s6 =	sadd.s32 $0xFC00, s0;
	s25 =	smul.u32 $0x2710, s16  }
0x9: {  	s8 =	sadd.s32 $0x32C00, s0;
	s11 =	sadd.s32 $0x92600, s0;
	s15 =	smul.u32 $0x13C00, s16  }
0xa: {  	s0 =	sadd.s32 $0x94E00, s0;
	p0 =	seq.s32 s16, $0xF;
	s10 =	smul.u32 $0x8C000, s1  }
0xb: {  	_ =	strace $0x80000047;
	s12 =	ssub.s32 $0x2, s1;
	s13 =	smul.u32 $0x138800, s1  }
0xc: {  	s1 =	smul.u32 $0x27100, s1;
	s14 =	sshrl.u32 s12, $0x1;
	s9 =	sshrl.u32 s9, $0x2  }
0xd: {  	[dreg:$0x3] =	wrdreg s11;
	s12 =	ssub.s32 s12, s14;
	s9 =	sadd.s32 s9, s2  }
0xe: {  	s14 =	sadd.s32 $0x128400, s2;
	s15 =	sadd.s32 s15, s13;
	s11 =	sadd.s32 s25, s1  }
0xf: {  	s13 =	sshrl.u32 s13, $0x3;
	s26 =	sshrl.u32 s15, $0x3;
	s31 =	smax.u32 s12, $0x1  }
0x10: {  	s12 =	sshrl.u32 @p0 s14, $0x3;
	s9 =	sshrl.u32 @!p0 s9, $0x3;
	[dreg:$0x6] =	wrdreg s31  }
0x11: {  	s1 =	sadd.s32 s0, s26;
	s0 =	sadd.s32 s0, s13;
	[dreg:$0x7] =	wrdreg s12  }
0x12: {  	s7 =	smul.u32 $0x8C00, s16;
	[dreg:$0x9] =	wrdreg s9;
	s0 =	sadd.s32 $0x25080, s0  }
0x13: {  	s30 =	simm.s32 $0x0;
	[dreg:$0x5] =	wrdreg s0;
	s0 =	sshll.u32 @!p0 s16, $0x6  }
0x14: {  	s10 =	sadd.s32 s10, s7;
	[dreg:$0x4] =	wrdreg s1;
	s13 =	sor.u32 @!p0 $0x1C05, s0  }
0x15: {  	s25 =	simm.s32 $0x1;
	s26 =	simm.s32 $0x2;
	[dreg:$0x8] =	wrdreg s13  }
.LBB2_1:
0x16: {  	s0 =	simm.s32 @p0 $0x1FC5;
	s1 =	rddreg [dreg:$0x3]  }
0x17: {  	[spmem:s12], [sflag:s0] =	dma.local @p0 [hbm:s1], $0x2080  }
0x18: {  	s0 =	simm.s32 @p0 $0x5  }
0x19: {  	_ =	swait.ge @p0 [sflag:s0], $0x2080  }
0x1a: {  	[sflag:s0] =	ssyncset.done @p0 $0x0  }
0x1b: {  	[sflag:s0] =	ssyncadd.s32 @p0 $0xFFFFDF80;
	s0 =	simm.s32 @!p0 $0x5  }
0x1c: {  	[spmem:s9], [sflag:s13] =	dma.local @!p0 [hbm:s1], $0x2780  }
0x1d: {  	_ =	swait.ge @!p0 [sflag:s0], $0x2780  }
0x1e: {  	[sflag:s0] =	ssyncset.done @!p0 $0x0  }
0x1f: {  	[sflag:s0] =	ssyncadd.s32 @!p0 $0xFFFFD880  }
0x20: {  	s31 =	simm.s32 $0x0;
	[bflag:$0x0] =	sbarrier.arrive $0xFFFF  }
.LBB2_2:
0x21: {  	s0 =	smul.u32 $0x1C00, s31;
	_ =	sdelay $0x1  }
0x22: {  	s1 =	sadd.s32 s10, s0  }
0x23: {  	s1 =	sshrl.u32 s1, $0x3  }
0x24: {  	s12 =	simm.s32 $0x0;
	s1 =	sadd.s32 s6, s1  }
0x25: {  	[tilespmem:s12], [sflag:$0x5] =	stream.linear.gather [hbm4b:s1+s12], $0x1900, $0x38;
	[tilespmem:$0x1C080] =	vst v63  }
0x26: {  	s0 =	sadd.s32 s7, s0;
	_ =	swait.ge [sflag:s18], $0x1900  }
0x27: {  	s0 =	sshrl.u32 s0, $0x3;
	[sflag:s18] =	ssyncset.done $0x0  }
0x28: {  	s16 =	smul.u32 $0x7D0, s31;
	s0 =	sadd.s32 s8, s0;
	[sflag:s18] =	ssyncadd.s32 $0xFFFFE700  }
0x29: {  	[tilespmem:s19], [sflag:$0x5] =	stream.linear.gather [hbm4b:s0+s12], $0x1900, $0x38;
	[tilespmem:$0x1C080] =	vst v63  }
0x2a: {  	s17 =	sadd.s32 s16, s11;
	_ =	swait.ge [sflag:s18], $0x1900  }
0x2b: {  	s0 =	sshll.u32 s17, $0x4;
	[sflag:s18] =	ssyncset.done $0x0  }
0x2c: {  	s0 =	sadd.s32 s5, s0;
	[sflag:s18] =	ssyncadd.s32 $0xFFFFE700  }
0x2d: {  	[tilespmem:s20], [sflag:$0x1] =	stream.linear.gather [hbm4b:s0+s12], $0x1400, $0x38;
	[tilespmem:$0x1C080] =	vst v63  }
0x2e: {  	s0 =	smul.u32 $0x32, s31  }
0x2f: {  	[tilespmem:s22], [sflag:$0x2] =	stream.indirect.gather [hbm4b:s4+s21], $0x80, s12, s21, $0xb8;
	[tilespmem:$0x1C080] =	vst v63  }
.LBB2_3:
0x30: {  	s1 =	sshllo.u32 s12, $0x1  }
0x31: {  	s9 =	sadd.s32 s0, s1  }
0x32: {  	s9 =	smul.u32 $0x28, s9;
	_ =	sdelay $0x1  }
0x33: {  	s9 =	sadd.s32 s9, s11  }
0x34: {  	s9 =	sshll.u32 s9, $0x4  }
0x35: {  	s9 =	sadd.s32 s5, s9  }
0x36: {  	[tilespmem:s23], [sflag:$0x3] =	stream.linear.gather [hbm4b:s9+s3], $0x1400, $0x38;
	[tilespmem:$0x1C080] =	vst v63  }
0x37: {  	s1 =	sshll.u32 s1, $0x7  }
0x38: {  	[tilespmem:s24], [sflag:$0x4] =	stream.indirect.gather [hbm4b:s4+s21], $0x80, s1, s21, $0xb8;
	[tilespmem:$0x1C080] =	vst v63  }
0x39: {  	_ =	swait.ge [sflag:s25], $0x1400  }
0x3a: {  	[sflag:s25] =	ssyncset.done $0x0  }
0x3b: {  	[sflag:s25] =	ssyncadd.s32 $0xFFFFEC00  }
0x3c: {  	_ =	swait.ge [sflag:s26], $0x1400  }
0x3d: {  	[sflag:s26] =	ssyncset.done $0x0  }
0x3e: {  	s13 =	simm.s32 $0x4D00;
	[sflag:s26] =	ssyncadd.s32 $0xFFFFEC00  }
0x3f: {  	s14 =	simm.s32 $0x3900;
	v0 =	vld [tilespmem:s13+$0x80]  }
0x40: {  	v1 =	vld [tilespmem:s14+$0x80]  }
0x41: {  	v2 =	vld [tilespmem:s14+$0xFFFFFF00]  }
0x42: {  	v3 =	vld [tilespmem:s13+$0xFFFFFF80]  }
0x43: {  	v4 =	vld [tilespmem:s14+$0xFFFFFF80]  }
0x44: {  	v5 =	vld [tilespmem:s14+$0x0]  }
0x45: {  	v0 =	vadd.f32 v1, v0;
	v1 =	vld [tilespmem:s13+$0x0]  }
0x46: {  	v6 =	vld [tilespmem:s13+$0xFFFFFF00]  }
0x47: {  	v0 =	vmax.f32 v0, $0.0e+00  }
0x48: {  	v3 =	vadd.f32 v4, v3;
	[tilespmem:s13+$0x80] =	vst v0;
	v0 =	vld [tilespmem:s13+$0x90]  }
0x49: {  	v7 =	vld [tilespmem:s14+$0x90]  }
0x4a: {  	v8 =	vld [tilespmem:s13+$0xFFFFFF90];
	v3 =	vmax.f32 v3, $0.0e+00;
	v1 =	vadd.f32 v5, v1  }
0x4b: {  	v4 =	vld [tilespmem:s13+$0xFFFFFF10];
	v2 =	vadd.f32 v2, v6;
	[tilespmem:s13+$0xFFFFFF80] =	vst v3  }
0x4c: {  	v5 =	vld [tilespmem:s14+$0xFFFFFF90];
	v1 =	vmax.f32 v1, $0.0e+00  }
0x4d: {  	v2 =	vmax.f32 v2, $0.0e+00;
	v3 =	vld [tilespmem:s13+$0x10];
	[tilespmem:s13+$0x0] =	vst v1  }
0x4e: {  	[tilespmem:s13+$0xFFFFFF00] =	vst v2;
	v0 =	vadd.f32 v7, v0;
	v1 =	vld [tilespmem:s14+$0x10]  }
0x4f: {  	v2 =	vld [tilespmem:s14+$0xFFFFFF10]  }
0x50: {  	v0 =	vmax.f32 v0, $0.0e+00  }
0x51: {  	v5 =	vadd.f32 v5, v8;
	[tilespmem:s13+$0x90] =	vst v0;
	v0 =	vld [tilespmem:s13+$0xA0]  }
0x52: {  	v7 =	vld [tilespmem:s14+$0xA0]  }
0x53: {  	v6 =	vld [tilespmem:s13+$0xFFFFFF20];
	v5 =	vmax.f32 v5, $0.0e+00;
	v1 =	vadd.f32 v1, v3  }
0x54: {  	v2 =	vadd.f32 v2, v4;
	v8 =	vld [tilespmem:s13+$0xFFFFFFA0];
	[tilespmem:s13+$0xFFFFFF90] =	vst v5  }
0x55: {  	v4 =	vld [tilespmem:s14+$0xFFFFFFA0];
	v1 =	vmax.f32 v1, $0.0e+00  }
0x56: {  	v2 =	vmax.f32 v2, $0.0e+00;
	v3 =	vld [tilespmem:s13+$0x20];
	[tilespmem:s13+$0x10] =	vst v1  }
0x57: {  	[tilespmem:s13+$0xFFFFFF10] =	vst v2;
	v0 =	vadd.f32 v7, v0;
	v1 =	vld [tilespmem:s14+$0x20]  }
0x58: {  	v2 =	vld [tilespmem:s14+$0xFFFFFF20]  }
0x59: {  	v0 =	vmax.f32 v0, $0.0e+00  }
0x5a: {  	v4 =	vadd.f32 v4, v8;
	[tilespmem:s13+$0xA0] =	vst v0;
	v0 =	vld [tilespmem:s13+$0xB0]  }
0x5b: {  	v7 =	vld [tilespmem:s14+$0xB0]  }
0x5c: {  	v9 =	vld [tilespmem:s13+$0x30];
	v4 =	vmax.f32 v4, $0.0e+00;
	v1 =	vadd.f32 v1, v3  }
0x5d: {  	v2 =	vadd.f32 v2, v6;
	v8 =	vld [tilespmem:s13+$0xFFFFFFB0];
	[tilespmem:s13+$0xFFFFFFA0] =	vst v4  }
0x5e: {  	v3 =	vld [tilespmem:s14+$0xFFFFFFB0];
	v1 =	vmax.f32 v1, $0.0e+00  }
0x5f: {  	v5 =	vld [tilespmem:s13+$0xFFFFFF30];
	[tilespmem:s13+$0x20] =	vst v1;
	v1 =	vmax.f32 v2, $0.0e+00  }
0x60: {  	v0 =	vadd.f32 v7, v0;
	[tilespmem:s13+$0xFFFFFF20] =	vst v1;
	v1 =	vld [tilespmem:s14+$0x30]  }
0x61: {  	v6 =	vld [tilespmem:s14+$0xFFFFFF30]  }
0x62: {  	v10 =	vld [tilespmem:s13+$0xFFFFFF40];
	v0 =	vmax.f32 v0, $0.0e+00  }
0x63: {  	v3 =	vadd.f32 v3, v8;
	[tilespmem:s13+$0xB0] =	vst v0;
	v0 =	vld [tilespmem:s13+$0xC0]  }
0x64: {  	v7 =	vld [tilespmem:s14+$0xC0]  }
0x65: {  	v11 =	vld [tilespmem:s13+$0xFFFFFFD0];
	v3 =	vmax.f32 v3, $0.0e+00;
	v1 =	vadd.f32 v1, v9  }
0x66: {  	v4 =	vld [tilespmem:s13+$0xFFFFFFC0];
	[tilespmem:s13+$0xFFFFFFB0] =	vst v3;
	v5 =	vadd.f32 v6, v5  }
0x67: {  	v6 =	vld [tilespmem:s14+$0xFFFFFFC0];
	v1 =	vmax.f32 v1, $0.0e+00  }
0x68: {  	v2 =	vld [tilespmem:s13+$0x40];
	[tilespmem:s13+$0x30] =	vst v1;
	v1 =	vmax.f32 v5, $0.0e+00  }
0x69: {  	v0 =	vadd.f32 v7, v0;
	v5 =	vld [tilespmem:s14+$0x40];
	[tilespmem:s13+$0xFFFFFF30] =	vst v1  }
0x6a: {  	v1 =	vld [tilespmem:s14+$0xFFFFFF40]  }
0x6b: {  	v8 =	vld [tilespmem:s13+$0xFFFFFF50];
	v0 =	vmax.f32 v0, $0.0e+00  }
0x6c: {  	[tilespmem:s13+$0xC0] =	vst v0;
	v0 =	vadd.f32 v6, v4;
	v6 =	vld [tilespmem:s13+$0xD0]  }
0x6d: {  	v7 =	vld [tilespmem:s14+$0xD0]  }
0x6e: {  	v3 =	vld [tilespmem:s13+$0xFFFFFF60];
	v0 =	vmax.f32 v0, $0.0e+00;
	v2 =	vadd.f32 v5, v2  }
0x6f: {  	v9 =	vld [tilespmem:s13+$0x50];
	[tilespmem:s13+$0xFFFFFFC0] =	vst v0;
	v0 =	vadd.f32 v1, v10  }
0x70: {  	v1 =	vld [tilespmem:s14+$0xFFFFFFD0];
	v2 =	vmax.f32 v2, $0.0e+00  }
0x71: {  	v4 =	vld [tilespmem:s13+$0xFFFFFFE0];
	[tilespmem:s13+$0x40] =	vst v2;
	v0 =	vmax.f32 v0, $0.0e+00  }
0x72: {  	v2 =	vld [tilespmem:s14+$0x50];
	v6 =	vadd.f32 v7, v6;
	[tilespmem:s13+$0xFFFFFF40] =	vst v0  }
0x73: {  	v0 =	vld [tilespmem:s14+$0xFFFFFF50]  }
0x74: {  	v5 =	vld [tilespmem:s13+$0x60];
	v6 =	vmax.f32 v6, $0.0e+00  }
0x75: {  	v1 =	vadd.f32 v1, v11;
	[tilespmem:s13+$0xD0] =	vst v6;
	v6 =	vld [tilespmem:s13+$0xE0]  }
0x76: {  	v10 =	vld [tilespmem:s14+$0xE0]  }
0x77: {  	v1 =	vmax.f32 v1, $0.0e+00;
	v7 =	vadd.f32 v2, v9;
	v2 =	vld [tilespmem:s13+$0xFFFFFF70]  }
0x78: {  	[tilespmem:s13+$0xFFFFFFD0] =	vst v1;
	v0 =	vadd.f32 v0, v8;
	v1 =	vld [tilespmem:s13+$0xFFFFFFF0]  }
0x79: {  	v8 =	vmax.f32 v7, $0.0e+00;
	v7 =	vld [tilespmem:s14+$0xFFFFFFE0]  }
0x7a: {  	[tilespmem:s13+$0x50] =	vst v8;
	v8 =	vmax.f32 v0, $0.0e+00;
	v0 =	vld [tilespmem:s13+$0x70]  }
0x7b: {  	[tilespmem:s13+$0xFFFFFF50] =	vst v8;
	v8 =	vld [tilespmem:s14+$0x60];
	v6 =	vadd.f32 v10, v6  }
0x7c: {  	s15 =	simm.s32 $0x0;
	v9 =	vld [tilespmem:s14+$0xFFFFFF60]  }
0x7d: {  	s16 =	simm.s32 $0x4F00;
	s17 =	simm.s32 $0x3900;
	s9 =	sshll.u32 s12, $0x1;
	v10 =	vmax.f32 v6, $0.0e+00;
	v6 =	vld [tilespmem:s13+$0xF0]  }
.LBB2_4:
0x7e: {  	v11 =	vld [tilespmem:s16+$0x80];
	v4 =	vadd.f32 v7, v4;
	[tilespmem:s13+$0xE0] =	vst v10  }
0x7f: {  	s17 =	sadd.s32 $0x200, s17;
	v7 =	vld [tilespmem:s14+$0xF0]  }
0x80: {  	s15 =	sadd.s32 $0x4, s15;
	v10 =	vld [tilespmem:s17+$0x80];
	v4 =	vmax.f32 v4, $0.0e+00;
	v5 =	vadd.f32 v8, v5  }
0x81: {  	p1 =	slt.u32 s15, $0x24;
	v8 =	vld [tilespmem:s17+$0xFFFFFF00];
	v3 =	vadd.f32 v9, v3;
	[tilespmem:s13+$0xFFFFFFE0] =	vst v4  }
0x82: {  	v4 =	vld [tilespmem:s16+$0xFFFFFF80];
	v5 =	vmax.f32 v5, $0.0e+00  }
0x83: {  	v9 =	vld [tilespmem:s17+$0xFFFFFF80];
	v3 =	vmax.f32 v3, $0.0e+00;
	[tilespmem:s13+$0x60] =	vst v5  }
0x84: {  	v5 =	vld [tilespmem:s16+$0x0];
	[tilespmem:s13+$0xFFFFFF60] =	vst v3;
	v3 =	vadd.f32 v7, v6  }
0x85: {  	v6 =	vld [tilespmem:s17+$0x0];
	v7 =	vadd.f32 v10, v11  }
0x86: {  	v10 =	vld [tilespmem:s16+$0xFFFFFF00];
	v3 =	vmax.f32 v3, $0.0e+00  }
0x87: {  	v11 =	vld [tilespmem:s16+$0xFFFFFF10];
	v7 =	vmax.f32 v7, $0.0e+00;
	[tilespmem:s13+$0xF0] =	vst v3  }
0x88: {  	v3 =	vadd.f32 v9, v4;
	[tilespmem:s16+$0x80] =	vst v7;
	v4 =	vld [tilespmem:s16+$0x90]  }
0x89: {  	v7 =	vld [tilespmem:s17+$0x90]  }
0x8a: {  	v3 =	vmax.f32 v3, $0.0e+00;
	v9 =	vld [tilespmem:s16+$0xFFFFFF90];
	v5 =	vadd.f32 v6, v5  }
0x8b: {  	v6 =	vadd.f32 v8, v10;
	[tilespmem:s16+$0xFFFFFF80] =	vst v3;
	v3 =	vld [tilespmem:s16+$0x10]  }
0x8c: {  	v8 =	vld [tilespmem:s17+$0xFFFFFF90];
	v5 =	vmax.f32 v5, $0.0e+00  }
0x8d: {  	v6 =	vmax.f32 v6, $0.0e+00;
	v10 =	vld [tilespmem:s16+$0xFFFFFF20];
	[tilespmem:s16+$0x0] =	vst v5  }
0x8e: {  	[tilespmem:s16+$0xFFFFFF00] =	vst v6;
	v5 =	vld [tilespmem:s17+$0x10];
	v4 =	vadd.f32 v7, v4  }
0x8f: {  	v6 =	vld [tilespmem:s17+$0xFFFFFF10]  }
0x90: {  	v7 =	vld [tilespmem:s16+$0xFFFFFFA0];
	v4 =	vmax.f32 v4, $0.0e+00  }
0x91: {  	v8 =	vadd.f32 v8, v9;
	[tilespmem:s16+$0x90] =	vst v4;
	v4 =	vld [tilespmem:s16+$0xA0]  }
0x92: {  	v9 =	vld [tilespmem:s17+$0xA0]  }
0x93: {  	v8 =	vmax.f32 v8, $0.0e+00;
	v3 =	vadd.f32 v5, v3;
	v5 =	vld [tilespmem:s16+$0x20]  }
0x94: {  	v6 =	vadd.f32 v6, v11;
	v11 =	vld [tilespmem:s16+$0xFFFFFF30];
	[tilespmem:s16+$0xFFFFFF90] =	vst v8  }
0x95: {  	v8 =	vld [tilespmem:s17+$0xFFFFFFA0];
	v3 =	vmax.f32 v3, $0.0e+00  }
0x96: {  	v6 =	vmax.f32 v6, $0.0e+00;
	v12 =	vld [tilespmem:s16+$0xFFFFFFB0];
	[tilespmem:s16+$0x10] =	vst v3  }
0x97: {  	[tilespmem:s16+$0xFFFFFF10] =	vst v6;
	v3 =	vld [tilespmem:s17+$0x20];
	v4 =	vadd.f32 v9, v4  }
0x98: {  	v6 =	vld [tilespmem:s17+$0xFFFFFF20]  }
0x99: {  	v9 =	vld [tilespmem:s16+$0x30];
	v4 =	vmax.f32 v4, $0.0e+00  }
0x9a: {  	v7 =	vadd.f32 v8, v7;
	[tilespmem:s16+$0xA0] =	vst v4;
	v4 =	vld [tilespmem:s16+$0xB0]  }
0x9b: {  	v8 =	vld [tilespmem:s17+$0xB0]  }
0x9c: {  	v13 =	vld [tilespmem:s16+$0xFFFFFF40];
	v7 =	vmax.f32 v7, $0.0e+00;
	v3 =	vadd.f32 v3, v5  }
0x9d: {  	v5 =	vadd.f32 v6, v10;
	[tilespmem:s16+$0xFFFFFFA0] =	vst v7;
	v6 =	vld [tilespmem:s16+$0xFFFFFFC0]  }
0x9e: {  	v7 =	vld [tilespmem:s17+$0xFFFFFFB0];
	v3 =	vmax.f32 v3, $0.0e+00  }
0x9f: {  	v5 =	vmax.f32 v5, $0.0e+00;
	[tilespmem:s16+$0x20] =	vst v3;
	v10 =	vld [tilespmem:s16+$0x40]  }
0xa0: {  	[tilespmem:s16+$0xFFFFFF20] =	vst v5;
	v3 =	vld [tilespmem:s17+$0x30];
	v4 =	vadd.f32 v8, v4  }
0xa1: {  	v5 =	vld [tilespmem:s17+$0xFFFFFF30]  }
0xa2: {  	v8 =	vld [tilespmem:s16+$0xFFFFFF50];
	v4 =	vmax.f32 v4, $0.0e+00  }
0xa3: {  	v7 =	vadd.f32 v7, v12;
	[tilespmem:s16+$0xB0] =	vst v4;
	v4 =	vld [tilespmem:s16+$0xC0]  }
0xa4: {  	v12 =	vld [tilespmem:s17+$0xC0]  }
0xa5: {  	v7 =	vmax.f32 v7, $0.0e+00;
	v14 =	vld [tilespmem:s16+$0xFFFFFFD0];
	v3 =	vadd.f32 v3, v9  }
0xa6: {  	v5 =	vadd.f32 v5, v11;
	[tilespmem:s16+$0xFFFFFFB0] =	vst v7;
	v7 =	vld [tilespmem:s16+$0x50]  }
0xa7: {  	v9 =	vld [tilespmem:s17+$0xFFFFFFC0];
	v11 =	vmax.f32 v3, $0.0e+00  }
0xa8: {  	v5 =	vmax.f32 v5, $0.0e+00;
	v3 =	vld [tilespmem:s16+$0xFFFFFF60];
	[tilespmem:s16+$0x30] =	vst v11  }
0xa9: {  	[tilespmem:s16+$0xFFFFFF30] =	vst v5;
	v5 =	vld [tilespmem:s17+$0x40];
	v11 =	vadd.f32 v12, v4  }
0xaa: {  	v12 =	vld [tilespmem:s17+$0xFFFFFF40]  }
0xab: {  	v4 =	vld [tilespmem:s16+$0xFFFFFFE0];
	v11 =	vmax.f32 v11, $0.0e+00  }
0xac: {  	v6 =	vadd.f32 v9, v6;
	[tilespmem:s16+$0xC0] =	vst v11;
	v9 =	vld [tilespmem:s16+$0xD0]  }
0xad: {  	v11 =	vld [tilespmem:s17+$0xD0]  }
0xae: {  	v6 =	vmax.f32 v6, $0.0e+00;
	v10 =	vadd.f32 v5, v10;
	v5 =	vld [tilespmem:s16+$0x60]  }
0xaf: {  	v12 =	vadd.f32 v12, v13;
	[tilespmem:s16+$0xFFFFFFC0] =	vst v6;
	v6 =	vld [tilespmem:s14+$0xFFFFFF70]  }
0xb0: {  	v13 =	vld [tilespmem:s17+$0xFFFFFFD0];
	v10 =	vmax.f32 v10, $0.0e+00  }
0xb1: {  	v12 =	vmax.f32 v12, $0.0e+00;
	[tilespmem:s16+$0x40] =	vst v10;
	v10 =	vld [tilespmem:s14+$0xFFFFFFF0]  }
0xb2: {  	[tilespmem:s16+$0xFFFFFF40] =	vst v12;
	v12 =	vld [tilespmem:s17+$0x50];
	v9 =	vadd.f32 v11, v9  }
0xb3: {  	v11 =	vld [tilespmem:s17+$0xFFFFFF50]  }
0xb4: {  	v9 =	vmax.f32 v9, $0.0e+00;
	v2 =	vadd.f32 v6, v2;
	v6 =	vld [tilespmem:s14+$0x70];
	s14 =	smov.u32 s17  }
0xb5: {  	v13 =	vadd.f32 v13, v14;
	[tilespmem:s16+$0xD0] =	vst v9;
	v9 =	vld [tilespmem:s16+$0xE0]  }
0xb6: {  	v14 =	vld [tilespmem:s17+$0xE0];
	v15 =	vmax.f32 v2, $0.0e+00;
	v10 =	vadd.f32 v10, v1  }
0xb7: {  	v2 =	vld [tilespmem:s16+$0xFFFFFF70];
	v1 =	vmax.f32 v13, $0.0e+00;
	v12 =	vadd.f32 v12, v7;
	[tilespmem:s13+$0xFFFFFF70] =	vst v15  }
0xb8: {  	v8 =	vadd.f32 v11, v8;
	[tilespmem:s16+$0xFFFFFFD0] =	vst v1;
	v1 =	vld [tilespmem:s16+$0xFFFFFFF0];
	v10 =	vmax.f32 v10, $0.0e+00  }
.Ltmp0:
0xb9: {  	v7 =	vld [tilespmem:s17+$0xFFFFFFE0];
	v11 =	vmax.f32 v12, $0.0e+00;
	[tilespmem:s13+$0xFFFFFFF0] =	vst v10;
	v6 =	vadd.f32 v6, v0;
	(pc) =	sbr.rel @p1 .LBB2_4-.Ltmp0, $4  }
0xba: {  	v8 =	vmax.f32 v8, $0.0e+00;
	[tilespmem:s16+$0x50] =	vst v11;
	v0 =	vld [tilespmem:s16+$0x70]  }
0xbb: {  	[tilespmem:s16+$0xFFFFFF50] =	vst v8;
	v8 =	vld [tilespmem:s17+$0x60];
	v10 =	vadd.f32 v14, v9;
	v6 =	vmax.f32 v6, $0.0e+00  }
0xbc: {  	v9 =	vld [tilespmem:s17+$0xFFFFFF60];
	[tilespmem:s13+$0x70] =	vst v6;
	s13 =	smov.u32 s16  }
0xbd: {  	s16 =	sadd.s32 $0x200, s16;
	v10 =	vmax.f32 v10, $0.0e+00;
	v6 =	vld [tilespmem:s13+$0xF0]  }
0xbe: {  	_ =	sdelay $0x2  }
0xbf: {  	v3 =	vadd.f32 v9, v3  }
0xc0: {  	v4 =	vadd.f32 v7, v4  }
0xc1: {  	[tilespmem:s13+$0xE0] =	vst v10;
	v5 =	vadd.f32 v8, v5;
	v3 =	vmax.f32 v3, $0.0e+00  }
0xc2: {  	v7 =	vld [tilespmem:s14+$0xF0];
	v4 =	vmax.f32 v4, $0.0e+00;
	[tilespmem:s13+$0xFFFFFF60] =	vst v3  }
0xc3: {  	[tilespmem:s13+$0xFFFFFFE0] =	vst v4;
	v3 =	vmax.f32 v5, $0.0e+00;
	v4 =	vld [tilespmem:s14+$0xFFFFFF70]  }
0xc4: {  	[tilespmem:s13+$0x60] =	vst v3;
	v3 =	vld [tilespmem:s14+$0xFFFFFFF0]  }
0xc5: {  	v5 =	vld [tilespmem:s14+$0x70];
	_ =	sdelay $0x1  }
0xc6: {  	v6 =	vadd.f32 v7, v6  }
0xc7: {  	v2 =	vadd.f32 v4, v2  }
0xc8: {  	v4 =	vmax.f32 v6, $0.0e+00;
	v1 =	vadd.f32 v3, v1  }
0xc9: {  	[tilespmem:s13+$0xF0] =	vst v4;
	v0 =	vadd.f32 v5, v0;
	v2 =	vmax.f32 v2, $0.0e+00  }
0xca: {  	p1 =	seq.s32 s12, $0x18;
	v1 =	vmax.f32 v1, $0.0e+00;
	[tilespmem:s13+$0xFFFFFF70] =	vst v2  }
0xcb: {  	s16 =	sshll.u32 s12, $0x8;
	s9 =	sadd.s32 @!p1 $0x2, s9;
	[tilespmem:s13+$0xFFFFFFF0] =	vst v1;
	v0 =	vmax.f32 v0, $0.0e+00  }
0xcc: {  	s14 =	sand.u32 $0x3FFFFF00, s16;
	[tilespmem:s13+$0x70] =	vst v0;
	s13 =	sadd.s32 @!p1 s0, s9  }
0xcd: {  	s17 =	sadd.s32 $0x1C00, s14;
	s13 =	smul.u32 @!p1 $0x28, s13  }
0xce: {  	[spmem:s2] =	stream.indirect.scatter.add.f32 [tilespmem:s22], [sflag:$0x5], $0x80, s17, s21, $0xb8;
	[tilespmem:$0x1C080] =	vst v63  }
0xcf: {  	s15 =	simm.s32 @!p1 $0x3800;
	_ =	swait.ge [sflag:s18], $0x1400;
	s13 =	sadd.s32 @!p1 s13, s11  }
0xd0: {  	s14 =	simm.s32 @!p1 $0x0;
	[sflag:s18] =	ssyncset.done $0x0;
	s13 =	sshll.u32 @!p1 s13, $0x4  }
0xd1: {  	s9 =	sshll.u32 @!p1 s9, $0x7;
	[sflag:s18] =	ssyncadd.s32 $0xFFFFEC00;
	s13 =	sadd.s32 @!p1 s5, s13  }
0xd2: {  	[tilespmem:s15], [sflag:$0x1] =	stream.linear.gather @!p1 [hbm4b:s13+s14], $0x1400, $0x38;
	[tilespmem:$0x1C080] =	vst v63  }
0xd3: {  	s9 =	sand.u32 @!p1 $0x3FFFFF80, s9;
	s13 =	simm.s32 @!p1 $0x28;
	s14 =	simm.s32 @!p1 $0x4C00  }
0xd4: {  	[tilespmem:s14], [sflag:$0x2] =	stream.indirect.gather @!p1 [hbm4b:s4+s13], $0x80, s9, s13, $0xb8;
	[tilespmem:$0x1C080] =	vst v63  }
0xd5: {  	_ =	swait.ge [sflag:s28], $0x1400  }
0xd6: {  	[sflag:s28] =	ssyncset.done $0x0  }
0xd7: {  	[sflag:s28] =	ssyncadd.s32 $0xFFFFEC00  }
0xd8: {  	_ =	swait.ge [sflag:s29], $0x1400  }
0xd9: {  	[sflag:s29] =	ssyncset.done $0x0  }
0xda: {  	s13 =	simm.s32 $0x7500;
	[sflag:s29] =	ssyncadd.s32 $0xFFFFEC00  }
0xdb: {  	s14 =	simm.s32 $0x6100;
	v0 =	vld [tilespmem:s13+$0x80]  }
0xdc: {  	v1 =	vld [tilespmem:s14+$0x80]  }
0xdd: {  	v2 =	vld [tilespmem:s14+$0xFFFFFF00]  }
0xde: {  	v3 =	vld [tilespmem:s13+$0xFFFFFF80]  }
0xdf: {  	v4 =	vld [tilespmem:s14+$0xFFFFFF80]  }
0xe0: {  	v5 =	vld [tilespmem:s14+$0x0]  }
0xe1: {  	v0 =	vadd.f32 v1, v0;
	v1 =	vld [tilespmem:s13+$0x0]  }
0xe2: {  	v6 =	vld [tilespmem:s13+$0xFFFFFF00]  }
0xe3: {  	v0 =	vmax.f32 v0, $0.0e+00  }
0xe4: {  	v3 =	vadd.f32 v4, v3;
	[tilespmem:s13+$0x80] =	vst v0;
	v0 =	vld [tilespmem:s13+$0x90]  }
0xe5: {  	v7 =	vld [tilespmem:s14+$0x90]  }
0xe6: {  	v8 =	vld [tilespmem:s13+$0xFFFFFF90];
	v3 =	vmax.f32 v3, $0.0e+00;
	v1 =	vadd.f32 v5, v1  }
0xe7: {  	v4 =	vld [tilespmem:s13+$0xFFFFFF10];
	v2 =	vadd.f32 v2, v6;
	[tilespmem:s13+$0xFFFFFF80] =	vst v3  }
0xe8: {  	v5 =	vld [tilespmem:s14+$0xFFFFFF90];
	v1 =	vmax.f32 v1, $0.0e+00  }
0xe9: {  	v2 =	vmax.f32 v2, $0.0e+00;
	v3 =	vld [tilespmem:s13+$0x10];
	[tilespmem:s13+$0x0] =	vst v1  }
0xea: {  	[tilespmem:s13+$0xFFFFFF00] =	vst v2;
	v0 =	vadd.f32 v7, v0;
	v1 =	vld [tilespmem:s14+$0x10]  }
0xeb: {  	v2 =	vld [tilespmem:s14+$0xFFFFFF10]  }
0xec: {  	v0 =	vmax.f32 v0, $0.0e+00  }
0xed: {  	v5 =	vadd.f32 v5, v8;
	[tilespmem:s13+$0x90] =	vst v0;
	v0 =	vld [tilespmem:s13+$0xA0]  }
0xee: {  	v7 =	vld [tilespmem:s14+$0xA0]  }
0xef: {  	v6 =	vld [tilespmem:s13+$0xFFFFFF20];
	v5 =	vmax.f32 v5, $0.0e+00;
	v1 =	vadd.f32 v1, v3  }
0xf0: {  	v2 =	vadd.f32 v2, v4;
	v8 =	vld [tilespmem:s13+$0xFFFFFFA0];
	[tilespmem:s13+$0xFFFFFF90] =	vst v5  }
0xf1: {  	v4 =	vld [tilespmem:s14+$0xFFFFFFA0];
	v1 =	vmax.f32 v1, $0.0e+00  }
0xf2: {  	v2 =	vmax.f32 v2, $0.0e+00;
	v3 =	vld [tilespmem:s13+$0x20];
	[tilespmem:s13+$0x10] =	vst v1  }
0xf3: {  	[tilespmem:s13+$0xFFFFFF10] =	vst v2;
	v0 =	vadd.f32 v7, v0;
	v1 =	vld [tilespmem:s14+$0x20]  }
0xf4: {  	v2 =	vld [tilespmem:s14+$0xFFFFFF20]  }
0xf5: {  	v0 =	vmax.f32 v0, $0.0e+00  }
0xf6: {  	v4 =	vadd.f32 v4, v8;
	[tilespmem:s13+$0xA0] =	vst v0;
	v0 =	vld [tilespmem:s13+$0xB0]  }
0xf7: {  	v7 =	vld [tilespmem:s14+$0xB0]  }
0xf8: {  	v9 =	vld [tilespmem:s13+$0x30];
	v4 =	vmax.f32 v4, $0.0e+00;
	v1 =	vadd.f32 v1, v3  }
0xf9: {  	v2 =	vadd.f32 v2, v6;
	v8 =	vld [tilespmem:s13+$0xFFFFFFB0];
	[tilespmem:s13+$0xFFFFFFA0] =	vst v4  }
0xfa: {  	v3 =	vld [tilespmem:s14+$0xFFFFFFB0];
	v1 =	vmax.f32 v1, $0.0e+00  }
0xfb: {  	v5 =	vld [tilespmem:s13+$0xFFFFFF30];
	[tilespmem:s13+$0x20] =	vst v1;
	v1 =	vmax.f32 v2, $0.0e+00  }
0xfc: {  	v0 =	vadd.f32 v7, v0;
	[tilespmem:s13+$0xFFFFFF20] =	vst v1;
	v1 =	vld [tilespmem:s14+$0x30]  }
0xfd: {  	v6 =	vld [tilespmem:s14+$0xFFFFFF30]  }
0xfe: {  	v10 =	vld [tilespmem:s13+$0xFFFFFF40];
	v0 =	vmax.f32 v0, $0.0e+00  }
0xff: {  	v3 =	vadd.f32 v3, v8;
	[tilespmem:s13+$0xB0] =	vst v0;
	v0 =	vld [tilespmem:s13+$0xC0]  }
0x100: {  	v7 =	vld [tilespmem:s14+$0xC0]  }
0x101: {  	v11 =	vld [tilespmem:s13+$0xFFFFFFD0];
	v3 =	vmax.f32 v3, $0.0e+00;
	v1 =	vadd.f32 v1, v9  }
0x102: {  	v4 =	vld [tilespmem:s13+$0xFFFFFFC0];
	[tilespmem:s13+$0xFFFFFFB0] =	vst v3;
	v5 =	vadd.f32 v6, v5  }
0x103: {  	v6 =	vld [tilespmem:s14+$0xFFFFFFC0];
	v1 =	vmax.f32 v1, $0.0e+00  }
0x104: {  	v2 =	vld [tilespmem:s13+$0x40];
	[tilespmem:s13+$0x30] =	vst v1;
	v1 =	vmax.f32 v5, $0.0e+00  }
0x105: {  	v0 =	vadd.f32 v7, v0;
	v5 =	vld [tilespmem:s14+$0x40];
	[tilespmem:s13+$0xFFFFFF30] =	vst v1  }
0x106: {  	v1 =	vld [tilespmem:s14+$0xFFFFFF40]  }
0x107: {  	v8 =	vld [tilespmem:s13+$0xFFFFFF50];
	v0 =	vmax.f32 v0, $0.0e+00  }
0x108: {  	[tilespmem:s13+$0xC0] =	vst v0;
	v0 =	vadd.f32 v6, v4;
	v6 =	vld [tilespmem:s13+$0xD0]  }
0x109: {  	v7 =	vld [tilespmem:s14+$0xD0]  }
0x10a: {  	v3 =	vld [tilespmem:s13+$0xFFFFFF60];
	v0 =	vmax.f32 v0, $0.0e+00;
	v2 =	vadd.f32 v5, v2  }
0x10b: {  	v9 =	vld [tilespmem:s13+$0x50];
	[tilespmem:s13+$0xFFFFFFC0] =	vst v0;
	v0 =	vadd.f32 v1, v10  }
0x10c: {  	v1 =	vld [tilespmem:s14+$0xFFFFFFD0];
	v2 =	vmax.f32 v2, $0.0e+00  }
0x10d: {  	v4 =	vld [tilespmem:s13+$0xFFFFFFE0];
	[tilespmem:s13+$0x40] =	vst v2;
	v0 =	vmax.f32 v0, $0.0e+00  }
0x10e: {  	v2 =	vld [tilespmem:s14+$0x50];
	v6 =	vadd.f32 v7, v6;
	[tilespmem:s13+$0xFFFFFF40] =	vst v0  }
0x10f: {  	v0 =	vld [tilespmem:s14+$0xFFFFFF50]  }
0x110: {  	v5 =	vld [tilespmem:s13+$0x60];
	v6 =	vmax.f32 v6, $0.0e+00  }
0x111: {  	v1 =	vadd.f32 v1, v11;
	[tilespmem:s13+$0xD0] =	vst v6;
	v6 =	vld [tilespmem:s13+$0xE0]  }
0x112: {  	v10 =	vld [tilespmem:s14+$0xE0]  }
0x113: {  	v1 =	vmax.f32 v1, $0.0e+00;
	v7 =	vadd.f32 v2, v9;
	v2 =	vld [tilespmem:s13+$0xFFFFFF70]  }
0x114: {  	[tilespmem:s13+$0xFFFFFFD0] =	vst v1;
	v0 =	vadd.f32 v0, v8;
	v1 =	vld [tilespmem:s13+$0xFFFFFFF0]  }
0x115: {  	v8 =	vmax.f32 v7, $0.0e+00;
	v7 =	vld [tilespmem:s14+$0xFFFFFFE0]  }
0x116: {  	[tilespmem:s13+$0x50] =	vst v8;
	v8 =	vmax.f32 v0, $0.0e+00;
	v0 =	vld [tilespmem:s13+$0x70]  }
0x117: {  	[tilespmem:s13+$0xFFFFFF50] =	vst v8;
	v8 =	vld [tilespmem:s14+$0x60];
	v6 =	vadd.f32 v10, v6  }
0x118: {  	s12 =	sadd.s32 $0x1, s12;
	v9 =	vld [tilespmem:s14+$0xFFFFFF60]  }
0x119: {  	s16 =	simm.s32 $0x6100;
	s15 =	simm.s32 $0x7700;
	s9 =	simm.s32 $0x0;
	v10 =	vmax.f32 v6, $0.0e+00;
	v6 =	vld [tilespmem:s13+$0xF0]  }
.LBB2_6:
0x11a: {  	v11 =	vld [tilespmem:s15+$0x80];
	v4 =	vadd.f32 v7, v4;
	[tilespmem:s13+$0xE0] =	vst v10  }
0x11b: {  	s16 =	sadd.s32 $0x200, s16;
	v7 =	vld [tilespmem:s14+$0xF0]  }
0x11c: {  	s9 =	sadd.s32 $0x4, s9;
	v10 =	vld [tilespmem:s16+$0x80];
	v4 =	vmax.f32 v4, $0.0e+00;
	v5 =	vadd.f32 v8, v5  }
0x11d: {  	p1 =	slt.u32 s9, $0x24;
	v8 =	vld [tilespmem:s16+$0xFFFFFF00];
	v3 =	vadd.f32 v9, v3;
	[tilespmem:s13+$0xFFFFFFE0] =	vst v4  }
0x11e: {  	v4 =	vld [tilespmem:s15+$0xFFFFFF80];
	v5 =	vmax.f32 v5, $0.0e+00  }
0x11f: {  	v9 =	vld [tilespmem:s16+$0xFFFFFF80];
	v3 =	vmax.f32 v3, $0.0e+00;
	[tilespmem:s13+$0x60] =	vst v5  }
0x120: {  	v5 =	vld [tilespmem:s15+$0x0];
	[tilespmem:s13+$0xFFFFFF60] =	vst v3;
	v3 =	vadd.f32 v7, v6  }
0x121: {  	v6 =	vld [tilespmem:s16+$0x0];
	v7 =	vadd.f32 v10, v11  }
0x122: {  	v10 =	vld [tilespmem:s15+$0xFFFFFF00];
	v3 =	vmax.f32 v3, $0.0e+00  }
0x123: {  	v11 =	vld [tilespmem:s15+$0xFFFFFF10];
	v7 =	vmax.f32 v7, $0.0e+00;
	[tilespmem:s13+$0xF0] =	vst v3  }
0x124: {  	v3 =	vadd.f32 v9, v4;
	[tilespmem:s15+$0x80] =	vst v7;
	v4 =	vld [tilespmem:s15+$0x90]  }
0x125: {  	v7 =	vld [tilespmem:s16+$0x90]  }
0x126: {  	v3 =	vmax.f32 v3, $0.0e+00;
	v9 =	vld [tilespmem:s15+$0xFFFFFF90];
	v5 =	vadd.f32 v6, v5  }
0x127: {  	v6 =	vadd.f32 v8, v10;
	[tilespmem:s15+$0xFFFFFF80] =	vst v3;
	v3 =	vld [tilespmem:s15+$0x10]  }
0x128: {  	v8 =	vld [tilespmem:s16+$0xFFFFFF90];
	v5 =	vmax.f32 v5, $0.0e+00  }
0x129: {  	v6 =	vmax.f32 v6, $0.0e+00;
	v10 =	vld [tilespmem:s15+$0xFFFFFF20];
	[tilespmem:s15+$0x0] =	vst v5  }
0x12a: {  	[tilespmem:s15+$0xFFFFFF00] =	vst v6;
	v5 =	vld [tilespmem:s16+$0x10];
	v4 =	vadd.f32 v7, v4  }
0x12b: {  	v6 =	vld [tilespmem:s16+$0xFFFFFF10]  }
0x12c: {  	v7 =	vld [tilespmem:s15+$0xFFFFFFA0];
	v4 =	vmax.f32 v4, $0.0e+00  }
0x12d: {  	v8 =	vadd.f32 v8, v9;
	[tilespmem:s15+$0x90] =	vst v4;
	v4 =	vld [tilespmem:s15+$0xA0]  }
0x12e: {  	v9 =	vld [tilespmem:s16+$0xA0]  }
0x12f: {  	v8 =	vmax.f32 v8, $0.0e+00;
	v3 =	vadd.f32 v5, v3;
	v5 =	vld [tilespmem:s15+$0x20]  }
0x130: {  	v6 =	vadd.f32 v6, v11;
	v11 =	vld [tilespmem:s15+$0xFFFFFF30];
	[tilespmem:s15+$0xFFFFFF90] =	vst v8  }
0x131: {  	v8 =	vld [tilespmem:s16+$0xFFFFFFA0];
	v3 =	vmax.f32 v3, $0.0e+00  }
0x132: {  	v6 =	vmax.f32 v6, $0.0e+00;
	v12 =	vld [tilespmem:s15+$0xFFFFFFB0];
	[tilespmem:s15+$0x10] =	vst v3  }
0x133: {  	[tilespmem:s15+$0xFFFFFF10] =	vst v6;
	v3 =	vld [tilespmem:s16+$0x20];
	v4 =	vadd.f32 v9, v4  }
0x134: {  	v6 =	vld [tilespmem:s16+$0xFFFFFF20]  }
0x135: {  	v9 =	vld [tilespmem:s15+$0x30];
	v4 =	vmax.f32 v4, $0.0e+00  }
0x136: {  	v7 =	vadd.f32 v8, v7;
	[tilespmem:s15+$0xA0] =	vst v4;
	v4 =	vld [tilespmem:s15+$0xB0]  }
0x137: {  	v8 =	vld [tilespmem:s16+$0xB0]  }
0x138: {  	v13 =	vld [tilespmem:s15+$0xFFFFFF40];
	v7 =	vmax.f32 v7, $0.0e+00;
	v3 =	vadd.f32 v3, v5  }
0x139: {  	v5 =	vadd.f32 v6, v10;
	[tilespmem:s15+$0xFFFFFFA0] =	vst v7;
	v6 =	vld [tilespmem:s15+$0xFFFFFFC0]  }
0x13a: {  	v7 =	vld [tilespmem:s16+$0xFFFFFFB0];
	v3 =	vmax.f32 v3, $0.0e+00  }
0x13b: {  	v5 =	vmax.f32 v5, $0.0e+00;
	[tilespmem:s15+$0x20] =	vst v3;
	v10 =	vld [tilespmem:s15+$0x40]  }
0x13c: {  	[tilespmem:s15+$0xFFFFFF20] =	vst v5;
	v3 =	vld [tilespmem:s16+$0x30];
	v4 =	vadd.f32 v8, v4  }
0x13d: {  	v5 =	vld [tilespmem:s16+$0xFFFFFF30]  }
0x13e: {  	v8 =	vld [tilespmem:s15+$0xFFFFFF50];
	v4 =	vmax.f32 v4, $0.0e+00  }
0x13f: {  	v7 =	vadd.f32 v7, v12;
	[tilespmem:s15+$0xB0] =	vst v4;
	v4 =	vld [tilespmem:s15+$0xC0]  }
0x140: {  	v12 =	vld [tilespmem:s16+$0xC0]  }
0x141: {  	v7 =	vmax.f32 v7, $0.0e+00;
	v14 =	vld [tilespmem:s15+$0xFFFFFFD0];
	v3 =	vadd.f32 v3, v9  }
0x142: {  	v5 =	vadd.f32 v5, v11;
	[tilespmem:s15+$0xFFFFFFB0] =	vst v7;
	v7 =	vld [tilespmem:s15+$0x50]  }
0x143: {  	v9 =	vld [tilespmem:s16+$0xFFFFFFC0];
	v11 =	vmax.f32 v3, $0.0e+00  }
0x144: {  	v5 =	vmax.f32 v5, $0.0e+00;
	v3 =	vld [tilespmem:s15+$0xFFFFFF60];
	[tilespmem:s15+$0x30] =	vst v11  }
0x145: {  	[tilespmem:s15+$0xFFFFFF30] =	vst v5;
	v5 =	vld [tilespmem:s16+$0x40];
	v11 =	vadd.f32 v12, v4  }
0x146: {  	v12 =	vld [tilespmem:s16+$0xFFFFFF40]  }
0x147: {  	v4 =	vld [tilespmem:s15+$0xFFFFFFE0];
	v11 =	vmax.f32 v11, $0.0e+00  }
0x148: {  	v6 =	vadd.f32 v9, v6;
	[tilespmem:s15+$0xC0] =	vst v11;
	v9 =	vld [tilespmem:s15+$0xD0]  }
0x149: {  	v11 =	vld [tilespmem:s16+$0xD0]  }
0x14a: {  	v6 =	vmax.f32 v6, $0.0e+00;
	v10 =	vadd.f32 v5, v10;
	v5 =	vld [tilespmem:s15+$0x60]  }
0x14b: {  	v12 =	vadd.f32 v12, v13;
	[tilespmem:s15+$0xFFFFFFC0] =	vst v6;
	v6 =	vld [tilespmem:s14+$0xFFFFFF70]  }
0x14c: {  	v13 =	vld [tilespmem:s16+$0xFFFFFFD0];
	v10 =	vmax.f32 v10, $0.0e+00  }
0x14d: {  	v12 =	vmax.f32 v12, $0.0e+00;
	[tilespmem:s15+$0x40] =	vst v10;
	v10 =	vld [tilespmem:s14+$0xFFFFFFF0]  }
0x14e: {  	[tilespmem:s15+$0xFFFFFF40] =	vst v12;
	v12 =	vld [tilespmem:s16+$0x50];
	v9 =	vadd.f32 v11, v9  }
0x14f: {  	v11 =	vld [tilespmem:s16+$0xFFFFFF50]  }
0x150: {  	v9 =	vmax.f32 v9, $0.0e+00;
	v2 =	vadd.f32 v6, v2;
	v6 =	vld [tilespmem:s14+$0x70];
	s14 =	smov.u32 s16  }
0x151: {  	v13 =	vadd.f32 v13, v14;
	[tilespmem:s15+$0xD0] =	vst v9;
	v9 =	vld [tilespmem:s15+$0xE0]  }
0x152: {  	v14 =	vld [tilespmem:s16+$0xE0];
	v15 =	vmax.f32 v2, $0.0e+00;
	v10 =	vadd.f32 v10, v1  }
0x153: {  	v2 =	vld [tilespmem:s15+$0xFFFFFF70];
	v1 =	vmax.f32 v13, $0.0e+00;
	v12 =	vadd.f32 v12, v7;
	[tilespmem:s13+$0xFFFFFF70] =	vst v15  }
0x154: {  	v8 =	vadd.f32 v11, v8;
	[tilespmem:s15+$0xFFFFFFD0] =	vst v1;
	v1 =	vld [tilespmem:s15+$0xFFFFFFF0];
	v10 =	vmax.f32 v10, $0.0e+00  }
.Ltmp1:
0x155: {  	v7 =	vld [tilespmem:s16+$0xFFFFFFE0];
	v11 =	vmax.f32 v12, $0.0e+00;
	[tilespmem:s13+$0xFFFFFFF0] =	vst v10;
	v6 =	vadd.f32 v6, v0;
	(pc) =	sbr.rel @p1 .LBB2_6-.Ltmp1, $4  }
0x156: {  	v8 =	vmax.f32 v8, $0.0e+00;
	[tilespmem:s15+$0x50] =	vst v11;
	v0 =	vld [tilespmem:s15+$0x70]  }
0x157: {  	[tilespmem:s15+$0xFFFFFF50] =	vst v8;
	v8 =	vld [tilespmem:s16+$0x60];
	v10 =	vadd.f32 v14, v9;
	v6 =	vmax.f32 v6, $0.0e+00  }
0x158: {  	v9 =	vld [tilespmem:s16+$0xFFFFFF60];
	[tilespmem:s13+$0x70] =	vst v6;
	s13 =	smov.u32 s15  }
0x159: {  	s15 =	sadd.s32 $0x200, s15;
	v10 =	vmax.f32 v10, $0.0e+00;
	v6 =	vld [tilespmem:s13+$0xF0]  }
0x15a: {  	_ = 	snop  }
0x15b: {  	v4 =	vadd.f32 v7, v4  }
0x15c: {  	v5 =	vadd.f32 v8, v5  }
0x15d: {  	[tilespmem:s13+$0xE0] =	vst v10;
	v4 =	vmax.f32 v4, $0.0e+00;
	v3 =	vadd.f32 v9, v3  }
0x15e: {  	v58 =	vld [tilespmem:s14+$0xF0];
	[tilespmem:s13+$0xFFFFFFE0] =	vst v4;
	v59 =	vmax.f32 v5, $0.0e+00  }
0x15f: {  	v61 =	vld [tilespmem:s14+$0xFFFFFFF0];
	v3 =	vmax.f32 v3, $0.0e+00;
	[tilespmem:s13+$0x60] =	vst v59  }
0x160: {  	[tilespmem:s13+$0xFFFFFF60] =	vst v3;
	v62 =	vld [tilespmem:s14+$0x70]  }
0x161: {  	v60 =	vld [tilespmem:s14+$0xFFFFFF70];
	_ =	sdelay $0x1  }
0x162: {  	v6 =	vadd.f32 v58, v6  }
0x163: {  	v1 =	vadd.f32 v61, v1  }
0x164: {  	v63 =	vmax.f32 v6, $0.0e+00;
	v0 =	vadd.f32 v62, v0  }
0x165: {  	[tilespmem:s13+$0xF0] =	vst v63;
	v1 =	vmax.f32 v1, $0.0e+00;
	v2 =	vadd.f32 v60, v2  }
0x166: {  	[tilespmem:s13+$0xFFFFFFF0] =	vst v1;
	v0 =	vmax.f32 v0, $0.0e+00  }
0x167: {  	p1 =	sne.s32 s12, $0x19;
	v2 =	vmax.f32 v2, $0.0e+00;
	[tilespmem:s13+$0x70] =	vst v0  }
.Ltmp2:
0x168: {  	s1 =	sadd.s32 $0x1C00, s1;
	[tilespmem:s13+$0xFFFFFF70] =	vst v2;
	(pc) =	sbr.rel @p1 .LBB2_3-.Ltmp2, $4  }
0x169: {  	[spmem:s2] =	stream.indirect.scatter.add.f32 [tilespmem:s24], [sflag:$0x5], $0x80, s1, s21, $0xb8;
	[tilespmem:$0x1C080] =	vst v63  }
0x16a: {  	_ =	swait.ge [sflag:s18], $0x1400  }
0x16b: {  	[sflag:s18] =	ssyncset.done $0x0  }
0x16c: {  	[sflag:s18] =	ssyncadd.s32 $0xFFFFEC00  }
0x16d: {  	s31 =	sadd.s32 $0x1, s31  }
0x16e: {  	p1 =	sne.s32 s31, $0x5  }
.Ltmp3:
0x16f: {  	_ = 	snop;
	(pc) =	sbr.rel @p1 .LBB2_2-.Ltmp3, $1  }
0x170: {  	_ =	sdelay $0x3  }
0x171: {  	[bflag:$0x0] =	sbarrier.arrive $0xFFFF  }
0x172: {  	s1 =	rddreg [dreg:$0x5]  }
0x173: {  	s0 =	simm.s32 @p0 $0x1FC5;
	s12 =	rddreg [dreg:$0x7]  }
0x174: {  	[hbm:s1], [sflag:s0] =	dma.local @p0 [spmem:s12], $0x2080  }
0x175: {  	s0 =	simm.s32 @p0 $0x5  }
0x176: {  	_ =	swait.ge @p0 [sflag:s0], $0x2080  }
0x177: {  	s13 =	rddreg [dreg:$0x8]  }
0x178: {  	[sflag:s0] =	ssyncset.done @p0 $0x0;
	s9 =	rddreg [dreg:$0x9]  }
0x179: {  	[sflag:s0] =	ssyncadd.s32 @p0 $0xFFFFDF80;
	s0 =	rddreg [dreg:$0x4]  }
0x17a: {  	[hbm:s0], [sflag:s13] =	dma.local @!p0 [spmem:s9], $0x2780  }
0x17b: {  	s0 =	simm.s32 @!p0 $0x5  }
0x17c: {  	_ =	swait.ge @!p0 [sflag:s0], $0x2780  }
0x17d: {  	s30 =	sadd.s32 $0x1, s30;
	s31 =	rddreg [dreg:$0x6]  }
0x17e: {  	p1 =	sne.s32 s30, s31  }
.Ltmp4:
0x17f: {  	_ = 	snop;
	(pc) =	sbr.rel @p1 .LBB2_1-.Ltmp4, $3  }
0x180: {  	_ =	sdelay $0x1  }
0x181: {  	[sflag:s0] =	ssyncset.done @!p0 $0x0  }
0x182: {  	[sflag:s0] =	ssyncadd.s32 @!p0 $0xFFFFD880  }
0x183: {  	_ =	sfence.sel $0x180000  }
0x184: {  	[bflag:$0x0] =	sbarrier.arrive $0xFFFF  }
0x185: {  	_ =	strace $0x90000047  }
0x186: {  	s0 =	stileid.u32;
	[bflag:$0x2] =	sbarrier.arrive $0xFFFF  }
0x187: {  	p0 =	sne.s32 s0, $0x0;
	s0 =	rddreg [dreg:$0x2]  }
0x188: {  	s0 =	sadd.s32 @!p0 $0x100000, s0  }
0x189: {  	[sflag:s0] =	ssyncadd.tile.s32 @!p0 $0x1;
	_ =	shalt  }
.Lfunc_end2:
_tile_overlayer_lowered:
.L_overlay_start_2:
0x18a: {  	(tag) =	ssettag $0x2  }
0x18b: {  	s0 =	rddreg [dreg:$0x0];
	s2 =	stileid.u32  }
0x18c: {  	s1 =	rddreg [dreg:$0x1];
	p0 =	sne.s32 s2, $0x0  }
0x18d: {  	s3 =	rddreg [dreg:$0x2];
	[bflag:$0x3] =	sbarrier.arrive $0xFFFF;
	s2 =	simm.s32 @!p0 $0x1C05  }
0x18e: {  	[timem:s3], [sflag:s2] =	dma.local @!p0 [hbm:s0], s1  }
0x18f: {  	s0 =	simm.s32 @!p0 $0x5  }
0x190: {  	_ =	swait.ge @!p0 [sflag:s0], s1  }
0x191: {  	s1 =	ssub.s32 @!p0 $0x0, s1;
	[sflag:s0] =	ssyncset.done @!p0 $0x0  }
0x192: {  	[sflag:s0] =	ssyncadd.s32 @!p0 s1  }
0x193: {  	[bflag:$0x3] =	sbarrier.arrive $0xFFFF  }
0x194: {  	_ =	shalt  }

// kernel: kernel.14.cloned.1.call-start
scs
__scs_entry_jumppad:
0x0: {  	(pc) =	sbr.rel $0x88, $3  }
0x1: {  	(tag) =	ssettag $0x0;
	lr =	simm.s32 $0x1  }
0x2: {  	[smem:$0x3F7D] =	sst lr;
	_ =	strace $0xD0000000  }
0x3: {  	_ = 	snop  }
0x4: {  	_ = 	snop  }
0x5: {  	_ = 	snop  }
0x6: {  	_ = 	snop  }
0x7: {  	_ = 	snop  }
__scs_overlays_trampoline_lowered:
0x8: {  	[smem:$0x3F8C] =	sst s0  }
0x9: {  	[smem:$0x3F8D] =	sst s1  }
0xa: {  	[smem:$0x3F8E] =	sst s2  }
0xb: {  	[smem:$0x3F8F] =	sst s3  }
0xc: {  	[smem:$0x3F90] =	sst s4  }
0xd: {  	[smem:$0x3F91] =	sst s5  }
0xe: {  	[smem:$0x3F92] =	sst s6  }
0xf: {  	[smem:$0x3F93] =	sst s7  }
0x10: {  	[smem:$0x3F94] =	sst s8  }
0x11: {  	[smem:$0x3F95] =	sst s9;
	s0 =	simm.s32 @!p0 $0x0  }
0x12: {  	s1 =	sld [smem:$0x3F7B];
	s0 =	simm.s32 @p0 $0x1  }
0x13: {  	[smem:$0x3F96] =	sst s0;
	s0 =	simm.s32 @!p1 $0x0  }
0x14: {  	s2 =	sld [smem:$0x3F7A];
	s0 =	simm.s32 @p1 $0x1  }
0x15: {  	[smem:$0x3F97] =	sst s0;
	s0 =	simm.s32 @!p2 $0x0  }
0x16: {  	s3 =	sld [smem:$0x3FDB];
	s0 =	simm.s32 @p2 $0x1  }
0x17: {  	s4 =	simm.s32 $0x1BF5;
	[smem:$0x3F99] =	sst s0  }
0x18: {  	s0 =	sld [smem:$0x3F7C];
	_ =	swait.ge [sflag:s4], $0x0  }
0x19: {  	s7 =	sld [smem:$0x3F7D]  }
0x1a: {  	s8 =	sadd.s32 $0xFFFFE003, lr  }
0x1b: {  	s9 =	sadd.s32 $0xFFFFFEF7, lr;
	s5 =	simm.s32 $0xFFFFFFFF;
	p2 =	slt.u32 s8, $0xFFFFF086  }
0x1c: {  	p1 =	slt.u32 s9, $0xF7A;
	s5 =	simm.s32 @!p2 $0x0  }
0x1d: {  	s5 =	simm.s32 @p1 $0x1;
	p0 =	seq.s32 s7, s2  }
0x1e: {  	s7 =	smul.u32 @!p0 $0xF7A, s2;
	p2 =	seq.s32 @!p0 s5, $0x0  }
0x1f: {  	s9 =	smul.u32 $0xF7A, s1;
	s8 =	simm.s32 @!p0 $0x1BF5;
	p2 =	por !p2, p0  }
0x20: {  	[sflag:s8] =	ssyncset.s32 @!p0 $0xFFFFF086;
	s6 =	sadd.s32 @!p0 s3, s7;
	s7 =	simm.s32 @!p0 $0x108  }
0x21: {  	s3 =	sadd.s32 s3, s9;
	s6 =	sadd.s32 @!p0 $0x88, s6;
	s7 =	simm.s32 @p2 $0x1082  }
0x22: {  	[simem:s7], [sflag:s8] =	dma.local @!p0 [hbm:s6], $0xF7A  }
0x23: {  	s9 =	sor.u32 $0xD0000000, s2;
	s6 =	simm.s32 $0x108;
	_ =	swait.ge @!p0 [sflag:s8], $0x0  }
0x24: {  	s3 =	sadd.s32 $0x88, s3;
	s6 =	simm.s32 @!p1 $0x1082;
	[sflag:s4] =	ssyncset.s32 $0xFFFFF086  }
0x25: {  	[simem:s6], [sflag:s4] =	dma.local [hbm:s3], $0xF7A  }
0x26: {  	[smem:$0x3F7D] =	sst s1;
	(tag) =	ssettag s2;
	_ =	strace s9  }
0x27: {  	s1 =	sld [smem:$0x3F8D]  }
0x28: {  	s2 =	sld [smem:$0x3F8E]  }
0x29: {  	s4 =	sld [smem:$0x3F90]  }
0x2a: {  	p0 =	seq.s32 s5, $0x0;
	s5 =	sld [smem:$0x3F91]  }
0x2b: {  	s6 =	sld [smem:$0x3F92]  }
0x2c: {  	s7 =	sld [smem:$0x3F93]  }
0x2d: {  	s3 =	simm.s32 $0x108;
	s8 =	sld [smem:$0x3F94]  }
0x2e: {  	s3 =	simm.s32 @!p0 $0x1082;
	s9 =	sld [smem:$0x3F95]  }
0x2f: {  	lr =	sadd.s32 s0, s3;
	s0 =	sld [smem:$0x3F8C]  }
0x30: {  	s3 =	sld [smem:$0x3F8F]  }
0x31: {  	[smem:$0x3F98] =	sst s10  }
0x32: {  	s10 =	sld [smem:$0x3F96];
	_ =	sdelay $0x3  }
0x33: {  	p0 =	seq.s32 s10, $0x1;
	s10 =	sld [smem:$0x3F98];
	_ =	sdelay $0x3  }
0x34: {  	[smem:$0x3F98] =	sst s10  }
0x35: {  	s10 =	sld [smem:$0x3F97];
	_ =	sdelay $0x3  }
0x36: {  	p1 =	seq.s32 s10, $0x1;
	s10 =	sld [smem:$0x3F98];
	_ =	sdelay $0x3  }
0x37: {  	[smem:$0x3F98] =	sst s10  }
0x38: {  	s10 =	sld [smem:$0x3F99]  }
0x39: {  	_ = 	snop;
	(pc) =	sbr.ind lr, $3  }
0x3a: {  	_ = 	snop  }
0x3b: {  	_ = 	snop  }
0x3c: {  	p2 =	seq.s32 s10, $0x1;
	s10 =	sld [smem:$0x3F98]  }
0x3d: {  	_ =	shalt  }
0x3e: {  	_ =	shalt  }
0x3f: {  	_ =	shalt  }
0x40: {  	_ =	shalt  }
0x41: {  	_ =	shalt  }
0x42: {  	_ =	shalt  }
0x43: {  	_ =	shalt  }
0x44: {  	_ =	shalt  }
0x45: {  	_ =	shalt  }
0x46: {  	_ =	shalt  }
0x47: {  	_ =	shalt  }
0x48: {  	_ =	shalt  }
0x49: {  	_ =	shalt  }
0x4a: {  	_ =	shalt  }
0x4b: {  	_ =	shalt  }
0x4c: {  	_ =	shalt  }
0x4d: {  	_ =	shalt  }
0x4e: {  	_ =	shalt  }
0x4f: {  	_ =	shalt  }
0x50: {  	_ =	shalt  }
0x51: {  	_ =	shalt  }
0x52: {  	_ =	shalt  }
0x53: {  	_ =	shalt  }
0x54: {  	_ =	shalt  }
0x55: {  	_ =	shalt  }
0x56: {  	_ =	shalt  }
0x57: {  	_ =	shalt  }
0x58: {  	_ =	shalt  }
0x59: {  	_ =	shalt  }
0x5a: {  	_ =	shalt  }
0x5b: {  	_ =	shalt  }
0x5c: {  	_ =	shalt  }
0x5d: {  	_ =	shalt  }
0x5e: {  	_ =	shalt  }
0x5f: {  	_ =	shalt  }
0x60: {  	_ =	shalt  }
0x61: {  	_ =	shalt  }
0x62: {  	_ =	shalt  }
0x63: {  	_ =	shalt  }
0x64: {  	_ =	shalt  }
0x65: {  	_ =	shalt  }
0x66: {  	_ =	shalt  }
0x67: {  	_ =	shalt  }
0x68: {  	_ =	shalt  }
0x69: {  	_ =	shalt  }
0x6a: {  	_ =	shalt  }
0x6b: {  	_ =	shalt  }
0x6c: {  	_ =	shalt  }
0x6d: {  	_ =	shalt  }
0x6e: {  	_ =	shalt  }
0x6f: {  	_ =	shalt  }
0x70: {  	_ =	shalt  }
0x71: {  	_ =	shalt  }
0x72: {  	_ =	shalt  }
0x73: {  	_ =	shalt  }
0x74: {  	_ =	shalt  }
0x75: {  	_ =	shalt  }
0x76: {  	_ =	shalt  }
0x77: {  	_ =	shalt  }
0x78: {  	_ =	shalt  }
0x79: {  	_ =	shalt  }
0x7a: {  	_ =	shalt  }
0x7b: {  	_ =	shalt  }
0x7c: {  	_ =	shalt  }
0x7d: {  	_ =	shalt  }
0x7e: {  	_ =	shalt  }
0x7f: {  	_ =	shalt  }
0x80: {  	_ =	shalt  }
0x81: {  	_ =	shalt  }
0x82: {  	_ =	shalt  }
0x83: {  	_ =	shalt  }
0x84: {  	_ =	shalt  }
0x85: {  	_ =	shalt  }
0x86: {  	_ =	shalt  }
0x87: {  	_ =	shalt  }
.Lfunc_end0:
.L_simem_size_0:
called_computation.1_lowered:
.L_overlay_start_0:
0x88: {  	s2 =	sld [smem:$0x3FD9]  }
0x89: {  	s3 =	sld [smem:$0x3FFE];
	_ =	sdelay $0x1  }
0x8a: {  	s1 =	srdreg.scid  }
0x8b: {  	s0 =	sand.u32 $0x1, s1  }
0x8c: {  	s16 =	sshll.u32 s0, $0xA;
	s2 =	sadd.s32 s3, s2  }
0x8d: {  	s2 =	sadd.s32 s2, s16  }
0x8e: {  	[smem:$0x3FA4] =	sst s2  }
0x8f: {  	_ = 	snop  }
0x90: {  	(tm) =	ssettm $0x1  }
0x91: {  	s17 =	sld [smem:$0x3FFB];
	_ =	sdelay $0x3  }
0x92: {  	_ =	strace s17  }
0x93: {  	s2 =	sld [smem:$0x3FFC];
	_ =	sdelay $0x3  }
0x94: {  	_ =	strace s2  }
0x95: {  	s2 =	sld [smem:$0x3FFD];
	_ =	sdelay $0x3  }
0x96: {  	_ =	strace s2  }
0x97: {  	_ =	strace $0x8FFFFFFF  }
0x98: {  	s18 =	sld [smem:$0x3FDB];
	_ =	sdelay $0x1  }
0x99: {  	s19 =	simm.s32 $_scs_section_size  }
0x9a: {  	s4 =	simm.s32 $_size__tile_overlayer_lowered;
	s5 =	simm.s32 $_tile_overlayer_lowered  }
0x9b: {  	s22 =	simm.s32 $0x1BFF;
	s21 =	sshll.u32 s5, $0x1;
	s2 =	sadd.s32 s19, s18  }
0x9c: {  	s6 =	simm.s32 $0x0;
	s20 =	sshll.u32 s4, $0x1;
	s4 =	sadd.s32 s21, s2  }
0x9d: {  	[timem:s6], [sflag:s22] =	dma.local [hbm:s4], s20  }
0x9e: {  	_ =	swait.ge [sflag:s22], s20  }
0x9f: {  	s3 =	ssub.s32 $0x0, s20;
	[sflag:s22] =	ssyncset.done $0x0  }
0xa0: {  	[sflag:s22] =	ssyncadd.s32 s3;
	_ =	sdelay $0x1  }
0xa1: {  	s23 =	simm.s32 $0x1B8B  }
0xa2: {  	_ =	swait.ge [sflag:s23], $0x1  }
0xa3: {  	[sflag:s23] =	ssyncset.done $0x0  }
0xa4: {  	s25 =	simm.s32 $0x1B8E;
	s24 =	sld [smem:$0x3FFE];
	[sflag:s23] =	ssyncadd.s32 $0xFFFFFFFF  }
0xa5: {  	s26 =	simm.s32 $execute0_lowered;
	[smem:$0x3FD2] =	sst s25  }
0xa6: {  	s4 =	sshll.u32 s26, $0x1;
	_ =	strace $0x80000049;
	[dreg:$0x1] =	wrdreg $0xFFFFFFFF  }
0xa7: {  	s28 =	simm.s32 $_size_execute0_lowered;
	s2 =	sadd.s32 s2, s4;
	[dreg:$0x0] =	wrdreg $0x0  }
0xa8: {  	s4 =	sshll.u32 s28, $0x1;
	[dreg:$0x2] =	wrdreg s2  }
0xa9: {  	[dreg:$0x3] =	wrdreg s4  }
0xaa: {  	[dreg:$0x4] =	wrdreg $0xC0  }
0xab: {  	_ =	task [dreg:s6], $0x5FFFF  }
0xac: {  	[dreg:$0x1] =	wrdreg $0xFFFFFFFF  }
0xad: {  	[dreg:$0x0] =	wrdreg $0x60  }
0xae: {  	[dreg:$0x2] =	wrdreg s24  }
0xaf: {  	[dreg:$0x3] =	wrdreg $0x88000  }
0xb0: {  	[dreg:$0x4] =	wrdreg $0x9  }
0xb1: {  	_ =	task.clear_ibuf [dreg:s6], $0x5FFFF;
	_ =	strace $0x90000049  }
0xb2: {  	s29 =	simm.s32 $0x9;
	_ =	strace $0x8000004B  }
0xb3: {  	_ =	swait.ge [sflag:s29], $0x1  }
0xb4: {  	[sflag:s29] =	ssyncadd.s32 $0xFFFFFFFF  }
0xb5: {  	_ =	strace $0x9000004B  }
0xb6: {  	_ =	sfence  }
0xb7: {  	s30 =	sld [smem:$0x0];
	_ =	sdelay $0x2  }
0xb8: {  	s31 =	sshll.u32 s1, $0xD;
	s1 =	sshrl.u32 s1, $0x2  }
0xb9: {  	s3 =	sand.u32 $0x4000, s31;
	s1 =	sadd.s32 s1, s30  }
0xba: {  	s0 =	sor.u32 s3, s0;
	s1 =	sshll.u32 s1, $0x11  }
0xbb: {  	s0 =	sor.u32 s1, s0  }
0xbc: {  	s0 =	sadd.s32 $0x8F2B, s0  }
0xbd: {  	[sflag:s0] =	ssyncadd.remote.s32 $0x1  }
0xbe: {  	_ =	sfence.sel $0xFFFF  }
0xbf: {  	[dreg:$0x0] =	wrdreg $0xFFFFFFFF;
	(pc) =	sbr.abs _section_cstart, $3  }
0xc0: {  	[dreg:$0x1] =	wrdreg $0xFFFFFFFF  }
0xc1: {  	_ =	task.clear_ibuf [dreg:s6], $0x2FFFF;
	_ =	strace $0x9FFFFFFF  }
0xc2: {  	(tm) =	ssettm $0x7FFFFFFF  }
0xc3: {  	_ =	shalt  }
tec
execute0_lowered:
.L_overlay_start_1:
0x0: {  	(tag) =	ssettag $0x1  }
0x1: {  	s0 =	rddreg [dreg:$0x0]  }
0x2: {  	s2 =	rddreg [dreg:$0x1];
	s3 =	simm.s32 $0x0  }
0x3: {  	s1 =	srdreg.scid;
	s16 =	stileid.u32;
	s18 =	simm.s32 $0x5  }
0x4: {  	s19 =	simm.s32 $0x1C00;
	s20 =	simm.s32 $0x3800;
	s21 =	simm.s32 $0x28  }
0x5: {  	s22 =	simm.s32 $0x4C00;
	s23 =	simm.s32 $0x6000;
	s24 =	simm.s32 $0x7400  }
0x6: {  	s28 =	simm.s32 $0x3;
	s29 =	simm.s32 $0x4;
	[smem:$0x7FF] =	sst s3  }
0x7: {  	s1 =	sand.u32 $0x1, s1;
	s9 =	smul.u32 $0x4F000, s16;
	s4 =	sadd.s32 $0x44400, s0  }
0x8: {  	s5 =	sadd.s32 $0x2B5400, s0;
	s6 =	sadd.s32 $0xFC00, s0;
	s25 =	smul.u32 $0x2710, s16  }
0x9: {  	s8 =	sadd.s32 $0x32C00, s0;
	s11 =	sadd.s32 $0x92600, s0;
	s15 =	smul.u32 $0x13C00, s16  }
0xa: {  	s0 =	sadd.s32 $0x94E00, s0;
	p0 =	seq.s32 s16, $0xF;
	s10 =	smul.u32 $0x8C000, s1  }
0xb: {  	_ =	strace $0x8000004A;
	s12 =	ssub.s32 $0x2, s1;
	s13 =	smul.u32 $0x138800, s1  }
0xc: {  	s1 =	smul.u32 $0x27100, s1;
	s14 =	sshrl.u32 s12, $0x1;
	s9 =	sshrl.u32 s9, $0x2  }
0xd: {  	[dreg:$0x3] =	wrdreg s11;
	s12 =	ssub.s32 s12, s14;
	s9 =	sadd.s32 s9, s2  }
0xe: {  	s14 =	sadd.s32 $0x128400, s2;
	s15 =	sadd.s32 s15, s13;
	s11 =	sadd.s32 s25, s1  }
0xf: {  	s13 =	sshrl.u32 s13, $0x3;
	s26 =	sshrl.u32 s15, $0x3;
	s31 =	smax.u32 s12, $0x1  }
0x10: {  	s12 =	sshrl.u32 @p0 s14, $0x3;
	s9 =	sshrl.u32 @!p0 s9, $0x3;
	[dreg:$0x6] =	wrdreg s31  }
0x11: {  	s1 =	sadd.s32 s0, s26;
	s0 =	sadd.s32 s0, s13;
	[dreg:$0x7] =	wrdreg s12  }
0x12: {  	s7 =	smul.u32 $0x8C00, s16;
	[dreg:$0x9] =	wrdreg s9;
	s0 =	sadd.s32 $0x25080, s0  }
0x13: {  	s30 =	simm.s32 $0x0;
	[dreg:$0x5] =	wrdreg s0;
	s0 =	sshll.u32 @!p0 s16, $0x6  }
0x14: {  	s10 =	sadd.s32 s10, s7;
	[dreg:$0x4] =	wrdreg s1;
	s13 =	sor.u32 @!p0 $0x1C05, s0  }
0x15: {  	s25 =	simm.s32 $0x1;
	s26 =	simm.s32 $0x2;
	[dreg:$0x8] =	wrdreg s13  }
.LBB2_1:
0x16: {  	s0 =	simm.s32 @p0 $0x1FC5;
	s1 =	rddreg [dreg:$0x3]  }
0x17: {  	[spmem:s12], [sflag:s0] =	dma.local @p0 [hbm:s1], $0x2080  }
0x18: {  	s0 =	simm.s32 @p0 $0x5  }
0x19: {  	_ =	swait.ge @p0 [sflag:s0], $0x2080  }
0x1a: {  	[sflag:s0] =	ssyncset.done @p0 $0x0  }
0x1b: {  	[sflag:s0] =	ssyncadd.s32 @p0 $0xFFFFDF80;
	s0 =	simm.s32 @!p0 $0x5  }
0x1c: {  	[spmem:s9], [sflag:s13] =	dma.local @!p0 [hbm:s1], $0x2780  }
0x1d: {  	_ =	swait.ge @!p0 [sflag:s0], $0x2780  }
0x1e: {  	[sflag:s0] =	ssyncset.done @!p0 $0x0  }
0x1f: {  	[sflag:s0] =	ssyncadd.s32 @!p0 $0xFFFFD880  }
0x20: {  	s31 =	simm.s32 $0x0;
	[bflag:$0x0] =	sbarrier.arrive $0xFFFF  }
.LBB2_2:
0x21: {  	s0 =	smul.u32 $0x1C00, s31;
	_ =	sdelay $0x1  }
0x22: {  	s1 =	sadd.s32 s10, s0  }
0x23: {  	s1 =	sshrl.u32 s1, $0x3  }
0x24: {  	s12 =	simm.s32 $0x0;
	s1 =	sadd.s32 s6, s1  }
0x25: {  	[tilespmem:s12], [sflag:$0x5] =	stream.linear.gather [hbm4b:s1+s12], $0x1900, $0x38;
	[tilespmem:$0x1C080] =	vst v63  }
0x26: {  	s0 =	sadd.s32 s7, s0;
	_ =	swait.ge [sflag:s18], $0x1900  }
0x27: {  	s0 =	sshrl.u32 s0, $0x3;
	[sflag:s18] =	ssyncset.done $0x0  }
0x28: {  	s16 =	smul.u32 $0x7D0, s31;
	s0 =	sadd.s32 s8, s0;
	[sflag:s18] =	ssyncadd.s32 $0xFFFFE700  }
0x29: {  	[tilespmem:s19], [sflag:$0x5] =	stream.linear.gather [hbm4b:s0+s12], $0x1900, $0x38;
	[tilespmem:$0x1C080] =	vst v63  }
0x2a: {  	s17 =	sadd.s32 s16, s11;
	_ =	swait.ge [sflag:s18], $0x1900  }
0x2b: {  	s0 =	sshll.u32 s17, $0x4;
	[sflag:s18] =	ssyncset.done $0x0  }
0x2c: {  	s0 =	sadd.s32 s5, s0;
	[sflag:s18] =	ssyncadd.s32 $0xFFFFE700  }
0x2d: {  	[tilespmem:s20], [sflag:$0x1] =	stream.linear.gather [hbm4b:s0+s12], $0x1400, $0x38;
	[tilespmem:$0x1C080] =	vst v63  }
0x2e: {  	s0 =	smul.u32 $0x32, s31  }
0x2f: {  	[tilespmem:s22], [sflag:$0x2] =	stream.indirect.gather [hbm4b:s4+s21], $0x80, s12, s21, $0xb8;
	[tilespmem:$0x1C080] =	vst v63  }
.LBB2_3:
0x30: {  	s1 =	sshllo.u32 s12, $0x1  }
0x31: {  	s9 =	sadd.s32 s0, s1  }
0x32: {  	s9 =	smul.u32 $0x28, s9;
	_ =	sdelay $0x1  }
0x33: {  	s9 =	sadd.s32 s9, s11  }
0x34: {  	s9 =	sshll.u32 s9, $0x4  }
0x35: {  	s9 =	sadd.s32 s5, s9  }
0x36: {  	[tilespmem:s23], [sflag:$0x3] =	stream.linear.gather [hbm4b:s9+s3], $0x1400, $0x38;
	[tilespmem:$0x1C080] =	vst v63  }
0x37: {  	s1 =	sshll.u32 s1, $0x7  }
0x38: {  	[tilespmem:s24], [sflag:$0x4] =	stream.indirect.gather [hbm4b:s4+s21], $0x80, s1, s21, $0xb8;
	[tilespmem:$0x1C080] =	vst v63  }
0x39: {  	_ =	swait.ge [sflag:s25], $0x1400  }
0x3a: {  	[sflag:s25] =	ssyncset.done $0x0  }
0x3b: {  	[sflag:s25] =	ssyncadd.s32 $0xFFFFEC00  }
0x3c: {  	_ =	swait.ge [sflag:s26], $0x1400  }
0x3d: {  	[sflag:s26] =	ssyncset.done $0x0  }
0x3e: {  	s13 =	simm.s32 $0x4D00;
	[sflag:s26] =	ssyncadd.s32 $0xFFFFEC00  }
0x3f: {  	s14 =	simm.s32 $0x3900;
	v0 =	vld [tilespmem:s13+$0x80]  }
0x40: {  	v1 =	vld [tilespmem:s14+$0x80]  }
0x41: {  	v2 =	vld [tilespmem:s14+$0xFFFFFF00]  }
0x42: {  	v3 =	vld [tilespmem:s13+$0xFFFFFF80]  }
0x43: {  	v4 =	vld [tilespmem:s14+$0xFFFFFF80]  }
0x44: {  	v5 =	vld [tilespmem:s14+$0x0]  }
0x45: {  	v0 =	vadd.f32 v1, v0;
	v1 =	vld [tilespmem:s13+$0x0]  }
0x46: {  	v6 =	vld [tilespmem:s13+$0xFFFFFF00]  }
0x47: {  	v0 =	vmax.f32 v0, $0.0e+00  }
0x48: {  	v3 =	vadd.f32 v4, v3;
	[tilespmem:s13+$0x80] =	vst v0;
	v0 =	vld [tilespmem:s13+$0x90]  }
0x49: {  	v7 =	vld [tilespmem:s14+$0x90]  }
0x4a: {  	v8 =	vld [tilespmem:s13+$0xFFFFFF90];
	v3 =	vmax.f32 v3, $0.0e+00;
	v1 =	vadd.f32 v5, v1  }
0x4b: {  	v4 =	vld [tilespmem:s13+$0xFFFFFF10];
	v2 =	vadd.f32 v2, v6;
	[tilespmem:s13+$0xFFFFFF80] =	vst v3  }
0x4c: {  	v5 =	vld [tilespmem:s14+$0xFFFFFF90];
	v1 =	vmax.f32 v1, $0.0e+00  }
0x4d: {  	v2 =	vmax.f32 v2, $0.0e+00;
	v3 =	vld [tilespmem:s13+$0x10];
	[tilespmem:s13+$0x0] =	vst v1  }
0x4e: {  	[tilespmem:s13+$0xFFFFFF00] =	vst v2;
	v0 =	vadd.f32 v7, v0;
	v1 =	vld [tilespmem:s14+$0x10]  }
0x4f: {  	v2 =	vld [tilespmem:s14+$0xFFFFFF10]  }
0x50: {  	v0 =	vmax.f32 v0, $0.0e+00  }
0x51: {  	v5 =	vadd.f32 v5, v8;
	[tilespmem:s13+$0x90] =	vst v0;
	v0 =	vld [tilespmem:s13+$0xA0]  }
0x52: {  	v7 =	vld [tilespmem:s14+$0xA0]  }
0x53: {  	v6 =	vld [tilespmem:s13+$0xFFFFFF20];
	v5 =	vmax.f32 v5, $0.0e+00;
	v1 =	vadd.f32 v1, v3  }
0x54: {  	v2 =	vadd.f32 v2, v4;
	v8 =	vld [tilespmem:s13+$0xFFFFFFA0];
	[tilespmem:s13+$0xFFFFFF90] =	vst v5  }
0x55: {  	v4 =	vld [tilespmem:s14+$0xFFFFFFA0];
	v1 =	vmax.f32 v1, $0.0e+00  }
0x56: {  	v2 =	vmax.f32 v2, $0.0e+00;
	v3 =	vld [tilespmem:s13+$0x20];
	[tilespmem:s13+$0x10] =	vst v1  }
0x57: {  	[tilespmem:s13+$0xFFFFFF10] =	vst v2;
	v0 =	vadd.f32 v7, v0;
	v1 =	vld [tilespmem:s14+$0x20]  }
0x58: {  	v2 =	vld [tilespmem:s14+$0xFFFFFF20]  }
0x59: {  	v0 =	vmax.f32 v0, $0.0e+00  }
0x5a: {  	v4 =	vadd.f32 v4, v8;
	[tilespmem:s13+$0xA0] =	vst v0;
	v0 =	vld [tilespmem:s13+$0xB0]  }
0x5b: {  	v7 =	vld [tilespmem:s14+$0xB0]  }
0x5c: {  	v9 =	vld [tilespmem:s13+$0x30];
	v4 =	vmax.f32 v4, $0.0e+00;
	v1 =	vadd.f32 v1, v3  }
0x5d: {  	v2 =	vadd.f32 v2, v6;
	v8 =	vld [tilespmem:s13+$0xFFFFFFB0];
	[tilespmem:s13+$0xFFFFFFA0] =	vst v4  }
0x5e: {  	v3 =	vld [tilespmem:s14+$0xFFFFFFB0];
	v1 =	vmax.f32 v1, $0.0e+00  }
0x5f: {  	v5 =	vld [tilespmem:s13+$0xFFFFFF30];
	[tilespmem:s13+$0x20] =	vst v1;
	v1 =	vmax.f32 v2, $0.0e+00  }
0x60: {  	v0 =	vadd.f32 v7, v0;
	[tilespmem:s13+$0xFFFFFF20] =	vst v1;
	v1 =	vld [tilespmem:s14+$0x30]  }
0x61: {  	v6 =	vld [tilespmem:s14+$0xFFFFFF30]  }
0x62: {  	v10 =	vld [tilespmem:s13+$0xFFFFFF40];
	v0 =	vmax.f32 v0, $0.0e+00  }
0x63: {  	v3 =	vadd.f32 v3, v8;
	[tilespmem:s13+$0xB0] =	vst v0;
	v0 =	vld [tilespmem:s13+$0xC0]  }
0x64: {  	v7 =	vld [tilespmem:s14+$0xC0]  }
0x65: {  	v11 =	vld [tilespmem:s13+$0xFFFFFFD0];
	v3 =	vmax.f32 v3, $0.0e+00;
	v1 =	vadd.f32 v1, v9  }
0x66: {  	v4 =	vld [tilespmem:s13+$0xFFFFFFC0];
	[tilespmem:s13+$0xFFFFFFB0] =	vst v3;
	v5 =	vadd.f32 v6, v5  }
0x67: {  	v6 =	vld [tilespmem:s14+$0xFFFFFFC0];
	v1 =	vmax.f32 v1, $0.0e+00  }
0x68: {  	v2 =	vld [tilespmem:s13+$0x40];
	[tilespmem:s13+$0x30] =	vst v1;
	v1 =	vmax.f32 v5, $0.0e+00  }
0x69: {  	v0 =	vadd.f32 v7, v0;
	v5 =	vld [tilespmem:s14+$0x40];
	[tilespmem:s13+$0xFFFFFF30] =	vst v1  }
0x6a: {  	v1 =	vld [tilespmem:s14+$0xFFFFFF40]  }
0x6b: {  	v8 =	vld [tilespmem:s13+$0xFFFFFF50];
	v0 =	vmax.f32 v0, $0.0e+00  }
0x6c: {  	[tilespmem:s13+$0xC0] =	vst v0;
	v0 =	vadd.f32 v6, v4;
	v6 =	vld [tilespmem:s13+$0xD0]  }
0x6d: {  	v7 =	vld [tilespmem:s14+$0xD0]  }
0x6e: {  	v3 =	vld [tilespmem:s13+$0xFFFFFF60];
	v0 =	vmax.f32 v0, $0.0e+00;
	v2 =	vadd.f32 v5, v2  }
0x6f: {  	v9 =	vld [tilespmem:s13+$0x50];
	[tilespmem:s13+$0xFFFFFFC0] =	vst v0;
	v0 =	vadd.f32 v1, v10  }
0x70: {  	v1 =	vld [tilespmem:s14+$0xFFFFFFD0];
	v2 =	vmax.f32 v2, $0.0e+00  }
0x71: {  	v4 =	vld [tilespmem:s13+$0xFFFFFFE0];
	[tilespmem:s13+$0x40] =	vst v2;
	v0 =	vmax.f32 v0, $0.0e+00  }
0x72: {  	v2 =	vld [tilespmem:s14+$0x50];
	v6 =	vadd.f32 v7, v6;
	[tilespmem:s13+$0xFFFFFF40] =	vst v0  }
0x73: {  	v0 =	vld [tilespmem:s14+$0xFFFFFF50]  }
0x74: {  	v5 =	vld [tilespmem:s13+$0x60];
	v6 =	vmax.f32 v6, $0.0e+00  }
0x75: {  	v1 =	vadd.f32 v1, v11;
	[tilespmem:s13+$0xD0] =	vst v6;
	v6 =	vld [tilespmem:s13+$0xE0]  }
0x76: {  	v10 =	vld [tilespmem:s14+$0xE0]  }
0x77: {  	v1 =	vmax.f32 v1, $0.0e+00;
	v7 =	vadd.f32 v2, v9;
	v2 =	vld [tilespmem:s13+$0xFFFFFF70]  }
0x78: {  	[tilespmem:s13+$0xFFFFFFD0] =	vst v1;
	v0 =	vadd.f32 v0, v8;
	v1 =	vld [tilespmem:s13+$0xFFFFFFF0]  }
0x79: {  	v8 =	vmax.f32 v7, $0.0e+00;
	v7 =	vld [tilespmem:s14+$0xFFFFFFE0]  }
0x7a: {  	[tilespmem:s13+$0x50] =	vst v8;
	v8 =	vmax.f32 v0, $0.0e+00;
	v0 =	vld [tilespmem:s13+$0x70]  }
0x7b: {  	[tilespmem:s13+$0xFFFFFF50] =	vst v8;
	v8 =	vld [tilespmem:s14+$0x60];
	v6 =	vadd.f32 v10, v6  }
0x7c: {  	s15 =	simm.s32 $0x0;
	v9 =	vld [tilespmem:s14+$0xFFFFFF60]  }
0x7d: {  	s16 =	simm.s32 $0x4F00;
	s17 =	simm.s32 $0x3900;
	s9 =	sshll.u32 s12, $0x1;
	v10 =	vmax.f32 v6, $0.0e+00;
	v6 =	vld [tilespmem:s13+$0xF0]  }
.LBB2_4:
0x7e: {  	v11 =	vld [tilespmem:s16+$0x80];
	v4 =	vadd.f32 v7, v4;
	[tilespmem:s13+$0xE0] =	vst v10  }
0x7f: {  	s17 =	sadd.s32 $0x200, s17;
	v7 =	vld [tilespmem:s14+$0xF0]  }
0x80: {  	s15 =	sadd.s32 $0x4, s15;
	v10 =	vld [tilespmem:s17+$0x80];
	v4 =	vmax.f32 v4, $0.0e+00;
	v5 =	vadd.f32 v8, v5  }
0x81: {  	p1 =	slt.u32 s15, $0x24;
	v8 =	vld [tilespmem:s17+$0xFFFFFF00];
	v3 =	vadd.f32 v9, v3;
	[tilespmem:s13+$0xFFFFFFE0] =	vst v4  }
0x82: {  	v4 =	vld [tilespmem:s16+$0xFFFFFF80];
	v5 =	vmax.f32 v5, $0.0e+00  }
0x83: {  	v9 =	vld [tilespmem:s17+$0xFFFFFF80];
	v3 =	vmax.f32 v3, $0.0e+00;
	[tilespmem:s13+$0x60] =	vst v5  }
0x84: {  	v5 =	vld [tilespmem:s16+$0x0];
	[tilespmem:s13+$0xFFFFFF60] =	vst v3;
	v3 =	vadd.f32 v7, v6  }
0x85: {  	v6 =	vld [tilespmem:s17+$0x0];
	v7 =	vadd.f32 v10, v11  }
0x86: {  	v10 =	vld [tilespmem:s16+$0xFFFFFF00];
	v3 =	vmax.f32 v3, $0.0e+00  }
0x87: {  	v11 =	vld [tilespmem:s16+$0xFFFFFF10];
	v7 =	vmax.f32 v7, $0.0e+00;
	[tilespmem:s13+$0xF0] =	vst v3  }
0x88: {  	v3 =	vadd.f32 v9, v4;
	[tilespmem:s16+$0x80] =	vst v7;
	v4 =	vld [tilespmem:s16+$0x90]  }
0x89: {  	v7 =	vld [tilespmem:s17+$0x90]  }
0x8a: {  	v3 =	vmax.f32 v3, $0.0e+00;
	v9 =	vld [tilespmem:s16+$0xFFFFFF90];
	v5 =	vadd.f32 v6, v5  }
0x8b: {  	v6 =	vadd.f32 v8, v10;
	[tilespmem:s16+$0xFFFFFF80] =	vst v3;
	v3 =	vld [tilespmem:s16+$0x10]  }
0x8c: {  	v8 =	vld [tilespmem:s17+$0xFFFFFF90];
	v5 =	vmax.f32 v5, $0.0e+00  }
0x8d: {  	v6 =	vmax.f32 v6, $0.0e+00;
	v10 =	vld [tilespmem:s16+$0xFFFFFF20];
	[tilespmem:s16+$0x0] =	vst v5  }
0x8e: {  	[tilespmem:s16+$0xFFFFFF00] =	vst v6;
	v5 =	vld [tilespmem:s17+$0x10];
	v4 =	vadd.f32 v7, v4  }
0x8f: {  	v6 =	vld [tilespmem:s17+$0xFFFFFF10]  }
0x90: {  	v7 =	vld [tilespmem:s16+$0xFFFFFFA0];
	v4 =	vmax.f32 v4, $0.0e+00  }
0x91: {  	v8 =	vadd.f32 v8, v9;
	[tilespmem:s16+$0x90] =	vst v4;
	v4 =	vld [tilespmem:s16+$0xA0]  }
0x92: {  	v9 =	vld [tilespmem:s17+$0xA0]  }
0x93: {  	v8 =	vmax.f32 v8, $0.0e+00;
	v3 =	vadd.f32 v5, v3;
	v5 =	vld [tilespmem:s16+$0x20]  }
0x94: {  	v6 =	vadd.f32 v6, v11;
	v11 =	vld [tilespmem:s16+$0xFFFFFF30];
	[tilespmem:s16+$0xFFFFFF90] =	vst v8  }
0x95: {  	v8 =	vld [tilespmem:s17+$0xFFFFFFA0];
	v3 =	vmax.f32 v3, $0.0e+00  }
0x96: {  	v6 =	vmax.f32 v6, $0.0e+00;
	v12 =	vld [tilespmem:s16+$0xFFFFFFB0];
	[tilespmem:s16+$0x10] =	vst v3  }
0x97: {  	[tilespmem:s16+$0xFFFFFF10] =	vst v6;
	v3 =	vld [tilespmem:s17+$0x20];
	v4 =	vadd.f32 v9, v4  }
0x98: {  	v6 =	vld [tilespmem:s17+$0xFFFFFF20]  }
0x99: {  	v9 =	vld [tilespmem:s16+$0x30];
	v4 =	vmax.f32 v4, $0.0e+00  }
0x9a: {  	v7 =	vadd.f32 v8, v7;
	[tilespmem:s16+$0xA0] =	vst v4;
	v4 =	vld [tilespmem:s16+$0xB0]  }
0x9b: {  	v8 =	vld [tilespmem:s17+$0xB0]  }
0x9c: {  	v13 =	vld [tilespmem:s16+$0xFFFFFF40];
	v7 =	vmax.f32 v7, $0.0e+00;
	v3 =	vadd.f32 v3, v5  }
0x9d: {  	v5 =	vadd.f32 v6, v10;
	[tilespmem:s16+$0xFFFFFFA0] =	vst v7;
	v6 =	vld [tilespmem:s16+$0xFFFFFFC0]  }
0x9e: {  	v7 =	vld [tilespmem:s17+$0xFFFFFFB0];
	v3 =	vmax.f32 v3, $0.0e+00  }
0x9f: {  	v5 =	vmax.f32 v5, $0.0e+00;
	[tilespmem:s16+$0x20] =	vst v3;
	v10 =	vld [tilespmem:s16+$0x40]  }
0xa0: {  	[tilespmem:s16+$0xFFFFFF20] =	vst v5;
	v3 =	vld [tilespmem:s17+$0x30];
	v4 =	vadd.f32 v8, v4  }
0xa1: {  	v5 =	vld [tilespmem:s17+$0xFFFFFF30]  }
0xa2: {  	v8 =	vld [tilespmem:s16+$0xFFFFFF50];
	v4 =	vmax.f32 v4, $0.0e+00  }
0xa3: {  	v7 =	vadd.f32 v7, v12;
	[tilespmem:s16+$0xB0] =	vst v4;
	v4 =	vld [tilespmem:s16+$0xC0]  }
0xa4: {  	v12 =	vld [tilespmem:s17+$0xC0]  }
0xa5: {  	v7 =	vmax.f32 v7, $0.0e+00;
	v14 =	vld [tilespmem:s16+$0xFFFFFFD0];
	v3 =	vadd.f32 v3, v9  }
0xa6: {  	v5 =	vadd.f32 v5, v11;
	[tilespmem:s16+$0xFFFFFFB0] =	vst v7;
	v7 =	vld [tilespmem:s16+$0x50]  }
0xa7: {  	v9 =	vld [tilespmem:s17+$0xFFFFFFC0];
	v11 =	vmax.f32 v3, $0.0e+00  }
0xa8: {  	v5 =	vmax.f32 v5, $0.0e+00;
	v3 =	vld [tilespmem:s16+$0xFFFFFF60];
	[tilespmem:s16+$0x30] =	vst v11  }
0xa9: {  	[tilespmem:s16+$0xFFFFFF30] =	vst v5;
	v5 =	vld [tilespmem:s17+$0x40];
	v11 =	vadd.f32 v12, v4  }
0xaa: {  	v12 =	vld [tilespmem:s17+$0xFFFFFF40]  }
0xab: {  	v4 =	vld [tilespmem:s16+$0xFFFFFFE0];
	v11 =	vmax.f32 v11, $0.0e+00  }
0xac: {  	v6 =	vadd.f32 v9, v6;
	[tilespmem:s16+$0xC0] =	vst v11;
	v9 =	vld [tilespmem:s16+$0xD0]  }
0xad: {  	v11 =	vld [tilespmem:s17+$0xD0]  }
0xae: {  	v6 =	vmax.f32 v6, $0.0e+00;
	v10 =	vadd.f32 v5, v10;
	v5 =	vld [tilespmem:s16+$0x60]  }
0xaf: {  	v12 =	vadd.f32 v12, v13;
	[tilespmem:s16+$0xFFFFFFC0] =	vst v6;
	v6 =	vld [tilespmem:s14+$0xFFFFFF70]  }
0xb0: {  	v13 =	vld [tilespmem:s17+$0xFFFFFFD0];
	v10 =	vmax.f32 v10, $0.0e+00  }
0xb1: {  	v12 =	vmax.f32 v12, $0.0e+00;
	[tilespmem:s16+$0x40] =	vst v10;
	v10 =	vld [tilespmem:s14+$0xFFFFFFF0]  }
0xb2: {  	[tilespmem:s16+$0xFFFFFF40] =	vst v12;
	v12 =	vld [tilespmem:s17+$0x50];
	v9 =	vadd.f32 v11, v9  }
0xb3: {  	v11 =	vld [tilespmem:s17+$0xFFFFFF50]  }
0xb4: {  	v9 =	vmax.f32 v9, $0.0e+00;
	v2 =	vadd.f32 v6, v2;
	v6 =	vld [tilespmem:s14+$0x70];
	s14 =	smov.u32 s17  }
0xb5: {  	v13 =	vadd.f32 v13, v14;
	[tilespmem:s16+$0xD0] =	vst v9;
	v9 =	vld [tilespmem:s16+$0xE0]  }
0xb6: {  	v14 =	vld [tilespmem:s17+$0xE0];
	v15 =	vmax.f32 v2, $0.0e+00;
	v10 =	vadd.f32 v10, v1  }
0xb7: {  	v2 =	vld [tilespmem:s16+$0xFFFFFF70];
	v1 =	vmax.f32 v13, $0.0e+00;
	v12 =	vadd.f32 v12, v7;
	[tilespmem:s13+$0xFFFFFF70] =	vst v15  }
0xb8: {  	v8 =	vadd.f32 v11, v8;
	[tilespmem:s16+$0xFFFFFFD0] =	vst v1;
	v1 =	vld [tilespmem:s16+$0xFFFFFFF0];
	v10 =	vmax.f32 v10, $0.0e+00  }
.Ltmp0:
0xb9: {  	v7 =	vld [tilespmem:s17+$0xFFFFFFE0];
	v11 =	vmax.f32 v12, $0.0e+00;
	[tilespmem:s13+$0xFFFFFFF0] =	vst v10;
	v6 =	vadd.f32 v6, v0;
	(pc) =	sbr.rel @p1 .LBB2_4-.Ltmp0, $4  }
0xba: {  	v8 =	vmax.f32 v8, $0.0e+00;
	[tilespmem:s16+$0x50] =	vst v11;
	v0 =	vld [tilespmem:s16+$0x70]  }
0xbb: {  	[tilespmem:s16+$0xFFFFFF50] =	vst v8;
	v8 =	vld [tilespmem:s17+$0x60];
	v10 =	vadd.f32 v14, v9;
	v6 =	vmax.f32 v6, $0.0e+00  }
0xbc: {  	v9 =	vld [tilespmem:s17+$0xFFFFFF60];
	[tilespmem:s13+$0x70] =	vst v6;
	s13 =	smov.u32 s16  }
0xbd: {  	s16 =	sadd.s32 $0x200, s16;
	v10 =	vmax.f32 v10, $0.0e+00;
	v6 =	vld [tilespmem:s13+$0xF0]  }
0xbe: {  	_ =	sdelay $0x2  }
0xbf: {  	v3 =	vadd.f32 v9, v3  }
0xc0: {  	v4 =	vadd.f32 v7, v4  }
0xc1: {  	[tilespmem:s13+$0xE0] =	vst v10;
	v5 =	vadd.f32 v8, v5;
	v3 =	vmax.f32 v3, $0.0e+00  }
0xc2: {  	v7 =	vld [tilespmem:s14+$0xF0];
	v4 =	vmax.f32 v4, $0.0e+00;
	[tilespmem:s13+$0xFFFFFF60] =	vst v3  }
0xc3: {  	[tilespmem:s13+$0xFFFFFFE0] =	vst v4;
	v3 =	vmax.f32 v5, $0.0e+00;
	v4 =	vld [tilespmem:s14+$0xFFFFFF70]  }
0xc4: {  	[tilespmem:s13+$0x60] =	vst v3;
	v3 =	vld [tilespmem:s14+$0xFFFFFFF0]  }
0xc5: {  	v5 =	vld [tilespmem:s14+$0x70];
	_ =	sdelay $0x1  }
0xc6: {  	v6 =	vadd.f32 v7, v6  }
0xc7: {  	v2 =	vadd.f32 v4, v2  }
0xc8: {  	v4 =	vmax.f32 v6, $0.0e+00;
	v1 =	vadd.f32 v3, v1  }
0xc9: {  	[tilespmem:s13+$0xF0] =	vst v4;
	v0 =	vadd.f32 v5, v0;
	v2 =	vmax.f32 v2, $0.0e+00  }
0xca: {  	p1 =	seq.s32 s12, $0x18;
	v1 =	vmax.f32 v1, $0.0e+00;
	[tilespmem:s13+$0xFFFFFF70] =	vst v2  }
0xcb: {  	s16 =	sshll.u32 s12, $0x8;
	s9 =	sadd.s32 @!p1 $0x2, s9;
	[tilespmem:s13+$0xFFFFFFF0] =	vst v1;
	v0 =	vmax.f32 v0, $0.0e+00  }
0xcc: {  	s14 =	sand.u32 $0x3FFFFF00, s16;
	[tilespmem:s13+$0x70] =	vst v0;
	s13 =	sadd.s32 @!p1 s0, s9  }
0xcd: {  	s17 =	sadd.s32 $0x1C00, s14;
	s13 =	smul.u32 @!p1 $0x28, s13  }
0xce: {  	[spmem:s2] =	stream.indirect.scatter.add.f32 [tilespmem:s22], [sflag:$0x5], $0x80, s17, s21, $0xb8;
	[tilespmem:$0x1C080] =	vst v63  }
0xcf: {  	s15 =	simm.s32 @!p1 $0x3800;
	_ =	swait.ge [sflag:s18], $0x1400;
	s13 =	sadd.s32 @!p1 s13, s11  }
0xd0: {  	s14 =	simm.s32 @!p1 $0x0;
	[sflag:s18] =	ssyncset.done $0x0;
	s13 =	sshll.u32 @!p1 s13, $0x4  }
0xd1: {  	s9 =	sshll.u32 @!p1 s9, $0x7;
	[sflag:s18] =	ssyncadd.s32 $0xFFFFEC00;
	s13 =	sadd.s32 @!p1 s5, s13  }
0xd2: {  	[tilespmem:s15], [sflag:$0x1] =	stream.linear.gather @!p1 [hbm4b:s13+s14], $0x1400, $0x38;
	[tilespmem:$0x1C080] =	vst v63  }
0xd3: {  	s9 =	sand.u32 @!p1 $0x3FFFFF80, s9;
	s13 =	simm.s32 @!p1 $0x28;
	s14 =	simm.s32 @!p1 $0x4C00  }
0xd4: {  	[tilespmem:s14], [sflag:$0x2] =	stream.indirect.gather @!p1 [hbm4b:s4+s13], $0x80, s9, s13, $0xb8;
	[tilespmem:$0x1C080] =	vst v63  }
0xd5: {  	_ =	swait.ge [sflag:s28], $0x1400  }
0xd6: {  	[sflag:s28] =	ssyncset.done $0x0  }
0xd7: {  	[sflag:s28] =	ssyncadd.s32 $0xFFFFEC00  }
0xd8: {  	_ =	swait.ge [sflag:s29], $0x1400  }
0xd9: {  	[sflag:s29] =	ssyncset.done $0x0  }
0xda: {  	s13 =	simm.s32 $0x7500;
	[sflag:s29] =	ssyncadd.s32 $0xFFFFEC00  }
0xdb: {  	s14 =	simm.s32 $0x6100;
	v0 =	vld [tilespmem:s13+$0x80]  }
0xdc: {  	v1 =	vld [tilespmem:s14+$0x80]  }
0xdd: {  	v2 =	vld [tilespmem:s14+$0xFFFFFF00]  }
0xde: {  	v3 =	vld [tilespmem:s13+$0xFFFFFF80]  }
0xdf: {  	v4 =	vld [tilespmem:s14+$0xFFFFFF80]  }
0xe0: {  	v5 =	vld [tilespmem:s14+$0x0]  }
0xe1: {  	v0 =	vadd.f32 v1, v0;
	v1 =	vld [tilespmem:s13+$0x0]  }
0xe2: {  	v6 =	vld [tilespmem:s13+$0xFFFFFF00]  }
0xe3: {  	v0 =	vmax.f32 v0, $0.0e+00  }
0xe4: {  	v3 =	vadd.f32 v4, v3;
	[tilespmem:s13+$0x80] =	vst v0;
	v0 =	vld [tilespmem:s13+$0x90]  }
0xe5: {  	v7 =	vld [tilespmem:s14+$0x90]  }
0xe6: {  	v8 =	vld [tilespmem:s13+$0xFFFFFF90];
	v3 =	vmax.f32 v3, $0.0e+00;
	v1 =	vadd.f32 v5, v1  }
0xe7: {  	v4 =	vld [tilespmem:s13+$0xFFFFFF10];
	v2 =	vadd.f32 v2, v6;
	[tilespmem:s13+$0xFFFFFF80] =	vst v3  }
0xe8: {  	v5 =	vld [tilespmem:s14+$0xFFFFFF90];
	v1 =	vmax.f32 v1, $0.0e+00  }
0xe9: {  	v2 =	vmax.f32 v2, $0.0e+00;
	v3 =	vld [tilespmem:s13+$0x10];
	[tilespmem:s13+$0x0] =	vst v1  }
0xea: {  	[tilespmem:s13+$0xFFFFFF00] =	vst v2;
	v0 =	vadd.f32 v7, v0;
	v1 =	vld [tilespmem:s14+$0x10]  }
0xeb: {  	v2 =	vld [tilespmem:s14+$0xFFFFFF10]  }
0xec: {  	v0 =	vmax.f32 v0, $0.0e+00  }
0xed: {  	v5 =	vadd.f32 v5, v8;
	[tilespmem:s13+$0x90] =	vst v0;
	v0 =	vld [tilespmem:s13+$0xA0]  }
0xee: {  	v7 =	vld [tilespmem:s14+$0xA0]  }
0xef: {  	v6 =	vld [tilespmem:s13+$0xFFFFFF20];
	v5 =	vmax.f32 v5, $0.0e+00;
	v1 =	vadd.f32 v1, v3  }
0xf0: {  	v2 =	vadd.f32 v2, v4;
	v8 =	vld [tilespmem:s13+$0xFFFFFFA0];
	[tilespmem:s13+$0xFFFFFF90] =	vst v5  }
0xf1: {  	v4 =	vld [tilespmem:s14+$0xFFFFFFA0];
	v1 =	vmax.f32 v1, $0.0e+00  }
0xf2: {  	v2 =	vmax.f32 v2, $0.0e+00;
	v3 =	vld [tilespmem:s13+$0x20];
	[tilespmem:s13+$0x10] =	vst v1  }
0xf3: {  	[tilespmem:s13+$0xFFFFFF10] =	vst v2;
	v0 =	vadd.f32 v7, v0;
	v1 =	vld [tilespmem:s14+$0x20]  }
0xf4: {  	v2 =	vld [tilespmem:s14+$0xFFFFFF20]  }
0xf5: {  	v0 =	vmax.f32 v0, $0.0e+00  }
0xf6: {  	v4 =	vadd.f32 v4, v8;
	[tilespmem:s13+$0xA0] =	vst v0;
	v0 =	vld [tilespmem:s13+$0xB0]  }
0xf7: {  	v7 =	vld [tilespmem:s14+$0xB0]  }
0xf8: {  	v9 =	vld [tilespmem:s13+$0x30];
	v4 =	vmax.f32 v4, $0.0e+00;
	v1 =	vadd.f32 v1, v3  }
0xf9: {  	v2 =	vadd.f32 v2, v6;
	v8 =	vld [tilespmem:s13+$0xFFFFFFB0];
	[tilespmem:s13+$0xFFFFFFA0] =	vst v4  }
0xfa: {  	v3 =	vld [tilespmem:s14+$0xFFFFFFB0];
	v1 =	vmax.f32 v1, $0.0e+00  }
0xfb: {  	v5 =	vld [tilespmem:s13+$0xFFFFFF30];
	[tilespmem:s13+$0x20] =	vst v1;
	v1 =	vmax.f32 v2, $0.0e+00  }
0xfc: {  	v0 =	vadd.f32 v7, v0;
	[tilespmem:s13+$0xFFFFFF20] =	vst v1;
	v1 =	vld [tilespmem:s14+$0x30]  }
0xfd: {  	v6 =	vld [tilespmem:s14+$0xFFFFFF30]  }
0xfe: {  	v10 =	vld [tilespmem:s13+$0xFFFFFF40];
	v0 =	vmax.f32 v0, $0.0e+00  }
0xff: {  	v3 =	vadd.f32 v3, v8;
	[tilespmem:s13+$0xB0] =	vst v0;
	v0 =	vld [tilespmem:s13+$0xC0]  }
0x100: {  	v7 =	vld [tilespmem:s14+$0xC0]  }
0x101: {  	v11 =	vld [tilespmem:s13+$0xFFFFFFD0];
	v3 =	vmax.f32 v3, $0.0e+00;
	v1 =	vadd.f32 v1, v9  }
0x102: {  	v4 =	vld [tilespmem:s13+$0xFFFFFFC0];
	[tilespmem:s13+$0xFFFFFFB0] =	vst v3;
	v5 =	vadd.f32 v6, v5  }
0x103: {  	v6 =	vld [tilespmem:s14+$0xFFFFFFC0];
	v1 =	vmax.f32 v1, $0.0e+00  }
0x104: {  	v2 =	vld [tilespmem:s13+$0x40];
	[tilespmem:s13+$0x30] =	vst v1;
	v1 =	vmax.f32 v5, $0.0e+00  }
0x105: {  	v0 =	vadd.f32 v7, v0;
	v5 =	vld [tilespmem:s14+$0x40];
	[tilespmem:s13+$0xFFFFFF30] =	vst v1  }
0x106: {  	v1 =	vld [tilespmem:s14+$0xFFFFFF40]  }
0x107: {  	v8 =	vld [tilespmem:s13+$0xFFFFFF50];
	v0 =	vmax.f32 v0, $0.0e+00  }
0x108: {  	[tilespmem:s13+$0xC0] =	vst v0;
	v0 =	vadd.f32 v6, v4;
	v6 =	vld [tilespmem:s13+$0xD0]  }
0x109: {  	v7 =	vld [tilespmem:s14+$0xD0]  }
0x10a: {  	v3 =	vld [tilespmem:s13+$0xFFFFFF60];
	v0 =	vmax.f32 v0, $0.0e+00;
	v2 =	vadd.f32 v5, v2  }
0x10b: {  	v9 =	vld [tilespmem:s13+$0x50];
	[tilespmem:s13+$0xFFFFFFC0] =	vst v0;
	v0 =	vadd.f32 v1, v10  }
0x10c: {  	v1 =	vld [tilespmem:s14+$0xFFFFFFD0];
	v2 =	vmax.f32 v2, $0.0e+00  }
0x10d: {  	v4 =	vld [tilespmem:s13+$0xFFFFFFE0];
	[tilespmem:s13+$0x40] =	vst v2;
	v0 =	vmax.f32 v0, $0.0e+00  }
0x10e: {  	v2 =	vld [tilespmem:s14+$0x50];
	v6 =	vadd.f32 v7, v6;
	[tilespmem:s13+$0xFFFFFF40] =	vst v0  }
0x10f: {  	v0 =	vld [tilespmem:s14+$0xFFFFFF50]  }
0x110: {  	v5 =	vld [tilespmem:s13+$0x60];
	v6 =	vmax.f32 v6, $0.0e+00  }
0x111: {  	v1 =	vadd.f32 v1, v11;
	[tilespmem:s13+$0xD0] =	vst v6;
	v6 =	vld [tilespmem:s13+$0xE0]  }
0x112: {  	v10 =	vld [tilespmem:s14+$0xE0]  }
0x113: {  	v1 =	vmax.f32 v1, $0.0e+00;
	v7 =	vadd.f32 v2, v9;
	v2 =	vld [tilespmem:s13+$0xFFFFFF70]  }
0x114: {  	[tilespmem:s13+$0xFFFFFFD0] =	vst v1;
	v0 =	vadd.f32 v0, v8;
	v1 =	vld [tilespmem:s13+$0xFFFFFFF0]  }
0x115: {  	v8 =	vmax.f32 v7, $0.0e+00;
	v7 =	vld [tilespmem:s14+$0xFFFFFFE0]  }
0x116: {  	[tilespmem:s13+$0x50] =	vst v8;
	v8 =	vmax.f32 v0, $0.0e+00;
	v0 =	vld [tilespmem:s13+$0x70]  }
0x117: {  	[tilespmem:s13+$0xFFFFFF50] =	vst v8;
	v8 =	vld [tilespmem:s14+$0x60];
	v6 =	vadd.f32 v10, v6  }
0x118: {  	s12 =	sadd.s32 $0x1, s12;
	v9 =	vld [tilespmem:s14+$0xFFFFFF60]  }
0x119: {  	s16 =	simm.s32 $0x6100;
	s15 =	simm.s32 $0x7700;
	s9 =	simm.s32 $0x0;
	v10 =	vmax.f32 v6, $0.0e+00;
	v6 =	vld [tilespmem:s13+$0xF0]  }
.LBB2_6:
0x11a: {  	v11 =	vld [tilespmem:s15+$0x80];
	v4 =	vadd.f32 v7, v4;
	[tilespmem:s13+$0xE0] =	vst v10  }
0x11b: {  	s16 =	sadd.s32 $0x200, s16;
	v7 =	vld [tilespmem:s14+$0xF0]  }
0x11c: {  	s9 =	sadd.s32 $0x4, s9;
	v10 =	vld [tilespmem:s16+$0x80];
	v4 =	vmax.f32 v4, $0.0e+00;
	v5 =	vadd.f32 v8, v5  }
0x11d: {  	p1 =	slt.u32 s9, $0x24;
	v8 =	vld [tilespmem:s16+$0xFFFFFF00];
	v3 =	vadd.f32 v9, v3;
	[tilespmem:s13+$0xFFFFFFE0] =	vst v4  }
0x11e: {  	v4 =	vld [tilespmem:s15+$0xFFFFFF80];
	v5 =	vmax.f32 v5, $0.0e+00  }
0x11f: {  	v9 =	vld [tilespmem:s16+$0xFFFFFF80];
	v3 =	vmax.f32 v3, $0.0e+00;
	[tilespmem:s13+$0x60] =	vst v5  }
0x120: {  	v5 =	vld [tilespmem:s15+$0x0];
	[tilespmem:s13+$0xFFFFFF60] =	vst v3;
	v3 =	vadd.f32 v7, v6  }
0x121: {  	v6 =	vld [tilespmem:s16+$0x0];
	v7 =	vadd.f32 v10, v11  }
0x122: {  	v10 =	vld [tilespmem:s15+$0xFFFFFF00];
	v3 =	vmax.f32 v3, $0.0e+00  }
0x123: {  	v11 =	vld [tilespmem:s15+$0xFFFFFF10];
	v7 =	vmax.f32 v7, $0.0e+00;
	[tilespmem:s13+$0xF0] =	vst v3  }
0x124: {  	v3 =	vadd.f32 v9, v4;
	[tilespmem:s15+$0x80] =	vst v7;
	v4 =	vld [tilespmem:s15+$0x90]  }
0x125: {  	v7 =	vld [tilespmem:s16+$0x90]  }
0x126: {  	v3 =	vmax.f32 v3, $0.0e+00;
	v9 =	vld [tilespmem:s15+$0xFFFFFF90];
	v5 =	vadd.f32 v6, v5  }
0x127: {  	v6 =	vadd.f32 v8, v10;
	[tilespmem:s15+$0xFFFFFF80] =	vst v3;
	v3 =	vld [tilespmem:s15+$0x10]  }
0x128: {  	v8 =	vld [tilespmem:s16+$0xFFFFFF90];
	v5 =	vmax.f32 v5, $0.0e+00  }
0x129: {  	v6 =	vmax.f32 v6, $0.0e+00;
	v10 =	vld [tilespmem:s15+$0xFFFFFF20];
	[tilespmem:s15+$0x0] =	vst v5  }
0x12a: {  	[tilespmem:s15+$0xFFFFFF00] =	vst v6;
	v5 =	vld [tilespmem:s16+$0x10];
	v4 =	vadd.f32 v7, v4  }
0x12b: {  	v6 =	vld [tilespmem:s16+$0xFFFFFF10]  }
0x12c: {  	v7 =	vld [tilespmem:s15+$0xFFFFFFA0];
	v4 =	vmax.f32 v4, $0.0e+00  }
0x12d: {  	v8 =	vadd.f32 v8, v9;
	[tilespmem:s15+$0x90] =	vst v4;
	v4 =	vld [tilespmem:s15+$0xA0]  }
0x12e: {  	v9 =	vld [tilespmem:s16+$0xA0]  }
0x12f: {  	v8 =	vmax.f32 v8, $0.0e+00;
	v3 =	vadd.f32 v5, v3;
	v5 =	vld [tilespmem:s15+$0x20]  }
0x130: {  	v6 =	vadd.f32 v6, v11;
	v11 =	vld [tilespmem:s15+$0xFFFFFF30];
	[tilespmem:s15+$0xFFFFFF90] =	vst v8  }
0x131: {  	v8 =	vld [tilespmem:s16+$0xFFFFFFA0];
	v3 =	vmax.f32 v3, $0.0e+00  }
0x132: {  	v6 =	vmax.f32 v6, $0.0e+00;
	v12 =	vld [tilespmem:s15+$0xFFFFFFB0];
	[tilespmem:s15+$0x10] =	vst v3  }
0x133: {  	[tilespmem:s15+$0xFFFFFF10] =	vst v6;
	v3 =	vld [tilespmem:s16+$0x20];
	v4 =	vadd.f32 v9, v4  }
0x134: {  	v6 =	vld [tilespmem:s16+$0xFFFFFF20]  }
0x135: {  	v9 =	vld [tilespmem:s15+$0x30];
	v4 =	vmax.f32 v4, $0.0e+00  }
0x136: {  	v7 =	vadd.f32 v8, v7;
	[tilespmem:s15+$0xA0] =	vst v4;
	v4 =	vld [tilespmem:s15+$0xB0]  }
0x137: {  	v8 =	vld [tilespmem:s16+$0xB0]  }
0x138: {  	v13 =	vld [tilespmem:s15+$0xFFFFFF40];
	v7 =	vmax.f32 v7, $0.0e+00;
	v3 =	vadd.f32 v3, v5  }
0x139: {  	v5 =	vadd.f32 v6, v10;
	[tilespmem:s15+$0xFFFFFFA0] =	vst v7;
	v6 =	vld [tilespmem:s15+$0xFFFFFFC0]  }
0x13a: {  	v7 =	vld [tilespmem:s16+$0xFFFFFFB0];
	v3 =	vmax.f32 v3, $0.0e+00  }
0x13b: {  	v5 =	vmax.f32 v5, $0.0e+00;
	[tilespmem:s15+$0x20] =	vst v3;
	v10 =	vld [tilespmem:s15+$0x40]  }
0x13c: {  	[tilespmem:s15+$0xFFFFFF20] =	vst v5;
	v3 =	vld [tilespmem:s16+$0x30];
	v4 =	vadd.f32 v8, v4  }
0x13d: {  	v5 =	vld [tilespmem:s16+$0xFFFFFF30]  }
0x13e: {  	v8 =	vld [tilespmem:s15+$0xFFFFFF50];
	v4 =	vmax.f32 v4, $0.0e+00  }
0x13f: {  	v7 =	vadd.f32 v7, v12;
	[tilespmem:s15+$0xB0] =	vst v4;
	v4 =	vld [tilespmem:s15+$0xC0]  }
0x140: {  	v12 =	vld [tilespmem:s16+$0xC0]  }
0x141: {  	v7 =	vmax.f32 v7, $0.0e+00;
	v14 =	vld [tilespmem:s15+$0xFFFFFFD0];
	v3 =	vadd.f32 v3, v9  }
0x142: {  	v5 =	vadd.f32 v5, v11;
	[tilespmem:s15+$0xFFFFFFB0] =	vst v7;
	v7 =	vld [tilespmem:s15+$0x50]  }
0x143: {  	v9 =	vld [tilespmem:s16+$0xFFFFFFC0];
	v11 =	vmax.f32 v3, $0.0e+00  }
0x144: {  	v5 =	vmax.f32 v5, $0.0e+00;
	v3 =	vld [tilespmem:s15+$0xFFFFFF60];
	[tilespmem:s15+$0x30] =	vst v11  }
0x145: {  	[tilespmem:s15+$0xFFFFFF30] =	vst v5;
	v5 =	vld [tilespmem:s16+$0x40];
	v11 =	vadd.f32 v12, v4  }
0x146: {  	v12 =	vld [tilespmem:s16+$0xFFFFFF40]  }
0x147: {  	v4 =	vld [tilespmem:s15+$0xFFFFFFE0];
	v11 =	vmax.f32 v11, $0.0e+00  }
0x148: {  	v6 =	vadd.f32 v9, v6;
	[tilespmem:s15+$0xC0] =	vst v11;
	v9 =	vld [tilespmem:s15+$0xD0]  }
0x149: {  	v11 =	vld [tilespmem:s16+$0xD0]  }
0x14a: {  	v6 =	vmax.f32 v6, $0.0e+00;
	v10 =	vadd.f32 v5, v10;
	v5 =	vld [tilespmem:s15+$0x60]  }
0x14b: {  	v12 =	vadd.f32 v12, v13;
	[tilespmem:s15+$0xFFFFFFC0] =	vst v6;
	v6 =	vld [tilespmem:s14+$0xFFFFFF70]  }
0x14c: {  	v13 =	vld [tilespmem:s16+$0xFFFFFFD0];
	v10 =	vmax.f32 v10, $0.0e+00  }
0x14d: {  	v12 =	vmax.f32 v12, $0.0e+00;
	[tilespmem:s15+$0x40] =	vst v10;
	v10 =	vld [tilespmem:s14+$0xFFFFFFF0]  }
0x14e: {  	[tilespmem:s15+$0xFFFFFF40] =	vst v12;
	v12 =	vld [tilespmem:s16+$0x50];
	v9 =	vadd.f32 v11, v9  }
0x14f: {  	v11 =	vld [tilespmem:s16+$0xFFFFFF50]  }
0x150: {  	v9 =	vmax.f32 v9, $0.0e+00;
	v2 =	vadd.f32 v6, v2;
	v6 =	vld [tilespmem:s14+$0x70];
	s14 =	smov.u32 s16  }
0x151: {  	v13 =	vadd.f32 v13, v14;
	[tilespmem:s15+$0xD0] =	vst v9;
	v9 =	vld [tilespmem:s15+$0xE0]  }
0x152: {  	v14 =	vld [tilespmem:s16+$0xE0];
	v15 =	vmax.f32 v2, $0.0e+00;
	v10 =	vadd.f32 v10, v1  }
0x153: {  	v2 =	vld [tilespmem:s15+$0xFFFFFF70];
	v1 =	vmax.f32 v13, $0.0e+00;
	v12 =	vadd.f32 v12, v7;
	[tilespmem:s13+$0xFFFFFF70] =	vst v15  }
0x154: {  	v8 =	vadd.f32 v11, v8;
	[tilespmem:s15+$0xFFFFFFD0] =	vst v1;
	v1 =	vld [tilespmem:s15+$0xFFFFFFF0];
	v10 =	vmax.f32 v10, $0.0e+00  }
.Ltmp1:
0x155: {  	v7 =	vld [tilespmem:s16+$0xFFFFFFE0];
	v11 =	vmax.f32 v12, $0.0e+00;
	[tilespmem:s13+$0xFFFFFFF0] =	vst v10;
	v6 =	vadd.f32 v6, v0;
	(pc) =	sbr.rel @p1 .LBB2_6-.Ltmp1, $4  }
0x156: {  	v8 =	vmax.f32 v8, $0.0e+00;
	[tilespmem:s15+$0x50] =	vst v11;
	v0 =	vld [tilespmem:s15+$0x70]  }
0x157: {  	[tilespmem:s15+$0xFFFFFF50] =	vst v8;
	v8 =	vld [tilespmem:s16+$0x60];
	v10 =	vadd.f32 v14, v9;
	v6 =	vmax.f32 v6, $0.0e+00  }
0x158: {  	v9 =	vld [tilespmem:s16+$0xFFFFFF60];
	[tilespmem:s13+$0x70] =	vst v6;
	s13 =	smov.u32 s15  }
0x159: {  	s15 =	sadd.s32 $0x200, s15;
	v10 =	vmax.f32 v10, $0.0e+00;
	v6 =	vld [tilespmem:s13+$0xF0]  }
0x15a: {  	_ = 	snop  }
0x15b: {  	v4 =	vadd.f32 v7, v4  }
0x15c: {  	v5 =	vadd.f32 v8, v5  }
0x15d: {  	[tilespmem:s13+$0xE0] =	vst v10;
	v4 =	vmax.f32 v4, $0.0e+00;
	v3 =	vadd.f32 v9, v3  }
0x15e: {  	v58 =	vld [tilespmem:s14+$0xF0];
	[tilespmem:s13+$0xFFFFFFE0] =	vst v4;
	v59 =	vmax.f32 v5, $0.0e+00  }
0x15f: {  	v61 =	vld [tilespmem:s14+$0xFFFFFFF0];
	v3 =	vmax.f32 v3, $0.0e+00;
	[tilespmem:s13+$0x60] =	vst v59  }
0x160: {  	[tilespmem:s13+$0xFFFFFF60] =	vst v3;
	v62 =	vld [tilespmem:s14+$0x70]  }
0x161: {  	v60 =	vld [tilespmem:s14+$0xFFFFFF70];
	_ =	sdelay $0x1  }
0x162: {  	v6 =	vadd.f32 v58, v6  }
0x163: {  	v1 =	vadd.f32 v61, v1  }
0x164: {  	v63 =	vmax.f32 v6, $0.0e+00;
	v0 =	vadd.f32 v62, v0  }
0x165: {  	[tilespmem:s13+$0xF0] =	vst v63;
	v1 =	vmax.f32 v1, $0.0e+00;
	v2 =	vadd.f32 v60, v2  }
0x166: {  	[tilespmem:s13+$0xFFFFFFF0] =	vst v1;
	v0 =	vmax.f32 v0, $0.0e+00  }
0x167: {  	p1 =	sne.s32 s12, $0x19;
	v2 =	vmax.f32 v2, $0.0e+00;
	[tilespmem:s13+$0x70] =	vst v0  }
.Ltmp2:
0x168: {  	s1 =	sadd.s32 $0x1C00, s1;
	[tilespmem:s13+$0xFFFFFF70] =	vst v2;
	(pc) =	sbr.rel @p1 .LBB2_3-.Ltmp2, $4  }
0x169: {  	[spmem:s2] =	stream.indirect.scatter.add.f32 [tilespmem:s24], [sflag:$0x5], $0x80, s1, s21, $0xb8;
	[tilespmem:$0x1C080] =	vst v63  }
0x16a: {  	_ =	swait.ge [sflag:s18], $0x1400  }
0x16b: {  	[sflag:s18] =	ssyncset.done $0x0  }
0x16c: {  	[sflag:s18] =	ssyncadd.s32 $0xFFFFEC00  }
0x16d: {  	s31 =	sadd.s32 $0x1, s31  }
0x16e: {  	p1 =	sne.s32 s31, $0x5  }
.Ltmp3:
0x16f: {  	_ = 	snop;
	(pc) =	sbr.rel @p1 .LBB2_2-.Ltmp3, $1  }
0x170: {  	_ =	sdelay $0x3  }
0x171: {  	[bflag:$0x0] =	sbarrier.arrive $0xFFFF  }
0x172: {  	s1 =	rddreg [dreg:$0x5]  }
0x173: {  	s0 =	simm.s32 @p0 $0x1FC5;
	s12 =	rddreg [dreg:$0x7]  }
0x174: {  	[hbm:s1], [sflag:s0] =	dma.local @p0 [spmem:s12], $0x2080  }
0x175: {  	s0 =	simm.s32 @p0 $0x5  }
0x176: {  	_ =	swait.ge @p0 [sflag:s0], $0x2080  }
0x177: {  	s13 =	rddreg [dreg:$0x8]  }
0x178: {  	[sflag:s0] =	ssyncset.done @p0 $0x0;
	s9 =	rddreg [dreg:$0x9]  }
0x179: {  	[sflag:s0] =	ssyncadd.s32 @p0 $0xFFFFDF80;
	s0 =	rddreg [dreg:$0x4]  }
0x17a: {  	[hbm:s0], [sflag:s13] =	dma.local @!p0 [spmem:s9], $0x2780  }
0x17b: {  	s0 =	simm.s32 @!p0 $0x5  }
0x17c: {  	_ =	swait.ge @!p0 [sflag:s0], $0x2780  }
0x17d: {  	s30 =	sadd.s32 $0x1, s30;
	s31 =	rddreg [dreg:$0x6]  }
0x17e: {  	p1 =	sne.s32 s30, s31  }
.Ltmp4:
0x17f: {  	_ = 	snop;
	(pc) =	sbr.rel @p1 .LBB2_1-.Ltmp4, $3  }
0x180: {  	_ =	sdelay $0x1  }
0x181: {  	[sflag:s0] =	ssyncset.done @!p0 $0x0  }
0x182: {  	[sflag:s0] =	ssyncadd.s32 @!p0 $0xFFFFD880  }
0x183: {  	_ =	sfence.sel $0x180000  }
0x184: {  	[bflag:$0x0] =	sbarrier.arrive $0xFFFF  }
0x185: {  	_ =	strace $0x9000004A  }
0x186: {  	s0 =	stileid.u32;
	[bflag:$0x2] =	sbarrier.arrive $0xFFFF  }
0x187: {  	p0 =	sne.s32 s0, $0x0;
	s0 =	rddreg [dreg:$0x2]  }
0x188: {  	s0 =	sadd.s32 @!p0 $0x100000, s0  }
0x189: {  	[sflag:s0] =	ssyncadd.tile.s32 @!p0 $0x1;
	_ =	shalt  }
.Lfunc_end2:
_tile_overlayer_lowered:
.L_overlay_start_2:
0x18a: {  	(tag) =	ssettag $0x2  }
0x18b: {  	s0 =	rddreg [dreg:$0x0];
	s2 =	stileid.u32  }
0x18c: {  	s1 =	rddreg [dreg:$0x1];
	p0 =	sne.s32 s2, $0x0  }
0x18d: {  	s3 =	rddreg [dreg:$0x2];
	[bflag:$0x3] =	sbarrier.arrive $0xFFFF;
	s2 =	simm.s32 @!p0 $0x1C05  }
0x18e: {  	[timem:s3], [sflag:s2] =	dma.local @!p0 [hbm:s0], s1  }
0x18f: {  	s0 =	simm.s32 @!p0 $0x5  }
0x190: {  	_ =	swait.ge @!p0 [sflag:s0], s1  }
0x191: {  	s1 =	ssub.s32 @!p0 $0x0, s1;
	[sflag:s0] =	ssyncset.done @!p0 $0x0  }
0x192: {  	[sflag:s0] =	ssyncadd.s32 @!p0 s1  }
0x193: {  	[bflag:$0x3] =	sbarrier.arrive $0xFFFF  }
0x194: {  	_ =	shalt  }

// kernel: kernel.17.cloned.1.call-start
scs
__scs_entry_jumppad:
0x0: {  	(pc) =	sbr.rel $0x88, $3  }
0x1: {  	(tag) =	ssettag $0x0;
	lr =	simm.s32 $0x1  }
0x2: {  	[smem:$0x3F7D] =	sst lr;
	_ =	strace $0xD0000000  }
0x3: {  	_ = 	snop  }
0x4: {  	_ = 	snop  }
0x5: {  	_ = 	snop  }
0x6: {  	_ = 	snop  }
0x7: {  	_ = 	snop  }
__scs_overlays_trampoline_lowered:
0x8: {  	[smem:$0x3F8C] =	sst s0  }
0x9: {  	[smem:$0x3F8D] =	sst s1  }
0xa: {  	[smem:$0x3F8E] =	sst s2  }
0xb: {  	[smem:$0x3F8F] =	sst s3  }
0xc: {  	[smem:$0x3F90] =	sst s4  }
0xd: {  	[smem:$0x3F91] =	sst s5  }
0xe: {  	[smem:$0x3F92] =	sst s6  }
0xf: {  	[smem:$0x3F93] =	sst s7  }
0x10: {  	[smem:$0x3F94] =	sst s8  }
0x11: {  	[smem:$0x3F95] =	sst s9;
	s0 =	simm.s32 @!p0 $0x0  }
0x12: {  	s1 =	sld [smem:$0x3F7B];
	s0 =	simm.s32 @p0 $0x1  }
0x13: {  	[smem:$0x3F96] =	sst s0;
	s0 =	simm.s32 @!p1 $0x0  }
0x14: {  	s2 =	sld [smem:$0x3F7A];
	s0 =	simm.s32 @p1 $0x1  }
0x15: {  	[smem:$0x3F97] =	sst s0;
	s0 =	simm.s32 @!p2 $0x0  }
0x16: {  	s3 =	sld [smem:$0x3FDB];
	s0 =	simm.s32 @p2 $0x1  }
0x17: {  	s4 =	simm.s32 $0x1BF5;
	[smem:$0x3F99] =	sst s0  }
0x18: {  	s0 =	sld [smem:$0x3F7C];
	_ =	swait.ge [sflag:s4], $0x0  }
0x19: {  	s7 =	sld [smem:$0x3F7D]  }
0x1a: {  	s8 =	sadd.s32 $0xFFFFE003, lr  }
0x1b: {  	s9 =	sadd.s32 $0xFFFFFEF7, lr;
	s5 =	simm.s32 $0xFFFFFFFF;
	p2 =	slt.u32 s8, $0xFFFFF086  }
0x1c: {  	p1 =	slt.u32 s9, $0xF7A;
	s5 =	simm.s32 @!p2 $0x0  }
0x1d: {  	s5 =	simm.s32 @p1 $0x1;
	p0 =	seq.s32 s7, s2  }
0x1e: {  	s7 =	smul.u32 @!p0 $0xF7A, s2;
	p2 =	seq.s32 @!p0 s5, $0x0  }
0x1f: {  	s9 =	smul.u32 $0xF7A, s1;
	s8 =	simm.s32 @!p0 $0x1BF5;
	p2 =	por !p2, p0  }
0x20: {  	[sflag:s8] =	ssyncset.s32 @!p0 $0xFFFFF086;
	s6 =	sadd.s32 @!p0 s3, s7;
	s7 =	simm.s32 @!p0 $0x108  }
0x21: {  	s3 =	sadd.s32 s3, s9;
	s6 =	sadd.s32 @!p0 $0x88, s6;
	s7 =	simm.s32 @p2 $0x1082  }
0x22: {  	[simem:s7], [sflag:s8] =	dma.local @!p0 [hbm:s6], $0xF7A  }
0x23: {  	s9 =	sor.u32 $0xD0000000, s2;
	s6 =	simm.s32 $0x108;
	_ =	swait.ge @!p0 [sflag:s8], $0x0  }
0x24: {  	s3 =	sadd.s32 $0x88, s3;
	s6 =	simm.s32 @!p1 $0x1082;
	[sflag:s4] =	ssyncset.s32 $0xFFFFF086  }
0x25: {  	[simem:s6], [sflag:s4] =	dma.local [hbm:s3], $0xF7A  }
0x26: {  	[smem:$0x3F7D] =	sst s1;
	(tag) =	ssettag s2;
	_ =	strace s9  }
0x27: {  	s1 =	sld [smem:$0x3F8D]  }
0x28: {  	s2 =	sld [smem:$0x3F8E]  }
0x29: {  	s4 =	sld [smem:$0x3F90]  }
0x2a: {  	p0 =	seq.s32 s5, $0x0;
	s5 =	sld [smem:$0x3F91]  }
0x2b: {  	s6 =	sld [smem:$0x3F92]  }
0x2c: {  	s7 =	sld [smem:$0x3F93]  }
0x2d: {  	s3 =	simm.s32 $0x108;
	s8 =	sld [smem:$0x3F94]  }
0x2e: {  	s3 =	simm.s32 @!p0 $0x1082;
	s9 =	sld [smem:$0x3F95]  }
0x2f: {  	lr =	sadd.s32 s0, s3;
	s0 =	sld [smem:$0x3F8C]  }
0x30: {  	s3 =	sld [smem:$0x3F8F]  }
0x31: {  	[smem:$0x3F98] =	sst s10  }
0x32: {  	s10 =	sld [smem:$0x3F96];
	_ =	sdelay $0x3  }
0x33: {  	p0 =	seq.s32 s10, $0x1;
	s10 =	sld [smem:$0x3F98];
	_ =	sdelay $0x3  }
0x34: {  	[smem:$0x3F98] =	sst s10  }
0x35: {  	s10 =	sld [smem:$0x3F97];
	_ =	sdelay $0x3  }
0x36: {  	p1 =	seq.s32 s10, $0x1;
	s10 =	sld [smem:$0x3F98];
	_ =	sdelay $0x3  }
0x37: {  	[smem:$0x3F98] =	sst s10  }
0x38: {  	s10 =	sld [smem:$0x3F99]  }
0x39: {  	_ = 	snop;
	(pc) =	sbr.ind lr, $3  }
0x3a: {  	_ = 	snop  }
0x3b: {  	_ = 	snop  }
0x3c: {  	p2 =	seq.s32 s10, $0x1;
	s10 =	sld [smem:$0x3F98]  }
0x3d: {  	_ =	shalt  }
0x3e: {  	_ =	shalt  }
0x3f: {  	_ =	shalt  }
0x40: {  	_ =	shalt  }
0x41: {  	_ =	shalt  }
0x42: {  	_ =	shalt  }
0x43: {  	_ =	shalt  }
0x44: {  	_ =	shalt  }
0x45: {  	_ =	shalt  }
0x46: {  	_ =	shalt  }
0x47: {  	_ =	shalt  }
0x48: {  	_ =	shalt  }
0x49: {  	_ =	shalt  }
0x4a: {  	_ =	shalt  }
0x4b: {  	_ =	shalt  }
0x4c: {  	_ =	shalt  }
0x4d: {  	_ =	shalt  }
0x4e: {  	_ =	shalt  }
0x4f: {  	_ =	shalt  }
0x50: {  	_ =	shalt  }
0x51: {  	_ =	shalt  }
0x52: {  	_ =	shalt  }
0x53: {  	_ =	shalt  }
0x54: {  	_ =	shalt  }
0x55: {  	_ =	shalt  }
0x56: {  	_ =	shalt  }
0x57: {  	_ =	shalt  }
0x58: {  	_ =	shalt  }
0x59: {  	_ =	shalt  }
0x5a: {  	_ =	shalt  }
0x5b: {  	_ =	shalt  }
0x5c: {  	_ =	shalt  }
0x5d: {  	_ =	shalt  }
0x5e: {  	_ =	shalt  }
0x5f: {  	_ =	shalt  }
0x60: {  	_ =	shalt  }
0x61: {  	_ =	shalt  }
0x62: {  	_ =	shalt  }
0x63: {  	_ =	shalt  }
0x64: {  	_ =	shalt  }
0x65: {  	_ =	shalt  }
0x66: {  	_ =	shalt  }
0x67: {  	_ =	shalt  }
0x68: {  	_ =	shalt  }
0x69: {  	_ =	shalt  }
0x6a: {  	_ =	shalt  }
0x6b: {  	_ =	shalt  }
0x6c: {  	_ =	shalt  }
0x6d: {  	_ =	shalt  }
0x6e: {  	_ =	shalt  }
0x6f: {  	_ =	shalt  }
0x70: {  	_ =	shalt  }
0x71: {  	_ =	shalt  }
0x72: {  	_ =	shalt  }
0x73: {  	_ =	shalt  }
0x74: {  	_ =	shalt  }
0x75: {  	_ =	shalt  }
0x76: {  	_ =	shalt  }
0x77: {  	_ =	shalt  }
0x78: {  	_ =	shalt  }
0x79: {  	_ =	shalt  }
0x7a: {  	_ =	shalt  }
0x7b: {  	_ =	shalt  }
0x7c: {  	_ =	shalt  }
0x7d: {  	_ =	shalt  }
0x7e: {  	_ =	shalt  }
0x7f: {  	_ =	shalt  }
0x80: {  	_ =	shalt  }
0x81: {  	_ =	shalt  }
0x82: {  	_ =	shalt  }
0x83: {  	_ =	shalt  }
0x84: {  	_ =	shalt  }
0x85: {  	_ =	shalt  }
0x86: {  	_ =	shalt  }
0x87: {  	_ =	shalt  }
.Lfunc_end0:
.L_simem_size_0:
called_computation.2_lowered:
.L_overlay_start_0:
0x88: {  	s2 =	sld [smem:$0x3FD9]  }
0x89: {  	s3 =	sld [smem:$0x3FFE];
	_ =	sdelay $0x1  }
0x8a: {  	s1 =	srdreg.scid  }
0x8b: {  	s0 =	sand.u32 $0x1, s1  }
0x8c: {  	s16 =	sshll.u32 s0, $0xA;
	s2 =	sadd.s32 s3, s2  }
0x8d: {  	s2 =	sadd.s32 s2, s16  }
0x8e: {  	[smem:$0x3FA4] =	sst s2  }
0x8f: {  	_ = 	snop  }
0x90: {  	(tm) =	ssettm $0x1  }
0x91: {  	s17 =	sld [smem:$0x3FFB];
	_ =	sdelay $0x3  }
0x92: {  	_ =	strace s17  }
0x93: {  	s2 =	sld [smem:$0x3FFC];
	_ =	sdelay $0x3  }
0x94: {  	_ =	strace s2  }
0x95: {  	s2 =	sld [smem:$0x3FFD];
	_ =	sdelay $0x3  }
0x96: {  	_ =	strace s2  }
0x97: {  	_ =	strace $0x8FFFFFFF  }
0x98: {  	s18 =	sld [smem:$0x3FDB];
	_ =	sdelay $0x1  }
0x99: {  	s19 =	simm.s32 $_scs_section_size  }
0x9a: {  	s4 =	simm.s32 $_size__tile_overlayer_lowered;
	s5 =	simm.s32 $_tile_overlayer_lowered  }
0x9b: {  	s22 =	simm.s32 $0x1BFF;
	s21 =	sshll.u32 s5, $0x1;
	s2 =	sadd.s32 s19, s18  }
0x9c: {  	s6 =	simm.s32 $0x0;
	s20 =	sshll.u32 s4, $0x1;
	s4 =	sadd.s32 s21, s2  }
0x9d: {  	[timem:s6], [sflag:s22] =	dma.local [hbm:s4], s20  }
0x9e: {  	_ =	swait.ge [sflag:s22], s20  }
0x9f: {  	s3 =	ssub.s32 $0x0, s20;
	[sflag:s22] =	ssyncset.done $0x0  }
0xa0: {  	[sflag:s22] =	ssyncadd.s32 s3;
	_ =	sdelay $0x1  }
0xa1: {  	s23 =	simm.s32 $0x1B8B  }
0xa2: {  	_ =	swait.ge [sflag:s23], $0x1  }
0xa3: {  	[sflag:s23] =	ssyncset.done $0x0  }
0xa4: {  	s25 =	simm.s32 $0x1B8E;
	s24 =	sld [smem:$0x3FFE];
	[sflag:s23] =	ssyncadd.s32 $0xFFFFFFFF  }
0xa5: {  	s26 =	simm.s32 $execute0_lowered;
	[smem:$0x3FD2] =	sst s25  }
0xa6: {  	s4 =	sshll.u32 s26, $0x1;
	_ =	strace $0x8000004C;
	[dreg:$0x1] =	wrdreg $0xFFFFFFFF  }
0xa7: {  	s28 =	simm.s32 $_size_execute0_lowered;
	s2 =	sadd.s32 s2, s4;
	[dreg:$0x0] =	wrdreg $0x0  }
0xa8: {  	s4 =	sshll.u32 s28, $0x1;
	[dreg:$0x2] =	wrdreg s2  }
0xa9: {  	[dreg:$0x3] =	wrdreg s4  }
0xaa: {  	[dreg:$0x4] =	wrdreg $0xC0  }
0xab: {  	_ =	task [dreg:s6], $0x5FFFF  }
0xac: {  	[dreg:$0x1] =	wrdreg $0xFFFFFFFF  }
0xad: {  	[dreg:$0x0] =	wrdreg $0x60  }
0xae: {  	[dreg:$0x2] =	wrdreg s24  }
0xaf: {  	[dreg:$0x3] =	wrdreg $0x13C000  }
0xb0: {  	[dreg:$0x4] =	wrdreg $0x17A800  }
0xb1: {  	[dreg:$0x5] =	wrdreg $0x17B800  }
0xb2: {  	[dreg:$0x6] =	wrdreg $0x9  }
0xb3: {  	_ =	task.clear_ibuf [dreg:s6], $0x7FFFF;
	_ =	strace $0x9000004C  }
0xb4: {  	s29 =	simm.s32 $0x9;
	_ =	strace $0x8000004E  }
0xb5: {  	_ =	swait.ge [sflag:s29], $0x1  }
0xb6: {  	[sflag:s29] =	ssyncadd.s32 $0xFFFFFFFF  }
0xb7: {  	_ =	strace $0x9000004E  }
0xb8: {  	_ =	sfence  }
0xb9: {  	s30 =	sld [smem:$0x0];
	_ =	sdelay $0x2  }
0xba: {  	s31 =	sshll.u32 s1, $0xD;
	s1 =	sshrl.u32 s1, $0x2  }
0xbb: {  	s3 =	sand.u32 $0x4000, s31;
	s1 =	sadd.s32 s1, s30  }
0xbc: {  	s0 =	sor.u32 s3, s0;
	s1 =	sshll.u32 s1, $0x11  }
0xbd: {  	s0 =	sor.u32 s1, s0  }
0xbe: {  	s0 =	sadd.s32 $0x8F2B, s0  }
0xbf: {  	[sflag:s0] =	ssyncadd.remote.s32 $0x1  }
0xc0: {  	_ =	sfence.sel $0xFFFF  }
0xc1: {  	[dreg:$0x0] =	wrdreg $0xFFFFFFFF;
	(pc) =	sbr.abs _section_cstart, $3  }
0xc2: {  	[dreg:$0x1] =	wrdreg $0xFFFFFFFF  }
0xc3: {  	_ =	task.clear_ibuf [dreg:s6], $0x2FFFF;
	_ =	strace $0x9FFFFFFF  }
0xc4: {  	(tm) =	ssettm $0x7FFFFFFF  }
0xc5: {  	_ =	shalt  }
tec
execute0_lowered:
.L_overlay_start_1:
0x0: {  	(tag) =	ssettag $0x1  }
0x1: {  	s0 =	rddreg [dreg:$0x0]  }
0x2: {  	s1 =	rddreg [dreg:$0x1]  }
0x3: {  	s2 =	rddreg [dreg:$0x2]  }
0x4: {  	s3 =	rddreg [dreg:$0x3];
	s4 =	srdreg.scid;
	s5 =	simm.s32 $0x0  }
0x5: {  	s26 =	stileid.u32;
	s4 =	sand.u32 $0x1, s4;
	[smem:$0x7FF] =	sst s5  }
0x6: {  	s19 =	sshll.u32 s26, $0x7;
	s13 =	sadd.s32 $0x2E200, s0;
	s16 =	sshll.u32 s26, $0xE  }
0x7: {  	s18 =	sshll.u32 s26, $0xF;
	s30 =	sadd.s32 $0x3C000, s1;
	s24 =	smul.u32 $0x2800, s26  }
0x8: {  	s31 =	sadd.s32 $0x78000, s3;
	p0 =	seq.s32 s26, $0xF;
	p1 =	sne.s32 s26, $0xF  }
0x9: {  	s6 =	sshll.u32 s4, $0x4;
	s7 =	smul.u32 $0x27100, s4;
	_ =	strace $0x8000004D  }
0xa: {  	s12 =	sadd.s32 s19, s0;
	s9 =	sshll.u32 s4, $0x9;
	s17 =	smul.u32 $0x3E800, s4  }
0xb: {  	s10 =	ssub.s32 $0x2, s4;
	s28 =	sadd.s32 s16, s1;
	s4 =	smul.u32 $0x7D000, s4  }
0xc: {  	s29 =	sadd.s32 s18, s3;
	s19 =	sshll.u32 s26, $0x3;
	p4 =	sne.s32 @p1 s26, $0x0  }
0xd: {  	s6 =	sor.u32 s26, s6;
	s14 =	sadd.s32 s9, s0;
	s20 =	sshrl.u32 s10, $0x1  }
0xe: {  	p2 =	por p4, !p1;
	[dreg:$0x7] =	wrdreg s28;
	s8 =	smul.u32 $0x680, s6  }
0xf: {  	s11 =	sadd.s32 s7, s0;
	s6 =	sadd.s32 $0x6C00, s0;
	s7 =	sadd.s32 $0x92600, s0  }
0x10: {  	s15 =	ssub.s32 s10, s20;
	s16 =	sadd.s32 s16, s17;
	s18 =	sadd.s32 s18, s4  }
0x11: {  	s17 =	sshrl.u32 s17, $0x3;
	s16 =	sshrl.u32 s16, $0x3;
	s22 =	sshrl.u32 s18, $0x3  }
0x12: {  	s18 =	sor.u32 $0x6, s19;
	s17 =	sadd.s32 s13, s17;
	s8 =	sadd.s32 s8, s0  }
0x13: {  	s0 =	sadd.s32 $0x3DC00, s0;
	s21 =	sadd.s32 s13, s16;
	s19 =	smul.u32 $0x500, s18  }
0x14: {  	p3 =	sgt.u32 @!p0 s18, $0x7C;
	s18 =	sadd.s32 $0x7800, s17;
	[dreg:$0x5] =	wrdreg s21  }
0x15: {  	s20 =	sshllo.u32 s26, $0x3;
	s23 =	sadd.s32 s0, s22;
	[dreg:$0x10] =	wrdreg s18  }
0x16: {  	s4 =	sshrl.u32 s4, $0x3;
	s13 =	sadd.s32 $0xE3000, s8;
	[dreg:$0x6] =	wrdreg s23  }
0x17: {  	s11 =	sadd.s32 $0x94E00, s11;
	s16 =	sadd.s32 $0xF0000, s8;
	[dreg:$0xd] =	wrdreg s13  }
0x18: {  	p5 =	sgt.u32 @!p0 s20, $0x7C;
	s8 =	sadd.s32 $0xFD000, s8;
	[dreg:$0xe] =	wrdreg s16  }
0x19: {  	s21 =	smul.u32 $0x500, s20;
	s20 =	smax.u32 s15, $0x1;
	[dreg:$0xf] =	wrdreg s8  }
0x1a: {  	s0 =	sadd.s32 s0, s4;
	s4 =	sadd.s32 s11, s24;
	[dreg:$0x13] =	wrdreg s20  }
0x1b: {  	p4 =	por !p4, !p1;
	s25 =	sadd.s32 s11, s19;
	[dreg:$0x8] =	wrdreg s4  }
0x1c: {  	p5 =	por p5, p0;
	s0 =	sadd.s32 $0xF000, s0;
	[dreg:$0x9] =	wrdreg s25  }
0x1d: {  	s17 =	simm.s32 $0x6;
	s19 =	sadd.s32 $0x2DE00, s14;
	[dreg:$0x11] =	wrdreg s0  }
0x1e: {  	s18 =	simm.s32 $0x50;
	s22 =	sadd.s32 $0xA00, s4;
	[dreg:$0x12] =	wrdreg s19  }
0x1f: {  	s23 =	sadd.s32 $0xF00, s4;
	s24 =	sadd.s32 $0x1400, s4;
	[dreg:$0x15] =	wrdreg s22  }
0x20: {  	s16 =	simm.s32 $0x800;
	s20 =	simm.s32 $0xCC00;
	[dreg:$0x16] =	wrdreg s23  }
0x21: {  	s10 =	sadd.s32 s11, s21;
	s11 =	sadd.s32 $0x5C00, s12;
	[dreg:$0x17] =	wrdreg s24  }
0x22: {  	s12 =	sadd.s32 $0x6400, s12;
	s0 =	simm.s32 @!p2 $0x0;
	[dreg:$0xa] =	wrdreg s10  }
0x23: {  	s21 =	sadd.s32 $0x500, s4;
	s25 =	sadd.s32 $0x1900, s4;
	[dreg:$0xb] =	wrdreg s11  }
0x24: {  	s19 =	simm.s32 $0x32;
	s22 =	simm.s32 $0x12000;
	[dreg:$0xc] =	wrdreg s12  }
0x25: {  	s23 =	simm.s32 $0x1;
	s24 =	simm.s32 $0x2;
	[dreg:$0x14] =	wrdreg s21  }
0x26: {  	s0 =	simm.s32 @p2 $0x1;
	[dreg:$0x18] =	wrdreg s25;
	s21 =	simm.s32 $0x10400  }
0x27: {  	s25 =	simm.s32 $0x3;
	[smem:$0x7FC] =	sst s0;
	s0 =	simm.s32 @!p4 $0x0  }
0x28: {  	s11 =	simm.s32 $0x4;
	s12 =	simm.s32 $0x0;
	s0 =	simm.s32 @p4 $0x1  }
0x29: {  	p4 =	por p3, p0;
	[smem:$0x7FD] =	sst s0;
	s0 =	simm.s32 $0x5  }
.LBB2_1:
0x2a: {  	s4 =	sshll.u32 @p1 s26, $0x6  }
0x2b: {  	s8 =	sshrl.u32 @p1 s28, $0x3;
	s4 =	sor.u32 @p1 $0x1C05, s4  }
0x2c: {  	[spmem:s8], [sflag:s4] =	dma.local @p1 [hbm:s7], $0x800  }
0x2d: {  	s8 =	simm.s32 @p1 $0x5  }
0x2e: {  	_ =	swait.ge @p1 [sflag:s8], $0x800  }
0x2f: {  	[sflag:s8] =	ssyncset.done @p1 $0x0  }
0x30: {  	s14 =	sshrl.u32 @p1 s29, $0x3;
	[sflag:s8] =	ssyncadd.s32 @p1 $0xFFFFF800  }
0x31: {  	[spmem:s14], [sflag:s4] =	dma.local @p1 [hbm:s7], $0x1000  }
0x32: {  	_ =	swait.ge @p1 [sflag:s8], $0x1000  }
0x33: {  	s26 =	sld [smem:$0x7FC];
	_ =	sdelay $0x2  }
0x34: {  	[sflag:s8] =	ssyncset.done @p1 $0x0;
	p2 =	seq.s32 s26, $0x1  }
0x35: {  	[sflag:s8] =	ssyncadd.s32 @p1 $0xFFFFF000;
	s4 =	sshrl.u32 @!p2 s2, $0x3;
	s8 =	simm.s32 @!p2 $0x1C05  }
0x36: {  	[spmem:s4], [sflag:s8] =	dma.local @!p2 [hbm:s7], $0x200  }
0x37: {  	s4 =	simm.s32 @!p2 $0x5  }
0x38: {  	_ =	swait.ge @!p2 [sflag:s4], $0x200  }
0x39: {  	[sflag:s4] =	ssyncset.done @!p2 $0x0  }
0x3a: {  	s8 =	simm.s32 @!p1 $0x1FC5;
	[sflag:s4] =	ssyncadd.s32 @!p2 $0xFFFFFE00;
	s4 =	sshrl.u32 @!p1 s30, $0x3  }
0x3b: {  	[spmem:s4], [sflag:s8] =	dma.local @!p1 [hbm:s7], $0x500  }
0x3c: {  	s4 =	simm.s32 @!p1 $0x5  }
0x3d: {  	_ =	swait.ge @!p1 [sflag:s4], $0x500  }
0x3e: {  	[sflag:s4] =	ssyncset.done @!p1 $0x0  }
0x3f: {  	s14 =	sshrl.u32 @!p1 s31, $0x3;
	[sflag:s4] =	ssyncadd.s32 @!p1 $0xFFFFFB00  }
0x40: {  	[spmem:s14], [sflag:s8] =	dma.local @!p1 [hbm:s7], $0xA00  }
0x41: {  	_ =	swait.ge @!p1 [sflag:s4], $0xA00  }
0x42: {  	[sflag:s4] =	ssyncset.done @!p1 $0x0  }
0x43: {  	s28 =	rddreg [dreg:$0xb];
	[sflag:s4] =	ssyncadd.s32 @!p1 $0xFFFFF600  }
0x44: {  	[tilespmem:s5], [sflag:$0x5] =	stream.linear.gather [hbm4b:s28+s5], $0x400, $0x38;
	[tilespmem:$0x1F880] =	vst v63  }
0x45: {  	_ =	swait.ge [sflag:s0], $0x400  }
0x46: {  	s10 =	smov.u32 s29;
	[sflag:s0] =	ssyncset.done $0x0  }
0x47: {  	s8 =	simm.s32 $0x400;
	s29 =	rddreg [dreg:$0xc];
	[sflag:s0] =	ssyncadd.s32 $0xFFFFFC00  }
0x48: {  	[tilespmem:s8], [sflag:$0x5] =	stream.linear.gather [hbm4b:s29+s5], $0x400, $0x38;
	[tilespmem:$0x1F880] =	vst v63  }
0x49: {  	_ =	swait.ge [sflag:s0], $0x400  }
0x4a: {  	s13 =	smov.u32 s30;
	[sflag:s0] =	ssyncset.done $0x0  }
0x4b: {  	s26 =	simm.s32 $0x3000;
	s30 =	rddreg [dreg:$0xd];
	[sflag:s0] =	ssyncadd.s32 $0xFFFFFC00  }
0x4c: {  	[tilespmem:s26], [sflag:$0x5] =	stream.linear.gather [hbm4b:s30+s5], $0x3200, $0x38;
	[tilespmem:$0x1F880] =	vst v63  }
0x4d: {  	_ =	swait.ge [sflag:s0], $0x3200  }
0x4e: {  	s9 =	smov.u32 s31;
	[sflag:s0] =	ssyncset.done $0x0  }
0x4f: {  	s28 =	simm.s32 $0x6400;
	s31 =	rddreg [dreg:$0xe];
	[sflag:s0] =	ssyncadd.s32 $0xFFFFCE00  }
0x50: {  	[tilespmem:s28], [sflag:$0x5] =	stream.linear.gather [hbm4b:s31+s5], $0x3200, $0x38;
	[tilespmem:$0x1F880] =	vst v63  }
0x51: {  	_ =	swait.ge [sflag:s0], $0x3200  }
0x52: {  	[sflag:s0] =	ssyncset.done $0x0  }
0x53: {  	s15 =	simm.s32 $0x9800;
	s14 =	rddreg [dreg:$0xf];
	[sflag:s0] =	ssyncadd.s32 $0xFFFFCE00  }
0x54: {  	[tilespmem:s15], [sflag:$0x5] =	stream.linear.gather [hbm4b:s14+s5], $0x3200, $0x38;
	[tilespmem:$0x1F880] =	vst v63  }
0x55: {  	_ =	swait.ge [sflag:s0], $0x3200  }
0x56: {  	[sflag:s0] =	ssyncset.done $0x0  }
0x57: {  	[sflag:s0] =	ssyncadd.s32 $0xFFFFCE00  }
0x58: {  	[bflag:$0x0] =	sbarrier.arrive $0xFFFF  }
0x59: {  	s29 =	rddreg [dreg:$0x8]  }
0x5a: {  	[tilespmem:s16], [sflag:$0x6] =	stream.linear.gather [hbm4b:s29+s5], $0x2800, $0x38;
	[tilespmem:$0x1F880] =	vst v63  }
0x5b: {  	_ =	swait.ge [sflag:s17], $0x2800  }
0x5c: {  	[sflag:s17] =	ssyncset.done $0x0  }
0x5d: {  	[sflag:s17] =	ssyncadd.s32 $0xFFFFD800  }
0x5e: {  	[spmem:s1] =	stream.indirect.scatter.add.f32 [tilespmem:s16], [sflag:$0x6], $0x80, s5, s18, $0xb8;
	[tilespmem:$0x1F880] =	vst v63  }
0x5f: {  	_ =	swait.ge [sflag:s17], $0x2800  }
0x60: {  	[sflag:s17] =	ssyncset.done $0x0  }
0x61: {  	[sflag:s17] =	ssyncadd.s32 $0xFFFFD800  }
0x62: {  	[spmem:s2] =	stream.indirect.scatter.add.f32 [tilespmem:s16], [sflag:$0x5], $0x80, s8, s18, $0xb8;
	[tilespmem:$0x1F880] =	vst v63  }
0x63: {  	_ =	swait.ge [sflag:s0], $0x2800  }
0x64: {  	[sflag:s0] =	ssyncset.done $0x0  }
0x65: {  	s30 =	rddreg [dreg:$0x14];
	[sflag:s0] =	ssyncadd.s32 $0xFFFFD800  }
0x66: {  	[tilespmem:s16], [sflag:$0x6] =	stream.linear.gather [hbm4b:s30+s5], $0x2800, $0x38;
	[tilespmem:$0x1F880] =	vst v63  }
0x67: {  	_ =	swait.ge [sflag:s17], $0x2800  }
0x68: {  	[sflag:s17] =	ssyncset.done $0x0  }
0x69: {  	s31 =	simm.s32 $0x80;
	[sflag:s17] =	ssyncadd.s32 $0xFFFFD800  }
0x6a: {  	[spmem:s1] =	stream.indirect.scatter.add.f32 [tilespmem:s16], [sflag:$0x6], $0x80, s31, s18, $0xb8;
	[tilespmem:$0x1F880] =	vst v63  }
0x6b: {  	_ =	swait.ge [sflag:s17], $0x2800  }
0x6c: {  	[sflag:s17] =	ssyncset.done $0x0  }
0x6d: {  	s8 =	simm.s32 $0x480;
	[sflag:s17] =	ssyncadd.s32 $0xFFFFD800  }
0x6e: {  	[spmem:s2] =	stream.indirect.scatter.add.f32 [tilespmem:s16], [sflag:$0x5], $0x80, s8, s18, $0xb8;
	[tilespmem:$0x1F880] =	vst v63  }
0x6f: {  	_ =	swait.ge [sflag:s0], $0x2800  }
0x70: {  	[sflag:s0] =	ssyncset.done $0x0  }
0x71: {  	s14 =	rddreg [dreg:$0x15];
	[sflag:s0] =	ssyncadd.s32 $0xFFFFD800  }
0x72: {  	[tilespmem:s16], [sflag:$0x6] =	stream.linear.gather [hbm4b:s14+s5], $0x2800, $0x38;
	[tilespmem:$0x1F880] =	vst v63  }
0x73: {  	_ =	swait.ge [sflag:s17], $0x2800  }
0x74: {  	[sflag:s17] =	ssyncset.done $0x0  }
0x75: {  	s15 =	simm.s32 $0x100;
	[sflag:s17] =	ssyncadd.s32 $0xFFFFD800  }
0x76: {  	[spmem:s1] =	stream.indirect.scatter.add.f32 [tilespmem:s16], [sflag:$0x6], $0x80, s15, s18, $0xb8;
	[tilespmem:$0x1F880] =	vst v63  }
0x77: {  	_ =	swait.ge [sflag:s17], $0x2800  }
0x78: {  	[sflag:s17] =	ssyncset.done $0x0  }
0x79: {  	s29 =	simm.s32 $0x500;
	[sflag:s17] =	ssyncadd.s32 $0xFFFFD800  }
0x7a: {  	[spmem:s2] =	stream.indirect.scatter.add.f32 [tilespmem:s16], [sflag:$0x5], $0x80, s29, s18, $0xb8;
	[tilespmem:$0x1F880] =	vst v63  }
0x7b: {  	_ =	swait.ge [sflag:s0], $0x2800  }
0x7c: {  	[sflag:s0] =	ssyncset.done $0x0  }
0x7d: {  	s30 =	rddreg [dreg:$0x16];
	[sflag:s0] =	ssyncadd.s32 $0xFFFFD800  }
0x7e: {  	[tilespmem:s16], [sflag:$0x6] =	stream.linear.gather [hbm4b:s30+s5], $0x2800, $0x38;
	[tilespmem:$0x1F880] =	vst v63  }
0x7f: {  	_ =	swait.ge [sflag:s17], $0x2800  }
0x80: {  	[sflag:s17] =	ssyncset.done $0x0  }
0x81: {  	s31 =	simm.s32 $0x180;
	[sflag:s17] =	ssyncadd.s32 $0xFFFFD800  }
0x82: {  	[spmem:s1] =	stream.indirect.scatter.add.f32 [tilespmem:s16], [sflag:$0x6], $0x80, s31, s18, $0xb8;
	[tilespmem:$0x1F880] =	vst v63  }
0x83: {  	_ =	swait.ge [sflag:s17], $0x2800  }
0x84: {  	[sflag:s17] =	ssyncset.done $0x0  }
0x85: {  	s8 =	simm.s32 $0x580;
	[sflag:s17] =	ssyncadd.s32 $0xFFFFD800  }
0x86: {  	[spmem:s2] =	stream.indirect.scatter.add.f32 [tilespmem:s16], [sflag:$0x5], $0x80, s8, s18, $0xb8;
	[tilespmem:$0x1F880] =	vst v63  }
0x87: {  	_ =	swait.ge [sflag:s0], $0x2800  }
0x88: {  	[sflag:s0] =	ssyncset.done $0x0  }
0x89: {  	s14 =	rddreg [dreg:$0x17];
	[sflag:s0] =	ssyncadd.s32 $0xFFFFD800  }
0x8a: {  	[tilespmem:s16], [sflag:$0x6] =	stream.linear.gather [hbm4b:s14+s5], $0x2800, $0x38;
	[tilespmem:$0x1F880] =	vst v63  }
0x8b: {  	_ =	swait.ge [sflag:s17], $0x2800  }
0x8c: {  	[sflag:s17] =	ssyncset.done $0x0  }
0x8d: {  	s15 =	simm.s32 $0x200;
	[sflag:s17] =	ssyncadd.s32 $0xFFFFD800  }
0x8e: {  	[spmem:s1] =	stream.indirect.scatter.add.f32 [tilespmem:s16], [sflag:$0x6], $0x80, s15, s18, $0xb8;
	[tilespmem:$0x1F880] =	vst v63  }
0x8f: {  	_ =	swait.ge [sflag:s17], $0x2800  }
0x90: {  	[sflag:s17] =	ssyncset.done $0x0  }
0x91: {  	s29 =	simm.s32 $0x600;
	[sflag:s17] =	ssyncadd.s32 $0xFFFFD800  }
0x92: {  	[spmem:s2] =	stream.indirect.scatter.add.f32 [tilespmem:s16], [sflag:$0x5], $0x80, s29, s18, $0xb8;
	[tilespmem:$0x1F880] =	vst v63  }
0x93: {  	_ =	swait.ge [sflag:s0], $0x2800  }
0x94: {  	s4 =	simm.s32 @!p0 $0x0;
	[sflag:s0] =	ssyncset.done $0x0  }
0x95: {  	s8 =	simm.s32 @!p0 $0x800;
	s14 =	rddreg [dreg:$0x18];
	[sflag:s0] =	ssyncadd.s32 $0xFFFFD800  }
0x96: {  	[tilespmem:s8], [sflag:$0x6] =	stream.linear.gather @!p0 [hbm4b:s14+s4], $0x2800, $0x38;
	[tilespmem:$0x1F880] =	vst v63  }
0x97: {  	s4 =	simm.s32 @!p0 $0x6  }
0x98: {  	_ =	swait.ge @!p0 [sflag:s4], $0x2800  }
0x99: {  	[sflag:s4] =	ssyncset.done @!p0 $0x0  }
0x9a: {  	s15 =	simm.s32 @!p0 $0x280;
	s14 =	simm.s32 @!p0 $0x50;
	[sflag:s4] =	ssyncadd.s32 @!p0 $0xFFFFD800  }
0x9b: {  	[spmem:s1] =	stream.indirect.scatter.add.f32 @!p0 [tilespmem:s8], [sflag:$0x6], $0x80, s15, s14, $0xb8;
	[tilespmem:$0x1F880] =	vst v63  }
0x9c: {  	_ =	swait.ge @!p0 [sflag:s4], $0x2800  }
0x9d: {  	[sflag:s4] =	ssyncset.done @!p0 $0x0  }
0x9e: {  	[sflag:s4] =	ssyncadd.s32 @!p0 $0xFFFFD800;
	s4 =	simm.s32 @!p0 $0x680  }
0x9f: {  	[spmem:s2] =	stream.indirect.scatter.add.f32 @!p0 [tilespmem:s8], [sflag:$0x5], $0x80, s4, s14, $0xb8;
	[tilespmem:$0x1F880] =	vst v63  }
0xa0: {  	s4 =	simm.s32 @!p0 $0x5  }
0xa1: {  	_ =	swait.ge @!p0 [sflag:s4], $0x2800  }
0xa2: {  	s8 =	simm.s32 @!p4 $0x800;
	[sflag:s4] =	ssyncset.done @!p0 $0x0  }
0xa3: {  	s14 =	rddreg [dreg:$0x9];
	[sflag:s4] =	ssyncadd.s32 @!p0 $0xFFFFD800;
	s4 =	simm.s32 @!p4 $0x0  }
0xa4: {  	[tilespmem:s8], [sflag:$0x6] =	stream.linear.gather @!p4 [hbm4b:s14+s4], $0x2800, $0x38;
	[tilespmem:$0x1F880] =	vst v63  }
0xa5: {  	s4 =	simm.s32 @!p4 $0x6  }
0xa6: {  	_ =	swait.ge @!p4 [sflag:s4], $0x2800  }
0xa7: {  	[sflag:s4] =	ssyncset.done @!p4 $0x0  }
0xa8: {  	s15 =	simm.s32 @!p4 $0x300;
	s14 =	simm.s32 @!p4 $0x50;
	[sflag:s4] =	ssyncadd.s32 @!p4 $0xFFFFD800  }
0xa9: {  	[spmem:s1] =	stream.indirect.scatter.add.f32 @!p4 [tilespmem:s8], [sflag:$0x6], $0x80, s15, s14, $0xb8;
	[tilespmem:$0x1F880] =	vst v63  }
0xaa: {  	_ =	swait.ge @!p4 [sflag:s4], $0x2800  }
0xab: {  	[sflag:s4] =	ssyncset.done @!p4 $0x0  }
0xac: {  	[sflag:s4] =	ssyncadd.s32 @!p4 $0xFFFFD800;
	s4 =	simm.s32 @!p4 $0x700  }
0xad: {  	[spmem:s2] =	stream.indirect.scatter.add.f32 @!p4 [tilespmem:s8], [sflag:$0x5], $0x80, s4, s14, $0xb8;
	[tilespmem:$0x1F880] =	vst v63  }
0xae: {  	s4 =	simm.s32 @!p4 $0x5  }
0xaf: {  	_ =	swait.ge @!p4 [sflag:s4], $0x2800  }
0xb0: {  	s8 =	simm.s32 @!p5 $0x800;
	[sflag:s4] =	ssyncset.done @!p4 $0x0  }
0xb1: {  	s14 =	rddreg [dreg:$0xa];
	[sflag:s4] =	ssyncadd.s32 @!p4 $0xFFFFD800;
	s4 =	simm.s32 @!p5 $0x0  }
0xb2: {  	[tilespmem:s8], [sflag:$0x6] =	stream.linear.gather @!p5 [hbm4b:s14+s4], $0x2800, $0x38;
	[tilespmem:$0x1F880] =	vst v63  }
0xb3: {  	s4 =	simm.s32 @!p5 $0x6  }
0xb4: {  	_ =	swait.ge @!p5 [sflag:s4], $0x2800  }
0xb5: {  	[sflag:s4] =	ssyncset.done @!p5 $0x0  }
0xb6: {  	s15 =	simm.s32 @!p5 $0x380;
	s14 =	simm.s32 @!p5 $0x50;
	[sflag:s4] =	ssyncadd.s32 @!p5 $0xFFFFD800  }
0xb7: {  	[spmem:s1] =	stream.indirect.scatter.add.f32 @!p5 [tilespmem:s8], [sflag:$0x6], $0x80, s15, s14, $0xb8;
	[tilespmem:$0x1F880] =	vst v63  }
0xb8: {  	_ =	swait.ge @!p5 [sflag:s4], $0x2800  }
0xb9: {  	[sflag:s4] =	ssyncset.done @!p5 $0x0  }
0xba: {  	[sflag:s4] =	ssyncadd.s32 @!p5 $0xFFFFD800;
	s4 =	simm.s32 @!p5 $0x780  }
0xbb: {  	[spmem:s2] =	stream.indirect.scatter.add.f32 @!p5 [tilespmem:s8], [sflag:$0x5], $0x80, s4, s14, $0xb8;
	[tilespmem:$0x1F880] =	vst v63  }
0xbc: {  	s4 =	simm.s32 @!p5 $0x5  }
0xbd: {  	_ =	swait.ge @!p5 [sflag:s4], $0x2800  }
0xbe: {  	[sflag:s4] =	ssyncset.done @!p5 $0x0;
	s31 =	sld [smem:$0x7FD]  }
0xbf: {  	p3 =	por @p1 $0x0, $0x0;
	[sflag:s4] =	ssyncadd.s32 @!p5 $0xFFFFD800  }
0xc0: {  	[tilespmem:s20], [sflag:$0x1] =	stream.indirect.gather [hbm4b:s6+s19], $0x80, s26, s19, $0xb8;
	[tilespmem:$0x1F880] =	vst v63  }
0xc1: {  	p6 =	por @!p2 $0x1, $0x1;
	s30 =	simm.s32 $0xE800;
	p2 =	seq.s32 s31, $0x1  }
0xc2: {  	[tilespmem:s30], [sflag:$0x2] =	stream.indirect.gather [hbm4b:s6+s19], $0x80, s28, s19, $0xb8;
	[tilespmem:$0x1F880] =	vst v63  }
0xc3: {  	p6 =	por @!p2 p3, p3;
	p3 =	por @!p1 $0x0, $0x0  }
0xc4: {  	s15 =	simm.s32 $0x0;
	p6 =	por @!p1 p3, p3  }
.LBB2_2:
0xc5: {  	s28 =	sshll.u32 s15, $0x8  }
0xc6: {  	s4 =	sadd.s32 $0x3080, s28  }
0xc7: {  	[tilespmem:s21], [sflag:$0x3] =	stream.indirect.gather [hbm4b:s6+s19], $0x80, s4, s19, $0xb8;
	[tilespmem:$0x1F880] =	vst v63  }
0xc8: {  	s14 =	sadd.s32 $0x6480, s28  }
0xc9: {  	[tilespmem:s22], [sflag:$0x4] =	stream.indirect.gather [hbm4b:s6+s19], $0x80, s14, s19, $0xb8;
	[tilespmem:$0x1F880] =	vst v63  }
0xca: {  	_ =	swait.ge [sflag:s23], $0x1900  }
0xcb: {  	[sflag:s23] =	ssyncset.done $0x0  }
0xcc: {  	[sflag:s23] =	ssyncadd.s32 $0xFFFFE700  }
0xcd: {  	_ =	swait.ge [sflag:s24], $0x1900  }
0xce: {  	[sflag:s24] =	ssyncset.done $0x0  }
0xcf: {  	s29 =	simm.s32 $0xCC90;
	[sflag:s24] =	ssyncadd.s32 $0xFFFFE700  }
0xd0: {  	s26 =	simm.s32 $0xE8A0;
	v1 =	vld [tilespmem:s29+$0xFFFFFFF0]  }
0xd1: {  	v2 =	vld [tilespmem:s26+$0x0];
	_ =	sdelay $0x1  }
0xd2: {  	v3 =	vld [tilespmem:s26+$0xFFFFFF80]  }
0xd3: {  	v4 =	vld [tilespmem:s29+$0xFFFFFF70]  }
0xd4: {  	v0 =	vld [tilespmem:s29+$0xFFFFFF80]  }
0xd5: {  	s30 =	simm.s32 $0xCD90;
	v6 =	vld [tilespmem:s29+$0x0];
	v1 =	vadd.f32 v2, v1  }
0xd6: {  	s31 =	simm.s32 $0xE9A0;
	v7 =	vld [tilespmem:s30+$0xFFFFFFF0]  }
0xd7: {  	[tilespmem:s29+$0xFFFFFFF0] =	vst v1;
	v1 =	vld [tilespmem:s31+$0x0]  }
0xd8: {  	v2 =	vadd.f32 v3, v4;
	v8 =	vld [tilespmem:s26+$0x10]  }
0xd9: {  	v5 =	vld [tilespmem:s30+$0xFFFFFF70]  }
0xda: {  	v3 =	vld [tilespmem:s31+$0xFFFFFF80];
	[tilespmem:s29+$0xFFFFFF70] =	vst v2  }
0xdb: {  	v4 =	vld [tilespmem:s26+$0xFFFFFF90]  }
0xdc: {  	s8 =	simm.s32 $0xCE90;
	v2 =	vld [tilespmem:s30+$0xFFFFFF80];
	v7 =	vadd.f32 v1, v7  }
0xdd: {  	s4 =	simm.s32 $0xE9A0;
	s14 =	simm.s32 $0x2;
	s26 =	sor.u32 $0x80, s28;
	v1 =	vld [tilespmem:s30+$0x0];
	v6 =	vadd.f32 v8, v6  }
.LBB2_3:
0xde: {  	v8 =	vld [tilespmem:s8+$0xFFFFFFF0];
	[tilespmem:s30+$0xFFFFFFF0] =	vst v7;
	s31 =	sadd.s32 $0x100, s31  }
0xdf: {  	s14 =	sadd.s32 $0x2, s14;
	v7 =	vld [tilespmem:s31+$0x0];
	v5 =	vadd.f32 v3, v5;
	[tilespmem:s29+$0x0] =	vst v6  }
0xe0: {  	p3 =	slt.u32 s14, $0x30;
	v6 =	vld [tilespmem:s4+$0x10];
	v4 =	vadd.f32 v4, v0  }
.Ltmp0:
0xe1: {  	v3 =	vld [tilespmem:s31+$0xFFFFFF80];
	[tilespmem:s30+$0xFFFFFF70] =	vst v5;
	v0 =	vmov v2;
	(pc) =	sbr.rel @p3 .LBB2_3-.Ltmp0, $4  }
0xe2: {  	v5 =	vld [tilespmem:s8+$0xFFFFFF70];
	[tilespmem:s29+$0xFFFFFF80] =	vst v4;
	s29 =	smov.u32 s30;
	s30 =	smov.u32 s8  }
0xe3: {  	v4 =	vld [tilespmem:s4+$0xFFFFFF90];
	s4 =	smov.u32 s31  }
0xe4: {  	v2 =	vld [tilespmem:s8+$0xFFFFFF80];
	v7 =	vadd.f32 v7, v8  }
0xe5: {  	s8 =	sadd.s32 $0x100, s8;
	v6 =	vadd.f32 v6, v1;
	v1 =	vld [tilespmem:s30+$0x0]  }
0xe6: {  	_ = 	snop  }
0xe7: {  	v3 =	vadd.f32 v3, v5  }
0xe8: {  	[tilespmem:s30+$0xFFFFFFF0] =	vst v7  }
0xe9: {  	v5 =	vld [tilespmem:s4+$0x10];
	[tilespmem:s30+$0xFFFFFF70] =	vst v3  }
0xea: {  	v3 =	vld [tilespmem:s4+$0xFFFFFF90];
	_ =	sdelay $0x2  }
0xeb: {  	v0 =	vadd.f32 v4, v0  }
0xec: {  	[tilespmem:s29+$0x0] =	vst v6;
	v1 =	vadd.f32 v5, v1  }
0xed: {  	[tilespmem:s29+$0xFFFFFF80] =	vst v0;
	v0 =	vadd.f32 v3, v2  }
0xee: {  	s14 =	sand.u32 $0x3FFFFF00, s28;
	[tilespmem:s30+$0x0] =	vst v1  }
0xef: {  	s4 =	sadd.s32 $0x9800, s14;
	[tilespmem:s30+$0xFFFFFF80] =	vst v0  }
0xf0: {  	[spmem:s3] =	stream.indirect.scatter.add.f32 [tilespmem:s20], [sflag:$0x5], $0x80, s4, s19, $0xb8;
	[tilespmem:$0x1F880] =	vst v63  }
0xf1: {  	p3 =	seq.s32 s15, $0x31;
	_ =	swait.ge [sflag:s0], $0x1900  }
0xf2: {  	s8 =	simm.s32 @!p3 $0x32;
	[sflag:s0] =	ssyncset.done $0x0  }
0xf3: {  	s14 =	simm.s32 @!p3 $0xCC00;
	s4 =	sadd.s32 @!p3 $0x3100, s28;
	[sflag:s0] =	ssyncadd.s32 $0xFFFFE700  }
0xf4: {  	[tilespmem:s14], [sflag:$0x1] =	stream.indirect.gather @!p3 [hbm4b:s6+s8], $0x80, s4, s8, $0xb8;
	[tilespmem:$0x1F880] =	vst v63  }
0xf5: {  	s4 =	sadd.s32 @!p3 $0x6500, s28;
	s14 =	simm.s32 @!p3 $0xE800  }
0xf6: {  	[tilespmem:s14], [sflag:$0x2] =	stream.indirect.gather @!p3 [hbm4b:s6+s8], $0x80, s4, s8, $0xb8;
	[tilespmem:$0x1F880] =	vst v63  }
0xf7: {  	_ =	swait.ge [sflag:s25], $0x1900  }
0xf8: {  	[sflag:s25] =	ssyncset.done $0x0  }
0xf9: {  	[sflag:s25] =	ssyncadd.s32 $0xFFFFE700  }
0xfa: {  	_ =	swait.ge [sflag:s11], $0x1900  }
0xfb: {  	[sflag:s11] =	ssyncset.done $0x0  }
0xfc: {  	s28 =	simm.s32 $0x10490;
	[sflag:s11] =	ssyncadd.s32 $0xFFFFE700  }
0xfd: {  	s31 =	simm.s32 $0x120A0;
	v1 =	vld [tilespmem:s28+$0xFFFFFFF0]  }
0xfe: {  	v2 =	vld [tilespmem:s31+$0x0];
	_ =	sdelay $0x1  }
0xff: {  	v3 =	vld [tilespmem:s31+$0xFFFFFF80]  }
0x100: {  	v4 =	vld [tilespmem:s28+$0xFFFFFF70]  }
0x101: {  	v0 =	vld [tilespmem:s28+$0xFFFFFF80]  }
0x102: {  	s29 =	simm.s32 $0x10590;
	v6 =	vld [tilespmem:s28+$0x0];
	v1 =	vadd.f32 v2, v1  }
0x103: {  	s30 =	simm.s32 $0x121A0;
	v7 =	vld [tilespmem:s29+$0xFFFFFFF0]  }
0x104: {  	[tilespmem:s28+$0xFFFFFFF0] =	vst v1;
	v1 =	vld [tilespmem:s30+$0x0]  }
0x105: {  	v2 =	vadd.f32 v3, v4;
	v8 =	vld [tilespmem:s31+$0x10]  }
0x106: {  	v5 =	vld [tilespmem:s29+$0xFFFFFF70]  }
0x107: {  	v3 =	vld [tilespmem:s30+$0xFFFFFF80];
	[tilespmem:s28+$0xFFFFFF70] =	vst v2  }
0x108: {  	v4 =	vld [tilespmem:s31+$0xFFFFFF90]  }
0x109: {  	s15 =	sadd.s32 $0x1, s15;
	v2 =	vld [tilespmem:s29+$0xFFFFFF80];
	v7 =	vadd.f32 v1, v7  }
0x10a: {  	s14 =	simm.s32 $0x2;
	s8 =	simm.s32 $0x10690;
	s4 =	simm.s32 $0x121A0;
	v1 =	vld [tilespmem:s29+$0x0];
	v6 =	vadd.f32 v8, v6  }
.LBB2_5:
0x10b: {  	v8 =	vld [tilespmem:s8+$0xFFFFFFF0];
	[tilespmem:s29+$0xFFFFFFF0] =	vst v7;
	s30 =	sadd.s32 $0x100, s30  }
0x10c: {  	s14 =	sadd.s32 $0x2, s14;
	v7 =	vld [tilespmem:s30+$0x0];
	v5 =	vadd.f32 v3, v5;
	[tilespmem:s28+$0x0] =	vst v6  }
0x10d: {  	p3 =	slt.u32 s14, $0x30;
	v6 =	vld [tilespmem:s4+$0x10];
	v4 =	vadd.f32 v4, v0  }
.Ltmp1:
0x10e: {  	v3 =	vld [tilespmem:s30+$0xFFFFFF80];
	[tilespmem:s29+$0xFFFFFF70] =	vst v5;
	v0 =	vmov v2;
	(pc) =	sbr.rel @p3 .LBB2_5-.Ltmp1, $4  }
0x10f: {  	v5 =	vld [tilespmem:s8+$0xFFFFFF70];
	[tilespmem:s28+$0xFFFFFF80] =	vst v4;
	s28 =	smov.u32 s29;
	s29 =	smov.u32 s8  }
0x110: {  	v4 =	vld [tilespmem:s4+$0xFFFFFF90];
	s4 =	smov.u32 s30  }
0x111: {  	v2 =	vld [tilespmem:s8+$0xFFFFFF80];
	v7 =	vadd.f32 v7, v8  }
0x112: {  	s8 =	sadd.s32 $0x100, s8;
	v6 =	vadd.f32 v6, v1;
	v1 =	vld [tilespmem:s29+$0x0]  }
0x113: {  	_ = 	snop  }
0x114: {  	v3 =	vadd.f32 v3, v5  }
0x115: {  	[tilespmem:s29+$0xFFFFFFF0] =	vst v7  }
0x116: {  	v62 =	vld [tilespmem:s4+$0x10];
	[tilespmem:s29+$0xFFFFFF70] =	vst v3  }
0x117: {  	v3 =	vld [tilespmem:s4+$0xFFFFFF90];
	_ =	sdelay $0x2  }
0x118: {  	v0 =	vadd.f32 v4, v0  }
0x119: {  	[tilespmem:s28+$0x0] =	vst v6;
	v1 =	vadd.f32 v62, v1  }
0x11a: {  	[tilespmem:s28+$0xFFFFFF80] =	vst v0;
	v63 =	vadd.f32 v3, v2  }
0x11b: {  	p3 =	sne.s32 s15, $0x32;
	[tilespmem:s29+$0x0] =	vst v1  }
.Ltmp2:
0x11c: {  	s31 =	sadd.s32 $0x9800, s26;
	[tilespmem:s29+$0xFFFFFF80] =	vst v63;
	(pc) =	sbr.rel @p3 .LBB2_2-.Ltmp2, $4  }
0x11d: {  	[spmem:s3] =	stream.indirect.scatter.add.f32 [tilespmem:s21], [sflag:$0x5], $0x80, s31, s19, $0xb8;
	[tilespmem:$0x1F880] =	vst v63  }
0x11e: {  	_ =	swait.ge [sflag:s0], $0x1900  }
0x11f: {  	[sflag:s0] =	ssyncset.done $0x0  }
0x120: {  	[sflag:s0] =	ssyncadd.s32 $0xFFFFE700  }
0x121: {  	[bflag:$0x0] =	sbarrier.arrive $0xFFFF;
	s30 =	smov.u32 s13  }
0x122: {  	s4 =	sshrl.u32 @p0 s13, $0x3;
	s8 =	simm.s32 @p0 $0x1FC5;
	s13 =	rddreg [dreg:$0x10]  }
0x123: {  	[hbm:s13], [sflag:s8] =	dma.local @p0 [spmem:s4], $0x500  }
0x124: {  	s4 =	simm.s32 @p0 $0x5  }
0x125: {  	_ =	swait.ge @p0 [sflag:s4], $0x500  }
0x126: {  	s31 =	smov.u32 s9;
	[sflag:s4] =	ssyncset.done @p0 $0x0  }
0x127: {  	s14 =	sshrl.u32 @p0 s9, $0x3;
	s9 =	rddreg [dreg:$0x11];
	[sflag:s4] =	ssyncadd.s32 @p0 $0xFFFFFB00  }
0x128: {  	[hbm:s9], [sflag:s8] =	dma.local @p0 [spmem:s14], $0xA00  }
0x129: {  	_ =	swait.ge @p0 [sflag:s4], $0xA00  }
0x12a: {  	s26 =	stileid.u32;
	s28 =	rddreg [dreg:$0x7]  }
0x12b: {  	s8 =	sshll.u32 @!p0 s26, $0x6;
	[sflag:s4] =	ssyncset.done @p0 $0x0;
	s9 =	rddreg [dreg:$0x5]  }
0x12c: {  	[sflag:s4] =	ssyncadd.s32 @p0 $0xFFFFF600;
	s4 =	sor.u32 @!p0 $0x1C05, s8;
	s8 =	sshrl.u32 @!p0 s28, $0x3  }
0x12d: {  	[hbm:s9], [sflag:s4] =	dma.local @!p0 [spmem:s8], $0x800  }
0x12e: {  	s8 =	simm.s32 @!p0 $0x5  }
0x12f: {  	_ =	swait.ge @!p0 [sflag:s8], $0x800  }
0x130: {  	[sflag:s8] =	ssyncset.done @!p0 $0x0  }
0x131: {  	s14 =	sshrl.u32 @!p0 s10, $0x3;
	s9 =	rddreg [dreg:$0x6];
	[sflag:s8] =	ssyncadd.s32 @!p0 $0xFFFFF800  }
0x132: {  	[hbm:s9], [sflag:s4] =	dma.local @!p0 [spmem:s14], $0x1000  }
0x133: {  	s4 =	sshll.u32 @p6 s26, $0x6;
	_ =	swait.ge @!p0 [sflag:s8], $0x1000  }
0x134: {  	s4 =	sor.u32 @p6 $0x1C05, s4;
	[sflag:s8] =	ssyncset.done @!p0 $0x0  }
0x135: {  	s9 =	rddreg [dreg:$0x12];
	[sflag:s8] =	ssyncadd.s32 @!p0 $0xFFFFF000;
	s8 =	sshrl.u32 @p6 s2, $0x3  }
0x136: {  	[hbm:s9], [sflag:s4] =	dma.local @p6 [spmem:s8], $0x200  }
0x137: {  	s4 =	simm.s32 @p6 $0x5  }
0x138: {  	_ =	swait.ge @p6 [sflag:s4], $0x200  }
0x139: {  	s12 =	sadd.s32 $0x1, s12;
	s15 =	rddreg [dreg:$0x13]  }
0x13a: {  	p3 =	sne.s32 s12, s15  }
.Ltmp3:
0x13b: {  	_ = 	snop;
	(pc) =	sbr.rel @p3 .LBB2_1-.Ltmp3, $3  }
0x13c: {  	_ =	sdelay $0x1  }
0x13d: {  	[sflag:s4] =	ssyncset.done @p6 $0x0  }
0x13e: {  	s29 =	smov.u32 s10;
	[sflag:s4] =	ssyncadd.s32 @p6 $0xFFFFFE00  }
0x13f: {  	_ =	sfence.sel $0x180000  }
0x140: {  	[bflag:$0x0] =	sbarrier.arrive $0xFFFF  }
0x141: {  	_ =	strace $0x9000004D  }
0x142: {  	[bflag:$0x2] =	sbarrier.arrive $0xFFFF  }
0x143: {  	p0 =	sne.s32 s26, $0x0;
	s0 =	rddreg [dreg:$0x4]  }
0x144: {  	s0 =	sadd.s32 @!p0 $0x100000, s0  }
0x145: {  	[sflag:s0] =	ssyncadd.tile.s32 @!p0 $0x1;
	_ =	shalt  }
.Lfunc_end2:
_tile_overlayer_lowered:
.L_overlay_start_2:
0x146: {  	(tag) =	ssettag $0x2  }
0x147: {  	s0 =	rddreg [dreg:$0x0];
	s2 =	stileid.u32  }
0x148: {  	s1 =	rddreg [dreg:$0x1];
	p0 =	sne.s32 s2, $0x0  }
0x149: {  	s3 =	rddreg [dreg:$0x2];
	[bflag:$0x3] =	sbarrier.arrive $0xFFFF;
	s2 =	simm.s32 @!p0 $0x1C05  }
0x14a: {  	[timem:s3], [sflag:s2] =	dma.local @!p0 [hbm:s0], s1  }
0x14b: {  	s0 =	simm.s32 @!p0 $0x5  }
0x14c: {  	_ =	swait.ge @!p0 [sflag:s0], s1  }
0x14d: {  	s1 =	ssub.s32 @!p0 $0x0, s1;
	[sflag:s0] =	ssyncset.done @!p0 $0x0  }
0x14e: {  	[sflag:s0] =	ssyncadd.s32 @!p0 s1  }
0x14f: {  	[bflag:$0x3] =	sbarrier.arrive $0xFFFF  }
0x150: {  	_ =	shalt  }

</sc_bundles>
